<compile_context>
chip_gen: v7x
topology: tpu7x:2x2x1
jax: 0.10.2.dev20260603
libtpu: 0.0.44.dev20260713+nightly
codegen_flags: <defaults>
</compile_context>

<pallas_src>
import jax
import jax.numpy as jnp
from jax import lax
from jax.experimental import pallas as pl
from jax.experimental.pallas import tpu as pltpu
from jax.experimental.pallas import tpu_sc as plsc

_G = 64
_NCAND = 1024
_NEDGE = 2048
_K = 32
_NDEL = _G * _NEDGE
_NADD = _G * _NCAND
_L = 16


_GDN = lax.GatherDimensionNumbers(
    offset_dims=(), collapsed_slice_dims=(0,), start_index_map=(0,))


def _vgather(v, idx):
    return lax.gather(v, idx, _GDN, (1,),
                      mode=lax.GatherScatterMode.PROMISE_IN_BOUNDS)


def _butterfly(v, op):
    lane = lax.iota(jnp.int32, _L)
    for sh in (8, 4, 2, 1):
        v = op(v, _vgather(v, (lane ^ sh)[:, None]))
    return v


def _keys16(x):
    b = lax.bitcast_convert_type(x, jnp.int32)
    return jnp.where(b >= 0, b, b ^ 0x7FFFFFFF)


def _kth_largest(key_ref, nvec, k):
    U = 16

    def count_ge(cand):
        def step(j, acc):
            for u in range(U):
                v = key_ref[pl.ds(pl.multiple_of((j * U + u) * _L, _L), _L)]
                acc = acc + jnp.where(v >= cand, 1, 0)
            return acc
        acc = lax.fori_loop(0, nvec // U, step, jnp.zeros((_L,), jnp.int32))
        return _butterfly(acc, jnp.add)

    zero = jnp.zeros((_L,), jnp.int32)
    T = jnp.where(count_ge(zero) >= k, 0, -2**31).astype(jnp.int32)

    def bit_step(i, T):
        cand = T | (1 << (30 - i))
        return jnp.where(count_ge(cand) >= k, cand, T)
    return lax.fori_loop(0, 31, bit_step, T)


def _sc_body(addl, dell, out_w,
             dbuf0, dbuf1, dkey, abuf0, abuf1, akey,
             sd0, sd1, sa0, sa1, so):
    nc = 2
    wid = lax.axis_index("s") * nc + lax.axis_index("c")

    ins = []
    for t, (db, ab, sd, sa) in enumerate(
            ((dbuf0, abuf0, sd0, sa0), (dbuf1, abuf1, sd1, sa1))):
        g = wid * 2 + t
        ins.append((
            pltpu.async_copy(dell.at[pl.ds(g * _NEDGE, _NEDGE)], db, sd),
            pltpu.async_copy(addl.at[pl.ds(g * _NCAND, _NCAND)], ab, sa)))

    outs = []
    for t, (db, ab, sd, sa) in enumerate(
            ((dbuf0, abuf0, sd0, sa0), (dbuf1, abuf1, sd1, sa1))):
        g = wid * 2 + t

        ins[t][0].wait()
        nd = _NEDGE // _L

        def dk_step(j, _, db=db):
            for u in range(4):
                sl = pl.ds(pl.multiple_of((j * 4 + u) * _L, _L), _L)
                dkey[sl] = ~_keys16(db[sl])
            return 0
        lax.fori_loop(0, nd // 4, dk_step, 0)
        Td = _kth_largest(dkey, nd, _K)

        def dw_step(j, _, db=db, Td=Td):
            for u in range(4):
                sl = pl.ds(pl.multiple_of((j * 4 + u) * _L, _L), _L)
                db[sl] = jnp.where(dkey[sl] >= Td, 0.0, 1.0)
            return 0
        lax.fori_loop(0, nd // 4, dw_step, 0)
        outs.append(pltpu.async_copy(
            db, out_w.at[pl.ds(g * _NEDGE, _NEDGE)], so))

        ins[t][1].wait()
        na = _NCAND // _L

        def ak_step(j, acc, ab=ab):
            for u in range(4):
                sl = pl.ds(pl.multiple_of((j * 4 + u) * _L, _L), _L)
                x = ab[sl]
                akey[sl] = _keys16(x)
                acc = jnp.maximum(acc, x)
            return acc
        m16 = lax.fori_loop(0, na // 4, ak_step,
                            jnp.full((_L,), -jnp.inf, jnp.float32))
        m = _butterfly(m16, jnp.maximum)
        Ta = _kth_largest(akey, na, _K)

        def exp_step(j, acc, ab=ab, m=m):
            for u in range(4):
                sl = pl.ds(pl.multiple_of((j * 4 + u) * _L, _L), _L)
                p = jnp.exp(ab[sl] - m)
                ab[sl] = p
                acc = acc + p
            return acc
        s16 = lax.fori_loop(0, na // 4, exp_step,
                            jnp.zeros((_L,), jnp.float32))
        scale = jnp.float32(_K) / _butterfly(s16, jnp.add)

        def aw_step(j, _, ab=ab, Ta=Ta, scale=scale):
            for u in range(4):
                sl = pl.ds(pl.multiple_of((j * 4 + u) * _L, _L), _L)
                w = jnp.minimum(ab[sl] * scale, 1.0)
                ab[sl] = jnp.where(akey[sl] >= Ta, w, 0.0)
            return 0
        lax.fori_loop(0, na // 4, aw_step, 0)
        outs.append(pltpu.async_copy(
            ab, out_w.at[pl.ds(_NDEL + g * _NCAND, _NCAND)], so))

    for cp in outs:
        cp.wait()


@jax.jit
def _sc_weights(addl, dell):
    mesh = plsc.VectorSubcoreMesh(core_axis_name="c", subcore_axis_name="s")
    return pl.kernel(
        _sc_body,
        out_type=jax.ShapeDtypeStruct((_NDEL + _NADD,), jnp.float32),
        mesh=mesh,
        scratch_types=[
            pltpu.VMEM((_NEDGE,), jnp.float32),
            pltpu.VMEM((_NEDGE,), jnp.float32),
            pltpu.VMEM((_NEDGE,), jnp.int32),
            pltpu.VMEM((_NCAND,), jnp.float32),
            pltpu.VMEM((_NCAND,), jnp.float32),
            pltpu.VMEM((_NCAND,), jnp.int32),
            pltpu.SemaphoreType.DMA,
            pltpu.SemaphoreType.DMA,
            pltpu.SemaphoreType.DMA,
            pltpu.SemaphoreType.DMA,
            pltpu.SemaphoreType.DMA,
        ],
    )(addl, dell)


def kernel(addition_logits, deletion_logits, edge_candidate_idx, edge_index):
    merged_edge_weight = _sc_weights(
        addition_logits.reshape(_NADD),
        deletion_logits.reshape(_NDEL),
    )
    merged_edge_index = jnp.concatenate(
        [edge_index, edge_candidate_idx.T], axis=1)
    return merged_edge_index, merged_edge_weight

# --- scband reference (transcript-rebuilt; emitter-appended) ---
"""Pipeline reference for scband-graph-rewirer-1365799600384 (READ-ONLY COPY).

The authoritative reference and input builder live on the scoring server;
editing this copy changes nothing except your own understanding.
"""

import jax, jax.numpy as jnp
import numpy as np

G = 64
NCAND = 1024
NEDGE = 2048
E = 1
VE = 1
ADD_K = 32
DEL_K = 32
NODES_PER_G = 1024
NUM_NODES = G * NODES_PER_G
REP = E * VE


def setup_inputs(seed: int = 0) -> dict:
    key = jax.random.key(seed)
    k1, k2, k3, k4 = jax.random.split(key, 4)
    addition_logits = jax.random.normal(k1, (G * NCAND, E), dtype=jnp.float32)
    deletion_logits = jax.random.normal(k2, (G * NEDGE, E), dtype=jnp.float32)
    edge_candidate_idx = jax.random.randint(k3, (G * NCAND, 2), 0, NUM_NODES, dtype=jnp.int32)
    edge_index = jax.random.randint(k4, (2, G * NEDGE), 0, NUM_NODES, dtype=jnp.int32)
    return {
        'addition_logits': addition_logits,
        'deletion_logits': deletion_logits,
        'edge_candidate_idx': edge_candidate_idx,
        'edge_index': edge_index,
    }


def topk_mask(logits, k):
    # logits: [G, N, E]; top-k over N per (graph, ensemble)
    x = jnp.transpose(logits, (0, 2, 1))  # [G, E, N]
    _, idx = jax.lax.top_k(x, k)          # [G, E, k]
    gi = jnp.arange(x.shape[0])[:, None, None]
    ei = jnp.arange(x.shape[1])[None, :, None]
    mask = jnp.zeros(x.shape, dtype=logits.dtype).at[gi, ei, idx].set(1.0)
    return jnp.transpose(mask, (0, 2, 1))  # [G, N, E]


def _forward(addition_logits, deletion_logits, edge_candidate_idx, edge_index):
    # ---- add_edge (validation / eval path) ----
    add_logits = addition_logits.reshape(G, NCAND, E)  # dense batch (fixed candidate count per graph)
    add_mask = topk_mask(add_logits, ADD_K)            # hard top-k indicator (node_mask)
    add_marg = jnp.minimum(ADD_K * jax.nn.softmax(add_logits, axis=1), 1.0)  # k-subset marginals
    node_mask = add_mask[None]                          # [VE, G, N, E]
    sampled = jnp.stack([add_marg] * VE, axis=0)        # [VE, G, N, E]
    sampled = sampled * node_mask                       # eval: marginals * mask
    add_edge_weight = jnp.transpose(sampled, (1, 2, 3, 0)).reshape(G * NCAND, REP)
    add_edge_weight = add_edge_weight.T.reshape(-1)
    add_edge_index = edge_candidate_idx.T               # [2, total_cand]
    add_edge_index = jnp.concatenate([add_edge_index + i * NUM_NODES for i in range(REP)], axis=1)

    # ---- del_edge (directed sampling, eval path) ----
    del_logits = -deletion_logits.reshape(G, NEDGE, E)
    del_mask = topk_mask(del_logits, DEL_K)             # [G, N, E]
    node_mask_d = del_mask[None]                        # [VE, G, N, E]
    del_w = 1.0 - node_mask_d
    del_edge_weight = jnp.transpose(del_w, (1, 2, 3, 0)).reshape(G * NEDGE, REP).T.reshape(-1)

    # ---- merge_del_add ----
    dumb_edge_index = jnp.concatenate([edge_index + i * NUM_NODES for i in range(REP)], axis=1)
    merged_edge_index = jnp.concatenate([dumb_edge_index, add_edge_index], axis=1)
    merged_edge_weight = jnp.concatenate([del_edge_weight, add_edge_weight], axis=-1)
    return merged_edge_index, merged_edge_weight


def reference(addition_logits, deletion_logits, edge_candidate_idx, edge_index):
    return _forward(addition_logits, deletion_logits, edge_candidate_idx, edge_index)

if __name__ == "__main__":
    import jax
    _d = setup_inputs()
    print(jax.jit(kernel)(*tuple(_d.values())))

</pallas_src>

<mosaic_0001>
#map = affine_map<(d0, d1) -> (0)>
module attributes {stable_mosaic.version = 14 : i64} {
  func.func @_sc_body(%arg0: i32, %arg1: i32, %arg2: memref<65536xf32, #tpu.memory_space<hbm>>, %arg3: memref<131072xf32, #tpu.memory_space<hbm>>, %arg4: memref<196608xf32, #tpu.memory_space<hbm>>, %arg5: memref<2048xf32, #tpu.memory_space<vmem>>, %arg6: memref<2048xf32, #tpu.memory_space<vmem>>, %arg7: memref<2048xi32, #tpu.memory_space<vmem>>, %arg8: memref<1024xf32, #tpu.memory_space<vmem>>, %arg9: memref<1024xf32, #tpu.memory_space<vmem>>, %arg10: memref<1024xi32, #tpu.memory_space<vmem>>, %arg11: memref<!tpu.dma_semaphore, #tpu.memory_space<semaphore_mem>>, %arg12: memref<!tpu.dma_semaphore, #tpu.memory_space<semaphore_mem>>, %arg13: memref<!tpu.dma_semaphore, #tpu.memory_space<semaphore_mem>>, %arg14: memref<!tpu.dma_semaphore, #tpu.memory_space<semaphore_mem>>, %arg15: memref<!tpu.dma_semaphore, #tpu.memory_space<semaphore_mem>>) attributes {dimension_semantics = [#tpu.dimension_semantics<core_parallel>, #tpu.dimension_semantics<subcore_parallel>], iteration_bounds = array<i64: 2, 16>, scalar_prefetch = 0 : i64, scratch_operands = 11 : i64, tpu.core_type = #tpu.core_type<sc_vector_subcore>, window_params = [{transform_indices = #map}, {transform_indices = #map}, {transform_indices = #map}]} {
    %mul3A = arith.constant 2 : i32
    %mul3A_0 = arith.muli %arg1, %mul3A : i32
    %add3A = arith.addi %mul3A_0, %arg0 : i32
    %mul3A_1 = arith.constant 2 : i32
    %mul3A_2 = arith.muli %add3A, %mul3A_1 : i32
    %add3A_3 = arith.constant 0 : i32
    %add3A_4 = arith.addi %mul3A_2, %add3A_3 : i32
    %mul3A_5 = arith.constant 2048 : i32
    %mul3A_6 = arith.muli %add3A_4, %mul3A_5 : i32
    %dma_start3A = tpu.memref_slice %arg3[%mul3A_6] : memref<131072xf32, #tpu.memory_space<hbm>> -> memref<2048xf32, #tpu.memory_space<hbm>>
    %dma_start3A_7 = tpu.memref_slice %arg3[%mul3A_6] : memref<131072xf32, #tpu.memory_space<hbm>> -> memref<2048xf32, #tpu.memory_space<hbm>>
    tpu.enqueue_dma source(%dma_start3A_7 : memref<2048xf32, #tpu.memory_space<hbm>>) target(%arg5 : memref<2048xf32, #tpu.memory_space<vmem>>) target_semaphore(%arg11 : memref<!tpu.dma_semaphore, #tpu.memory_space<semaphore_mem>>)
    %mul3A_8 = arith.constant 1024 : i32
    %mul3A_9 = arith.muli %add3A_4, %mul3A_8 : i32
    %dma_start3A_10 = tpu.memref_slice %arg2[%mul3A_9] : memref<65536xf32, #tpu.memory_space<hbm>> -> memref<1024xf32, #tpu.memory_space<hbm>>
    %dma_start3A_11 = tpu.memref_slice %arg2[%mul3A_9] : memref<65536xf32, #tpu.memory_space<hbm>> -> memref<1024xf32, #tpu.memory_space<hbm>>
    tpu.enqueue_dma source(%dma_start3A_11 : memref<1024xf32, #tpu.memory_space<hbm>>) target(%arg8 : memref<1024xf32, #tpu.memory_space<vmem>>) target_semaphore(%arg13 : memref<!tpu.dma_semaphore, #tpu.memory_space<semaphore_mem>>)
    %mul3A_12 = arith.constant 2 : i32
    %mul3A_13 = arith.muli %add3A, %mul3A_12 : i32
    %add3A_14 = arith.constant 1 : i32
    %add3A_15 = arith.addi %mul3A_13, %add3A_14 : i32
    %mul3A_16 = arith.constant 2048 : i32
    %mul3A_17 = arith.muli %add3A_15, %mul3A_16 : i32
    %dma_start3A_18 = tpu.memref_slice %arg3[%mul3A_17] : memref<131072xf32, #tpu.memory_space<hbm>> -> memref<2048xf32, #tpu.memory_space<hbm>>
    %dma_start3A_19 = tpu.memref_slice %arg3[%mul3A_17] : memref<131072xf32, #tpu.memory_space<hbm>> -> memref<2048xf32, #tpu.memory_space<hbm>>
    tpu.enqueue_dma source(%dma_start3A_19 : memref<2048xf32, #tpu.memory_space<hbm>>) target(%arg6 : memref<2048xf32, #tpu.memory_space<vmem>>) target_semaphore(%arg12 : memref<!tpu.dma_semaphore, #tpu.memory_space<semaphore_mem>>)
    %mul3A_20 = arith.constant 1024 : i32
    %mul3A_21 = arith.muli %add3A_15, %mul3A_20 : i32
    %dma_start3A_22 = tpu.memref_slice %arg2[%mul3A_21] : memref<65536xf32, #tpu.memory_space<hbm>> -> memref<1024xf32, #tpu.memory_space<hbm>>
    %dma_start3A_23 = tpu.memref_slice %arg2[%mul3A_21] : memref<65536xf32, #tpu.memory_space<hbm>> -> memref<1024xf32, #tpu.memory_space<hbm>>
    tpu.enqueue_dma source(%dma_start3A_23 : memref<1024xf32, #tpu.memory_space<hbm>>) target(%arg9 : memref<1024xf32, #tpu.memory_space<vmem>>) target_semaphore(%arg14 : memref<!tpu.dma_semaphore, #tpu.memory_space<semaphore_mem>>)
    %mul3A_24 = arith.constant 2 : i32
    %mul3A_25 = arith.muli %add3A, %mul3A_24 : i32
    %add3A_26 = arith.constant 0 : i32
    %add3A_27 = arith.addi %mul3A_25, %add3A_26 : i32
    %dma_wait3A = tpu.memref_slice %arg3[%mul3A_6] : memref<131072xf32, #tpu.memory_space<hbm>> -> memref<2048xf32, #tpu.memory_space<hbm>>
    %dma_wait3A_28 = tpu.memref_slice %arg3[%mul3A_6] : memref<131072xf32, #tpu.memory_space<hbm>> -> memref<2048xf32, #tpu.memory_space<hbm>>
    tpu.wait_dma2 semaphore(%arg11 : memref<!tpu.dma_semaphore, #tpu.memory_space<semaphore_mem>>) src(%dma_wait3A_28 : memref<2048xf32, #tpu.memory_space<hbm>>) dst(%arg5 : memref<2048xf32, #tpu.memory_space<vmem>>)
    %scan3A = arith.constant 0 : i32
    %scan3A_29 = arith.constant 0 : i32
    %scan3A_30 = arith.constant 32 : i32
    %scan3A_31 = arith.addi %scan3A_29, %scan3A_30 : i32
    %scan3A_32 = arith.constant 1 : i32
    %scan3A_33 = scf.for %scan3A_465 = %scan3A_29 to %scan3A_31 step %scan3A_32 iter_args(%scan3A_466 = %scan3A) -> (i32)  : i32 {
      %mul3A_467 = arith.constant 4 : i32
      %mul3A_468 = arith.muli %scan3A_465, %mul3A_467 : i32
      %add3A_469 = arith.constant 0 : i32
      %add3A_470 = arith.addi %mul3A_468, %add3A_469 : i32
      %mul3A_471 = arith.constant 16 : i32
      %mul3A_472 = arith.muli %add3A_470, %mul3A_471 : i32
      %multiple_of3A = tpu.assume_multiple %mul3A_472, 16 : i32
      %get3A = arith.index_cast %multiple_of3A : i32 to index
      %get3A_473 = tpu.vector_load %arg5[%get3A] {strides = array<i32>} : memref<2048xf32, #tpu.memory_space<vmem>>, vector<16xf32>,
      %get3A_474 = vector.shape_cast %get3A_473 : vector<16xf32> to vector<16xf32>
      %bitcast_convert_type3A = tpu.bitcast %get3A_474 : vector<16xf32> -> vector<16xi32>
      %ge3A_475 = arith.constant 0 : i32
      %ge3A_476 = vector.broadcast %ge3A_475 : i32 to vector<16xi32>
      %ge3A_477 = arith.cmpi sge, %bitcast_convert_type3A, %ge3A_476 : vector<16xi32>
      %xor3A_478 = arith.constant 2147483647 : i32
      %xor3A_479 = vector.broadcast %xor3A_478 : i32 to vector<16xi32>
      %xor3A_480 = arith.xori %bitcast_convert_type3A, %xor3A_479 : vector<16xi32>
      %select_n3A_481 = arith.select %ge3A_477, %bitcast_convert_type3A, %xor3A_480 : vector<16xi1>, vector<16xi32>
      %not3A = arith.constant dense<-1> : vector<16xi32>
      %not3A_482 = arith.xori %select_n3A_481, %not3A : vector<16xi32>
      %swap3A = arith.index_cast %multiple_of3A : i32 to index
      %swap3A_483 = tpu.vector_load %arg7[%swap3A] {strides = array<i32>} : memref<2048xi32, #tpu.memory_space<vmem>>, vector<16xi32>,
      %swap3A_484 = vector.shape_cast %swap3A_483 : vector<16xi32> to vector<16xi32>
      %swap3A_485 = vector.shape_cast %not3A_482 : vector<16xi32> to vector<16xi32>
      tpu.vector_store %arg7[%swap3A], %swap3A_485 {strides = array<i32>} : memref<2048xi32, #tpu.memory_space<vmem>>, vector<16xi32>,
      %mul3A_486 = arith.constant 4 : i32
      %mul3A_487 = arith.muli %scan3A_465, %mul3A_486 : i32
      %add3A_488 = arith.constant 1 : i32
      %add3A_489 = arith.addi %mul3A_487, %add3A_488 : i32
      %mul3A_490 = arith.constant 16 : i32
      %mul3A_491 = arith.muli %add3A_489, %mul3A_490 : i32
      %multiple_of3A_492 = tpu.assume_multiple %mul3A_491, 16 : i32
      %get3A_493 = arith.index_cast %multiple_of3A_492 : i32 to index
      %get3A_494 = tpu.vector_load %arg5[%get3A_493] {strides = array<i32>} : memref<2048xf32, #tpu.memory_space<vmem>>, vector<16xf32>,
      %get3A_495 = vector.shape_cast %get3A_494 : vector<16xf32> to vector<16xf32>
      %bitcast_convert_type3A_496 = tpu.bitcast %get3A_495 : vector<16xf32> -> vector<16xi32>
      %ge3A_497 = arith.constant 0 : i32
      %ge3A_498 = vector.broadcast %ge3A_497 : i32 to vector<16xi32>
      %ge3A_499 = arith.cmpi sge, %bitcast_convert_type3A_496, %ge3A_498 : vector<16xi32>
      %xor3A_500 = arith.constant 2147483647 : i32
      %xor3A_501 = vector.broadcast %xor3A_500 : i32 to vector<16xi32>
      %xor3A_502 = arith.xori %bitcast_convert_type3A_496, %xor3A_501 : vector<16xi32>
      %select_n3A_503 = arith.select %ge3A_499, %bitcast_convert_type3A_496, %xor3A_502 : vector<16xi1>, vector<16xi32>
      %not3A_504 = arith.constant dense<-1> : vector<16xi32>
      %not3A_505 = arith.xori %select_n3A_503, %not3A_504 : vector<16xi32>
      %swap3A_506 = arith.index_cast %multiple_of3A_492 : i32 to index
      %swap3A_507 = tpu.vector_load %arg7[%swap3A_506] {strides = array<i32>} : memref<2048xi32, #tpu.memory_space<vmem>>, vector<16xi32>,
      %swap3A_508 = vector.shape_cast %swap3A_507 : vector<16xi32> to vector<16xi32>
      %swap3A_509 = vector.shape_cast %not3A_505 : vector<16xi32> to vector<16xi32>
      tpu.vector_store %arg7[%swap3A_506], %swap3A_509 {strides = array<i32>} : memref<2048xi32, #tpu.memory_space<vmem>>, vector<16xi32>,
      %mul3A_510 = arith.constant 4 : i32
      %mul3A_511 = arith.muli %scan3A_465, %mul3A_510 : i32
      %add3A_512 = arith.constant 2 : i32
      %add3A_513 = arith.addi %mul3A_511, %add3A_512 : i32
      %mul3A_514 = arith.constant 16 : i32
      %mul3A_515 = arith.muli %add3A_513, %mul3A_514 : i32
      %multiple_of3A_516 = tpu.assume_multiple %mul3A_515, 16 : i32
      %get3A_517 = arith.index_cast %multiple_of3A_516 : i32 to index
      %get3A_518 = tpu.vector_load %arg5[%get3A_517] {strides = array<i32>} : memref<2048xf32, #tpu.memory_space<vmem>>, vector<16xf32>,
      %get3A_519 = vector.shape_cast %get3A_518 : vector<16xf32> to vector<16xf32>
      %bitcast_convert_type3A_520 = tpu.bitcast %get3A_519 : vector<16xf32> -> vector<16xi32>
      %ge3A_521 = arith.constant 0 : i32
      %ge3A_522 = vector.broadcast %ge3A_521 : i32 to vector<16xi32>
      %ge3A_523 = arith.cmpi sge, %bitcast_convert_type3A_520, %ge3A_522 : vector<16xi32>
      %xor3A_524 = arith.constant 2147483647 : i32
      %xor3A_525 = vector.broadcast %xor3A_524 : i32 to vector<16xi32>
      %xor3A_526 = arith.xori %bitcast_convert_type3A_520, %xor3A_525 : vector<16xi32>
      %select_n3A_527 = arith.select %ge3A_523, %bitcast_convert_type3A_520, %xor3A_526 : vector<16xi1>, vector<16xi32>
      %not3A_528 = arith.constant dense<-1> : vector<16xi32>
      %not3A_529 = arith.xori %select_n3A_527, %not3A_528 : vector<16xi32>
      %swap3A_530 = arith.index_cast %multiple_of3A_516 : i32 to index
      %swap3A_531 = tpu.vector_load %arg7[%swap3A_530] {strides = array<i32>} : memref<2048xi32, #tpu.memory_space<vmem>>, vector<16xi32>,
      %swap3A_532 = vector.shape_cast %swap3A_531 : vector<16xi32> to vector<16xi32>
      %swap3A_533 = vector.shape_cast %not3A_529 : vector<16xi32> to vector<16xi32>
      tpu.vector_store %arg7[%swap3A_530], %swap3A_533 {strides = array<i32>} : memref<2048xi32, #tpu.memory_space<vmem>>, vector<16xi32>,
      %mul3A_534 = arith.constant 4 : i32
      %mul3A_535 = arith.muli %scan3A_465, %mul3A_534 : i32
      %add3A_536 = arith.constant 3 : i32
      %add3A_537 = arith.addi %mul3A_535, %add3A_536 : i32
      %mul3A_538 = arith.constant 16 : i32
      %mul3A_539 = arith.muli %add3A_537, %mul3A_538 : i32
      %multiple_of3A_540 = tpu.assume_multiple %mul3A_539, 16 : i32
      %get3A_541 = arith.index_cast %multiple_of3A_540 : i32 to index
      %get3A_542 = tpu.vector_load %arg5[%get3A_541] {strides = array<i32>} : memref<2048xf32, #tpu.memory_space<vmem>>, vector<16xf32>,
      %get3A_543 = vector.shape_cast %get3A_542 : vector<16xf32> to vector<16xf32>
      %bitcast_convert_type3A_544 = tpu.bitcast %get3A_543 : vector<16xf32> -> vector<16xi32>
      %ge3A_545 = arith.constant 0 : i32
      %ge3A_546 = vector.broadcast %ge3A_545 : i32 to vector<16xi32>
      %ge3A_547 = arith.cmpi sge, %bitcast_convert_type3A_544, %ge3A_546 : vector<16xi32>
      %xor3A_548 = arith.constant 2147483647 : i32
      %xor3A_549 = vector.broadcast %xor3A_548 : i32 to vector<16xi32>
      %xor3A_550 = arith.xori %bitcast_convert_type3A_544, %xor3A_549 : vector<16xi32>
      %select_n3A_551 = arith.select %ge3A_547, %bitcast_convert_type3A_544, %xor3A_550 : vector<16xi1>, vector<16xi32>
      %not3A_552 = arith.constant dense<-1> : vector<16xi32>
      %not3A_553 = arith.xori %select_n3A_551, %not3A_552 : vector<16xi32>
      %swap3A_554 = arith.index_cast %multiple_of3A_540 : i32 to index
      %swap3A_555 = tpu.vector_load %arg7[%swap3A_554] {strides = array<i32>} : memref<2048xi32, #tpu.memory_space<vmem>>, vector<16xi32>,
      %swap3A_556 = vector.shape_cast %swap3A_555 : vector<16xi32> to vector<16xi32>
      %swap3A_557 = vector.shape_cast %not3A_553 : vector<16xi32> to vector<16xi32>
      tpu.vector_store %arg7[%swap3A_554], %swap3A_557 {strides = array<i32>} : memref<2048xi32, #tpu.memory_space<vmem>>, vector<16xi32>,
      %scan3A_558 = arith.constant 0 : i32
      scf.yield %scan3A_558 : i32
    }
    %scan3A_34 = arith.constant 32 : i32
    %broadcast_in_dim3A = arith.constant 0 : i32
    %broadcast_in_dim3A_35 = vector.broadcast %broadcast_in_dim3A : i32 to vector<16xi32>
    %broadcast_in_dim3A_36 = arith.constant 0 : i32
    %broadcast_in_dim3A_37 = vector.broadcast %broadcast_in_dim3A_36 : i32 to vector<16xi32>
    %scan3A_38 = arith.constant 0 : i32
    %scan3A_39 = arith.constant 8 : i32
    %scan3A_40 = arith.addi %scan3A_38, %scan3A_39 : i32
    %scan3A_41 = arith.constant 1 : i32
    %scan3A_42 = scf.for %scan3A_465 = %scan3A_38 to %scan3A_40 step %scan3A_41 iter_args(%scan3A_466 = %broadcast_in_dim3A_37) -> (vector<16xi32>)  : i32 {
      %mul3A_467 = arith.constant 16 : i32
      %mul3A_468 = arith.muli %scan3A_465, %mul3A_467 : i32
      %add3A_469 = arith.constant 0 : i32
      %add3A_470 = arith.addi %mul3A_468, %add3A_469 : i32
      %mul3A_471 = arith.constant 16 : i32
      %mul3A_472 = arith.muli %add3A_470, %mul3A_471 : i32
      %multiple_of3A = tpu.assume_multiple %mul3A_472, 16 : i32
      %get3A = arith.index_cast %multiple_of3A : i32 to index
      %get3A_473 = tpu.vector_load %arg7[%get3A] {strides = array<i32>} : memref<2048xi32, #tpu.memory_space<vmem>>, vector<16xi32>,
      %get3A_474 = vector.shape_cast %get3A_473 : vector<16xi32> to vector<16xi32>
      %ge3A_475 = arith.cmpi sge, %get3A_474, %broadcast_in_dim3A_35 : vector<16xi32>
      %jit3A_476 = arith.constant 1 : i32
      %jit3A_477 = arith.constant 0 : i32
      %broadcast_in_dim3A_478 = vector.broadcast %jit3A_476 : i32 to vector<16xi32>
      %broadcast_in_dim3A_479 = vector.broadcast %jit3A_477 : i32 to vector<16xi32>
      %select_n3A_480 = arith.select %ge3A_475, %broadcast_in_dim3A_478, %broadcast_in_dim3A_479 : vector<16xi1>, vector<16xi32>
      %add3A_481 = arith.addi %scan3A_466, %select_n3A_480 : vector<16xi32>
      %mul3A_482 = arith.constant 16 : i32
      %mul3A_483 = arith.muli %scan3A_465, %mul3A_482 : i32
      %add3A_484 = arith.constant 1 : i32
      %add3A_485 = arith.addi %mul3A_483, %add3A_484 : i32
      %mul3A_486 = arith.constant 16 : i32
      %mul3A_487 = arith.muli %add3A_485, %mul3A_486 : i32
      %multiple_of3A_488 = tpu.assume_multiple %mul3A_487, 16 : i32
      %get3A_489 = arith.index_cast %multiple_of3A_488 : i32 to index
      %get3A_490 = tpu.vector_load %arg7[%get3A_489] {strides = array<i32>} : memref<2048xi32, #tpu.memory_space<vmem>>, vector<16xi32>,
      %get3A_491 = vector.shape_cast %get3A_490 : vector<16xi32> to vector<16xi32>
      %ge3A_492 = arith.cmpi sge, %get3A_491, %broadcast_in_dim3A_35 : vector<16xi32>
      %jit3A_493 = arith.constant 1 : i32
      %jit3A_494 = arith.constant 0 : i32
      %broadcast_in_dim3A_495 = vector.broadcast %jit3A_493 : i32 to vector<16xi32>
      %broadcast_in_dim3A_496 = vector.broadcast %jit3A_494 : i32 to vector<16xi32>
      %select_n3A_497 = arith.select %ge3A_492, %broadcast_in_dim3A_495, %broadcast_in_dim3A_496 : vector<16xi1>, vector<16xi32>
      %add3A_498 = arith.addi %add3A_481, %select_n3A_497 : vector<16xi32>
      %mul3A_499 = arith.constant 16 : i32
      %mul3A_500 = arith.muli %scan3A_465, %mul3A_499 : i32
      %add3A_501 = arith.constant 2 : i32
      %add3A_502 = arith.addi %mul3A_500, %add3A_501 : i32
      %mul3A_503 = arith.constant 16 : i32
      %mul3A_504 = arith.muli %add3A_502, %mul3A_503 : i32
      %multiple_of3A_505 = tpu.assume_multiple %mul3A_504, 16 : i32
      %get3A_506 = arith.index_cast %multiple_of3A_505 : i32 to index
      %get3A_507 = tpu.vector_load %arg7[%get3A_506] {strides = array<i32>} : memref<2048xi32, #tpu.memory_space<vmem>>, vector<16xi32>,
      %get3A_508 = vector.shape_cast %get3A_507 : vector<16xi32> to vector<16xi32>
      %ge3A_509 = arith.cmpi sge, %get3A_508, %broadcast_in_dim3A_35 : vector<16xi32>
      %jit3A_510 = arith.constant 1 : i32
      %jit3A_511 = arith.constant 0 : i32
      %broadcast_in_dim3A_512 = vector.broadcast %jit3A_510 : i32 to vector<16xi32>
      %broadcast_in_dim3A_513 = vector.broadcast %jit3A_511 : i32 to vector<16xi32>
      %select_n3A_514 = arith.select %ge3A_509, %broadcast_in_dim3A_512, %broadcast_in_dim3A_513 : vector<16xi1>, vector<16xi32>
      %add3A_515 = arith.addi %add3A_498, %select_n3A_514 : vector<16xi32>
      %mul3A_516 = arith.constant 16 : i32
      %mul3A_517 = arith.muli %scan3A_465, %mul3A_516 : i32
      %add3A_518 = arith.constant 3 : i32
      %add3A_519 = arith.addi %mul3A_517, %add3A_518 : i32
      %mul3A_520 = arith.constant 16 : i32
      %mul3A_521 = arith.muli %add3A_519, %mul3A_520 : i32
      %multiple_of3A_522 = tpu.assume_multiple %mul3A_521, 16 : i32
      %get3A_523 = arith.index_cast %multiple_of3A_522 : i32 to index
      %get3A_524 = tpu.vector_load %arg7[%get3A_523] {strides = array<i32>} : memref<2048xi32, #tpu.memory_space<vmem>>, vector<16xi32>,
      %get3A_525 = vector.shape_cast %get3A_524 : vector<16xi32> to vector<16xi32>
      %ge3A_526 = arith.cmpi sge, %get3A_525, %broadcast_in_dim3A_35 : vector<16xi32>
      %jit3A_527 = arith.constant 1 : i32
      %jit3A_528 = arith.constant 0 : i32
      %broadcast_in_dim3A_529 = vector.broadcast %jit3A_527 : i32 to vector<16xi32>
      %broadcast_in_dim3A_530 = vector.broadcast %jit3A_528 : i32 to vector<16xi32>
      %select_n3A_531 = arith.select %ge3A_526, %broadcast_in_dim3A_529, %broadcast_in_dim3A_530 : vector<16xi1>, vector<16xi32>
      %add3A_532 = arith.addi %add3A_515, %select_n3A_531 : vector<16xi32>
      %mul3A_533 = arith.constant 16 : i32
      %mul3A_534 = arith.muli %scan3A_465, %mul3A_533 : i32
      %add3A_535 = arith.constant 4 : i32
      %add3A_536 = arith.addi %mul3A_534, %add3A_535 : i32
      %mul3A_537 = arith.constant 16 : i32
      %mul3A_538 = arith.muli %add3A_536, %mul3A_537 : i32
      %multiple_of3A_539 = tpu.assume_multiple %mul3A_538, 16 : i32
      %get3A_540 = arith.index_cast %multiple_of3A_539 : i32 to index
      %get3A_541 = tpu.vector_load %arg7[%get3A_540] {strides = array<i32>} : memref<2048xi32, #tpu.memory_space<vmem>>, vector<16xi32>,
      %get3A_542 = vector.shape_cast %get3A_541 : vector<16xi32> to vector<16xi32>
      %ge3A_543 = arith.cmpi sge, %get3A_542, %broadcast_in_dim3A_35 : vector<16xi32>
      %jit3A_544 = arith.constant 1 : i32
      %jit3A_545 = arith.constant 0 : i32
      %broadcast_in_dim3A_546 = vector.broadcast %jit3A_544 : i32 to vector<16xi32>
      %broadcast_in_dim3A_547 = vector.broadcast %jit3A_545 : i32 to vector<16xi32>
      %select_n3A_548 = arith.select %ge3A_543, %broadcast_in_dim3A_546, %broadcast_in_dim3A_547 : vector<16xi1>, vector<16xi32>
      %add3A_549 = arith.addi %add3A_532, %select_n3A_548 : vector<16xi32>
      %mul3A_550 = arith.constant 16 : i32
      %mul3A_551 = arith.muli %scan3A_465, %mul3A_550 : i32
      %add3A_552 = arith.constant 5 : i32
      %add3A_553 = arith.addi %mul3A_551, %add3A_552 : i32
      %mul3A_554 = arith.constant 16 : i32
      %mul3A_555 = arith.muli %add3A_553, %mul3A_554 : i32
      %multiple_of3A_556 = tpu.assume_multiple %mul3A_555, 16 : i32
      %get3A_557 = arith.index_cast %multiple_of3A_556 : i32 to index
      %get3A_558 = tpu.vector_load %arg7[%get3A_557] {strides = array<i32>} : memref<2048xi32, #tpu.memory_space<vmem>>, vector<16xi32>,
      %get3A_559 = vector.shape_cast %get3A_558 : vector<16xi32> to vector<16xi32>
      %ge3A_560 = arith.cmpi sge, %get3A_559, %broadcast_in_dim3A_35 : vector<16xi32>
      %jit3A_561 = arith.constant 1 : i32
      %jit3A_562 = arith.constant 0 : i32
      %broadcast_in_dim3A_563 = vector.broadcast %jit3A_561 : i32 to vector<16xi32>
      %broadcast_in_dim3A_564 = vector.broadcast %jit3A_562 : i32 to vector<16xi32>
      %select_n3A_565 = arith.select %ge3A_560, %broadcast_in_dim3A_563, %broadcast_in_dim3A_564 : vector<16xi1>, vector<16xi32>
      %add3A_566 = arith.addi %add3A_549, %select_n3A_565 : vector<16xi32>
      %mul3A_567 = arith.constant 16 : i32
      %mul3A_568 = arith.muli %scan3A_465, %mul3A_567 : i32
      %add3A_569 = arith.constant 6 : i32
      %add3A_570 = arith.addi %mul3A_568, %add3A_569 : i32
      %mul3A_571 = arith.constant 16 : i32
      %mul3A_572 = arith.muli %add3A_570, %mul3A_571 : i32
      %multiple_of3A_573 = tpu.assume_multiple %mul3A_572, 16 : i32
      %get3A_574 = arith.index_cast %multiple_of3A_573 : i32 to index
      %get3A_575 = tpu.vector_load %arg7[%get3A_574] {strides = array<i32>} : memref<2048xi32, #tpu.memory_space<vmem>>, vector<16xi32>,
      %get3A_576 = vector.shape_cast %get3A_575 : vector<16xi32> to vector<16xi32>
      %ge3A_577 = arith.cmpi sge, %get3A_576, %broadcast_in_dim3A_35 : vector<16xi32>
      %jit3A_578 = arith.constant 1 : i32
      %jit3A_579 = arith.constant 0 : i32
      %broadcast_in_dim3A_580 = vector.broadcast %jit3A_578 : i32 to vector<16xi32>
      %broadcast_in_dim3A_581 = vector.broadcast %jit3A_579 : i32 to vector<16xi32>
      %select_n3A_582 = arith.select %ge3A_577, %broadcast_in_dim3A_580, %broadcast_in_dim3A_581 : vector<16xi1>, vector<16xi32>
      %add3A_583 = arith.addi %add3A_566, %select_n3A_582 : vector<16xi32>
      %mul3A_584 = arith.constant 16 : i32
      %mul3A_585 = arith.muli %scan3A_465, %mul3A_584 : i32
      %add3A_586 = arith.constant 7 : i32
      %add3A_587 = arith.addi %mul3A_585, %add3A_586 : i32
      %mul3A_588 = arith.constant 16 : i32
      %mul3A_589 = arith.muli %add3A_587, %mul3A_588 : i32
      %multiple_of3A_590 = tpu.assume_multiple %mul3A_589, 16 : i32
      %get3A_591 = arith.index_cast %multiple_of3A_590 : i32 to index
      %get3A_592 = tpu.vector_load %arg7[%get3A_591] {strides = array<i32>} : memref<2048xi32, #tpu.memory_space<vmem>>, vector<16xi32>,
      %get3A_593 = vector.shape_cast %get3A_592 : vector<16xi32> to vector<16xi32>
      %ge3A_594 = arith.cmpi sge, %get3A_593, %broadcast_in_dim3A_35 : vector<16xi32>
      %jit3A_595 = arith.constant 1 : i32
      %jit3A_596 = arith.constant 0 : i32
      %broadcast_in_dim3A_597 = vector.broadcast %jit3A_595 : i32 to vector<16xi32>
      %broadcast_in_dim3A_598 = vector.broadcast %jit3A_596 : i32 to vector<16xi32>
      %select_n3A_599 = arith.select %ge3A_594, %broadcast_in_dim3A_597, %broadcast_in_dim3A_598 : vector<16xi1>, vector<16xi32>
      %add3A_600 = arith.addi %add3A_583, %select_n3A_599 : vector<16xi32>
      %mul3A_601 = arith.constant 16 : i32
      %mul3A_602 = arith.muli %scan3A_465, %mul3A_601 : i32
      %add3A_603 = arith.constant 8 : i32
      %add3A_604 = arith.addi %mul3A_602, %add3A_603 : i32
      %mul3A_605 = arith.constant 16 : i32
      %mul3A_606 = arith.muli %add3A_604, %mul3A_605 : i32
      %multiple_of3A_607 = tpu.assume_multiple %mul3A_606, 16 : i32
      %get3A_608 = arith.index_cast %multiple_of3A_607 : i32 to index
      %get3A_609 = tpu.vector_load %arg7[%get3A_608] {strides = array<i32>} : memref<2048xi32, #tpu.memory_space<vmem>>, vector<16xi32>,
      %get3A_610 = vector.shape_cast %get3A_609 : vector<16xi32> to vector<16xi32>
      %ge3A_611 = arith.cmpi sge, %get3A_610, %broadcast_in_dim3A_35 : vector<16xi32>
      %jit3A_612 = arith.constant 1 : i32
      %jit3A_613 = arith.constant 0 : i32
      %broadcast_in_dim3A_614 = vector.broadcast %jit3A_612 : i32 to vector<16xi32>
      %broadcast_in_dim3A_615 = vector.broadcast %jit3A_613 : i32 to vector<16xi32>
      %select_n3A_616 = arith.select %ge3A_611, %broadcast_in_dim3A_614, %broadcast_in_dim3A_615 : vector<16xi1>, vector<16xi32>
      %add3A_617 = arith.addi %add3A_600, %select_n3A_616 : vector<16xi32>
      %mul3A_618 = arith.constant 16 : i32
      %mul3A_619 = arith.muli %scan3A_465, %mul3A_618 : i32
      %add3A_620 = arith.constant 9 : i32
      %add3A_621 = arith.addi %mul3A_619, %add3A_620 : i32
      %mul3A_622 = arith.constant 16 : i32
      %mul3A_623 = arith.muli %add3A_621, %mul3A_622 : i32
      %multiple_of3A_624 = tpu.assume_multiple %mul3A_623, 16 : i32
      %get3A_625 = arith.index_cast %multiple_of3A_624 : i32 to index
      %get3A_626 = tpu.vector_load %arg7[%get3A_625] {strides = array<i32>} : memref<2048xi32, #tpu.memory_space<vmem>>, vector<16xi32>,
      %get3A_627 = vector.shape_cast %get3A_626 : vector<16xi32> to vector<16xi32>
      %ge3A_628 = arith.cmpi sge, %get3A_627, %broadcast_in_dim3A_35 : vector<16xi32>
      %jit3A_629 = arith.constant 1 : i32
      %jit3A_630 = arith.constant 0 : i32
      %broadcast_in_dim3A_631 = vector.broadcast %jit3A_629 : i32 to vector<16xi32>
      %broadcast_in_dim3A_632 = vector.broadcast %jit3A_630 : i32 to vector<16xi32>
      %select_n3A_633 = arith.select %ge3A_628, %broadcast_in_dim3A_631, %broadcast_in_dim3A_632 : vector<16xi1>, vector<16xi32>
      %add3A_634 = arith.addi %add3A_617, %select_n3A_633 : vector<16xi32>
      %mul3A_635 = arith.constant 16 : i32
      %mul3A_636 = arith.muli %scan3A_465, %mul3A_635 : i32
      %add3A_637 = arith.constant 10 : i32
      %add3A_638 = arith.addi %mul3A_636, %add3A_637 : i32
      %mul3A_639 = arith.constant 16 : i32
      %mul3A_640 = arith.muli %add3A_638, %mul3A_639 : i32
      %multiple_of3A_641 = tpu.assume_multiple %mul3A_640, 16 : i32
      %get3A_642 = arith.index_cast %multiple_of3A_641 : i32 to index
      %get3A_643 = tpu.vector_load %arg7[%get3A_642] {strides = array<i32>} : memref<2048xi32, #tpu.memory_space<vmem>>, vector<16xi32>,
      %get3A_644 = vector.shape_cast %get3A_643 : vector<16xi32> to vector<16xi32>
      %ge3A_645 = arith.cmpi sge, %get3A_644, %broadcast_in_dim3A_35 : vector<16xi32>
      %jit3A_646 = arith.constant 1 : i32
      %jit3A_647 = arith.constant 0 : i32
      %broadcast_in_dim3A_648 = vector.broadcast %jit3A_646 : i32 to vector<16xi32>
      %broadcast_in_dim3A_649 = vector.broadcast %jit3A_647 : i32 to vector<16xi32>
      %select_n3A_650 = arith.select %ge3A_645, %broadcast_in_dim3A_648, %broadcast_in_dim3A_649 : vector<16xi1>, vector<16xi32>
      %add3A_651 = arith.addi %add3A_634, %select_n3A_650 : vector<16xi32>
      %mul3A_652 = arith.constant 16 : i32
      %mul3A_653 = arith.muli %scan3A_465, %mul3A_652 : i32
      %add3A_654 = arith.constant 11 : i32
      %add3A_655 = arith.addi %mul3A_653, %add3A_654 : i32
      %mul3A_656 = arith.constant 16 : i32
      %mul3A_657 = arith.muli %add3A_655, %mul3A_656 : i32
      %multiple_of3A_658 = tpu.assume_multiple %mul3A_657, 16 : i32
      %get3A_659 = arith.index_cast %multiple_of3A_658 : i32 to index
      %get3A_660 = tpu.vector_load %arg7[%get3A_659] {strides = array<i32>} : memref<2048xi32, #tpu.memory_space<vmem>>, vector<16xi32>,
      %get3A_661 = vector.shape_cast %get3A_660 : vector<16xi32> to vector<16xi32>
      %ge3A_662 = arith.cmpi sge, %get3A_661, %broadcast_in_dim3A_35 : vector<16xi32>
      %jit3A_663 = arith.constant 1 : i32
      %jit3A_664 = arith.constant 0 : i32
      %broadcast_in_dim3A_665 = vector.broadcast %jit3A_663 : i32 to vector<16xi32>
      %broadcast_in_dim3A_666 = vector.broadcast %jit3A_664 : i32 to vector<16xi32>
      %select_n3A_667 = arith.select %ge3A_662, %broadcast_in_dim3A_665, %broadcast_in_dim3A_666 : vector<16xi1>, vector<16xi32>
      %add3A_668 = arith.addi %add3A_651, %select_n3A_667 : vector<16xi32>
      %mul3A_669 = arith.constant 16 : i32
      %mul3A_670 = arith.muli %scan3A_465, %mul3A_669 : i32
      %add3A_671 = arith.constant 12 : i32
      %add3A_672 = arith.addi %mul3A_670, %add3A_671 : i32
      %mul3A_673 = arith.constant 16 : i32
      %mul3A_674 = arith.muli %add3A_672, %mul3A_673 : i32
      %multiple_of3A_675 = tpu.assume_multiple %mul3A_674, 16 : i32
      %get3A_676 = arith.index_cast %multiple_of3A_675 : i32 to index
      %get3A_677 = tpu.vector_load %arg7[%get3A_676] {strides = array<i32>} : memref<2048xi32, #tpu.memory_space<vmem>>, vector<16xi32>,
      %get3A_678 = vector.shape_cast %get3A_677 : vector<16xi32> to vector<16xi32>
      %ge3A_679 = arith.cmpi sge, %get3A_678, %broadcast_in_dim3A_35 : vector<16xi32>
      %jit3A_680 = arith.constant 1 : i32
      %jit3A_681 = arith.constant 0 : i32
      %broadcast_in_dim3A_682 = vector.broadcast %jit3A_680 : i32 to vector<16xi32>
      %broadcast_in_dim3A_683 = vector.broadcast %jit3A_681 : i32 to vector<16xi32>
      %select_n3A_684 = arith.select %ge3A_679, %broadcast_in_dim3A_682, %broadcast_in_dim3A_683 : vector<16xi1>, vector<16xi32>
      %add3A_685 = arith.addi %add3A_668, %select_n3A_684 : vector<16xi32>
      %mul3A_686 = arith.constant 16 : i32
      %mul3A_687 = arith.muli %scan3A_465, %mul3A_686 : i32
      %add3A_688 = arith.constant 13 : i32
      %add3A_689 = arith.addi %mul3A_687, %add3A_688 : i32
      %mul3A_690 = arith.constant 16 : i32
      %mul3A_691 = arith.muli %add3A_689, %mul3A_690 : i32
      %multiple_of3A_692 = tpu.assume_multiple %mul3A_691, 16 : i32
      %get3A_693 = arith.index_cast %multiple_of3A_692 : i32 to index
      %get3A_694 = tpu.vector_load %arg7[%get3A_693] {strides = array<i32>} : memref<2048xi32, #tpu.memory_space<vmem>>, vector<16xi32>,
      %get3A_695 = vector.shape_cast %get3A_694 : vector<16xi32> to vector<16xi32>
      %ge3A_696 = arith.cmpi sge, %get3A_695, %broadcast_in_dim3A_35 : vector<16xi32>
      %jit3A_697 = arith.constant 1 : i32
      %jit3A_698 = arith.constant 0 : i32
      %broadcast_in_dim3A_699 = vector.broadcast %jit3A_697 : i32 to vector<16xi32>
      %broadcast_in_dim3A_700 = vector.broadcast %jit3A_698 : i32 to vector<16xi32>
      %select_n3A_701 = arith.select %ge3A_696, %broadcast_in_dim3A_699, %broadcast_in_dim3A_700 : vector<16xi1>, vector<16xi32>
      %add3A_702 = arith.addi %add3A_685, %select_n3A_701 : vector<16xi32>
      %mul3A_703 = arith.constant 16 : i32
      %mul3A_704 = arith.muli %scan3A_465, %mul3A_703 : i32
      %add3A_705 = arith.constant 14 : i32
      %add3A_706 = arith.addi %mul3A_704, %add3A_705 : i32
      %mul3A_707 = arith.constant 16 : i32
      %mul3A_708 = arith.muli %add3A_706, %mul3A_707 : i32
      %multiple_of3A_709 = tpu.assume_multiple %mul3A_708, 16 : i32
      %get3A_710 = arith.index_cast %multiple_of3A_709 : i32 to index
      %get3A_711 = tpu.vector_load %arg7[%get3A_710] {strides = array<i32>} : memref<2048xi32, #tpu.memory_space<vmem>>, vector<16xi32>,
      %get3A_712 = vector.shape_cast %get3A_711 : vector<16xi32> to vector<16xi32>
      %ge3A_713 = arith.cmpi sge, %get3A_712, %broadcast_in_dim3A_35 : vector<16xi32>
      %jit3A_714 = arith.constant 1 : i32
      %jit3A_715 = arith.constant 0 : i32
      %broadcast_in_dim3A_716 = vector.broadcast %jit3A_714 : i32 to vector<16xi32>
      %broadcast_in_dim3A_717 = vector.broadcast %jit3A_715 : i32 to vector<16xi32>
      %select_n3A_718 = arith.select %ge3A_713, %broadcast_in_dim3A_716, %broadcast_in_dim3A_717 : vector<16xi1>, vector<16xi32>
      %add3A_719 = arith.addi %add3A_702, %select_n3A_718 : vector<16xi32>
      %mul3A_720 = arith.constant 16 : i32
      %mul3A_721 = arith.muli %scan3A_465, %mul3A_720 : i32
      %add3A_722 = arith.constant 15 : i32
      %add3A_723 = arith.addi %mul3A_721, %add3A_722 : i32
      %mul3A_724 = arith.constant 16 : i32
      %mul3A_725 = arith.muli %add3A_723, %mul3A_724 : i32
      %multiple_of3A_726 = tpu.assume_multiple %mul3A_725, 16 : i32
      %get3A_727 = arith.index_cast %multiple_of3A_726 : i32 to index
      %get3A_728 = tpu.vector_load %arg7[%get3A_727] {strides = array<i32>} : memref<2048xi32, #tpu.memory_space<vmem>>, vector<16xi32>,
      %get3A_729 = vector.shape_cast %get3A_728 : vector<16xi32> to vector<16xi32>
      %ge3A_730 = arith.cmpi sge, %get3A_729, %broadcast_in_dim3A_35 : vector<16xi32>
      %jit3A_731 = arith.constant 1 : i32
      %jit3A_732 = arith.constant 0 : i32
      %broadcast_in_dim3A_733 = vector.broadcast %jit3A_731 : i32 to vector<16xi32>
      %broadcast_in_dim3A_734 = vector.broadcast %jit3A_732 : i32 to vector<16xi32>
      %select_n3A_735 = arith.select %ge3A_730, %broadcast_in_dim3A_733, %broadcast_in_dim3A_734 : vector<16xi1>, vector<16xi32>
      %add3A_736 = arith.addi %add3A_719, %select_n3A_735 : vector<16xi32>
      scf.yield %add3A_736 : vector<16xi32>
    }
    %scan3A_43 = arith.constant 8 : i32
    %iota3A = tpu.iota {dimensions = array<i32: 0>} : vector<16xi32>
    %xor3A = arith.constant 8 : i32
    %xor3A_44 = vector.broadcast %xor3A : i32 to vector<16xi32>
    %xor3A_45 = arith.xori %iota3A, %xor3A_44 : vector<16xi32>
    %broadcast_in_dim3A_46 = vector.shape_cast %xor3A_45 : vector<16xi32> to vector<16x1xi32>
    %gather3A = vector.shape_cast %broadcast_in_dim3A_46 : vector<16x1xi32> to vector<16xi32>
    %gather3A_47 = tpu.dynamic_gather %scan3A_42[%gather3A] in [0] : vector<16xi32>, vector<16xi32> -> vector<16xi32>
    %add3A_48 = arith.addi %scan3A_42, %gather3A_47 : vector<16xi32>
    %xor3A_49 = arith.constant 4 : i32
    %xor3A_50 = vector.broadcast %xor3A_49 : i32 to vector<16xi32>
    %xor3A_51 = arith.xori %iota3A, %xor3A_50 : vector<16xi32>
    %broadcast_in_dim3A_52 = vector.shape_cast %xor3A_51 : vector<16xi32> to vector<16x1xi32>
    %gather3A_53 = vector.shape_cast %broadcast_in_dim3A_52 : vector<16x1xi32> to vector<16xi32>
    %gather3A_54 = tpu.dynamic_gather %add3A_48[%gather3A_53] in [0] : vector<16xi32>, vector<16xi32> -> vector<16xi32>
    %add3A_55 = arith.addi %add3A_48, %gather3A_54 : vector<16xi32>
    %xor3A_56 = arith.constant 2 : i32
    %xor3A_57 = vector.broadcast %xor3A_56 : i32 to vector<16xi32>
    %xor3A_58 = arith.xori %iota3A, %xor3A_57 : vector<16xi32>
    %broadcast_in_dim3A_59 = vector.shape_cast %xor3A_58 : vector<16xi32> to vector<16x1xi32>
    %gather3A_60 = vector.shape_cast %broadcast_in_dim3A_59 : vector<16x1xi32> to vector<16xi32>
    %gather3A_61 = tpu.dynamic_gather %add3A_55[%gather3A_60] in [0] : vector<16xi32>, vector<16xi32> -> vector<16xi32>
    %add3A_62 = arith.addi %add3A_55, %gather3A_61 : vector<16xi32>
    %xor3A_63 = arith.constant 1 : i32
    %xor3A_64 = vector.broadcast %xor3A_63 : i32 to vector<16xi32>
    %xor3A_65 = arith.xori %iota3A, %xor3A_64 : vector<16xi32>
    %broadcast_in_dim3A_66 = vector.shape_cast %xor3A_65 : vector<16xi32> to vector<16x1xi32>
    %gather3A_67 = vector.shape_cast %broadcast_in_dim3A_66 : vector<16x1xi32> to vector<16xi32>
    %gather3A_68 = tpu.dynamic_gather %add3A_62[%gather3A_67] in [0] : vector<16xi32>, vector<16xi32> -> vector<16xi32>
    %add3A_69 = arith.addi %add3A_62, %gather3A_68 : vector<16xi32>
    %ge3A = arith.constant 32 : i32
    %ge3A_70 = vector.broadcast %ge3A : i32 to vector<16xi32>
    %ge3A_71 = arith.cmpi sge, %add3A_69, %ge3A_70 : vector<16xi32>
    %jit3A = arith.constant 0 : i32
    %jit3A_72 = arith.constant -2147483648 : i32
    %broadcast_in_dim3A_73 = vector.broadcast %jit3A : i32 to vector<16xi32>
    %broadcast_in_dim3A_74 = vector.broadcast %jit3A_72 : i32 to vector<16xi32>
    %select_n3A = arith.select %ge3A_71, %broadcast_in_dim3A_73, %broadcast_in_dim3A_74 : vector<16xi1>, vector<16xi32>
    %scan3A_75 = arith.constant 0 : i32
    %scan3A_76 = arith.constant 31 : i32
    %scan3A_77 = arith.addi %scan3A_75, %scan3A_76 : i32
    %scan3A_78 = arith.constant 1 : i32
    %scan3A_79 = scf.for %scan3A_465 = %scan3A_75 to %scan3A_77 step %scan3A_78 iter_args(%scan3A_466 = %select_n3A) -> (vector<16xi32>)  : i32 {
      %sub3A = arith.constant 30 : i32
      %sub3A_467 = arith.subi %sub3A, %scan3A_465 : i32
      %shift_left3A = arith.constant 1 : i32
      %shift_left3A_468 = arith.shli %shift_left3A, %sub3A_467 : i32
      %or3A = vector.broadcast %shift_left3A_468 : i32 to vector<16xi32>
      %or3A_469 = arith.ori %scan3A_466, %or3A : vector<16xi32>
      %broadcast_in_dim3A_470 = arith.constant 0 : i32
      %broadcast_in_dim3A_471 = vector.broadcast %broadcast_in_dim3A_470 : i32 to vector<16xi32>
      %scan3A_472 = arith.constant 0 : i32
      %scan3A_473 = arith.constant 8 : i32
      %scan3A_474 = arith.addi %scan3A_472, %scan3A_473 : i32
      %scan3A_475 = arith.constant 1 : i32
      %scan3A_476 = scf.for %scan3A_511 = %scan3A_472 to %scan3A_474 step %scan3A_475 iter_args(%scan3A_512 = %broadcast_in_dim3A_471) -> (vector<16xi32>)  : i32 {
        %mul3A_513 = arith.constant 16 : i32
        %mul3A_514 = arith.muli %scan3A_511, %mul3A_513 : i32
        %add3A_515 = arith.constant 0 : i32
        %add3A_516 = arith.addi %mul3A_514, %add3A_515 : i32
        %mul3A_517 = arith.constant 16 : i32
        %mul3A_518 = arith.muli %add3A_516, %mul3A_517 : i32
        %multiple_of3A = tpu.assume_multiple %mul3A_518, 16 : i32
        %get3A = arith.index_cast %multiple_of3A : i32 to index
        %get3A_519 = tpu.vector_load %arg7[%get3A] {strides = array<i32>} : memref<2048xi32, #tpu.memory_space<vmem>>, vector<16xi32>,
        %get3A_520 = vector.shape_cast %get3A_519 : vector<16xi32> to vector<16xi32>
        %ge3A_521 = arith.cmpi sge, %get3A_520, %or3A_469 : vector<16xi32>
        %jit3A_522 = arith.constant 1 : i32
        %jit3A_523 = arith.constant 0 : i32
        %broadcast_in_dim3A_524 = vector.broadcast %jit3A_522 : i32 to vector<16xi32>
        %broadcast_in_dim3A_525 = vector.broadcast %jit3A_523 : i32 to vector<16xi32>
        %select_n3A_526 = arith.select %ge3A_521, %broadcast_in_dim3A_524, %broadcast_in_dim3A_525 : vector<16xi1>, vector<16xi32>
        %add3A_527 = arith.addi %scan3A_512, %select_n3A_526 : vector<16xi32>
        %mul3A_528 = arith.constant 16 : i32
        %mul3A_529 = arith.muli %scan3A_511, %mul3A_528 : i32
        %add3A_530 = arith.constant 1 : i32
        %add3A_531 = arith.addi %mul3A_529, %add3A_530 : i32
        %mul3A_532 = arith.constant 16 : i32
        %mul3A_533 = arith.muli %add3A_531, %mul3A_532 : i32
        %multiple_of3A_534 = tpu.assume_multiple %mul3A_533, 16 : i32
        %get3A_535 = arith.index_cast %multiple_of3A_534 : i32 to index
        %get3A_536 = tpu.vector_load %arg7[%get3A_535] {strides = array<i32>} : memref<2048xi32, #tpu.memory_space<vmem>>, vector<16xi32>,
        %get3A_537 = vector.shape_cast %get3A_536 : vector<16xi32> to vector<16xi32>
        %ge3A_538 = arith.cmpi sge, %get3A_537, %or3A_469 : vector<16xi32>
        %jit3A_539 = arith.constant 1 : i32
        %jit3A_540 = arith.constant 0 : i32
        %broadcast_in_dim3A_541 = vector.broadcast %jit3A_539 : i32 to vector<16xi32>
        %broadcast_in_dim3A_542 = vector.broadcast %jit3A_540 : i32 to vector<16xi32>
        %select_n3A_543 = arith.select %ge3A_538, %broadcast_in_dim3A_541, %broadcast_in_dim3A_542 : vector<16xi1>, vector<16xi32>
        %add3A_544 = arith.addi %add3A_527, %select_n3A_543 : vector<16xi32>
        %mul3A_545 = arith.constant 16 : i32
        %mul3A_546 = arith.muli %scan3A_511, %mul3A_545 : i32
        %add3A_547 = arith.constant 2 : i32
        %add3A_548 = arith.addi %mul3A_546, %add3A_547 : i32
        %mul3A_549 = arith.constant 16 : i32
        %mul3A_550 = arith.muli %add3A_548, %mul3A_549 : i32
        %multiple_of3A_551 = tpu.assume_multiple %mul3A_550, 16 : i32
        %get3A_552 = arith.index_cast %multiple_of3A_551 : i32 to index
        %get3A_553 = tpu.vector_load %arg7[%get3A_552] {strides = array<i32>} : memref<2048xi32, #tpu.memory_space<vmem>>, vector<16xi32>,
        %get3A_554 = vector.shape_cast %get3A_553 : vector<16xi32> to vector<16xi32>
        %ge3A_555 = arith.cmpi sge, %get3A_554, %or3A_469 : vector<16xi32>
        %jit3A_556 = arith.constant 1 : i32
        %jit3A_557 = arith.constant 0 : i32
        %broadcast_in_dim3A_558 = vector.broadcast %jit3A_556 : i32 to vector<16xi32>
        %broadcast_in_dim3A_559 = vector.broadcast %jit3A_557 : i32 to vector<16xi32>
        %select_n3A_560 = arith.select %ge3A_555, %broadcast_in_dim3A_558, %broadcast_in_dim3A_559 : vector<16xi1>, vector<16xi32>
        %add3A_561 = arith.addi %add3A_544, %select_n3A_560 : vector<16xi32>
        %mul3A_562 = arith.constant 16 : i32
        %mul3A_563 = arith.muli %scan3A_511, %mul3A_562 : i32
        %add3A_564 = arith.constant 3 : i32
        %add3A_565 = arith.addi %mul3A_563, %add3A_564 : i32
        %mul3A_566 = arith.constant 16 : i32
        %mul3A_567 = arith.muli %add3A_565, %mul3A_566 : i32
        %multiple_of3A_568 = tpu.assume_multiple %mul3A_567, 16 : i32
        %get3A_569 = arith.index_cast %multiple_of3A_568 : i32 to index
        %get3A_570 = tpu.vector_load %arg7[%get3A_569] {strides = array<i32>} : memref<2048xi32, #tpu.memory_space<vmem>>, vector<16xi32>,
        %get3A_571 = vector.shape_cast %get3A_570 : vector<16xi32> to vector<16xi32>
        %ge3A_572 = arith.cmpi sge, %get3A_571, %or3A_469 : vector<16xi32>
        %jit3A_573 = arith.constant 1 : i32
        %jit3A_574 = arith.constant 0 : i32
        %broadcast_in_dim3A_575 = vector.broadcast %jit3A_573 : i32 to vector<16xi32>
        %broadcast_in_dim3A_576 = vector.broadcast %jit3A_574 : i32 to vector<16xi32>
        %select_n3A_577 = arith.select %ge3A_572, %broadcast_in_dim3A_575, %broadcast_in_dim3A_576 : vector<16xi1>, vector<16xi32>
        %add3A_578 = arith.addi %add3A_561, %select_n3A_577 : vector<16xi32>
        %mul3A_579 = arith.constant 16 : i32
        %mul3A_580 = arith.muli %scan3A_511, %mul3A_579 : i32
        %add3A_581 = arith.constant 4 : i32
        %add3A_582 = arith.addi %mul3A_580, %add3A_581 : i32
        %mul3A_583 = arith.constant 16 : i32
        %mul3A_584 = arith.muli %add3A_582, %mul3A_583 : i32
        %multiple_of3A_585 = tpu.assume_multiple %mul3A_584, 16 : i32
        %get3A_586 = arith.index_cast %multiple_of3A_585 : i32 to index
        %get3A_587 = tpu.vector_load %arg7[%get3A_586] {strides = array<i32>} : memref<2048xi32, #tpu.memory_space<vmem>>, vector<16xi32>,
        %get3A_588 = vector.shape_cast %get3A_587 : vector<16xi32> to vector<16xi32>
        %ge3A_589 = arith.cmpi sge, %get3A_588, %or3A_469 : vector<16xi32>
        %jit3A_590 = arith.constant 1 : i32
        %jit3A_591 = arith.constant 0 : i32
        %broadcast_in_dim3A_592 = vector.broadcast %jit3A_590 : i32 to vector<16xi32>
        %broadcast_in_dim3A_593 = vector.broadcast %jit3A_591 : i32 to vector<16xi32>
        %select_n3A_594 = arith.select %ge3A_589, %broadcast_in_dim3A_592, %broadcast_in_dim3A_593 : vector<16xi1>, vector<16xi32>
        %add3A_595 = arith.addi %add3A_578, %select_n3A_594 : vector<16xi32>
        %mul3A_596 = arith.constant 16 : i32
        %mul3A_597 = arith.muli %scan3A_511, %mul3A_596 : i32
        %add3A_598 = arith.constant 5 : i32
        %add3A_599 = arith.addi %mul3A_597, %add3A_598 : i32
        %mul3A_600 = arith.constant 16 : i32
        %mul3A_601 = arith.muli %add3A_599, %mul3A_600 : i32
        %multiple_of3A_602 = tpu.assume_multiple %mul3A_601, 16 : i32
        %get3A_603 = arith.index_cast %multiple_of3A_602 : i32 to index
        %get3A_604 = tpu.vector_load %arg7[%get3A_603] {strides = array<i32>} : memref<2048xi32, #tpu.memory_space<vmem>>, vector<16xi32>,
        %get3A_605 = vector.shape_cast %get3A_604 : vector<16xi32> to vector<16xi32>
        %ge3A_606 = arith.cmpi sge, %get3A_605, %or3A_469 : vector<16xi32>
        %jit3A_607 = arith.constant 1 : i32
        %jit3A_608 = arith.constant 0 : i32
        %broadcast_in_dim3A_609 = vector.broadcast %jit3A_607 : i32 to vector<16xi32>
        %broadcast_in_dim3A_610 = vector.broadcast %jit3A_608 : i32 to vector<16xi32>
        %select_n3A_611 = arith.select %ge3A_606, %broadcast_in_dim3A_609, %broadcast_in_dim3A_610 : vector<16xi1>, vector<16xi32>
        %add3A_612 = arith.addi %add3A_595, %select_n3A_611 : vector<16xi32>
        %mul3A_613 = arith.constant 16 : i32
        %mul3A_614 = arith.muli %scan3A_511, %mul3A_613 : i32
        %add3A_615 = arith.constant 6 : i32
        %add3A_616 = arith.addi %mul3A_614, %add3A_615 : i32
        %mul3A_617 = arith.constant 16 : i32
        %mul3A_618 = arith.muli %add3A_616, %mul3A_617 : i32
        %multiple_of3A_619 = tpu.assume_multiple %mul3A_618, 16 : i32
        %get3A_620 = arith.index_cast %multiple_of3A_619 : i32 to index
        %get3A_621 = tpu.vector_load %arg7[%get3A_620] {strides = array<i32>} : memref<2048xi32, #tpu.memory_space<vmem>>, vector<16xi32>,
        %get3A_622 = vector.shape_cast %get3A_621 : vector<16xi32> to vector<16xi32>
        %ge3A_623 = arith.cmpi sge, %get3A_622, %or3A_469 : vector<16xi32>
        %jit3A_624 = arith.constant 1 : i32
        %jit3A_625 = arith.constant 0 : i32
        %broadcast_in_dim3A_626 = vector.broadcast %jit3A_624 : i32 to vector<16xi32>
        %broadcast_in_dim3A_627 = vector.broadcast %jit3A_625 : i32 to vector<16xi32>
        %select_n3A_628 = arith.select %ge3A_623, %broadcast_in_dim3A_626, %broadcast_in_dim3A_627 : vector<16xi1>, vector<16xi32>
        %add3A_629 = arith.addi %add3A_612, %select_n3A_628 : vector<16xi32>
        %mul3A_630 = arith.constant 16 : i32
        %mul3A_631 = arith.muli %scan3A_511, %mul3A_630 : i32
        %add3A_632 = arith.constant 7 : i32
        %add3A_633 = arith.addi %mul3A_631, %add3A_632 : i32
        %mul3A_634 = arith.constant 16 : i32
        %mul3A_635 = arith.muli %add3A_633, %mul3A_634 : i32
        %multiple_of3A_636 = tpu.assume_multiple %mul3A_635, 16 : i32
        %get3A_637 = arith.index_cast %multiple_of3A_636 : i32 to index
        %get3A_638 = tpu.vector_load %arg7[%get3A_637] {strides = array<i32>} : memref<2048xi32, #tpu.memory_space<vmem>>, vector<16xi32>,
        %get3A_639 = vector.shape_cast %get3A_638 : vector<16xi32> to vector<16xi32>
        %ge3A_640 = arith.cmpi sge, %get3A_639, %or3A_469 : vector<16xi32>
        %jit3A_641 = arith.constant 1 : i32
        %jit3A_642 = arith.constant 0 : i32
        %broadcast_in_dim3A_643 = vector.broadcast %jit3A_641 : i32 to vector<16xi32>
        %broadcast_in_dim3A_644 = vector.broadcast %jit3A_642 : i32 to vector<16xi32>
        %select_n3A_645 = arith.select %ge3A_640, %broadcast_in_dim3A_643, %broadcast_in_dim3A_644 : vector<16xi1>, vector<16xi32>
        %add3A_646 = arith.addi %add3A_629, %select_n3A_645 : vector<16xi32>
        %mul3A_647 = arith.constant 16 : i32
        %mul3A_648 = arith.muli %scan3A_511, %mul3A_647 : i32
        %add3A_649 = arith.constant 8 : i32
        %add3A_650 = arith.addi %mul3A_648, %add3A_649 : i32
        %mul3A_651 = arith.constant 16 : i32
        %mul3A_652 = arith.muli %add3A_650, %mul3A_651 : i32
        %multiple_of3A_653 = tpu.assume_multiple %mul3A_652, 16 : i32
        %get3A_654 = arith.index_cast %multiple_of3A_653 : i32 to index
        %get3A_655 = tpu.vector_load %arg7[%get3A_654] {strides = array<i32>} : memref<2048xi32, #tpu.memory_space<vmem>>, vector<16xi32>,
        %get3A_656 = vector.shape_cast %get3A_655 : vector<16xi32> to vector<16xi32>
        %ge3A_657 = arith.cmpi sge, %get3A_656, %or3A_469 : vector<16xi32>
        %jit3A_658 = arith.constant 1 : i32
        %jit3A_659 = arith.constant 0 : i32
        %broadcast_in_dim3A_660 = vector.broadcast %jit3A_658 : i32 to vector<16xi32>
        %broadcast_in_dim3A_661 = vector.broadcast %jit3A_659 : i32 to vector<16xi32>
        %select_n3A_662 = arith.select %ge3A_657, %broadcast_in_dim3A_660, %broadcast_in_dim3A_661 : vector<16xi1>, vector<16xi32>
        %add3A_663 = arith.addi %add3A_646, %select_n3A_662 : vector<16xi32>
        %mul3A_664 = arith.constant 16 : i32
        %mul3A_665 = arith.muli %scan3A_511, %mul3A_664 : i32
        %add3A_666 = arith.constant 9 : i32
        %add3A_667 = arith.addi %mul3A_665, %add3A_666 : i32
        %mul3A_668 = arith.constant 16 : i32
        %mul3A_669 = arith.muli %add3A_667, %mul3A_668 : i32
        %multiple_of3A_670 = tpu.assume_multiple %mul3A_669, 16 : i32
        %get3A_671 = arith.index_cast %multiple_of3A_670 : i32 to index
        %get3A_672 = tpu.vector_load %arg7[%get3A_671] {strides = array<i32>} : memref<2048xi32, #tpu.memory_space<vmem>>, vector<16xi32>,
        %get3A_673 = vector.shape_cast %get3A_672 : vector<16xi32> to vector<16xi32>
        %ge3A_674 = arith.cmpi sge, %get3A_673, %or3A_469 : vector<16xi32>
        %jit3A_675 = arith.constant 1 : i32
        %jit3A_676 = arith.constant 0 : i32
        %broadcast_in_dim3A_677 = vector.broadcast %jit3A_675 : i32 to vector<16xi32>
        %broadcast_in_dim3A_678 = vector.broadcast %jit3A_676 : i32 to vector<16xi32>
        %select_n3A_679 = arith.select %ge3A_674, %broadcast_in_dim3A_677, %broadcast_in_dim3A_678 : vector<16xi1>, vector<16xi32>
        %add3A_680 = arith.addi %add3A_663, %select_n3A_679 : vector<16xi32>
        %mul3A_681 = arith.constant 16 : i32
        %mul3A_682 = arith.muli %scan3A_511, %mul3A_681 : i32
        %add3A_683 = arith.constant 10 : i32
        %add3A_684 = arith.addi %mul3A_682, %add3A_683 : i32
        %mul3A_685 = arith.constant 16 : i32
        %mul3A_686 = arith.muli %add3A_684, %mul3A_685 : i32
        %multiple_of3A_687 = tpu.assume_multiple %mul3A_686, 16 : i32
        %get3A_688 = arith.index_cast %multiple_of3A_687 : i32 to index
        %get3A_689 = tpu.vector_load %arg7[%get3A_688] {strides = array<i32>} : memref<2048xi32, #tpu.memory_space<vmem>>, vector<16xi32>,
        %get3A_690 = vector.shape_cast %get3A_689 : vector<16xi32> to vector<16xi32>
        %ge3A_691 = arith.cmpi sge, %get3A_690, %or3A_469 : vector<16xi32>
        %jit3A_692 = arith.constant 1 : i32
        %jit3A_693 = arith.constant 0 : i32
        %broadcast_in_dim3A_694 = vector.broadcast %jit3A_692 : i32 to vector<16xi32>
        %broadcast_in_dim3A_695 = vector.broadcast %jit3A_693 : i32 to vector<16xi32>
        %select_n3A_696 = arith.select %ge3A_691, %broadcast_in_dim3A_694, %broadcast_in_dim3A_695 : vector<16xi1>, vector<16xi32>
        %add3A_697 = arith.addi %add3A_680, %select_n3A_696 : vector<16xi32>
        %mul3A_698 = arith.constant 16 : i32
        %mul3A_699 = arith.muli %scan3A_511, %mul3A_698 : i32
        %add3A_700 = arith.constant 11 : i32
        %add3A_701 = arith.addi %mul3A_699, %add3A_700 : i32
        %mul3A_702 = arith.constant 16 : i32
        %mul3A_703 = arith.muli %add3A_701, %mul3A_702 : i32
        %multiple_of3A_704 = tpu.assume_multiple %mul3A_703, 16 : i32
        %get3A_705 = arith.index_cast %multiple_of3A_704 : i32 to index
        %get3A_706 = tpu.vector_load %arg7[%get3A_705] {strides = array<i32>} : memref<2048xi32, #tpu.memory_space<vmem>>, vector<16xi32>,
        %get3A_707 = vector.shape_cast %get3A_706 : vector<16xi32> to vector<16xi32>
        %ge3A_708 = arith.cmpi sge, %get3A_707, %or3A_469 : vector<16xi32>
        %jit3A_709 = arith.constant 1 : i32
        %jit3A_710 = arith.constant 0 : i32
        %broadcast_in_dim3A_711 = vector.broadcast %jit3A_709 : i32 to vector<16xi32>
        %broadcast_in_dim3A_712 = vector.broadcast %jit3A_710 : i32 to vector<16xi32>
        %select_n3A_713 = arith.select %ge3A_708, %broadcast_in_dim3A_711, %broadcast_in_dim3A_712 : vector<16xi1>, vector<16xi32>
        %add3A_714 = arith.addi %add3A_697, %select_n3A_713 : vector<16xi32>
        %mul3A_715 = arith.constant 16 : i32
        %mul3A_716 = arith.muli %scan3A_511, %mul3A_715 : i32
        %add3A_717 = arith.constant 12 : i32
        %add3A_718 = arith.addi %mul3A_716, %add3A_717 : i32
        %mul3A_719 = arith.constant 16 : i32
        %mul3A_720 = arith.muli %add3A_718, %mul3A_719 : i32
        %multiple_of3A_721 = tpu.assume_multiple %mul3A_720, 16 : i32
        %get3A_722 = arith.index_cast %multiple_of3A_721 : i32 to index
        %get3A_723 = tpu.vector_load %arg7[%get3A_722] {strides = array<i32>} : memref<2048xi32, #tpu.memory_space<vmem>>, vector<16xi32>,
        %get3A_724 = vector.shape_cast %get3A_723 : vector<16xi32> to vector<16xi32>
        %ge3A_725 = arith.cmpi sge, %get3A_724, %or3A_469 : vector<16xi32>
        %jit3A_726 = arith.constant 1 : i32
        %jit3A_727 = arith.constant 0 : i32
        %broadcast_in_dim3A_728 = vector.broadcast %jit3A_726 : i32 to vector<16xi32>
        %broadcast_in_dim3A_729 = vector.broadcast %jit3A_727 : i32 to vector<16xi32>
        %select_n3A_730 = arith.select %ge3A_725, %broadcast_in_dim3A_728, %broadcast_in_dim3A_729 : vector<16xi1>, vector<16xi32>
        %add3A_731 = arith.addi %add3A_714, %select_n3A_730 : vector<16xi32>
        %mul3A_732 = arith.constant 16 : i32
        %mul3A_733 = arith.muli %scan3A_511, %mul3A_732 : i32
        %add3A_734 = arith.constant 13 : i32
        %add3A_735 = arith.addi %mul3A_733, %add3A_734 : i32
        %mul3A_736 = arith.constant 16 : i32
        %mul3A_737 = arith.muli %add3A_735, %mul3A_736 : i32
        %multiple_of3A_738 = tpu.assume_multiple %mul3A_737, 16 : i32
        %get3A_739 = arith.index_cast %multiple_of3A_738 : i32 to index
        %get3A_740 = tpu.vector_load %arg7[%get3A_739] {strides = array<i32>} : memref<2048xi32, #tpu.memory_space<vmem>>, vector<16xi32>,
        %get3A_741 = vector.shape_cast %get3A_740 : vector<16xi32> to vector<16xi32>
        %ge3A_742 = arith.cmpi sge, %get3A_741, %or3A_469 : vector<16xi32>
        %jit3A_743 = arith.constant 1 : i32
        %jit3A_744 = arith.constant 0 : i32
        %broadcast_in_dim3A_745 = vector.broadcast %jit3A_743 : i32 to vector<16xi32>
        %broadcast_in_dim3A_746 = vector.broadcast %jit3A_744 : i32 to vector<16xi32>
        %select_n3A_747 = arith.select %ge3A_742, %broadcast_in_dim3A_745, %broadcast_in_dim3A_746 : vector<16xi1>, vector<16xi32>
        %add3A_748 = arith.addi %add3A_731, %select_n3A_747 : vector<16xi32>
        %mul3A_749 = arith.constant 16 : i32
        %mul3A_750 = arith.muli %scan3A_511, %mul3A_749 : i32
        %add3A_751 = arith.constant 14 : i32
        %add3A_752 = arith.addi %mul3A_750, %add3A_751 : i32
        %mul3A_753 = arith.constant 16 : i32
        %mul3A_754 = arith.muli %add3A_752, %mul3A_753 : i32
        %multiple_of3A_755 = tpu.assume_multiple %mul3A_754, 16 : i32
        %get3A_756 = arith.index_cast %multiple_of3A_755 : i32 to index
        %get3A_757 = tpu.vector_load %arg7[%get3A_756] {strides = array<i32>} : memref<2048xi32, #tpu.memory_space<vmem>>, vector<16xi32>,
        %get3A_758 = vector.shape_cast %get3A_757 : vector<16xi32> to vector<16xi32>
        %ge3A_759 = arith.cmpi sge, %get3A_758, %or3A_469 : vector<16xi32>
        %jit3A_760 = arith.constant 1 : i32
        %jit3A_761 = arith.constant 0 : i32
        %broadcast_in_dim3A_762 = vector.broadcast %jit3A_760 : i32 to vector<16xi32>
        %broadcast_in_dim3A_763 = vector.broadcast %jit3A_761 : i32 to vector<16xi32>
        %select_n3A_764 = arith.select %ge3A_759, %broadcast_in_dim3A_762, %broadcast_in_dim3A_763 : vector<16xi1>, vector<16xi32>
        %add3A_765 = arith.addi %add3A_748, %select_n3A_764 : vector<16xi32>
        %mul3A_766 = arith.constant 16 : i32
        %mul3A_767 = arith.muli %scan3A_511, %mul3A_766 : i32
        %add3A_768 = arith.constant 15 : i32
        %add3A_769 = arith.addi %mul3A_767, %add3A_768 : i32
        %mul3A_770 = arith.constant 16 : i32
        %mul3A_771 = arith.muli %add3A_769, %mul3A_770 : i32
        %multiple_of3A_772 = tpu.assume_multiple %mul3A_771, 16 : i32
        %get3A_773 = arith.index_cast %multiple_of3A_772 : i32 to index
        %get3A_774 = tpu.vector_load %arg7[%get3A_773] {strides = array<i32>} : memref<2048xi32, #tpu.memory_space<vmem>>, vector<16xi32>,
        %get3A_775 = vector.shape_cast %get3A_774 : vector<16xi32> to vector<16xi32>
        %ge3A_776 = arith.cmpi sge, %get3A_775, %or3A_469 : vector<16xi32>
        %jit3A_777 = arith.constant 1 : i32
        %jit3A_778 = arith.constant 0 : i32
        %broadcast_in_dim3A_779 = vector.broadcast %jit3A_777 : i32 to vector<16xi32>
        %broadcast_in_dim3A_780 = vector.broadcast %jit3A_778 : i32 to vector<16xi32>
        %select_n3A_781 = arith.select %ge3A_776, %broadcast_in_dim3A_779, %broadcast_in_dim3A_780 : vector<16xi1>, vector<16xi32>
        %add3A_782 = arith.addi %add3A_765, %select_n3A_781 : vector<16xi32>
        scf.yield %add3A_782 : vector<16xi32>
      }
      %scan3A_477 = arith.constant 8 : i32
      %iota3A_478 = tpu.iota {dimensions = array<i32: 0>} : vector<16xi32>
      %xor3A_479 = arith.constant 8 : i32
      %xor3A_480 = vector.broadcast %xor3A_479 : i32 to vector<16xi32>
      %xor3A_481 = arith.xori %iota3A_478, %xor3A_480 : vector<16xi32>
      %broadcast_in_dim3A_482 = vector.shape_cast %xor3A_481 : vector<16xi32> to vector<16x1xi32>
      %gather3A_483 = vector.shape_cast %broadcast_in_dim3A_482 : vector<16x1xi32> to vector<16xi32>
      %gather3A_484 = tpu.dynamic_gather %scan3A_476[%gather3A_483] in [0] : vector<16xi32>, vector<16xi32> -> vector<16xi32>
      %add3A_485 = arith.addi %scan3A_476, %gather3A_484 : vector<16xi32>
      %xor3A_486 = arith.constant 4 : i32
      %xor3A_487 = vector.broadcast %xor3A_486 : i32 to vector<16xi32>
      %xor3A_488 = arith.xori %iota3A_478, %xor3A_487 : vector<16xi32>
      %broadcast_in_dim3A_489 = vector.shape_cast %xor3A_488 : vector<16xi32> to vector<16x1xi32>
      %gather3A_490 = vector.shape_cast %broadcast_in_dim3A_489 : vector<16x1xi32> to vector<16xi32>
      %gather3A_491 = tpu.dynamic_gather %add3A_485[%gather3A_490] in [0] : vector<16xi32>, vector<16xi32> -> vector<16xi32>
      %add3A_492 = arith.addi %add3A_485, %gather3A_491 : vector<16xi32>
      %xor3A_493 = arith.constant 2 : i32
      %xor3A_494 = vector.broadcast %xor3A_493 : i32 to vector<16xi32>
      %xor3A_495 = arith.xori %iota3A_478, %xor3A_494 : vector<16xi32>
      %broadcast_in_dim3A_496 = vector.shape_cast %xor3A_495 : vector<16xi32> to vector<16x1xi32>
      %gather3A_497 = vector.shape_cast %broadcast_in_dim3A_496 : vector<16x1xi32> to vector<16xi32>
      %gather3A_498 = tpu.dynamic_gather %add3A_492[%gather3A_497] in [0] : vector<16xi32>, vector<16xi32> -> vector<16xi32>
      %add3A_499 = arith.addi %add3A_492, %gather3A_498 : vector<16xi32>
      %xor3A_500 = arith.constant 1 : i32
      %xor3A_501 = vector.broadcast %xor3A_500 : i32 to vector<16xi32>
      %xor3A_502 = arith.xori %iota3A_478, %xor3A_501 : vector<16xi32>
      %broadcast_in_dim3A_503 = vector.shape_cast %xor3A_502 : vector<16xi32> to vector<16x1xi32>
      %gather3A_504 = vector.shape_cast %broadcast_in_dim3A_503 : vector<16x1xi32> to vector<16xi32>
      %gather3A_505 = tpu.dynamic_gather %add3A_499[%gather3A_504] in [0] : vector<16xi32>, vector<16xi32> -> vector<16xi32>
      %add3A_506 = arith.addi %add3A_499, %gather3A_505 : vector<16xi32>
      %ge3A_507 = arith.constant 32 : i32
      %ge3A_508 = vector.broadcast %ge3A_507 : i32 to vector<16xi32>
      %ge3A_509 = arith.cmpi sge, %add3A_506, %ge3A_508 : vector<16xi32>
      %select_n3A_510 = arith.select %ge3A_509, %or3A_469, %scan3A_466 : vector<16xi1>, vector<16xi32>
      scf.yield %select_n3A_510 : vector<16xi32>
    }
    %scan3A_80 = arith.constant 31 : i32
    %scan3A_81 = arith.constant 0 : i32
    %scan3A_82 = arith.constant 0 : i32
    %scan3A_83 = arith.constant 32 : i32
    %scan3A_84 = arith.addi %scan3A_82, %scan3A_83 : i32
    %scan3A_85 = arith.constant 1 : i32
    %scan3A_86 = scf.for %scan3A_465 = %scan3A_82 to %scan3A_84 step %scan3A_85 iter_args(%scan3A_466 = %scan3A_81) -> (i32)  : i32 {
      %mul3A_467 = arith.constant 4 : i32
      %mul3A_468 = arith.muli %scan3A_465, %mul3A_467 : i32
      %add3A_469 = arith.constant 0 : i32
      %add3A_470 = arith.addi %mul3A_468, %add3A_469 : i32
      %mul3A_471 = arith.constant 16 : i32
      %mul3A_472 = arith.muli %add3A_470, %mul3A_471 : i32
      %multiple_of3A = tpu.assume_multiple %mul3A_472, 16 : i32
      %get3A = arith.index_cast %multiple_of3A : i32 to index
      %get3A_473 = tpu.vector_load %arg7[%get3A] {strides = array<i32>} : memref<2048xi32, #tpu.memory_space<vmem>>, vector<16xi32>,
      %get3A_474 = vector.shape_cast %get3A_473 : vector<16xi32> to vector<16xi32>
      %ge3A_475 = arith.cmpi sge, %get3A_474, %scan3A_79 : vector<16xi32>
      %jit3A_476 = arith.constant 0.000000e+00 : f32
      %jit3A_477 = arith.constant 1.000000e+00 : f32
      %broadcast_in_dim3A_478 = vector.broadcast %jit3A_476 : f32 to vector<16xf32>
      %broadcast_in_dim3A_479 = vector.broadcast %jit3A_477 : f32 to vector<16xf32>
      %select_n3A_480 = arith.select %ge3A_475, %broadcast_in_dim3A_478, %broadcast_in_dim3A_479 : vector<16xi1>, vector<16xf32>
      %swap3A = arith.index_cast %multiple_of3A : i32 to index
      %swap3A_481 = tpu.vector_load %arg5[%swap3A] {strides = array<i32>} : memref<2048xf32, #tpu.memory_space<vmem>>, vector<16xf32>,
      %swap3A_482 = vector.shape_cast %swap3A_481 : vector<16xf32> to vector<16xf32>
      %swap3A_483 = vector.shape_cast %select_n3A_480 : vector<16xf32> to vector<16xf32>
      tpu.vector_store %arg5[%swap3A], %swap3A_483 {strides = array<i32>} : memref<2048xf32, #tpu.memory_space<vmem>>, vector<16xf32>,
      %mul3A_484 = arith.constant 4 : i32
      %mul3A_485 = arith.muli %scan3A_465, %mul3A_484 : i32
      %add3A_486 = arith.constant 1 : i32
      %add3A_487 = arith.addi %mul3A_485, %add3A_486 : i32
      %mul3A_488 = arith.constant 16 : i32
      %mul3A_489 = arith.muli %add3A_487, %mul3A_488 : i32
      %multiple_of3A_490 = tpu.assume_multiple %mul3A_489, 16 : i32
      %get3A_491 = arith.index_cast %multiple_of3A_490 : i32 to index
      %get3A_492 = tpu.vector_load %arg7[%get3A_491] {strides = array<i32>} : memref<2048xi32, #tpu.memory_space<vmem>>, vector<16xi32>,
      %get3A_493 = vector.shape_cast %get3A_492 : vector<16xi32> to vector<16xi32>
      %ge3A_494 = arith.cmpi sge, %get3A_493, %scan3A_79 : vector<16xi32>
      %jit3A_495 = arith.constant 0.000000e+00 : f32
      %jit3A_496 = arith.constant 1.000000e+00 : f32
      %broadcast_in_dim3A_497 = vector.broadcast %jit3A_495 : f32 to vector<16xf32>
      %broadcast_in_dim3A_498 = vector.broadcast %jit3A_496 : f32 to vector<16xf32>
      %select_n3A_499 = arith.select %ge3A_494, %broadcast_in_dim3A_497, %broadcast_in_dim3A_498 : vector<16xi1>, vector<16xf32>
      %swap3A_500 = arith.index_cast %multiple_of3A_490 : i32 to index
      %swap3A_501 = tpu.vector_load %arg5[%swap3A_500] {strides = array<i32>} : memref<2048xf32, #tpu.memory_space<vmem>>, vector<16xf32>,
      %swap3A_502 = vector.shape_cast %swap3A_501 : vector<16xf32> to vector<16xf32>
      %swap3A_503 = vector.shape_cast %select_n3A_499 : vector<16xf32> to vector<16xf32>
      tpu.vector_store %arg5[%swap3A_500], %swap3A_503 {strides = array<i32>} : memref<2048xf32, #tpu.memory_space<vmem>>, vector<16xf32>,
      %mul3A_504 = arith.constant 4 : i32
      %mul3A_505 = arith.muli %scan3A_465, %mul3A_504 : i32
      %add3A_506 = arith.constant 2 : i32
      %add3A_507 = arith.addi %mul3A_505, %add3A_506 : i32
      %mul3A_508 = arith.constant 16 : i32
      %mul3A_509 = arith.muli %add3A_507, %mul3A_508 : i32
      %multiple_of3A_510 = tpu.assume_multiple %mul3A_509, 16 : i32
      %get3A_511 = arith.index_cast %multiple_of3A_510 : i32 to index
      %get3A_512 = tpu.vector_load %arg7[%get3A_511] {strides = array<i32>} : memref<2048xi32, #tpu.memory_space<vmem>>, vector<16xi32>,
      %get3A_513 = vector.shape_cast %get3A_512 : vector<16xi32> to vector<16xi32>
      %ge3A_514 = arith.cmpi sge, %get3A_513, %scan3A_79 : vector<16xi32>
      %jit3A_515 = arith.constant 0.000000e+00 : f32
      %jit3A_516 = arith.constant 1.000000e+00 : f32
      %broadcast_in_dim3A_517 = vector.broadcast %jit3A_515 : f32 to vector<16xf32>
      %broadcast_in_dim3A_518 = vector.broadcast %jit3A_516 : f32 to vector<16xf32>
      %select_n3A_519 = arith.select %ge3A_514, %broadcast_in_dim3A_517, %broadcast_in_dim3A_518 : vector<16xi1>, vector<16xf32>
      %swap3A_520 = arith.index_cast %multiple_of3A_510 : i32 to index
      %swap3A_521 = tpu.vector_load %arg5[%swap3A_520] {strides = array<i32>} : memref<2048xf32, #tpu.memory_space<vmem>>, vector<16xf32>,
      %swap3A_522 = vector.shape_cast %swap3A_521 : vector<16xf32> to vector<16xf32>
      %swap3A_523 = vector.shape_cast %select_n3A_519 : vector<16xf32> to vector<16xf32>
      tpu.vector_store %arg5[%swap3A_520], %swap3A_523 {strides = array<i32>} : memref<2048xf32, #tpu.memory_space<vmem>>, vector<16xf32>,
      %mul3A_524 = arith.constant 4 : i32
      %mul3A_525 = arith.muli %scan3A_465, %mul3A_524 : i32
      %add3A_526 = arith.constant 3 : i32
      %add3A_527 = arith.addi %mul3A_525, %add3A_526 : i32
      %mul3A_528 = arith.constant 16 : i32
      %mul3A_529 = arith.muli %add3A_527, %mul3A_528 : i32
      %multiple_of3A_530 = tpu.assume_multiple %mul3A_529, 16 : i32
      %get3A_531 = arith.index_cast %multiple_of3A_530 : i32 to index
      %get3A_532 = tpu.vector_load %arg7[%get3A_531] {strides = array<i32>} : memref<2048xi32, #tpu.memory_space<vmem>>, vector<16xi32>,
      %get3A_533 = vector.shape_cast %get3A_532 : vector<16xi32> to vector<16xi32>
      %ge3A_534 = arith.cmpi sge, %get3A_533, %scan3A_79 : vector<16xi32>
      %jit3A_535 = arith.constant 0.000000e+00 : f32
      %jit3A_536 = arith.constant 1.000000e+00 : f32
      %broadcast_in_dim3A_537 = vector.broadcast %jit3A_535 : f32 to vector<16xf32>
      %broadcast_in_dim3A_538 = vector.broadcast %jit3A_536 : f32 to vector<16xf32>
      %select_n3A_539 = arith.select %ge3A_534, %broadcast_in_dim3A_537, %broadcast_in_dim3A_538 : vector<16xi1>, vector<16xf32>
      %swap3A_540 = arith.index_cast %multiple_of3A_530 : i32 to index
      %swap3A_541 = tpu.vector_load %arg5[%swap3A_540] {strides = array<i32>} : memref<2048xf32, #tpu.memory_space<vmem>>, vector<16xf32>,
      %swap3A_542 = vector.shape_cast %swap3A_541 : vector<16xf32> to vector<16xf32>
      %swap3A_543 = vector.shape_cast %select_n3A_539 : vector<16xf32> to vector<16xf32>
      tpu.vector_store %arg5[%swap3A_540], %swap3A_543 {strides = array<i32>} : memref<2048xf32, #tpu.memory_space<vmem>>, vector<16xf32>,
      %scan3A_544 = arith.constant 0 : i32
      scf.yield %scan3A_544 : i32
    }
    %scan3A_87 = arith.constant 32 : i32
    %mul3A_88 = arith.constant 2048 : i32
    %mul3A_89 = arith.muli %add3A_27, %mul3A_88 : i32
    %dma_start3A_90 = tpu.memref_slice %arg4[%mul3A_89] : memref<196608xf32, #tpu.memory_space<hbm>> -> memref<2048xf32, #tpu.memory_space<hbm>>
    %dma_start3A_91 = tpu.memref_slice %arg4[%mul3A_89] : memref<196608xf32, #tpu.memory_space<hbm>> -> memref<2048xf32, #tpu.memory_space<hbm>>
    tpu.enqueue_dma source(%arg5 : memref<2048xf32, #tpu.memory_space<vmem>>) target(%dma_start3A_91 : memref<2048xf32, #tpu.memory_space<hbm>>) target_semaphore(%arg15 : memref<!tpu.dma_semaphore, #tpu.memory_space<semaphore_mem>>)
    %dma_wait3A_92 = tpu.memref_slice %arg2[%mul3A_9] : memref<65536xf32, #tpu.memory_space<hbm>> -> memref<1024xf32, #tpu.memory_space<hbm>>
    %dma_wait3A_93 = tpu.memref_slice %arg2[%mul3A_9] : memref<65536xf32, #tpu.memory_space<hbm>> -> memref<1024xf32, #tpu.memory_space<hbm>>
    tpu.wait_dma2 semaphore(%arg13 : memref<!tpu.dma_semaphore, #tpu.memory_space<semaphore_mem>>) src(%dma_wait3A_93 : memref<1024xf32, #tpu.memory_space<hbm>>) dst(%arg8 : memref<1024xf32, #tpu.memory_space<vmem>>)
    %broadcast_in_dim3A_94 = arith.constant 0xFF800000 : f32
    %broadcast_in_dim3A_95 = vector.broadcast %broadcast_in_dim3A_94 : f32 to vector<16xf32>
    %scan3A_96 = arith.constant 0 : i32
    %scan3A_97 = arith.constant 16 : i32
    %scan3A_98 = arith.addi %scan3A_96, %scan3A_97 : i32
    %scan3A_99 = arith.constant 1 : i32
    %scan3A_100 = scf.for %scan3A_465 = %scan3A_96 to %scan3A_98 step %scan3A_99 iter_args(%scan3A_466 = %broadcast_in_dim3A_95) -> (vector<16xf32>)  : i32 {
      %mul3A_467 = arith.constant 4 : i32
      %mul3A_468 = arith.muli %scan3A_465, %mul3A_467 : i32
      %add3A_469 = arith.constant 0 : i32
      %add3A_470 = arith.addi %mul3A_468, %add3A_469 : i32
      %mul3A_471 = arith.constant 16 : i32
      %mul3A_472 = arith.muli %add3A_470, %mul3A_471 : i32
      %multiple_of3A = tpu.assume_multiple %mul3A_472, 16 : i32
      %get3A = arith.index_cast %multiple_of3A : i32 to index
      %get3A_473 = tpu.vector_load %arg8[%get3A] {strides = array<i32>} : memref<1024xf32, #tpu.memory_space<vmem>>, vector<16xf32>,
      %get3A_474 = vector.shape_cast %get3A_473 : vector<16xf32> to vector<16xf32>
      %bitcast_convert_type3A = tpu.bitcast %get3A_474 : vector<16xf32> -> vector<16xi32>
      %ge3A_475 = arith.constant 0 : i32
      %ge3A_476 = vector.broadcast %ge3A_475 : i32 to vector<16xi32>
      %ge3A_477 = arith.cmpi sge, %bitcast_convert_type3A, %ge3A_476 : vector<16xi32>
      %xor3A_478 = arith.constant 2147483647 : i32
      %xor3A_479 = vector.broadcast %xor3A_478 : i32 to vector<16xi32>
      %xor3A_480 = arith.xori %bitcast_convert_type3A, %xor3A_479 : vector<16xi32>
      %select_n3A_481 = arith.select %ge3A_477, %bitcast_convert_type3A, %xor3A_480 : vector<16xi1>, vector<16xi32>
      %swap3A = arith.index_cast %multiple_of3A : i32 to index
      %swap3A_482 = tpu.vector_load %arg10[%swap3A] {strides = array<i32>} : memref<1024xi32, #tpu.memory_space<vmem>>, vector<16xi32>,
      %swap3A_483 = vector.shape_cast %swap3A_482 : vector<16xi32> to vector<16xi32>
      %swap3A_484 = vector.shape_cast %select_n3A_481 : vector<16xi32> to vector<16xi32>
      tpu.vector_store %arg10[%swap3A], %swap3A_484 {strides = array<i32>} : memref<1024xi32, #tpu.memory_space<vmem>>, vector<16xi32>,
      %max3A_485 = arith.maximumf %scan3A_466, %get3A_474 : vector<16xf32>
      %mul3A_486 = arith.constant 4 : i32
      %mul3A_487 = arith.muli %scan3A_465, %mul3A_486 : i32
      %add3A_488 = arith.constant 1 : i32
      %add3A_489 = arith.addi %mul3A_487, %add3A_488 : i32
      %mul3A_490 = arith.constant 16 : i32
      %mul3A_491 = arith.muli %add3A_489, %mul3A_490 : i32
      %multiple_of3A_492 = tpu.assume_multiple %mul3A_491, 16 : i32
      %get3A_493 = arith.index_cast %multiple_of3A_492 : i32 to index
      %get3A_494 = tpu.vector_load %arg8[%get3A_493] {strides = array<i32>} : memref<1024xf32, #tpu.memory_space<vmem>>, vector<16xf32>,
      %get3A_495 = vector.shape_cast %get3A_494 : vector<16xf32> to vector<16xf32>
      %bitcast_convert_type3A_496 = tpu.bitcast %get3A_495 : vector<16xf32> -> vector<16xi32>
      %ge3A_497 = arith.constant 0 : i32
      %ge3A_498 = vector.broadcast %ge3A_497 : i32 to vector<16xi32>
      %ge3A_499 = arith.cmpi sge, %bitcast_convert_type3A_496, %ge3A_498 : vector<16xi32>
      %xor3A_500 = arith.constant 2147483647 : i32
      %xor3A_501 = vector.broadcast %xor3A_500 : i32 to vector<16xi32>
      %xor3A_502 = arith.xori %bitcast_convert_type3A_496, %xor3A_501 : vector<16xi32>
      %select_n3A_503 = arith.select %ge3A_499, %bitcast_convert_type3A_496, %xor3A_502 : vector<16xi1>, vector<16xi32>
      %swap3A_504 = arith.index_cast %multiple_of3A_492 : i32 to index
      %swap3A_505 = tpu.vector_load %arg10[%swap3A_504] {strides = array<i32>} : memref<1024xi32, #tpu.memory_space<vmem>>, vector<16xi32>,
      %swap3A_506 = vector.shape_cast %swap3A_505 : vector<16xi32> to vector<16xi32>
      %swap3A_507 = vector.shape_cast %select_n3A_503 : vector<16xi32> to vector<16xi32>
      tpu.vector_store %arg10[%swap3A_504], %swap3A_507 {strides = array<i32>} : memref<1024xi32, #tpu.memory_space<vmem>>, vector<16xi32>,
      %max3A_508 = arith.maximumf %max3A_485, %get3A_495 : vector<16xf32>
      %mul3A_509 = arith.constant 4 : i32
      %mul3A_510 = arith.muli %scan3A_465, %mul3A_509 : i32
      %add3A_511 = arith.constant 2 : i32
      %add3A_512 = arith.addi %mul3A_510, %add3A_511 : i32
      %mul3A_513 = arith.constant 16 : i32
      %mul3A_514 = arith.muli %add3A_512, %mul3A_513 : i32
      %multiple_of3A_515 = tpu.assume_multiple %mul3A_514, 16 : i32
      %get3A_516 = arith.index_cast %multiple_of3A_515 : i32 to index
      %get3A_517 = tpu.vector_load %arg8[%get3A_516] {strides = array<i32>} : memref<1024xf32, #tpu.memory_space<vmem>>, vector<16xf32>,
      %get3A_518 = vector.shape_cast %get3A_517 : vector<16xf32> to vector<16xf32>
      %bitcast_convert_type3A_519 = tpu.bitcast %get3A_518 : vector<16xf32> -> vector<16xi32>
      %ge3A_520 = arith.constant 0 : i32
      %ge3A_521 = vector.broadcast %ge3A_520 : i32 to vector<16xi32>
      %ge3A_522 = arith.cmpi sge, %bitcast_convert_type3A_519, %ge3A_521 : vector<16xi32>
      %xor3A_523 = arith.constant 2147483647 : i32
      %xor3A_524 = vector.broadcast %xor3A_523 : i32 to vector<16xi32>
      %xor3A_525 = arith.xori %bitcast_convert_type3A_519, %xor3A_524 : vector<16xi32>
      %select_n3A_526 = arith.select %ge3A_522, %bitcast_convert_type3A_519, %xor3A_525 : vector<16xi1>, vector<16xi32>
      %swap3A_527 = arith.index_cast %multiple_of3A_515 : i32 to index
      %swap3A_528 = tpu.vector_load %arg10[%swap3A_527] {strides = array<i32>} : memref<1024xi32, #tpu.memory_space<vmem>>, vector<16xi32>,
      %swap3A_529 = vector.shape_cast %swap3A_528 : vector<16xi32> to vector<16xi32>
      %swap3A_530 = vector.shape_cast %select_n3A_526 : vector<16xi32> to vector<16xi32>
      tpu.vector_store %arg10[%swap3A_527], %swap3A_530 {strides = array<i32>} : memref<1024xi32, #tpu.memory_space<vmem>>, vector<16xi32>,
      %max3A_531 = arith.maximumf %max3A_508, %get3A_518 : vector<16xf32>
      %mul3A_532 = arith.constant 4 : i32
      %mul3A_533 = arith.muli %scan3A_465, %mul3A_532 : i32
      %add3A_534 = arith.constant 3 : i32
      %add3A_535 = arith.addi %mul3A_533, %add3A_534 : i32
      %mul3A_536 = arith.constant 16 : i32
      %mul3A_537 = arith.muli %add3A_535, %mul3A_536 : i32
      %multiple_of3A_538 = tpu.assume_multiple %mul3A_537, 16 : i32
      %get3A_539 = arith.index_cast %multiple_of3A_538 : i32 to index
      %get3A_540 = tpu.vector_load %arg8[%get3A_539] {strides = array<i32>} : memref<1024xf32, #tpu.memory_space<vmem>>, vector<16xf32>,
      %get3A_541 = vector.shape_cast %get3A_540 : vector<16xf32> to vector<16xf32>
      %bitcast_convert_type3A_542 = tpu.bitcast %get3A_541 : vector<16xf32> -> vector<16xi32>
      %ge3A_543 = arith.constant 0 : i32
      %ge3A_544 = vector.broadcast %ge3A_543 : i32 to vector<16xi32>
      %ge3A_545 = arith.cmpi sge, %bitcast_convert_type3A_542, %ge3A_544 : vector<16xi32>
      %xor3A_546 = arith.constant 2147483647 : i32
      %xor3A_547 = vector.broadcast %xor3A_546 : i32 to vector<16xi32>
      %xor3A_548 = arith.xori %bitcast_convert_type3A_542, %xor3A_547 : vector<16xi32>
      %select_n3A_549 = arith.select %ge3A_545, %bitcast_convert_type3A_542, %xor3A_548 : vector<16xi1>, vector<16xi32>
      %swap3A_550 = arith.index_cast %multiple_of3A_538 : i32 to index
      %swap3A_551 = tpu.vector_load %arg10[%swap3A_550] {strides = array<i32>} : memref<1024xi32, #tpu.memory_space<vmem>>, vector<16xi32>,
      %swap3A_552 = vector.shape_cast %swap3A_551 : vector<16xi32> to vector<16xi32>
      %swap3A_553 = vector.shape_cast %select_n3A_549 : vector<16xi32> to vector<16xi32>
      tpu.vector_store %arg10[%swap3A_550], %swap3A_553 {strides = array<i32>} : memref<1024xi32, #tpu.memory_space<vmem>>, vector<16xi32>,
      %max3A_554 = arith.maximumf %max3A_531, %get3A_541 : vector<16xf32>
      scf.yield %max3A_554 : vector<16xf32>
    }
    %scan3A_101 = arith.constant 16 : i32
    %iota3A_102 = tpu.iota {dimensions = array<i32: 0>} : vector<16xi32>
    %xor3A_103 = arith.constant 8 : i32
    %xor3A_104 = vector.broadcast %xor3A_103 : i32 to vector<16xi32>
    %xor3A_105 = arith.xori %iota3A_102, %xor3A_104 : vector<16xi32>
    %broadcast_in_dim3A_106 = vector.shape_cast %xor3A_105 : vector<16xi32> to vector<16x1xi32>
    %gather3A_107 = vector.shape_cast %broadcast_in_dim3A_106 : vector<16x1xi32> to vector<16xi32>
    %gather3A_108 = tpu.dynamic_gather %scan3A_100[%gather3A_107] in [0] : vector<16xf32>, vector<16xi32> -> vector<16xf32>
    %max3A = arith.maximumf %scan3A_100, %gather3A_108 : vector<16xf32>
    %xor3A_109 = arith.constant 4 : i32
    %xor3A_110 = vector.broadcast %xor3A_109 : i32 to vector<16xi32>
    %xor3A_111 = arith.xori %iota3A_102, %xor3A_110 : vector<16xi32>
    %broadcast_in_dim3A_112 = vector.shape_cast %xor3A_111 : vector<16xi32> to vector<16x1xi32>
    %gather3A_113 = vector.shape_cast %broadcast_in_dim3A_112 : vector<16x1xi32> to vector<16xi32>
    %gather3A_114 = tpu.dynamic_gather %max3A[%gather3A_113] in [0] : vector<16xf32>, vector<16xi32> -> vector<16xf32>
    %max3A_115 = arith.maximumf %max3A, %gather3A_114 : vector<16xf32>
    %xor3A_116 = arith.constant 2 : i32
    %xor3A_117 = vector.broadcast %xor3A_116 : i32 to vector<16xi32>
    %xor3A_118 = arith.xori %iota3A_102, %xor3A_117 : vector<16xi32>
    %broadcast_in_dim3A_119 = vector.shape_cast %xor3A_118 : vector<16xi32> to vector<16x1xi32>
    %gather3A_120 = vector.shape_cast %broadcast_in_dim3A_119 : vector<16x1xi32> to vector<16xi32>
    %gather3A_121 = tpu.dynamic_gather %max3A_115[%gather3A_120] in [0] : vector<16xf32>, vector<16xi32> -> vector<16xf32>
    %max3A_122 = arith.maximumf %max3A_115, %gather3A_121 : vector<16xf32>
    %xor3A_123 = arith.constant 1 : i32
    %xor3A_124 = vector.broadcast %xor3A_123 : i32 to vector<16xi32>
    %xor3A_125 = arith.xori %iota3A_102, %xor3A_124 : vector<16xi32>
    %broadcast_in_dim3A_126 = vector.shape_cast %xor3A_125 : vector<16xi32> to vector<16x1xi32>
    %gather3A_127 = vector.shape_cast %broadcast_in_dim3A_126 : vector<16x1xi32> to vector<16xi32>
    %gather3A_128 = tpu.dynamic_gather %max3A_122[%gather3A_127] in [0] : vector<16xf32>, vector<16xi32> -> vector<16xf32>
    %max3A_129 = arith.maximumf %max3A_122, %gather3A_128 : vector<16xf32>
    %broadcast_in_dim3A_130 = arith.constant 0 : i32
    %broadcast_in_dim3A_131 = vector.broadcast %broadcast_in_dim3A_130 : i32 to vector<16xi32>
    %broadcast_in_dim3A_132 = arith.constant 0 : i32
    %broadcast_in_dim3A_133 = vector.broadcast %broadcast_in_dim3A_132 : i32 to vector<16xi32>
    %scan3A_134 = arith.constant 0 : i32
    %scan3A_135 = arith.constant 4 : i32
    %scan3A_136 = arith.addi %scan3A_134, %scan3A_135 : i32
    %scan3A_137 = arith.constant 1 : i32
    %scan3A_138 = scf.for %scan3A_465 = %scan3A_134 to %scan3A_136 step %scan3A_137 iter_args(%scan3A_466 = %broadcast_in_dim3A_133) -> (vector<16xi32>)  : i32 {
      %mul3A_467 = arith.constant 16 : i32
      %mul3A_468 = arith.muli %scan3A_465, %mul3A_467 : i32
      %add3A_469 = arith.constant 0 : i32
      %add3A_470 = arith.addi %mul3A_468, %add3A_469 : i32
      %mul3A_471 = arith.constant 16 : i32
      %mul3A_472 = arith.muli %add3A_470, %mul3A_471 : i32
      %multiple_of3A = tpu.assume_multiple %mul3A_472, 16 : i32
      %get3A = arith.index_cast %multiple_of3A : i32 to index
      %get3A_473 = tpu.vector_load %arg10[%get3A] {strides = array<i32>} : memref<1024xi32, #tpu.memory_space<vmem>>, vector<16xi32>,
      %get3A_474 = vector.shape_cast %get3A_473 : vector<16xi32> to vector<16xi32>
      %ge3A_475 = arith.cmpi sge, %get3A_474, %broadcast_in_dim3A_131 : vector<16xi32>
      %jit3A_476 = arith.constant 1 : i32
      %jit3A_477 = arith.constant 0 : i32
      %broadcast_in_dim3A_478 = vector.broadcast %jit3A_476 : i32 to vector<16xi32>
      %broadcast_in_dim3A_479 = vector.broadcast %jit3A_477 : i32 to vector<16xi32>
      %select_n3A_480 = arith.select %ge3A_475, %broadcast_in_dim3A_478, %broadcast_in_dim3A_479 : vector<16xi1>, vector<16xi32>
      %add3A_481 = arith.addi %scan3A_466, %select_n3A_480 : vector<16xi32>
      %mul3A_482 = arith.constant 16 : i32
      %mul3A_483 = arith.muli %scan3A_465, %mul3A_482 : i32
      %add3A_484 = arith.constant 1 : i32
      %add3A_485 = arith.addi %mul3A_483, %add3A_484 : i32
      %mul3A_486 = arith.constant 16 : i32
      %mul3A_487 = arith.muli %add3A_485, %mul3A_486 : i32
      %multiple_of3A_488 = tpu.assume_multiple %mul3A_487, 16 : i32
      %get3A_489 = arith.index_cast %multiple_of3A_488 : i32 to index
      %get3A_490 = tpu.vector_load %arg10[%get3A_489] {strides = array<i32>} : memref<1024xi32, #tpu.memory_space<vmem>>, vector<16xi32>,
      %get3A_491 = vector.shape_cast %get3A_490 : vector<16xi32> to vector<16xi32>
      %ge3A_492 = arith.cmpi sge, %get3A_491, %broadcast_in_dim3A_131 : vector<16xi32>
      %jit3A_493 = arith.constant 1 : i32
      %jit3A_494 = arith.constant 0 : i32
      %broadcast_in_dim3A_495 = vector.broadcast %jit3A_493 : i32 to vector<16xi32>
      %broadcast_in_dim3A_496 = vector.broadcast %jit3A_494 : i32 to vector<16xi32>
      %select_n3A_497 = arith.select %ge3A_492, %broadcast_in_dim3A_495, %broadcast_in_dim3A_496 : vector<16xi1>, vector<16xi32>
      %add3A_498 = arith.addi %add3A_481, %select_n3A_497 : vector<16xi32>
      %mul3A_499 = arith.constant 16 : i32
      %mul3A_500 = arith.muli %scan3A_465, %mul3A_499 : i32
      %add3A_501 = arith.constant 2 : i32
      %add3A_502 = arith.addi %mul3A_500, %add3A_501 : i32
      %mul3A_503 = arith.constant 16 : i32
      %mul3A_504 = arith.muli %add3A_502, %mul3A_503 : i32
      %multiple_of3A_505 = tpu.assume_multiple %mul3A_504, 16 : i32
      %get3A_506 = arith.index_cast %multiple_of3A_505 : i32 to index
      %get3A_507 = tpu.vector_load %arg10[%get3A_506] {strides = array<i32>} : memref<1024xi32, #tpu.memory_space<vmem>>, vector<16xi32>,
      %get3A_508 = vector.shape_cast %get3A_507 : vector<16xi32> to vector<16xi32>
      %ge3A_509 = arith.cmpi sge, %get3A_508, %broadcast_in_dim3A_131 : vector<16xi32>
      %jit3A_510 = arith.constant 1 : i32
      %jit3A_511 = arith.constant 0 : i32
      %broadcast_in_dim3A_512 = vector.broadcast %jit3A_510 : i32 to vector<16xi32>
      %broadcast_in_dim3A_513 = vector.broadcast %jit3A_511 : i32 to vector<16xi32>
      %select_n3A_514 = arith.select %ge3A_509, %broadcast_in_dim3A_512, %broadcast_in_dim3A_513 : vector<16xi1>, vector<16xi32>
      %add3A_515 = arith.addi %add3A_498, %select_n3A_514 : vector<16xi32>
      %mul3A_516 = arith.constant 16 : i32
      %mul3A_517 = arith.muli %scan3A_465, %mul3A_516 : i32
      %add3A_518 = arith.constant 3 : i32
      %add3A_519 = arith.addi %mul3A_517, %add3A_518 : i32
      %mul3A_520 = arith.constant 16 : i32
      %mul3A_521 = arith.muli %add3A_519, %mul3A_520 : i32
      %multiple_of3A_522 = tpu.assume_multiple %mul3A_521, 16 : i32
      %get3A_523 = arith.index_cast %multiple_of3A_522 : i32 to index
      %get3A_524 = tpu.vector_load %arg10[%get3A_523] {strides = array<i32>} : memref<1024xi32, #tpu.memory_space<vmem>>, vector<16xi32>,
      %get3A_525 = vector.shape_cast %get3A_524 : vector<16xi32> to vector<16xi32>
      %ge3A_526 = arith.cmpi sge, %get3A_525, %broadcast_in_dim3A_131 : vector<16xi32>
      %jit3A_527 = arith.constant 1 : i32
      %jit3A_528 = arith.constant 0 : i32
      %broadcast_in_dim3A_529 = vector.broadcast %jit3A_527 : i32 to vector<16xi32>
      %broadcast_in_dim3A_530 = vector.broadcast %jit3A_528 : i32 to vector<16xi32>
      %select_n3A_531 = arith.select %ge3A_526, %broadcast_in_dim3A_529, %broadcast_in_dim3A_530 : vector<16xi1>, vector<16xi32>
      %add3A_532 = arith.addi %add3A_515, %select_n3A_531 : vector<16xi32>
      %mul3A_533 = arith.constant 16 : i32
      %mul3A_534 = arith.muli %scan3A_465, %mul3A_533 : i32
      %add3A_535 = arith.constant 4 : i32
      %add3A_536 = arith.addi %mul3A_534, %add3A_535 : i32
      %mul3A_537 = arith.constant 16 : i32
      %mul3A_538 = arith.muli %add3A_536, %mul3A_537 : i32
      %multiple_of3A_539 = tpu.assume_multiple %mul3A_538, 16 : i32
      %get3A_540 = arith.index_cast %multiple_of3A_539 : i32 to index
      %get3A_541 = tpu.vector_load %arg10[%get3A_540] {strides = array<i32>} : memref<1024xi32, #tpu.memory_space<vmem>>, vector<16xi32>,
      %get3A_542 = vector.shape_cast %get3A_541 : vector<16xi32> to vector<16xi32>
      %ge3A_543 = arith.cmpi sge, %get3A_542, %broadcast_in_dim3A_131 : vector<16xi32>
      %jit3A_544 = arith.constant 1 : i32
      %jit3A_545 = arith.constant 0 : i32
      %broadcast_in_dim3A_546 = vector.broadcast %jit3A_544 : i32 to vector<16xi32>
      %broadcast_in_dim3A_547 = vector.broadcast %jit3A_545 : i32 to vector<16xi32>
      %select_n3A_548 = arith.select %ge3A_543, %broadcast_in_dim3A_546, %broadcast_in_dim3A_547 : vector<16xi1>, vector<16xi32>
      %add3A_549 = arith.addi %add3A_532, %select_n3A_548 : vector<16xi32>
      %mul3A_550 = arith.constant 16 : i32
      %mul3A_551 = arith.muli %scan3A_465, %mul3A_550 : i32
      %add3A_552 = arith.constant 5 : i32
      %add3A_553 = arith.addi %mul3A_551, %add3A_552 : i32
      %mul3A_554 = arith.constant 16 : i32
      %mul3A_555 = arith.muli %add3A_553, %mul3A_554 : i32
      %multiple_of3A_556 = tpu.assume_multiple %mul3A_555, 16 : i32
      %get3A_557 = arith.index_cast %multiple_of3A_556 : i32 to index
      %get3A_558 = tpu.vector_load %arg10[%get3A_557] {strides = array<i32>} : memref<1024xi32, #tpu.memory_space<vmem>>, vector<16xi32>,
      %get3A_559 = vector.shape_cast %get3A_558 : vector<16xi32> to vector<16xi32>
      %ge3A_560 = arith.cmpi sge, %get3A_559, %broadcast_in_dim3A_131 : vector<16xi32>
      %jit3A_561 = arith.constant 1 : i32
      %jit3A_562 = arith.constant 0 : i32
      %broadcast_in_dim3A_563 = vector.broadcast %jit3A_561 : i32 to vector<16xi32>
      %broadcast_in_dim3A_564 = vector.broadcast %jit3A_562 : i32 to vector<16xi32>
      %select_n3A_565 = arith.select %ge3A_560, %broadcast_in_dim3A_563, %broadcast_in_dim3A_564 : vector<16xi1>, vector<16xi32>
      %add3A_566 = arith.addi %add3A_549, %select_n3A_565 : vector<16xi32>
      %mul3A_567 = arith.constant 16 : i32
      %mul3A_568 = arith.muli %scan3A_465, %mul3A_567 : i32
      %add3A_569 = arith.constant 6 : i32
      %add3A_570 = arith.addi %mul3A_568, %add3A_569 : i32
      %mul3A_571 = arith.constant 16 : i32
      %mul3A_572 = arith.muli %add3A_570, %mul3A_571 : i32
      %multiple_of3A_573 = tpu.assume_multiple %mul3A_572, 16 : i32
      %get3A_574 = arith.index_cast %multiple_of3A_573 : i32 to index
      %get3A_575 = tpu.vector_load %arg10[%get3A_574] {strides = array<i32>} : memref<1024xi32, #tpu.memory_space<vmem>>, vector<16xi32>,
      %get3A_576 = vector.shape_cast %get3A_575 : vector<16xi32> to vector<16xi32>
      %ge3A_577 = arith.cmpi sge, %get3A_576, %broadcast_in_dim3A_131 : vector<16xi32>
      %jit3A_578 = arith.constant 1 : i32
      %jit3A_579 = arith.constant 0 : i32
      %broadcast_in_dim3A_580 = vector.broadcast %jit3A_578 : i32 to vector<16xi32>
      %broadcast_in_dim3A_581 = vector.broadcast %jit3A_579 : i32 to vector<16xi32>
      %select_n3A_582 = arith.select %ge3A_577, %broadcast_in_dim3A_580, %broadcast_in_dim3A_581 : vector<16xi1>, vector<16xi32>
      %add3A_583 = arith.addi %add3A_566, %select_n3A_582 : vector<16xi32>
      %mul3A_584 = arith.constant 16 : i32
      %mul3A_585 = arith.muli %scan3A_465, %mul3A_584 : i32
      %add3A_586 = arith.constant 7 : i32
      %add3A_587 = arith.addi %mul3A_585, %add3A_586 : i32
      %mul3A_588 = arith.constant 16 : i32
      %mul3A_589 = arith.muli %add3A_587, %mul3A_588 : i32
      %multiple_of3A_590 = tpu.assume_multiple %mul3A_589, 16 : i32
      %get3A_591 = arith.index_cast %multiple_of3A_590 : i32 to index
      %get3A_592 = tpu.vector_load %arg10[%get3A_591] {strides = array<i32>} : memref<1024xi32, #tpu.memory_space<vmem>>, vector<16xi32>,
      %get3A_593 = vector.shape_cast %get3A_592 : vector<16xi32> to vector<16xi32>
      %ge3A_594 = arith.cmpi sge, %get3A_593, %broadcast_in_dim3A_131 : vector<16xi32>
      %jit3A_595 = arith.constant 1 : i32
      %jit3A_596 = arith.constant 0 : i32
      %broadcast_in_dim3A_597 = vector.broadcast %jit3A_595 : i32 to vector<16xi32>
      %broadcast_in_dim3A_598 = vector.broadcast %jit3A_596 : i32 to vector<16xi32>
      %select_n3A_599 = arith.select %ge3A_594, %broadcast_in_dim3A_597, %broadcast_in_dim3A_598 : vector<16xi1>, vector<16xi32>
      %add3A_600 = arith.addi %add3A_583, %select_n3A_599 : vector<16xi32>
      %mul3A_601 = arith.constant 16 : i32
      %mul3A_602 = arith.muli %scan3A_465, %mul3A_601 : i32
      %add3A_603 = arith.constant 8 : i32
      %add3A_604 = arith.addi %mul3A_602, %add3A_603 : i32
      %mul3A_605 = arith.constant 16 : i32
      %mul3A_606 = arith.muli %add3A_604, %mul3A_605 : i32
      %multiple_of3A_607 = tpu.assume_multiple %mul3A_606, 16 : i32
      %get3A_608 = arith.index_cast %multiple_of3A_607 : i32 to index
      %get3A_609 = tpu.vector_load %arg10[%get3A_608] {strides = array<i32>} : memref<1024xi32, #tpu.memory_space<vmem>>, vector<16xi32>,
      %get3A_610 = vector.shape_cast %get3A_609 : vector<16xi32> to vector<16xi32>
      %ge3A_611 = arith.cmpi sge, %get3A_610, %broadcast_in_dim3A_131 : vector<16xi32>
      %jit3A_612 = arith.constant 1 : i32
      %jit3A_613 = arith.constant 0 : i32
      %broadcast_in_dim3A_614 = vector.broadcast %jit3A_612 : i32 to vector<16xi32>
      %broadcast_in_dim3A_615 = vector.broadcast %jit3A_613 : i32 to vector<16xi32>
      %select_n3A_616 = arith.select %ge3A_611, %broadcast_in_dim3A_614, %broadcast_in_dim3A_615 : vector<16xi1>, vector<16xi32>
      %add3A_617 = arith.addi %add3A_600, %select_n3A_616 : vector<16xi32>
      %mul3A_618 = arith.constant 16 : i32
      %mul3A_619 = arith.muli %scan3A_465, %mul3A_618 : i32
      %add3A_620 = arith.constant 9 : i32
      %add3A_621 = arith.addi %mul3A_619, %add3A_620 : i32
      %mul3A_622 = arith.constant 16 : i32
      %mul3A_623 = arith.muli %add3A_621, %mul3A_622 : i32
      %multiple_of3A_624 = tpu.assume_multiple %mul3A_623, 16 : i32
      %get3A_625 = arith.index_cast %multiple_of3A_624 : i32 to index
      %get3A_626 = tpu.vector_load %arg10[%get3A_625] {strides = array<i32>} : memref<1024xi32, #tpu.memory_space<vmem>>, vector<16xi32>,
      %get3A_627 = vector.shape_cast %get3A_626 : vector<16xi32> to vector<16xi32>
      %ge3A_628 = arith.cmpi sge, %get3A_627, %broadcast_in_dim3A_131 : vector<16xi32>
      %jit3A_629 = arith.constant 1 : i32
      %jit3A_630 = arith.constant 0 : i32
      %broadcast_in_dim3A_631 = vector.broadcast %jit3A_629 : i32 to vector<16xi32>
      %broadcast_in_dim3A_632 = vector.broadcast %jit3A_630 : i32 to vector<16xi32>
      %select_n3A_633 = arith.select %ge3A_628, %broadcast_in_dim3A_631, %broadcast_in_dim3A_632 : vector<16xi1>, vector<16xi32>
      %add3A_634 = arith.addi %add3A_617, %select_n3A_633 : vector<16xi32>
      %mul3A_635 = arith.constant 16 : i32
      %mul3A_636 = arith.muli %scan3A_465, %mul3A_635 : i32
      %add3A_637 = arith.constant 10 : i32
      %add3A_638 = arith.addi %mul3A_636, %add3A_637 : i32
      %mul3A_639 = arith.constant 16 : i32
      %mul3A_640 = arith.muli %add3A_638, %mul3A_639 : i32
      %multiple_of3A_641 = tpu.assume_multiple %mul3A_640, 16 : i32
      %get3A_642 = arith.index_cast %multiple_of3A_641 : i32 to index
      %get3A_643 = tpu.vector_load %arg10[%get3A_642] {strides = array<i32>} : memref<1024xi32, #tpu.memory_space<vmem>>, vector<16xi32>,
      %get3A_644 = vector.shape_cast %get3A_643 : vector<16xi32> to vector<16xi32>
      %ge3A_645 = arith.cmpi sge, %get3A_644, %broadcast_in_dim3A_131 : vector<16xi32>
      %jit3A_646 = arith.constant 1 : i32
      %jit3A_647 = arith.constant 0 : i32
      %broadcast_in_dim3A_648 = vector.broadcast %jit3A_646 : i32 to vector<16xi32>
      %broadcast_in_dim3A_649 = vector.broadcast %jit3A_647 : i32 to vector<16xi32>
      %select_n3A_650 = arith.select %ge3A_645, %broadcast_in_dim3A_648, %broadcast_in_dim3A_649 : vector<16xi1>, vector<16xi32>
      %add3A_651 = arith.addi %add3A_634, %select_n3A_650 : vector<16xi32>
      %mul3A_652 = arith.constant 16 : i32
      %mul3A_653 = arith.muli %scan3A_465, %mul3A_652 : i32
      %add3A_654 = arith.constant 11 : i32
      %add3A_655 = arith.addi %mul3A_653, %add3A_654 : i32
      %mul3A_656 = arith.constant 16 : i32
      %mul3A_657 = arith.muli %add3A_655, %mul3A_656 : i32
      %multiple_of3A_658 = tpu.assume_multiple %mul3A_657, 16 : i32
      %get3A_659 = arith.index_cast %multiple_of3A_658 : i32 to index
      %get3A_660 = tpu.vector_load %arg10[%get3A_659] {strides = array<i32>} : memref<1024xi32, #tpu.memory_space<vmem>>, vector<16xi32>,
      %get3A_661 = vector.shape_cast %get3A_660 : vector<16xi32> to vector<16xi32>
      %ge3A_662 = arith.cmpi sge, %get3A_661, %broadcast_in_dim3A_131 : vector<16xi32>
      %jit3A_663 = arith.constant 1 : i32
      %jit3A_664 = arith.constant 0 : i32
      %broadcast_in_dim3A_665 = vector.broadcast %jit3A_663 : i32 to vector<16xi32>
      %broadcast_in_dim3A_666 = vector.broadcast %jit3A_664 : i32 to vector<16xi32>
      %select_n3A_667 = arith.select %ge3A_662, %broadcast_in_dim3A_665, %broadcast_in_dim3A_666 : vector<16xi1>, vector<16xi32>
      %add3A_668 = arith.addi %add3A_651, %select_n3A_667 : vector<16xi32>
      %mul3A_669 = arith.constant 16 : i32
      %mul3A_670 = arith.muli %scan3A_465, %mul3A_669 : i32
      %add3A_671 = arith.constant 12 : i32
      %add3A_672 = arith.addi %mul3A_670, %add3A_671 : i32
      %mul3A_673 = arith.constant 16 : i32
      %mul3A_674 = arith.muli %add3A_672, %mul3A_673 : i32
      %multiple_of3A_675 = tpu.assume_multiple %mul3A_674, 16 : i32
      %get3A_676 = arith.index_cast %multiple_of3A_675 : i32 to index
      %get3A_677 = tpu.vector_load %arg10[%get3A_676] {strides = array<i32>} : memref<1024xi32, #tpu.memory_space<vmem>>, vector<16xi32>,
      %get3A_678 = vector.shape_cast %get3A_677 : vector<16xi32> to vector<16xi32>
      %ge3A_679 = arith.cmpi sge, %get3A_678, %broadcast_in_dim3A_131 : vector<16xi32>
      %jit3A_680 = arith.constant 1 : i32
      %jit3A_681 = arith.constant 0 : i32
      %broadcast_in_dim3A_682 = vector.broadcast %jit3A_680 : i32 to vector<16xi32>
      %broadcast_in_dim3A_683 = vector.broadcast %jit3A_681 : i32 to vector<16xi32>
      %select_n3A_684 = arith.select %ge3A_679, %broadcast_in_dim3A_682, %broadcast_in_dim3A_683 : vector<16xi1>, vector<16xi32>
      %add3A_685 = arith.addi %add3A_668, %select_n3A_684 : vector<16xi32>
      %mul3A_686 = arith.constant 16 : i32
      %mul3A_687 = arith.muli %scan3A_465, %mul3A_686 : i32
      %add3A_688 = arith.constant 13 : i32
      %add3A_689 = arith.addi %mul3A_687, %add3A_688 : i32
      %mul3A_690 = arith.constant 16 : i32
      %mul3A_691 = arith.muli %add3A_689, %mul3A_690 : i32
      %multiple_of3A_692 = tpu.assume_multiple %mul3A_691, 16 : i32
      %get3A_693 = arith.index_cast %multiple_of3A_692 : i32 to index
      %get3A_694 = tpu.vector_load %arg10[%get3A_693] {strides = array<i32>} : memref<1024xi32, #tpu.memory_space<vmem>>, vector<16xi32>,
      %get3A_695 = vector.shape_cast %get3A_694 : vector<16xi32> to vector<16xi32>
      %ge3A_696 = arith.cmpi sge, %get3A_695, %broadcast_in_dim3A_131 : vector<16xi32>
      %jit3A_697 = arith.constant 1 : i32
      %jit3A_698 = arith.constant 0 : i32
      %broadcast_in_dim3A_699 = vector.broadcast %jit3A_697 : i32 to vector<16xi32>
      %broadcast_in_dim3A_700 = vector.broadcast %jit3A_698 : i32 to vector<16xi32>
      %select_n3A_701 = arith.select %ge3A_696, %broadcast_in_dim3A_699, %broadcast_in_dim3A_700 : vector<16xi1>, vector<16xi32>
      %add3A_702 = arith.addi %add3A_685, %select_n3A_701 : vector<16xi32>
      %mul3A_703 = arith.constant 16 : i32
      %mul3A_704 = arith.muli %scan3A_465, %mul3A_703 : i32
      %add3A_705 = arith.constant 14 : i32
      %add3A_706 = arith.addi %mul3A_704, %add3A_705 : i32
      %mul3A_707 = arith.constant 16 : i32
      %mul3A_708 = arith.muli %add3A_706, %mul3A_707 : i32
      %multiple_of3A_709 = tpu.assume_multiple %mul3A_708, 16 : i32
      %get3A_710 = arith.index_cast %multiple_of3A_709 : i32 to index
      %get3A_711 = tpu.vector_load %arg10[%get3A_710] {strides = array<i32>} : memref<1024xi32, #tpu.memory_space<vmem>>, vector<16xi32>,
      %get3A_712 = vector.shape_cast %get3A_711 : vector<16xi32> to vector<16xi32>
      %ge3A_713 = arith.cmpi sge, %get3A_712, %broadcast_in_dim3A_131 : vector<16xi32>
      %jit3A_714 = arith.constant 1 : i32
      %jit3A_715 = arith.constant 0 : i32
      %broadcast_in_dim3A_716 = vector.broadcast %jit3A_714 : i32 to vector<16xi32>
      %broadcast_in_dim3A_717 = vector.broadcast %jit3A_715 : i32 to vector<16xi32>
      %select_n3A_718 = arith.select %ge3A_713, %broadcast_in_dim3A_716, %broadcast_in_dim3A_717 : vector<16xi1>, vector<16xi32>
      %add3A_719 = arith.addi %add3A_702, %select_n3A_718 : vector<16xi32>
      %mul3A_720 = arith.constant 16 : i32
      %mul3A_721 = arith.muli %scan3A_465, %mul3A_720 : i32
      %add3A_722 = arith.constant 15 : i32
      %add3A_723 = arith.addi %mul3A_721, %add3A_722 : i32
      %mul3A_724 = arith.constant 16 : i32
      %mul3A_725 = arith.muli %add3A_723, %mul3A_724 : i32
      %multiple_of3A_726 = tpu.assume_multiple %mul3A_725, 16 : i32
      %get3A_727 = arith.index_cast %multiple_of3A_726 : i32 to index
      %get3A_728 = tpu.vector_load %arg10[%get3A_727] {strides = array<i32>} : memref<1024xi32, #tpu.memory_space<vmem>>, vector<16xi32>,
      %get3A_729 = vector.shape_cast %get3A_728 : vector<16xi32> to vector<16xi32>
      %ge3A_730 = arith.cmpi sge, %get3A_729, %broadcast_in_dim3A_131 : vector<16xi32>
      %jit3A_731 = arith.constant 1 : i32
      %jit3A_732 = arith.constant 0 : i32
      %broadcast_in_dim3A_733 = vector.broadcast %jit3A_731 : i32 to vector<16xi32>
      %broadcast_in_dim3A_734 = vector.broadcast %jit3A_732 : i32 to vector<16xi32>
      %select_n3A_735 = arith.select %ge3A_730, %broadcast_in_dim3A_733, %broadcast_in_dim3A_734 : vector<16xi1>, vector<16xi32>
      %add3A_736 = arith.addi %add3A_719, %select_n3A_735 : vector<16xi32>
      scf.yield %add3A_736 : vector<16xi32>
    }
    %scan3A_139 = arith.constant 4 : i32
    %iota3A_140 = tpu.iota {dimensions = array<i32: 0>} : vector<16xi32>
    %xor3A_141 = arith.constant 8 : i32
    %xor3A_142 = vector.broadcast %xor3A_141 : i32 to vector<16xi32>
    %xor3A_143 = arith.xori %iota3A_140, %xor3A_142 : vector<16xi32>
    %broadcast_in_dim3A_144 = vector.shape_cast %xor3A_143 : vector<16xi32> to vector<16x1xi32>
    %gather3A_145 = vector.shape_cast %broadcast_in_dim3A_144 : vector<16x1xi32> to vector<16xi32>
    %gather3A_146 = tpu.dynamic_gather %scan3A_138[%gather3A_145] in [0] : vector<16xi32>, vector<16xi32> -> vector<16xi32>
    %add3A_147 = arith.addi %scan3A_138, %gather3A_146 : vector<16xi32>
    %xor3A_148 = arith.constant 4 : i32
    %xor3A_149 = vector.broadcast %xor3A_148 : i32 to vector<16xi32>
    %xor3A_150 = arith.xori %iota3A_140, %xor3A_149 : vector<16xi32>
    %broadcast_in_dim3A_151 = vector.shape_cast %xor3A_150 : vector<16xi32> to vector<16x1xi32>
    %gather3A_152 = vector.shape_cast %broadcast_in_dim3A_151 : vector<16x1xi32> to vector<16xi32>
    %gather3A_153 = tpu.dynamic_gather %add3A_147[%gather3A_152] in [0] : vector<16xi32>, vector<16xi32> -> vector<16xi32>
    %add3A_154 = arith.addi %add3A_147, %gather3A_153 : vector<16xi32>
    %xor3A_155 = arith.constant 2 : i32
    %xor3A_156 = vector.broadcast %xor3A_155 : i32 to vector<16xi32>
    %xor3A_157 = arith.xori %iota3A_140, %xor3A_156 : vector<16xi32>
    %broadcast_in_dim3A_158 = vector.shape_cast %xor3A_157 : vector<16xi32> to vector<16x1xi32>
    %gather3A_159 = vector.shape_cast %broadcast_in_dim3A_158 : vector<16x1xi32> to vector<16xi32>
    %gather3A_160 = tpu.dynamic_gather %add3A_154[%gather3A_159] in [0] : vector<16xi32>, vector<16xi32> -> vector<16xi32>
    %add3A_161 = arith.addi %add3A_154, %gather3A_160 : vector<16xi32>
    %xor3A_162 = arith.constant 1 : i32
    %xor3A_163 = vector.broadcast %xor3A_162 : i32 to vector<16xi32>
    %xor3A_164 = arith.xori %iota3A_140, %xor3A_163 : vector<16xi32>
    %broadcast_in_dim3A_165 = vector.shape_cast %xor3A_164 : vector<16xi32> to vector<16x1xi32>
    %gather3A_166 = vector.shape_cast %broadcast_in_dim3A_165 : vector<16x1xi32> to vector<16xi32>
    %gather3A_167 = tpu.dynamic_gather %add3A_161[%gather3A_166] in [0] : vector<16xi32>, vector<16xi32> -> vector<16xi32>
    %add3A_168 = arith.addi %add3A_161, %gather3A_167 : vector<16xi32>
    %ge3A_169 = arith.constant 32 : i32
    %ge3A_170 = vector.broadcast %ge3A_169 : i32 to vector<16xi32>
    %ge3A_171 = arith.cmpi sge, %add3A_168, %ge3A_170 : vector<16xi32>
    %jit3A_172 = arith.constant 0 : i32
    %jit3A_173 = arith.constant -2147483648 : i32
    %broadcast_in_dim3A_174 = vector.broadcast %jit3A_172 : i32 to vector<16xi32>
    %broadcast_in_dim3A_175 = vector.broadcast %jit3A_173 : i32 to vector<16xi32>
    %select_n3A_176 = arith.select %ge3A_171, %broadcast_in_dim3A_174, %broadcast_in_dim3A_175 : vector<16xi1>, vector<16xi32>
    %scan3A_177 = arith.constant 0 : i32
    %scan3A_178 = arith.constant 31 : i32
    %scan3A_179 = arith.addi %scan3A_177, %scan3A_178 : i32
    %scan3A_180 = arith.constant 1 : i32
    %scan3A_181 = scf.for %scan3A_465 = %scan3A_177 to %scan3A_179 step %scan3A_180 iter_args(%scan3A_466 = %select_n3A_176) -> (vector<16xi32>)  : i32 {
      %sub3A = arith.constant 30 : i32
      %sub3A_467 = arith.subi %sub3A, %scan3A_465 : i32
      %shift_left3A = arith.constant 1 : i32
      %shift_left3A_468 = arith.shli %shift_left3A, %sub3A_467 : i32
      %or3A = vector.broadcast %shift_left3A_468 : i32 to vector<16xi32>
      %or3A_469 = arith.ori %scan3A_466, %or3A : vector<16xi32>
      %broadcast_in_dim3A_470 = arith.constant 0 : i32
      %broadcast_in_dim3A_471 = vector.broadcast %broadcast_in_dim3A_470 : i32 to vector<16xi32>
      %scan3A_472 = arith.constant 0 : i32
      %scan3A_473 = arith.constant 4 : i32
      %scan3A_474 = arith.addi %scan3A_472, %scan3A_473 : i32
      %scan3A_475 = arith.constant 1 : i32
      %scan3A_476 = scf.for %scan3A_511 = %scan3A_472 to %scan3A_474 step %scan3A_475 iter_args(%scan3A_512 = %broadcast_in_dim3A_471) -> (vector<16xi32>)  : i32 {
        %mul3A_513 = arith.constant 16 : i32
        %mul3A_514 = arith.muli %scan3A_511, %mul3A_513 : i32
        %add3A_515 = arith.constant 0 : i32
        %add3A_516 = arith.addi %mul3A_514, %add3A_515 : i32
        %mul3A_517 = arith.constant 16 : i32
        %mul3A_518 = arith.muli %add3A_516, %mul3A_517 : i32
        %multiple_of3A = tpu.assume_multiple %mul3A_518, 16 : i32
        %get3A = arith.index_cast %multiple_of3A : i32 to index
        %get3A_519 = tpu.vector_load %arg10[%get3A] {strides = array<i32>} : memref<1024xi32, #tpu.memory_space<vmem>>, vector<16xi32>,
        %get3A_520 = vector.shape_cast %get3A_519 : vector<16xi32> to vector<16xi32>
        %ge3A_521 = arith.cmpi sge, %get3A_520, %or3A_469 : vector<16xi32>
        %jit3A_522 = arith.constant 1 : i32
        %jit3A_523 = arith.constant 0 : i32
        %broadcast_in_dim3A_524 = vector.broadcast %jit3A_522 : i32 to vector<16xi32>
        %broadcast_in_dim3A_525 = vector.broadcast %jit3A_523 : i32 to vector<16xi32>
        %select_n3A_526 = arith.select %ge3A_521, %broadcast_in_dim3A_524, %broadcast_in_dim3A_525 : vector<16xi1>, vector<16xi32>
        %add3A_527 = arith.addi %scan3A_512, %select_n3A_526 : vector<16xi32>
        %mul3A_528 = arith.constant 16 : i32
        %mul3A_529 = arith.muli %scan3A_511, %mul3A_528 : i32
        %add3A_530 = arith.constant 1 : i32
        %add3A_531 = arith.addi %mul3A_529, %add3A_530 : i32
        %mul3A_532 = arith.constant 16 : i32
        %mul3A_533 = arith.muli %add3A_531, %mul3A_532 : i32
        %multiple_of3A_534 = tpu.assume_multiple %mul3A_533, 16 : i32
        %get3A_535 = arith.index_cast %multiple_of3A_534 : i32 to index
        %get3A_536 = tpu.vector_load %arg10[%get3A_535] {strides = array<i32>} : memref<1024xi32, #tpu.memory_space<vmem>>, vector<16xi32>,
        %get3A_537 = vector.shape_cast %get3A_536 : vector<16xi32> to vector<16xi32>
        %ge3A_538 = arith.cmpi sge, %get3A_537, %or3A_469 : vector<16xi32>
        %jit3A_539 = arith.constant 1 : i32
        %jit3A_540 = arith.constant 0 : i32
        %broadcast_in_dim3A_541 = vector.broadcast %jit3A_539 : i32 to vector<16xi32>
        %broadcast_in_dim3A_542 = vector.broadcast %jit3A_540 : i32 to vector<16xi32>
        %select_n3A_543 = arith.select %ge3A_538, %broadcast_in_dim3A_541, %broadcast_in_dim3A_542 : vector<16xi1>, vector<16xi32>
        %add3A_544 = arith.addi %add3A_527, %select_n3A_543 : vector<16xi32>
        %mul3A_545 = arith.constant 16 : i32
        %mul3A_546 = arith.muli %scan3A_511, %mul3A_545 : i32
        %add3A_547 = arith.constant 2 : i32
        %add3A_548 = arith.addi %mul3A_546, %add3A_547 : i32
        %mul3A_549 = arith.constant 16 : i32
        %mul3A_550 = arith.muli %add3A_548, %mul3A_549 : i32
        %multiple_of3A_551 = tpu.assume_multiple %mul3A_550, 16 : i32
        %get3A_552 = arith.index_cast %multiple_of3A_551 : i32 to index
        %get3A_553 = tpu.vector_load %arg10[%get3A_552] {strides = array<i32>} : memref<1024xi32, #tpu.memory_space<vmem>>, vector<16xi32>,
        %get3A_554 = vector.shape_cast %get3A_553 : vector<16xi32> to vector<16xi32>
        %ge3A_555 = arith.cmpi sge, %get3A_554, %or3A_469 : vector<16xi32>
        %jit3A_556 = arith.constant 1 : i32
        %jit3A_557 = arith.constant 0 : i32
        %broadcast_in_dim3A_558 = vector.broadcast %jit3A_556 : i32 to vector<16xi32>
        %broadcast_in_dim3A_559 = vector.broadcast %jit3A_557 : i32 to vector<16xi32>
        %select_n3A_560 = arith.select %ge3A_555, %broadcast_in_dim3A_558, %broadcast_in_dim3A_559 : vector<16xi1>, vector<16xi32>
        %add3A_561 = arith.addi %add3A_544, %select_n3A_560 : vector<16xi32>
        %mul3A_562 = arith.constant 16 : i32
        %mul3A_563 = arith.muli %scan3A_511, %mul3A_562 : i32
        %add3A_564 = arith.constant 3 : i32
        %add3A_565 = arith.addi %mul3A_563, %add3A_564 : i32
        %mul3A_566 = arith.constant 16 : i32
        %mul3A_567 = arith.muli %add3A_565, %mul3A_566 : i32
        %multiple_of3A_568 = tpu.assume_multiple %mul3A_567, 16 : i32
        %get3A_569 = arith.index_cast %multiple_of3A_568 : i32 to index
        %get3A_570 = tpu.vector_load %arg10[%get3A_569] {strides = array<i32>} : memref<1024xi32, #tpu.memory_space<vmem>>, vector<16xi32>,
        %get3A_571 = vector.shape_cast %get3A_570 : vector<16xi32> to vector<16xi32>
        %ge3A_572 = arith.cmpi sge, %get3A_571, %or3A_469 : vector<16xi32>
        %jit3A_573 = arith.constant 1 : i32
        %jit3A_574 = arith.constant 0 : i32
        %broadcast_in_dim3A_575 = vector.broadcast %jit3A_573 : i32 to vector<16xi32>
        %broadcast_in_dim3A_576 = vector.broadcast %jit3A_574 : i32 to vector<16xi32>
        %select_n3A_577 = arith.select %ge3A_572, %broadcast_in_dim3A_575, %broadcast_in_dim3A_576 : vector<16xi1>, vector<16xi32>
        %add3A_578 = arith.addi %add3A_561, %select_n3A_577 : vector<16xi32>
        %mul3A_579 = arith.constant 16 : i32
        %mul3A_580 = arith.muli %scan3A_511, %mul3A_579 : i32
        %add3A_581 = arith.constant 4 : i32
        %add3A_582 = arith.addi %mul3A_580, %add3A_581 : i32
        %mul3A_583 = arith.constant 16 : i32
        %mul3A_584 = arith.muli %add3A_582, %mul3A_583 : i32
        %multiple_of3A_585 = tpu.assume_multiple %mul3A_584, 16 : i32
        %get3A_586 = arith.index_cast %multiple_of3A_585 : i32 to index
        %get3A_587 = tpu.vector_load %arg10[%get3A_586] {strides = array<i32>} : memref<1024xi32, #tpu.memory_space<vmem>>, vector<16xi32>,
        %get3A_588 = vector.shape_cast %get3A_587 : vector<16xi32> to vector<16xi32>
        %ge3A_589 = arith.cmpi sge, %get3A_588, %or3A_469 : vector<16xi32>
        %jit3A_590 = arith.constant 1 : i32
        %jit3A_591 = arith.constant 0 : i32
        %broadcast_in_dim3A_592 = vector.broadcast %jit3A_590 : i32 to vector<16xi32>
        %broadcast_in_dim3A_593 = vector.broadcast %jit3A_591 : i32 to vector<16xi32>
        %select_n3A_594 = arith.select %ge3A_589, %broadcast_in_dim3A_592, %broadcast_in_dim3A_593 : vector<16xi1>, vector<16xi32>
        %add3A_595 = arith.addi %add3A_578, %select_n3A_594 : vector<16xi32>
        %mul3A_596 = arith.constant 16 : i32
        %mul3A_597 = arith.muli %scan3A_511, %mul3A_596 : i32
        %add3A_598 = arith.constant 5 : i32
        %add3A_599 = arith.addi %mul3A_597, %add3A_598 : i32
        %mul3A_600 = arith.constant 16 : i32
        %mul3A_601 = arith.muli %add3A_599, %mul3A_600 : i32
        %multiple_of3A_602 = tpu.assume_multiple %mul3A_601, 16 : i32
        %get3A_603 = arith.index_cast %multiple_of3A_602 : i32 to index
        %get3A_604 = tpu.vector_load %arg10[%get3A_603] {strides = array<i32>} : memref<1024xi32, #tpu.memory_space<vmem>>, vector<16xi32>,
        %get3A_605 = vector.shape_cast %get3A_604 : vector<16xi32> to vector<16xi32>
        %ge3A_606 = arith.cmpi sge, %get3A_605, %or3A_469 : vector<16xi32>
        %jit3A_607 = arith.constant 1 : i32
        %jit3A_608 = arith.constant 0 : i32
        %broadcast_in_dim3A_609 = vector.broadcast %jit3A_607 : i32 to vector<16xi32>
        %broadcast_in_dim3A_610 = vector.broadcast %jit3A_608 : i32 to vector<16xi32>
        %select_n3A_611 = arith.select %ge3A_606, %broadcast_in_dim3A_609, %broadcast_in_dim3A_610 : vector<16xi1>, vector<16xi32>
        %add3A_612 = arith.addi %add3A_595, %select_n3A_611 : vector<16xi32>
        %mul3A_613 = arith.constant 16 : i32
        %mul3A_614 = arith.muli %scan3A_511, %mul3A_613 : i32
        %add3A_615 = arith.constant 6 : i32
        %add3A_616 = arith.addi %mul3A_614, %add3A_615 : i32
        %mul3A_617 = arith.constant 16 : i32
        %mul3A_618 = arith.muli %add3A_616, %mul3A_617 : i32
        %multiple_of3A_619 = tpu.assume_multiple %mul3A_618, 16 : i32
        %get3A_620 = arith.index_cast %multiple_of3A_619 : i32 to index
        %get3A_621 = tpu.vector_load %arg10[%get3A_620] {strides = array<i32>} : memref<1024xi32, #tpu.memory_space<vmem>>, vector<16xi32>,
        %get3A_622 = vector.shape_cast %get3A_621 : vector<16xi32> to vector<16xi32>
        %ge3A_623 = arith.cmpi sge, %get3A_622, %or3A_469 : vector<16xi32>
        %jit3A_624 = arith.constant 1 : i32
        %jit3A_625 = arith.constant 0 : i32
        %broadcast_in_dim3A_626 = vector.broadcast %jit3A_624 : i32 to vector<16xi32>
        %broadcast_in_dim3A_627 = vector.broadcast %jit3A_625 : i32 to vector<16xi32>
        %select_n3A_628 = arith.select %ge3A_623, %broadcast_in_dim3A_626, %broadcast_in_dim3A_627 : vector<16xi1>, vector<16xi32>
        %add3A_629 = arith.addi %add3A_612, %select_n3A_628 : vector<16xi32>
        %mul3A_630 = arith.constant 16 : i32
        %mul3A_631 = arith.muli %scan3A_511, %mul3A_630 : i32
        %add3A_632 = arith.constant 7 : i32
        %add3A_633 = arith.addi %mul3A_631, %add3A_632 : i32
        %mul3A_634 = arith.constant 16 : i32
        %mul3A_635 = arith.muli %add3A_633, %mul3A_634 : i32
        %multiple_of3A_636 = tpu.assume_multiple %mul3A_635, 16 : i32
        %get3A_637 = arith.index_cast %multiple_of3A_636 : i32 to index
        %get3A_638 = tpu.vector_load %arg10[%get3A_637] {strides = array<i32>} : memref<1024xi32, #tpu.memory_space<vmem>>, vector<16xi32>,
        %get3A_639 = vector.shape_cast %get3A_638 : vector<16xi32> to vector<16xi32>
        %ge3A_640 = arith.cmpi sge, %get3A_639, %or3A_469 : vector<16xi32>
        %jit3A_641 = arith.constant 1 : i32
        %jit3A_642 = arith.constant 0 : i32
        %broadcast_in_dim3A_643 = vector.broadcast %jit3A_641 : i32 to vector<16xi32>
        %broadcast_in_dim3A_644 = vector.broadcast %jit3A_642 : i32 to vector<16xi32>
        %select_n3A_645 = arith.select %ge3A_640, %broadcast_in_dim3A_643, %broadcast_in_dim3A_644 : vector<16xi1>, vector<16xi32>
        %add3A_646 = arith.addi %add3A_629, %select_n3A_645 : vector<16xi32>
        %mul3A_647 = arith.constant 16 : i32
        %mul3A_648 = arith.muli %scan3A_511, %mul3A_647 : i32
        %add3A_649 = arith.constant 8 : i32
        %add3A_650 = arith.addi %mul3A_648, %add3A_649 : i32
        %mul3A_651 = arith.constant 16 : i32
        %mul3A_652 = arith.muli %add3A_650, %mul3A_651 : i32
        %multiple_of3A_653 = tpu.assume_multiple %mul3A_652, 16 : i32
        %get3A_654 = arith.index_cast %multiple_of3A_653 : i32 to index
        %get3A_655 = tpu.vector_load %arg10[%get3A_654] {strides = array<i32>} : memref<1024xi32, #tpu.memory_space<vmem>>, vector<16xi32>,
        %get3A_656 = vector.shape_cast %get3A_655 : vector<16xi32> to vector<16xi32>
        %ge3A_657 = arith.cmpi sge, %get3A_656, %or3A_469 : vector<16xi32>
        %jit3A_658 = arith.constant 1 : i32
        %jit3A_659 = arith.constant 0 : i32
        %broadcast_in_dim3A_660 = vector.broadcast %jit3A_658 : i32 to vector<16xi32>
        %broadcast_in_dim3A_661 = vector.broadcast %jit3A_659 : i32 to vector<16xi32>
        %select_n3A_662 = arith.select %ge3A_657, %broadcast_in_dim3A_660, %broadcast_in_dim3A_661 : vector<16xi1>, vector<16xi32>
        %add3A_663 = arith.addi %add3A_646, %select_n3A_662 : vector<16xi32>
        %mul3A_664 = arith.constant 16 : i32
        %mul3A_665 = arith.muli %scan3A_511, %mul3A_664 : i32
        %add3A_666 = arith.constant 9 : i32
        %add3A_667 = arith.addi %mul3A_665, %add3A_666 : i32
        %mul3A_668 = arith.constant 16 : i32
        %mul3A_669 = arith.muli %add3A_667, %mul3A_668 : i32
        %multiple_of3A_670 = tpu.assume_multiple %mul3A_669, 16 : i32
        %get3A_671 = arith.index_cast %multiple_of3A_670 : i32 to index
        %get3A_672 = tpu.vector_load %arg10[%get3A_671] {strides = array<i32>} : memref<1024xi32, #tpu.memory_space<vmem>>, vector<16xi32>,
        %get3A_673 = vector.shape_cast %get3A_672 : vector<16xi32> to vector<16xi32>
        %ge3A_674 = arith.cmpi sge, %get3A_673, %or3A_469 : vector<16xi32>
        %jit3A_675 = arith.constant 1 : i32
        %jit3A_676 = arith.constant 0 : i32
        %broadcast_in_dim3A_677 = vector.broadcast %jit3A_675 : i32 to vector<16xi32>
        %broadcast_in_dim3A_678 = vector.broadcast %jit3A_676 : i32 to vector<16xi32>
        %select_n3A_679 = arith.select %ge3A_674, %broadcast_in_dim3A_677, %broadcast_in_dim3A_678 : vector<16xi1>, vector<16xi32>
        %add3A_680 = arith.addi %add3A_663, %select_n3A_679 : vector<16xi32>
        %mul3A_681 = arith.constant 16 : i32
        %mul3A_682 = arith.muli %scan3A_511, %mul3A_681 : i32
        %add3A_683 = arith.constant 10 : i32
        %add3A_684 = arith.addi %mul3A_682, %add3A_683 : i32
        %mul3A_685 = arith.constant 16 : i32
        %mul3A_686 = arith.muli %add3A_684, %mul3A_685 : i32
        %multiple_of3A_687 = tpu.assume_multiple %mul3A_686, 16 : i32
        %get3A_688 = arith.index_cast %multiple_of3A_687 : i32 to index
        %get3A_689 = tpu.vector_load %arg10[%get3A_688] {strides = array<i32>} : memref<1024xi32, #tpu.memory_space<vmem>>, vector<16xi32>,
        %get3A_690 = vector.shape_cast %get3A_689 : vector<16xi32> to vector<16xi32>
        %ge3A_691 = arith.cmpi sge, %get3A_690, %or3A_469 : vector<16xi32>
        %jit3A_692 = arith.constant 1 : i32
        %jit3A_693 = arith.constant 0 : i32
        %broadcast_in_dim3A_694 = vector.broadcast %jit3A_692 : i32 to vector<16xi32>
        %broadcast_in_dim3A_695 = vector.broadcast %jit3A_693 : i32 to vector<16xi32>
        %select_n3A_696 = arith.select %ge3A_691, %broadcast_in_dim3A_694, %broadcast_in_dim3A_695 : vector<16xi1>, vector<16xi32>
        %add3A_697 = arith.addi %add3A_680, %select_n3A_696 : vector<16xi32>
        %mul3A_698 = arith.constant 16 : i32
        %mul3A_699 = arith.muli %scan3A_511, %mul3A_698 : i32
        %add3A_700 = arith.constant 11 : i32
        %add3A_701 = arith.addi %mul3A_699, %add3A_700 : i32
        %mul3A_702 = arith.constant 16 : i32
        %mul3A_703 = arith.muli %add3A_701, %mul3A_702 : i32
        %multiple_of3A_704 = tpu.assume_multiple %mul3A_703, 16 : i32
        %get3A_705 = arith.index_cast %multiple_of3A_704 : i32 to index
        %get3A_706 = tpu.vector_load %arg10[%get3A_705] {strides = array<i32>} : memref<1024xi32, #tpu.memory_space<vmem>>, vector<16xi32>,
        %get3A_707 = vector.shape_cast %get3A_706 : vector<16xi32> to vector<16xi32>
        %ge3A_708 = arith.cmpi sge, %get3A_707, %or3A_469 : vector<16xi32>
        %jit3A_709 = arith.constant 1 : i32
        %jit3A_710 = arith.constant 0 : i32
        %broadcast_in_dim3A_711 = vector.broadcast %jit3A_709 : i32 to vector<16xi32>
        %broadcast_in_dim3A_712 = vector.broadcast %jit3A_710 : i32 to vector<16xi32>
        %select_n3A_713 = arith.select %ge3A_708, %broadcast_in_dim3A_711, %broadcast_in_dim3A_712 : vector<16xi1>, vector<16xi32>
        %add3A_714 = arith.addi %add3A_697, %select_n3A_713 : vector<16xi32>
        %mul3A_715 = arith.constant 16 : i32
        %mul3A_716 = arith.muli %scan3A_511, %mul3A_715 : i32
        %add3A_717 = arith.constant 12 : i32
        %add3A_718 = arith.addi %mul3A_716, %add3A_717 : i32
        %mul3A_719 = arith.constant 16 : i32
        %mul3A_720 = arith.muli %add3A_718, %mul3A_719 : i32
        %multiple_of3A_721 = tpu.assume_multiple %mul3A_720, 16 : i32
        %get3A_722 = arith.index_cast %multiple_of3A_721 : i32 to index
        %get3A_723 = tpu.vector_load %arg10[%get3A_722] {strides = array<i32>} : memref<1024xi32, #tpu.memory_space<vmem>>, vector<16xi32>,
        %get3A_724 = vector.shape_cast %get3A_723 : vector<16xi32> to vector<16xi32>
        %ge3A_725 = arith.cmpi sge, %get3A_724, %or3A_469 : vector<16xi32>
        %jit3A_726 = arith.constant 1 : i32
        %jit3A_727 = arith.constant 0 : i32
        %broadcast_in_dim3A_728 = vector.broadcast %jit3A_726 : i32 to vector<16xi32>
        %broadcast_in_dim3A_729 = vector.broadcast %jit3A_727 : i32 to vector<16xi32>
        %select_n3A_730 = arith.select %ge3A_725, %broadcast_in_dim3A_728, %broadcast_in_dim3A_729 : vector<16xi1>, vector<16xi32>
        %add3A_731 = arith.addi %add3A_714, %select_n3A_730 : vector<16xi32>
        %mul3A_732 = arith.constant 16 : i32
        %mul3A_733 = arith.muli %scan3A_511, %mul3A_732 : i32
        %add3A_734 = arith.constant 13 : i32
        %add3A_735 = arith.addi %mul3A_733, %add3A_734 : i32
        %mul3A_736 = arith.constant 16 : i32
        %mul3A_737 = arith.muli %add3A_735, %mul3A_736 : i32
        %multiple_of3A_738 = tpu.assume_multiple %mul3A_737, 16 : i32
        %get3A_739 = arith.index_cast %multiple_of3A_738 : i32 to index
        %get3A_740 = tpu.vector_load %arg10[%get3A_739] {strides = array<i32>} : memref<1024xi32, #tpu.memory_space<vmem>>, vector<16xi32>,
        %get3A_741 = vector.shape_cast %get3A_740 : vector<16xi32> to vector<16xi32>
        %ge3A_742 = arith.cmpi sge, %get3A_741, %or3A_469 : vector<16xi32>
        %jit3A_743 = arith.constant 1 : i32
        %jit3A_744 = arith.constant 0 : i32
        %broadcast_in_dim3A_745 = vector.broadcast %jit3A_743 : i32 to vector<16xi32>
        %broadcast_in_dim3A_746 = vector.broadcast %jit3A_744 : i32 to vector<16xi32>
        %select_n3A_747 = arith.select %ge3A_742, %broadcast_in_dim3A_745, %broadcast_in_dim3A_746 : vector<16xi1>, vector<16xi32>
        %add3A_748 = arith.addi %add3A_731, %select_n3A_747 : vector<16xi32>
        %mul3A_749 = arith.constant 16 : i32
        %mul3A_750 = arith.muli %scan3A_511, %mul3A_749 : i32
        %add3A_751 = arith.constant 14 : i32
        %add3A_752 = arith.addi %mul3A_750, %add3A_751 : i32
        %mul3A_753 = arith.constant 16 : i32
        %mul3A_754 = arith.muli %add3A_752, %mul3A_753 : i32
        %multiple_of3A_755 = tpu.assume_multiple %mul3A_754, 16 : i32
        %get3A_756 = arith.index_cast %multiple_of3A_755 : i32 to index
        %get3A_757 = tpu.vector_load %arg10[%get3A_756] {strides = array<i32>} : memref<1024xi32, #tpu.memory_space<vmem>>, vector<16xi32>,
        %get3A_758 = vector.shape_cast %get3A_757 : vector<16xi32> to vector<16xi32>
        %ge3A_759 = arith.cmpi sge, %get3A_758, %or3A_469 : vector<16xi32>
        %jit3A_760 = arith.constant 1 : i32
        %jit3A_761 = arith.constant 0 : i32
        %broadcast_in_dim3A_762 = vector.broadcast %jit3A_760 : i32 to vector<16xi32>
        %broadcast_in_dim3A_763 = vector.broadcast %jit3A_761 : i32 to vector<16xi32>
        %select_n3A_764 = arith.select %ge3A_759, %broadcast_in_dim3A_762, %broadcast_in_dim3A_763 : vector<16xi1>, vector<16xi32>
        %add3A_765 = arith.addi %add3A_748, %select_n3A_764 : vector<16xi32>
        %mul3A_766 = arith.constant 16 : i32
        %mul3A_767 = arith.muli %scan3A_511, %mul3A_766 : i32
        %add3A_768 = arith.constant 15 : i32
        %add3A_769 = arith.addi %mul3A_767, %add3A_768 : i32
        %mul3A_770 = arith.constant 16 : i32
        %mul3A_771 = arith.muli %add3A_769, %mul3A_770 : i32
        %multiple_of3A_772 = tpu.assume_multiple %mul3A_771, 16 : i32
        %get3A_773 = arith.index_cast %multiple_of3A_772 : i32 to index
        %get3A_774 = tpu.vector_load %arg10[%get3A_773] {strides = array<i32>} : memref<1024xi32, #tpu.memory_space<vmem>>, vector<16xi32>,
        %get3A_775 = vector.shape_cast %get3A_774 : vector<16xi32> to vector<16xi32>
        %ge3A_776 = arith.cmpi sge, %get3A_775, %or3A_469 : vector<16xi32>
        %jit3A_777 = arith.constant 1 : i32
        %jit3A_778 = arith.constant 0 : i32
        %broadcast_in_dim3A_779 = vector.broadcast %jit3A_777 : i32 to vector<16xi32>
        %broadcast_in_dim3A_780 = vector.broadcast %jit3A_778 : i32 to vector<16xi32>
        %select_n3A_781 = arith.select %ge3A_776, %broadcast_in_dim3A_779, %broadcast_in_dim3A_780 : vector<16xi1>, vector<16xi32>
        %add3A_782 = arith.addi %add3A_765, %select_n3A_781 : vector<16xi32>
        scf.yield %add3A_782 : vector<16xi32>
      }
      %scan3A_477 = arith.constant 4 : i32
      %iota3A_478 = tpu.iota {dimensions = array<i32: 0>} : vector<16xi32>
      %xor3A_479 = arith.constant 8 : i32
      %xor3A_480 = vector.broadcast %xor3A_479 : i32 to vector<16xi32>
      %xor3A_481 = arith.xori %iota3A_478, %xor3A_480 : vector<16xi32>
      %broadcast_in_dim3A_482 = vector.shape_cast %xor3A_481 : vector<16xi32> to vector<16x1xi32>
      %gather3A_483 = vector.shape_cast %broadcast_in_dim3A_482 : vector<16x1xi32> to vector<16xi32>
      %gather3A_484 = tpu.dynamic_gather %scan3A_476[%gather3A_483] in [0] : vector<16xi32>, vector<16xi32> -> vector<16xi32>
      %add3A_485 = arith.addi %scan3A_476, %gather3A_484 : vector<16xi32>
      %xor3A_486 = arith.constant 4 : i32
      %xor3A_487 = vector.broadcast %xor3A_486 : i32 to vector<16xi32>
      %xor3A_488 = arith.xori %iota3A_478, %xor3A_487 : vector<16xi32>
      %broadcast_in_dim3A_489 = vector.shape_cast %xor3A_488 : vector<16xi32> to vector<16x1xi32>
      %gather3A_490 = vector.shape_cast %broadcast_in_dim3A_489 : vector<16x1xi32> to vector<16xi32>
      %gather3A_491 = tpu.dynamic_gather %add3A_485[%gather3A_490] in [0] : vector<16xi32>, vector<16xi32> -> vector<16xi32>
      %add3A_492 = arith.addi %add3A_485, %gather3A_491 : vector<16xi32>
      %xor3A_493 = arith.constant 2 : i32
      %xor3A_494 = vector.broadcast %xor3A_493 : i32 to vector<16xi32>
      %xor3A_495 = arith.xori %iota3A_478, %xor3A_494 : vector<16xi32>
      %broadcast_in_dim3A_496 = vector.shape_cast %xor3A_495 : vector<16xi32> to vector<16x1xi32>
      %gather3A_497 = vector.shape_cast %broadcast_in_dim3A_496 : vector<16x1xi32> to vector<16xi32>
      %gather3A_498 = tpu.dynamic_gather %add3A_492[%gather3A_497] in [0] : vector<16xi32>, vector<16xi32> -> vector<16xi32>
      %add3A_499 = arith.addi %add3A_492, %gather3A_498 : vector<16xi32>
      %xor3A_500 = arith.constant 1 : i32
      %xor3A_501 = vector.broadcast %xor3A_500 : i32 to vector<16xi32>
      %xor3A_502 = arith.xori %iota3A_478, %xor3A_501 : vector<16xi32>
      %broadcast_in_dim3A_503 = vector.shape_cast %xor3A_502 : vector<16xi32> to vector<16x1xi32>
      %gather3A_504 = vector.shape_cast %broadcast_in_dim3A_503 : vector<16x1xi32> to vector<16xi32>
      %gather3A_505 = tpu.dynamic_gather %add3A_499[%gather3A_504] in [0] : vector<16xi32>, vector<16xi32> -> vector<16xi32>
      %add3A_506 = arith.addi %add3A_499, %gather3A_505 : vector<16xi32>
      %ge3A_507 = arith.constant 32 : i32
      %ge3A_508 = vector.broadcast %ge3A_507 : i32 to vector<16xi32>
      %ge3A_509 = arith.cmpi sge, %add3A_506, %ge3A_508 : vector<16xi32>
      %select_n3A_510 = arith.select %ge3A_509, %or3A_469, %scan3A_466 : vector<16xi1>, vector<16xi32>
      scf.yield %select_n3A_510 : vector<16xi32>
    }
    %scan3A_182 = arith.constant 31 : i32
    %broadcast_in_dim3A_183 = arith.constant 0.000000e+00 : f32
    %broadcast_in_dim3A_184 = vector.broadcast %broadcast_in_dim3A_183 : f32 to vector<16xf32>
    %scan3A_185 = arith.constant 0 : i32
    %scan3A_186 = arith.constant 16 : i32
    %scan3A_187 = arith.addi %scan3A_185, %scan3A_186 : i32
    %scan3A_188 = arith.constant 1 : i32
    %scan3A_189 = scf.for %scan3A_465 = %scan3A_185 to %scan3A_187 step %scan3A_188 iter_args(%scan3A_466 = %broadcast_in_dim3A_184) -> (vector<16xf32>)  : i32 {
      %mul3A_467 = arith.constant 4 : i32
      %mul3A_468 = arith.muli %scan3A_465, %mul3A_467 : i32
      %add3A_469 = arith.constant 0 : i32
      %add3A_470 = arith.addi %mul3A_468, %add3A_469 : i32
      %mul3A_471 = arith.constant 16 : i32
      %mul3A_472 = arith.muli %add3A_470, %mul3A_471 : i32
      %multiple_of3A = tpu.assume_multiple %mul3A_472, 16 : i32
      %get3A = arith.index_cast %multiple_of3A : i32 to index
      %get3A_473 = tpu.vector_load %arg8[%get3A] {strides = array<i32>} : memref<1024xf32, #tpu.memory_space<vmem>>, vector<16xf32>,
      %get3A_474 = vector.shape_cast %get3A_473 : vector<16xf32> to vector<16xf32>
      %sub3A = arith.subf %get3A_474, %max3A_129 : vector<16xf32>
      %exp3A = math.exp %sub3A : vector<16xf32>
      %swap3A = arith.index_cast %multiple_of3A : i32 to index
      %swap3A_475 = tpu.vector_load %arg8[%swap3A] {strides = array<i32>} : memref<1024xf32, #tpu.memory_space<vmem>>, vector<16xf32>,
      %swap3A_476 = vector.shape_cast %swap3A_475 : vector<16xf32> to vector<16xf32>
      %swap3A_477 = vector.shape_cast %exp3A : vector<16xf32> to vector<16xf32>
      tpu.vector_store %arg8[%swap3A], %swap3A_477 {strides = array<i32>} : memref<1024xf32, #tpu.memory_space<vmem>>, vector<16xf32>,
      %add3A_478 = arith.addf %scan3A_466, %exp3A : vector<16xf32>
      %mul3A_479 = arith.constant 4 : i32
      %mul3A_480 = arith.muli %scan3A_465, %mul3A_479 : i32
      %add3A_481 = arith.constant 1 : i32
      %add3A_482 = arith.addi %mul3A_480, %add3A_481 : i32
      %mul3A_483 = arith.constant 16 : i32
      %mul3A_484 = arith.muli %add3A_482, %mul3A_483 : i32
      %multiple_of3A_485 = tpu.assume_multiple %mul3A_484, 16 : i32
      %get3A_486 = arith.index_cast %multiple_of3A_485 : i32 to index
      %get3A_487 = tpu.vector_load %arg8[%get3A_486] {strides = array<i32>} : memref<1024xf32, #tpu.memory_space<vmem>>, vector<16xf32>,
      %get3A_488 = vector.shape_cast %get3A_487 : vector<16xf32> to vector<16xf32>
      %sub3A_489 = arith.subf %get3A_488, %max3A_129 : vector<16xf32>
      %exp3A_490 = math.exp %sub3A_489 : vector<16xf32>
      %swap3A_491 = arith.index_cast %multiple_of3A_485 : i32 to index
      %swap3A_492 = tpu.vector_load %arg8[%swap3A_491] {strides = array<i32>} : memref<1024xf32, #tpu.memory_space<vmem>>, vector<16xf32>,
      %swap3A_493 = vector.shape_cast %swap3A_492 : vector<16xf32> to vector<16xf32>
      %swap3A_494 = vector.shape_cast %exp3A_490 : vector<16xf32> to vector<16xf32>
      tpu.vector_store %arg8[%swap3A_491], %swap3A_494 {strides = array<i32>} : memref<1024xf32, #tpu.memory_space<vmem>>, vector<16xf32>,
      %add3A_495 = arith.addf %add3A_478, %exp3A_490 : vector<16xf32>
      %mul3A_496 = arith.constant 4 : i32
      %mul3A_497 = arith.muli %scan3A_465, %mul3A_496 : i32
      %add3A_498 = arith.constant 2 : i32
      %add3A_499 = arith.addi %mul3A_497, %add3A_498 : i32
      %mul3A_500 = arith.constant 16 : i32
      %mul3A_501 = arith.muli %add3A_499, %mul3A_500 : i32
      %multiple_of3A_502 = tpu.assume_multiple %mul3A_501, 16 : i32
      %get3A_503 = arith.index_cast %multiple_of3A_502 : i32 to index
      %get3A_504 = tpu.vector_load %arg8[%get3A_503] {strides = array<i32>} : memref<1024xf32, #tpu.memory_space<vmem>>, vector<16xf32>,
      %get3A_505 = vector.shape_cast %get3A_504 : vector<16xf32> to vector<16xf32>
      %sub3A_506 = arith.subf %get3A_505, %max3A_129 : vector<16xf32>
      %exp3A_507 = math.exp %sub3A_506 : vector<16xf32>
      %swap3A_508 = arith.index_cast %multiple_of3A_502 : i32 to index
      %swap3A_509 = tpu.vector_load %arg8[%swap3A_508] {strides = array<i32>} : memref<1024xf32, #tpu.memory_space<vmem>>, vector<16xf32>,
      %swap3A_510 = vector.shape_cast %swap3A_509 : vector<16xf32> to vector<16xf32>
      %swap3A_511 = vector.shape_cast %exp3A_507 : vector<16xf32> to vector<16xf32>
      tpu.vector_store %arg8[%swap3A_508], %swap3A_511 {strides = array<i32>} : memref<1024xf32, #tpu.memory_space<vmem>>, vector<16xf32>,
      %add3A_512 = arith.addf %add3A_495, %exp3A_507 : vector<16xf32>
      %mul3A_513 = arith.constant 4 : i32
      %mul3A_514 = arith.muli %scan3A_465, %mul3A_513 : i32
      %add3A_515 = arith.constant 3 : i32
      %add3A_516 = arith.addi %mul3A_514, %add3A_515 : i32
      %mul3A_517 = arith.constant 16 : i32
      %mul3A_518 = arith.muli %add3A_516, %mul3A_517 : i32
      %multiple_of3A_519 = tpu.assume_multiple %mul3A_518, 16 : i32
      %get3A_520 = arith.index_cast %multiple_of3A_519 : i32 to index
      %get3A_521 = tpu.vector_load %arg8[%get3A_520] {strides = array<i32>} : memref<1024xf32, #tpu.memory_space<vmem>>, vector<16xf32>,
      %get3A_522 = vector.shape_cast %get3A_521 : vector<16xf32> to vector<16xf32>
      %sub3A_523 = arith.subf %get3A_522, %max3A_129 : vector<16xf32>
      %exp3A_524 = math.exp %sub3A_523 : vector<16xf32>
      %swap3A_525 = arith.index_cast %multiple_of3A_519 : i32 to index
      %swap3A_526 = tpu.vector_load %arg8[%swap3A_525] {strides = array<i32>} : memref<1024xf32, #tpu.memory_space<vmem>>, vector<16xf32>,
      %swap3A_527 = vector.shape_cast %swap3A_526 : vector<16xf32> to vector<16xf32>
      %swap3A_528 = vector.shape_cast %exp3A_524 : vector<16xf32> to vector<16xf32>
      tpu.vector_store %arg8[%swap3A_525], %swap3A_528 {strides = array<i32>} : memref<1024xf32, #tpu.memory_space<vmem>>, vector<16xf32>,
      %add3A_529 = arith.addf %add3A_512, %exp3A_524 : vector<16xf32>
      scf.yield %add3A_529 : vector<16xf32>
    }
    %scan3A_190 = arith.constant 16 : i32
    %iota3A_191 = tpu.iota {dimensions = array<i32: 0>} : vector<16xi32>
    %xor3A_192 = arith.constant 8 : i32
    %xor3A_193 = vector.broadcast %xor3A_192 : i32 to vector<16xi32>
    %xor3A_194 = arith.xori %iota3A_191, %xor3A_193 : vector<16xi32>
    %broadcast_in_dim3A_195 = vector.shape_cast %xor3A_194 : vector<16xi32> to vector<16x1xi32>
    %gather3A_196 = vector.shape_cast %broadcast_in_dim3A_195 : vector<16x1xi32> to vector<16xi32>
    %gather3A_197 = tpu.dynamic_gather %scan3A_189[%gather3A_196] in [0] : vector<16xf32>, vector<16xi32> -> vector<16xf32>
    %add3A_198 = arith.addf %scan3A_189, %gather3A_197 : vector<16xf32>
    %xor3A_199 = arith.constant 4 : i32
    %xor3A_200 = vector.broadcast %xor3A_199 : i32 to vector<16xi32>
    %xor3A_201 = arith.xori %iota3A_191, %xor3A_200 : vector<16xi32>
    %broadcast_in_dim3A_202 = vector.shape_cast %xor3A_201 : vector<16xi32> to vector<16x1xi32>
    %gather3A_203 = vector.shape_cast %broadcast_in_dim3A_202 : vector<16x1xi32> to vector<16xi32>
    %gather3A_204 = tpu.dynamic_gather %add3A_198[%gather3A_203] in [0] : vector<16xf32>, vector<16xi32> -> vector<16xf32>
    %add3A_205 = arith.addf %add3A_198, %gather3A_204 : vector<16xf32>
    %xor3A_206 = arith.constant 2 : i32
    %xor3A_207 = vector.broadcast %xor3A_206 : i32 to vector<16xi32>
    %xor3A_208 = arith.xori %iota3A_191, %xor3A_207 : vector<16xi32>
    %broadcast_in_dim3A_209 = vector.shape_cast %xor3A_208 : vector<16xi32> to vector<16x1xi32>
    %gather3A_210 = vector.shape_cast %broadcast_in_dim3A_209 : vector<16x1xi32> to vector<16xi32>
    %gather3A_211 = tpu.dynamic_gather %add3A_205[%gather3A_210] in [0] : vector<16xf32>, vector<16xi32> -> vector<16xf32>
    %add3A_212 = arith.addf %add3A_205, %gather3A_211 : vector<16xf32>
    %xor3A_213 = arith.constant 1 : i32
    %xor3A_214 = vector.broadcast %xor3A_213 : i32 to vector<16xi32>
    %xor3A_215 = arith.xori %iota3A_191, %xor3A_214 : vector<16xi32>
    %broadcast_in_dim3A_216 = vector.shape_cast %xor3A_215 : vector<16xi32> to vector<16x1xi32>
    %gather3A_217 = vector.shape_cast %broadcast_in_dim3A_216 : vector<16x1xi32> to vector<16xi32>
    %gather3A_218 = tpu.dynamic_gather %add3A_212[%gather3A_217] in [0] : vector<16xf32>, vector<16xi32> -> vector<16xf32>
    %add3A_219 = arith.addf %add3A_212, %gather3A_218 : vector<16xf32>
    %div3A = arith.constant 3.200000e+01 : f32
    %div3A_220 = vector.broadcast %div3A : f32 to vector<16xf32>
    %div3A_221 = arith.divf %div3A_220, %add3A_219 : vector<16xf32>
    %scan3A_222 = arith.constant 0 : i32
    %scan3A_223 = arith.constant 0 : i32
    %scan3A_224 = arith.constant 16 : i32
    %scan3A_225 = arith.addi %scan3A_223, %scan3A_224 : i32
    %scan3A_226 = arith.constant 1 : i32
    %scan3A_227 = scf.for %scan3A_465 = %scan3A_223 to %scan3A_225 step %scan3A_226 iter_args(%scan3A_466 = %scan3A_222) -> (i32)  : i32 {
      %mul3A_467 = arith.constant 4 : i32
      %mul3A_468 = arith.muli %scan3A_465, %mul3A_467 : i32
      %add3A_469 = arith.constant 0 : i32
      %add3A_470 = arith.addi %mul3A_468, %add3A_469 : i32
      %mul3A_471 = arith.constant 16 : i32
      %mul3A_472 = arith.muli %add3A_470, %mul3A_471 : i32
      %multiple_of3A = tpu.assume_multiple %mul3A_472, 16 : i32
      %get3A = arith.index_cast %multiple_of3A : i32 to index
      %get3A_473 = tpu.vector_load %arg8[%get3A] {strides = array<i32>} : memref<1024xf32, #tpu.memory_space<vmem>>, vector<16xf32>,
      %get3A_474 = vector.shape_cast %get3A_473 : vector<16xf32> to vector<16xf32>
      %mul3A_475 = arith.mulf %get3A_474, %div3A_221 : vector<16xf32>
      %min3A = arith.constant 1.000000e+00 : f32
      %min3A_476 = vector.broadcast %min3A : f32 to vector<16xf32>
      %min3A_477 = arith.minimumf %mul3A_475, %min3A_476 : vector<16xf32>
      %get3A_478 = arith.index_cast %multiple_of3A : i32 to index
      %get3A_479 = tpu.vector_load %arg10[%get3A_478] {strides = array<i32>} : memref<1024xi32, #tpu.memory_space<vmem>>, vector<16xi32>,
      %get3A_480 = vector.shape_cast %get3A_479 : vector<16xi32> to vector<16xi32>
      %ge3A_481 = arith.cmpi sge, %get3A_480, %scan3A_181 : vector<16xi32>
      %jit3A_482 = arith.constant 0.000000e+00 : f32
      %broadcast_in_dim3A_483 = vector.broadcast %jit3A_482 : f32 to vector<16xf32>
      %select_n3A_484 = arith.select %ge3A_481, %min3A_477, %broadcast_in_dim3A_483 : vector<16xi1>, vector<16xf32>
      %swap3A = arith.index_cast %multiple_of3A : i32 to index
      %swap3A_485 = tpu.vector_load %arg8[%swap3A] {strides = array<i32>} : memref<1024xf32, #tpu.memory_space<vmem>>, vector<16xf32>,
      %swap3A_486 = vector.shape_cast %swap3A_485 : vector<16xf32> to vector<16xf32>
      %swap3A_487 = vector.shape_cast %select_n3A_484 : vector<16xf32> to vector<16xf32>
      tpu.vector_store %arg8[%swap3A], %swap3A_487 {strides = array<i32>} : memref<1024xf32, #tpu.memory_space<vmem>>, vector<16xf32>,
      %mul3A_488 = arith.constant 4 : i32
      %mul3A_489 = arith.muli %scan3A_465, %mul3A_488 : i32
      %add3A_490 = arith.constant 1 : i32
      %add3A_491 = arith.addi %mul3A_489, %add3A_490 : i32
      %mul3A_492 = arith.constant 16 : i32
      %mul3A_493 = arith.muli %add3A_491, %mul3A_492 : i32
      %multiple_of3A_494 = tpu.assume_multiple %mul3A_493, 16 : i32
      %get3A_495 = arith.index_cast %multiple_of3A_494 : i32 to index
      %get3A_496 = tpu.vector_load %arg8[%get3A_495] {strides = array<i32>} : memref<1024xf32, #tpu.memory_space<vmem>>, vector<16xf32>,
      %get3A_497 = vector.shape_cast %get3A_496 : vector<16xf32> to vector<16xf32>
      %mul3A_498 = arith.mulf %get3A_497, %div3A_221 : vector<16xf32>
      %min3A_499 = arith.constant 1.000000e+00 : f32
      %min3A_500 = vector.broadcast %min3A_499 : f32 to vector<16xf32>
      %min3A_501 = arith.minimumf %mul3A_498, %min3A_500 : vector<16xf32>
      %get3A_502 = arith.index_cast %multiple_of3A_494 : i32 to index
      %get3A_503 = tpu.vector_load %arg10[%get3A_502] {strides = array<i32>} : memref<1024xi32, #tpu.memory_space<vmem>>, vector<16xi32>,
      %get3A_504 = vector.shape_cast %get3A_503 : vector<16xi32> to vector<16xi32>
      %ge3A_505 = arith.cmpi sge, %get3A_504, %scan3A_181 : vector<16xi32>
      %jit3A_506 = arith.constant 0.000000e+00 : f32
      %broadcast_in_dim3A_507 = vector.broadcast %jit3A_506 : f32 to vector<16xf32>
      %select_n3A_508 = arith.select %ge3A_505, %min3A_501, %broadcast_in_dim3A_507 : vector<16xi1>, vector<16xf32>
      %swap3A_509 = arith.index_cast %multiple_of3A_494 : i32 to index
      %swap3A_510 = tpu.vector_load %arg8[%swap3A_509] {strides = array<i32>} : memref<1024xf32, #tpu.memory_space<vmem>>, vector<16xf32>,
      %swap3A_511 = vector.shape_cast %swap3A_510 : vector<16xf32> to vector<16xf32>
      %swap3A_512 = vector.shape_cast %select_n3A_508 : vector<16xf32> to vector<16xf32>
      tpu.vector_store %arg8[%swap3A_509], %swap3A_512 {strides = array<i32>} : memref<1024xf32, #tpu.memory_space<vmem>>, vector<16xf32>,
      %mul3A_513 = arith.constant 4 : i32
      %mul3A_514 = arith.muli %scan3A_465, %mul3A_513 : i32
      %add3A_515 = arith.constant 2 : i32
      %add3A_516 = arith.addi %mul3A_514, %add3A_515 : i32
      %mul3A_517 = arith.constant 16 : i32
      %mul3A_518 = arith.muli %add3A_516, %mul3A_517 : i32
      %multiple_of3A_519 = tpu.assume_multiple %mul3A_518, 16 : i32
      %get3A_520 = arith.index_cast %multiple_of3A_519 : i32 to index
      %get3A_521 = tpu.vector_load %arg8[%get3A_520] {strides = array<i32>} : memref<1024xf32, #tpu.memory_space<vmem>>, vector<16xf32>,
      %get3A_522 = vector.shape_cast %get3A_521 : vector<16xf32> to vector<16xf32>
      %mul3A_523 = arith.mulf %get3A_522, %div3A_221 : vector<16xf32>
      %min3A_524 = arith.constant 1.000000e+00 : f32
      %min3A_525 = vector.broadcast %min3A_524 : f32 to vector<16xf32>
      %min3A_526 = arith.minimumf %mul3A_523, %min3A_525 : vector<16xf32>
      %get3A_527 = arith.index_cast %multiple_of3A_519 : i32 to index
      %get3A_528 = tpu.vector_load %arg10[%get3A_527] {strides = array<i32>} : memref<1024xi32, #tpu.memory_space<vmem>>, vector<16xi32>,
      %get3A_529 = vector.shape_cast %get3A_528 : vector<16xi32> to vector<16xi32>
      %ge3A_530 = arith.cmpi sge, %get3A_529, %scan3A_181 : vector<16xi32>
      %jit3A_531 = arith.constant 0.000000e+00 : f32
      %broadcast_in_dim3A_532 = vector.broadcast %jit3A_531 : f32 to vector<16xf32>
      %select_n3A_533 = arith.select %ge3A_530, %min3A_526, %broadcast_in_dim3A_532 : vector<16xi1>, vector<16xf32>
      %swap3A_534 = arith.index_cast %multiple_of3A_519 : i32 to index
      %swap3A_535 = tpu.vector_load %arg8[%swap3A_534] {strides = array<i32>} : memref<1024xf32, #tpu.memory_space<vmem>>, vector<16xf32>,
      %swap3A_536 = vector.shape_cast %swap3A_535 : vector<16xf32> to vector<16xf32>
      %swap3A_537 = vector.shape_cast %select_n3A_533 : vector<16xf32> to vector<16xf32>
      tpu.vector_store %arg8[%swap3A_534], %swap3A_537 {strides = array<i32>} : memref<1024xf32, #tpu.memory_space<vmem>>, vector<16xf32>,
      %mul3A_538 = arith.constant 4 : i32
      %mul3A_539 = arith.muli %scan3A_465, %mul3A_538 : i32
      %add3A_540 = arith.constant 3 : i32
      %add3A_541 = arith.addi %mul3A_539, %add3A_540 : i32
      %mul3A_542 = arith.constant 16 : i32
      %mul3A_543 = arith.muli %add3A_541, %mul3A_542 : i32
      %multiple_of3A_544 = tpu.assume_multiple %mul3A_543, 16 : i32
      %get3A_545 = arith.index_cast %multiple_of3A_544 : i32 to index
      %get3A_546 = tpu.vector_load %arg8[%get3A_545] {strides = array<i32>} : memref<1024xf32, #tpu.memory_space<vmem>>, vector<16xf32>,
      %get3A_547 = vector.shape_cast %get3A_546 : vector<16xf32> to vector<16xf32>
      %mul3A_548 = arith.mulf %get3A_547, %div3A_221 : vector<16xf32>
      %min3A_549 = arith.constant 1.000000e+00 : f32
      %min3A_550 = vector.broadcast %min3A_549 : f32 to vector<16xf32>
      %min3A_551 = arith.minimumf %mul3A_548, %min3A_550 : vector<16xf32>
      %get3A_552 = arith.index_cast %multiple_of3A_544 : i32 to index
      %get3A_553 = tpu.vector_load %arg10[%get3A_552] {strides = array<i32>} : memref<1024xi32, #tpu.memory_space<vmem>>, vector<16xi32>,
      %get3A_554 = vector.shape_cast %get3A_553 : vector<16xi32> to vector<16xi32>
      %ge3A_555 = arith.cmpi sge, %get3A_554, %scan3A_181 : vector<16xi32>
      %jit3A_556 = arith.constant 0.000000e+00 : f32
      %broadcast_in_dim3A_557 = vector.broadcast %jit3A_556 : f32 to vector<16xf32>
      %select_n3A_558 = arith.select %ge3A_555, %min3A_551, %broadcast_in_dim3A_557 : vector<16xi1>, vector<16xf32>
      %swap3A_559 = arith.index_cast %multiple_of3A_544 : i32 to index
      %swap3A_560 = tpu.vector_load %arg8[%swap3A_559] {strides = array<i32>} : memref<1024xf32, #tpu.memory_space<vmem>>, vector<16xf32>,
      %swap3A_561 = vector.shape_cast %swap3A_560 : vector<16xf32> to vector<16xf32>
      %swap3A_562 = vector.shape_cast %select_n3A_558 : vector<16xf32> to vector<16xf32>
      tpu.vector_store %arg8[%swap3A_559], %swap3A_562 {strides = array<i32>} : memref<1024xf32, #tpu.memory_space<vmem>>, vector<16xf32>,
      %scan3A_563 = arith.constant 0 : i32
      scf.yield %scan3A_563 : i32
    }
    %scan3A_228 = arith.constant 16 : i32
    %mul3A_229 = arith.constant 1024 : i32
    %mul3A_230 = arith.muli %add3A_27, %mul3A_229 : i32
    %add3A_231 = arith.constant 131072 : i32
    %add3A_232 = arith.addi %add3A_231, %mul3A_230 : i32
    %dma_start3A_233 = tpu.memref_slice %arg4[%add3A_232] : memref<196608xf32, #tpu.memory_space<hbm>> -> memref<1024xf32, #tpu.memory_space<hbm>>
    %dma_start3A_234 = tpu.memref_slice %arg4[%add3A_232] : memref<196608xf32, #tpu.memory_space<hbm>> -> memref<1024xf32, #tpu.memory_space<hbm>>
    tpu.enqueue_dma source(%arg8 : memref<1024xf32, #tpu.memory_space<vmem>>) target(%dma_start3A_234 : memref<1024xf32, #tpu.memory_space<hbm>>) target_semaphore(%arg15 : memref<!tpu.dma_semaphore, #tpu.memory_space<semaphore_mem>>)
    %mul3A_235 = arith.constant 2 : i32
    %mul3A_236 = arith.muli %add3A, %mul3A_235 : i32
    %add3A_237 = arith.constant 1 : i32
    %add3A_238 = arith.addi %mul3A_236, %add3A_237 : i32
    %dma_wait3A_239 = tpu.memref_slice %arg3[%mul3A_17] : memref<131072xf32, #tpu.memory_space<hbm>> -> memref<2048xf32, #tpu.memory_space<hbm>>
    %dma_wait3A_240 = tpu.memref_slice %arg3[%mul3A_17] : memref<131072xf32, #tpu.memory_space<hbm>> -> memref<2048xf32, #tpu.memory_space<hbm>>
    tpu.wait_dma2 semaphore(%arg12 : memref<!tpu.dma_semaphore, #tpu.memory_space<semaphore_mem>>) src(%dma_wait3A_240 : memref<2048xf32, #tpu.memory_space<hbm>>) dst(%arg6 : memref<2048xf32, #tpu.memory_space<vmem>>)
    %scan3A_241 = arith.constant 0 : i32
    %scan3A_242 = arith.constant 0 : i32
    %scan3A_243 = arith.constant 32 : i32
    %scan3A_244 = arith.addi %scan3A_242, %scan3A_243 : i32
    %scan3A_245 = arith.constant 1 : i32
    %scan3A_246 = scf.for %scan3A_465 = %scan3A_242 to %scan3A_244 step %scan3A_245 iter_args(%scan3A_466 = %scan3A_241) -> (i32)  : i32 {
      %mul3A_467 = arith.constant 4 : i32
      %mul3A_468 = arith.muli %scan3A_465, %mul3A_467 : i32
      %add3A_469 = arith.constant 0 : i32
      %add3A_470 = arith.addi %mul3A_468, %add3A_469 : i32
      %mul3A_471 = arith.constant 16 : i32
      %mul3A_472 = arith.muli %add3A_470, %mul3A_471 : i32
      %multiple_of3A = tpu.assume_multiple %mul3A_472, 16 : i32
      %get3A = arith.index_cast %multiple_of3A : i32 to index
      %get3A_473 = tpu.vector_load %arg6[%get3A] {strides = array<i32>} : memref<2048xf32, #tpu.memory_space<vmem>>, vector<16xf32>,
      %get3A_474 = vector.shape_cast %get3A_473 : vector<16xf32> to vector<16xf32>
      %bitcast_convert_type3A = tpu.bitcast %get3A_474 : vector<16xf32> -> vector<16xi32>
      %ge3A_475 = arith.constant 0 : i32
      %ge3A_476 = vector.broadcast %ge3A_475 : i32 to vector<16xi32>
      %ge3A_477 = arith.cmpi sge, %bitcast_convert_type3A, %ge3A_476 : vector<16xi32>
      %xor3A_478 = arith.constant 2147483647 : i32
      %xor3A_479 = vector.broadcast %xor3A_478 : i32 to vector<16xi32>
      %xor3A_480 = arith.xori %bitcast_convert_type3A, %xor3A_479 : vector<16xi32>
      %select_n3A_481 = arith.select %ge3A_477, %bitcast_convert_type3A, %xor3A_480 : vector<16xi1>, vector<16xi32>
      %not3A = arith.constant dense<-1> : vector<16xi32>
      %not3A_482 = arith.xori %select_n3A_481, %not3A : vector<16xi32>
      %swap3A = arith.index_cast %multiple_of3A : i32 to index
      %swap3A_483 = tpu.vector_load %arg7[%swap3A] {strides = array<i32>} : memref<2048xi32, #tpu.memory_space<vmem>>, vector<16xi32>,
      %swap3A_484 = vector.shape_cast %swap3A_483 : vector<16xi32> to vector<16xi32>
      %swap3A_485 = vector.shape_cast %not3A_482 : vector<16xi32> to vector<16xi32>
      tpu.vector_store %arg7[%swap3A], %swap3A_485 {strides = array<i32>} : memref<2048xi32, #tpu.memory_space<vmem>>, vector<16xi32>,
      %mul3A_486 = arith.constant 4 : i32
      %mul3A_487 = arith.muli %scan3A_465, %mul3A_486 : i32
      %add3A_488 = arith.constant 1 : i32
      %add3A_489 = arith.addi %mul3A_487, %add3A_488 : i32
      %mul3A_490 = arith.constant 16 : i32
      %mul3A_491 = arith.muli %add3A_489, %mul3A_490 : i32
      %multiple_of3A_492 = tpu.assume_multiple %mul3A_491, 16 : i32
      %get3A_493 = arith.index_cast %multiple_of3A_492 : i32 to index
      %get3A_494 = tpu.vector_load %arg6[%get3A_493] {strides = array<i32>} : memref<2048xf32, #tpu.memory_space<vmem>>, vector<16xf32>,
      %get3A_495 = vector.shape_cast %get3A_494 : vector<16xf32> to vector<16xf32>
      %bitcast_convert_type3A_496 = tpu.bitcast %get3A_495 : vector<16xf32> -> vector<16xi32>
      %ge3A_497 = arith.constant 0 : i32
      %ge3A_498 = vector.broadcast %ge3A_497 : i32 to vector<16xi32>
      %ge3A_499 = arith.cmpi sge, %bitcast_convert_type3A_496, %ge3A_498 : vector<16xi32>
      %xor3A_500 = arith.constant 2147483647 : i32
      %xor3A_501 = vector.broadcast %xor3A_500 : i32 to vector<16xi32>
      %xor3A_502 = arith.xori %bitcast_convert_type3A_496, %xor3A_501 : vector<16xi32>
      %select_n3A_503 = arith.select %ge3A_499, %bitcast_convert_type3A_496, %xor3A_502 : vector<16xi1>, vector<16xi32>
      %not3A_504 = arith.constant dense<-1> : vector<16xi32>
      %not3A_505 = arith.xori %select_n3A_503, %not3A_504 : vector<16xi32>
      %swap3A_506 = arith.index_cast %multiple_of3A_492 : i32 to index
      %swap3A_507 = tpu.vector_load %arg7[%swap3A_506] {strides = array<i32>} : memref<2048xi32, #tpu.memory_space<vmem>>, vector<16xi32>,
      %swap3A_508 = vector.shape_cast %swap3A_507 : vector<16xi32> to vector<16xi32>
      %swap3A_509 = vector.shape_cast %not3A_505 : vector<16xi32> to vector<16xi32>
      tpu.vector_store %arg7[%swap3A_506], %swap3A_509 {strides = array<i32>} : memref<2048xi32, #tpu.memory_space<vmem>>, vector<16xi32>,
      %mul3A_510 = arith.constant 4 : i32
      %mul3A_511 = arith.muli %scan3A_465, %mul3A_510 : i32
      %add3A_512 = arith.constant 2 : i32
      %add3A_513 = arith.addi %mul3A_511, %add3A_512 : i32
      %mul3A_514 = arith.constant 16 : i32
      %mul3A_515 = arith.muli %add3A_513, %mul3A_514 : i32
      %multiple_of3A_516 = tpu.assume_multiple %mul3A_515, 16 : i32
      %get3A_517 = arith.index_cast %multiple_of3A_516 : i32 to index
      %get3A_518 = tpu.vector_load %arg6[%get3A_517] {strides = array<i32>} : memref<2048xf32, #tpu.memory_space<vmem>>, vector<16xf32>,
      %get3A_519 = vector.shape_cast %get3A_518 : vector<16xf32> to vector<16xf32>
      %bitcast_convert_type3A_520 = tpu.bitcast %get3A_519 : vector<16xf32> -> vector<16xi32>
      %ge3A_521 = arith.constant 0 : i32
      %ge3A_522 = vector.broadcast %ge3A_521 : i32 to vector<16xi32>
      %ge3A_523 = arith.cmpi sge, %bitcast_convert_type3A_520, %ge3A_522 : vector<16xi32>
      %xor3A_524 = arith.constant 2147483647 : i32
      %xor3A_525 = vector.broadcast %xor3A_524 : i32 to vector<16xi32>
      %xor3A_526 = arith.xori %bitcast_convert_type3A_520, %xor3A_525 : vector<16xi32>
      %select_n3A_527 = arith.select %ge3A_523, %bitcast_convert_type3A_520, %xor3A_526 : vector<16xi1>, vector<16xi32>
      %not3A_528 = arith.constant dense<-1> : vector<16xi32>
      %not3A_529 = arith.xori %select_n3A_527, %not3A_528 : vector<16xi32>
      %swap3A_530 = arith.index_cast %multiple_of3A_516 : i32 to index
      %swap3A_531 = tpu.vector_load %arg7[%swap3A_530] {strides = array<i32>} : memref<2048xi32, #tpu.memory_space<vmem>>, vector<16xi32>,
      %swap3A_532 = vector.shape_cast %swap3A_531 : vector<16xi32> to vector<16xi32>
      %swap3A_533 = vector.shape_cast %not3A_529 : vector<16xi32> to vector<16xi32>
      tpu.vector_store %arg7[%swap3A_530], %swap3A_533 {strides = array<i32>} : memref<2048xi32, #tpu.memory_space<vmem>>, vector<16xi32>,
      %mul3A_534 = arith.constant 4 : i32
      %mul3A_535 = arith.muli %scan3A_465, %mul3A_534 : i32
      %add3A_536 = arith.constant 3 : i32
      %add3A_537 = arith.addi %mul3A_535, %add3A_536 : i32
      %mul3A_538 = arith.constant 16 : i32
      %mul3A_539 = arith.muli %add3A_537, %mul3A_538 : i32
      %multiple_of3A_540 = tpu.assume_multiple %mul3A_539, 16 : i32
      %get3A_541 = arith.index_cast %multiple_of3A_540 : i32 to index
      %get3A_542 = tpu.vector_load %arg6[%get3A_541] {strides = array<i32>} : memref<2048xf32, #tpu.memory_space<vmem>>, vector<16xf32>,
      %get3A_543 = vector.shape_cast %get3A_542 : vector<16xf32> to vector<16xf32>
      %bitcast_convert_type3A_544 = tpu.bitcast %get3A_543 : vector<16xf32> -> vector<16xi32>
      %ge3A_545 = arith.constant 0 : i32
      %ge3A_546 = vector.broadcast %ge3A_545 : i32 to vector<16xi32>
      %ge3A_547 = arith.cmpi sge, %bitcast_convert_type3A_544, %ge3A_546 : vector<16xi32>
      %xor3A_548 = arith.constant 2147483647 : i32
      %xor3A_549 = vector.broadcast %xor3A_548 : i32 to vector<16xi32>
      %xor3A_550 = arith.xori %bitcast_convert_type3A_544, %xor3A_549 : vector<16xi32>
      %select_n3A_551 = arith.select %ge3A_547, %bitcast_convert_type3A_544, %xor3A_550 : vector<16xi1>, vector<16xi32>
      %not3A_552 = arith.constant dense<-1> : vector<16xi32>
      %not3A_553 = arith.xori %select_n3A_551, %not3A_552 : vector<16xi32>
      %swap3A_554 = arith.index_cast %multiple_of3A_540 : i32 to index
      %swap3A_555 = tpu.vector_load %arg7[%swap3A_554] {strides = array<i32>} : memref<2048xi32, #tpu.memory_space<vmem>>, vector<16xi32>,
      %swap3A_556 = vector.shape_cast %swap3A_555 : vector<16xi32> to vector<16xi32>
      %swap3A_557 = vector.shape_cast %not3A_553 : vector<16xi32> to vector<16xi32>
      tpu.vector_store %arg7[%swap3A_554], %swap3A_557 {strides = array<i32>} : memref<2048xi32, #tpu.memory_space<vmem>>, vector<16xi32>,
      %scan3A_558 = arith.constant 0 : i32
      scf.yield %scan3A_558 : i32
    }
    %scan3A_247 = arith.constant 32 : i32
    %broadcast_in_dim3A_248 = arith.constant 0 : i32
    %broadcast_in_dim3A_249 = vector.broadcast %broadcast_in_dim3A_248 : i32 to vector<16xi32>
    %broadcast_in_dim3A_250 = arith.constant 0 : i32
    %broadcast_in_dim3A_251 = vector.broadcast %broadcast_in_dim3A_250 : i32 to vector<16xi32>
    %scan3A_252 = arith.constant 0 : i32
    %scan3A_253 = arith.constant 8 : i32
    %scan3A_254 = arith.addi %scan3A_252, %scan3A_253 : i32
    %scan3A_255 = arith.constant 1 : i32
    %scan3A_256 = scf.for %scan3A_465 = %scan3A_252 to %scan3A_254 step %scan3A_255 iter_args(%scan3A_466 = %broadcast_in_dim3A_251) -> (vector<16xi32>)  : i32 {
      %mul3A_467 = arith.constant 16 : i32
      %mul3A_468 = arith.muli %scan3A_465, %mul3A_467 : i32
      %add3A_469 = arith.constant 0 : i32
      %add3A_470 = arith.addi %mul3A_468, %add3A_469 : i32
      %mul3A_471 = arith.constant 16 : i32
      %mul3A_472 = arith.muli %add3A_470, %mul3A_471 : i32
      %multiple_of3A = tpu.assume_multiple %mul3A_472, 16 : i32
      %get3A = arith.index_cast %multiple_of3A : i32 to index
      %get3A_473 = tpu.vector_load %arg7[%get3A] {strides = array<i32>} : memref<2048xi32, #tpu.memory_space<vmem>>, vector<16xi32>,
      %get3A_474 = vector.shape_cast %get3A_473 : vector<16xi32> to vector<16xi32>
      %ge3A_475 = arith.cmpi sge, %get3A_474, %broadcast_in_dim3A_249 : vector<16xi32>
      %jit3A_476 = arith.constant 1 : i32
      %jit3A_477 = arith.constant 0 : i32
      %broadcast_in_dim3A_478 = vector.broadcast %jit3A_476 : i32 to vector<16xi32>
      %broadcast_in_dim3A_479 = vector.broadcast %jit3A_477 : i32 to vector<16xi32>
      %select_n3A_480 = arith.select %ge3A_475, %broadcast_in_dim3A_478, %broadcast_in_dim3A_479 : vector<16xi1>, vector<16xi32>
      %add3A_481 = arith.addi %scan3A_466, %select_n3A_480 : vector<16xi32>
      %mul3A_482 = arith.constant 16 : i32
      %mul3A_483 = arith.muli %scan3A_465, %mul3A_482 : i32
      %add3A_484 = arith.constant 1 : i32
      %add3A_485 = arith.addi %mul3A_483, %add3A_484 : i32
      %mul3A_486 = arith.constant 16 : i32
      %mul3A_487 = arith.muli %add3A_485, %mul3A_486 : i32
      %multiple_of3A_488 = tpu.assume_multiple %mul3A_487, 16 : i32
      %get3A_489 = arith.index_cast %multiple_of3A_488 : i32 to index
      %get3A_490 = tpu.vector_load %arg7[%get3A_489] {strides = array<i32>} : memref<2048xi32, #tpu.memory_space<vmem>>, vector<16xi32>,
      %get3A_491 = vector.shape_cast %get3A_490 : vector<16xi32> to vector<16xi32>
      %ge3A_492 = arith.cmpi sge, %get3A_491, %broadcast_in_dim3A_249 : vector<16xi32>
      %jit3A_493 = arith.constant 1 : i32
      %jit3A_494 = arith.constant 0 : i32
      %broadcast_in_dim3A_495 = vector.broadcast %jit3A_493 : i32 to vector<16xi32>
      %broadcast_in_dim3A_496 = vector.broadcast %jit3A_494 : i32 to vector<16xi32>
      %select_n3A_497 = arith.select %ge3A_492, %broadcast_in_dim3A_495, %broadcast_in_dim3A_496 : vector<16xi1>, vector<16xi32>
      %add3A_498 = arith.addi %add3A_481, %select_n3A_497 : vector<16xi32>
      %mul3A_499 = arith.constant 16 : i32
      %mul3A_500 = arith.muli %scan3A_465, %mul3A_499 : i32
      %add3A_501 = arith.constant 2 : i32
      %add3A_502 = arith.addi %mul3A_500, %add3A_501 : i32
      %mul3A_503 = arith.constant 16 : i32
      %mul3A_504 = arith.muli %add3A_502, %mul3A_503 : i32
      %multiple_of3A_505 = tpu.assume_multiple %mul3A_504, 16 : i32
      %get3A_506 = arith.index_cast %multiple_of3A_505 : i32 to index
      %get3A_507 = tpu.vector_load %arg7[%get3A_506] {strides = array<i32>} : memref<2048xi32, #tpu.memory_space<vmem>>, vector<16xi32>,
      %get3A_508 = vector.shape_cast %get3A_507 : vector<16xi32> to vector<16xi32>
      %ge3A_509 = arith.cmpi sge, %get3A_508, %broadcast_in_dim3A_249 : vector<16xi32>
      %jit3A_510 = arith.constant 1 : i32
      %jit3A_511 = arith.constant 0 : i32
      %broadcast_in_dim3A_512 = vector.broadcast %jit3A_510 : i32 to vector<16xi32>
      %broadcast_in_dim3A_513 = vector.broadcast %jit3A_511 : i32 to vector<16xi32>
      %select_n3A_514 = arith.select %ge3A_509, %broadcast_in_dim3A_512, %broadcast_in_dim3A_513 : vector<16xi1>, vector<16xi32>
      %add3A_515 = arith.addi %add3A_498, %select_n3A_514 : vector<16xi32>
      %mul3A_516 = arith.constant 16 : i32
      %mul3A_517 = arith.muli %scan3A_465, %mul3A_516 : i32
      %add3A_518 = arith.constant 3 : i32
      %add3A_519 = arith.addi %mul3A_517, %add3A_518 : i32
      %mul3A_520 = arith.constant 16 : i32
      %mul3A_521 = arith.muli %add3A_519, %mul3A_520 : i32
      %multiple_of3A_522 = tpu.assume_multiple %mul3A_521, 16 : i32
      %get3A_523 = arith.index_cast %multiple_of3A_522 : i32 to index
      %get3A_524 = tpu.vector_load %arg7[%get3A_523] {strides = array<i32>} : memref<2048xi32, #tpu.memory_space<vmem>>, vector<16xi32>,
      %get3A_525 = vector.shape_cast %get3A_524 : vector<16xi32> to vector<16xi32>
      %ge3A_526 = arith.cmpi sge, %get3A_525, %broadcast_in_dim3A_249 : vector<16xi32>
      %jit3A_527 = arith.constant 1 : i32
      %jit3A_528 = arith.constant 0 : i32
      %broadcast_in_dim3A_529 = vector.broadcast %jit3A_527 : i32 to vector<16xi32>
      %broadcast_in_dim3A_530 = vector.broadcast %jit3A_528 : i32 to vector<16xi32>
      %select_n3A_531 = arith.select %ge3A_526, %broadcast_in_dim3A_529, %broadcast_in_dim3A_530 : vector<16xi1>, vector<16xi32>
      %add3A_532 = arith.addi %add3A_515, %select_n3A_531 : vector<16xi32>
      %mul3A_533 = arith.constant 16 : i32
      %mul3A_534 = arith.muli %scan3A_465, %mul3A_533 : i32
      %add3A_535 = arith.constant 4 : i32
      %add3A_536 = arith.addi %mul3A_534, %add3A_535 : i32
      %mul3A_537 = arith.constant 16 : i32
      %mul3A_538 = arith.muli %add3A_536, %mul3A_537 : i32
      %multiple_of3A_539 = tpu.assume_multiple %mul3A_538, 16 : i32
      %get3A_540 = arith.index_cast %multiple_of3A_539 : i32 to index
      %get3A_541 = tpu.vector_load %arg7[%get3A_540] {strides = array<i32>} : memref<2048xi32, #tpu.memory_space<vmem>>, vector<16xi32>,
      %get3A_542 = vector.shape_cast %get3A_541 : vector<16xi32> to vector<16xi32>
      %ge3A_543 = arith.cmpi sge, %get3A_542, %broadcast_in_dim3A_249 : vector<16xi32>
      %jit3A_544 = arith.constant 1 : i32
      %jit3A_545 = arith.constant 0 : i32
      %broadcast_in_dim3A_546 = vector.broadcast %jit3A_544 : i32 to vector<16xi32>
      %broadcast_in_dim3A_547 = vector.broadcast %jit3A_545 : i32 to vector<16xi32>
      %select_n3A_548 = arith.select %ge3A_543, %broadcast_in_dim3A_546, %broadcast_in_dim3A_547 : vector<16xi1>, vector<16xi32>
      %add3A_549 = arith.addi %add3A_532, %select_n3A_548 : vector<16xi32>
      %mul3A_550 = arith.constant 16 : i32
      %mul3A_551 = arith.muli %scan3A_465, %mul3A_550 : i32
      %add3A_552 = arith.constant 5 : i32
      %add3A_553 = arith.addi %mul3A_551, %add3A_552 : i32
      %mul3A_554 = arith.constant 16 : i32
      %mul3A_555 = arith.muli %add3A_553, %mul3A_554 : i32
      %multiple_of3A_556 = tpu.assume_multiple %mul3A_555, 16 : i32
      %get3A_557 = arith.index_cast %multiple_of3A_556 : i32 to index
      %get3A_558 = tpu.vector_load %arg7[%get3A_557] {strides = array<i32>} : memref<2048xi32, #tpu.memory_space<vmem>>, vector<16xi32>,
      %get3A_559 = vector.shape_cast %get3A_558 : vector<16xi32> to vector<16xi32>
      %ge3A_560 = arith.cmpi sge, %get3A_559, %broadcast_in_dim3A_249 : vector<16xi32>
      %jit3A_561 = arith.constant 1 : i32
      %jit3A_562 = arith.constant 0 : i32
      %broadcast_in_dim3A_563 = vector.broadcast %jit3A_561 : i32 to vector<16xi32>
      %broadcast_in_dim3A_564 = vector.broadcast %jit3A_562 : i32 to vector<16xi32>
      %select_n3A_565 = arith.select %ge3A_560, %broadcast_in_dim3A_563, %broadcast_in_dim3A_564 : vector<16xi1>, vector<16xi32>
      %add3A_566 = arith.addi %add3A_549, %select_n3A_565 : vector<16xi32>
      %mul3A_567 = arith.constant 16 : i32
      %mul3A_568 = arith.muli %scan3A_465, %mul3A_567 : i32
      %add3A_569 = arith.constant 6 : i32
      %add3A_570 = arith.addi %mul3A_568, %add3A_569 : i32
      %mul3A_571 = arith.constant 16 : i32
      %mul3A_572 = arith.muli %add3A_570, %mul3A_571 : i32
      %multiple_of3A_573 = tpu.assume_multiple %mul3A_572, 16 : i32
      %get3A_574 = arith.index_cast %multiple_of3A_573 : i32 to index
      %get3A_575 = tpu.vector_load %arg7[%get3A_574] {strides = array<i32>} : memref<2048xi32, #tpu.memory_space<vmem>>, vector<16xi32>,
      %get3A_576 = vector.shape_cast %get3A_575 : vector<16xi32> to vector<16xi32>
      %ge3A_577 = arith.cmpi sge, %get3A_576, %broadcast_in_dim3A_249 : vector<16xi32>
      %jit3A_578 = arith.constant 1 : i32
      %jit3A_579 = arith.constant 0 : i32
      %broadcast_in_dim3A_580 = vector.broadcast %jit3A_578 : i32 to vector<16xi32>
      %broadcast_in_dim3A_581 = vector.broadcast %jit3A_579 : i32 to vector<16xi32>
      %select_n3A_582 = arith.select %ge3A_577, %broadcast_in_dim3A_580, %broadcast_in_dim3A_581 : vector<16xi1>, vector<16xi32>
      %add3A_583 = arith.addi %add3A_566, %select_n3A_582 : vector<16xi32>
      %mul3A_584 = arith.constant 16 : i32
      %mul3A_585 = arith.muli %scan3A_465, %mul3A_584 : i32
      %add3A_586 = arith.constant 7 : i32
      %add3A_587 = arith.addi %mul3A_585, %add3A_586 : i32
      %mul3A_588 = arith.constant 16 : i32
      %mul3A_589 = arith.muli %add3A_587, %mul3A_588 : i32
      %multiple_of3A_590 = tpu.assume_multiple %mul3A_589, 16 : i32
      %get3A_591 = arith.index_cast %multiple_of3A_590 : i32 to index
      %get3A_592 = tpu.vector_load %arg7[%get3A_591] {strides = array<i32>} : memref<2048xi32, #tpu.memory_space<vmem>>, vector<16xi32>,
      %get3A_593 = vector.shape_cast %get3A_592 : vector<16xi32> to vector<16xi32>
      %ge3A_594 = arith.cmpi sge, %get3A_593, %broadcast_in_dim3A_249 : vector<16xi32>
      %jit3A_595 = arith.constant 1 : i32
      %jit3A_596 = arith.constant 0 : i32
      %broadcast_in_dim3A_597 = vector.broadcast %jit3A_595 : i32 to vector<16xi32>
      %broadcast_in_dim3A_598 = vector.broadcast %jit3A_596 : i32 to vector<16xi32>
      %select_n3A_599 = arith.select %ge3A_594, %broadcast_in_dim3A_597, %broadcast_in_dim3A_598 : vector<16xi1>, vector<16xi32>
      %add3A_600 = arith.addi %add3A_583, %select_n3A_599 : vector<16xi32>
      %mul3A_601 = arith.constant 16 : i32
      %mul3A_602 = arith.muli %scan3A_465, %mul3A_601 : i32
      %add3A_603 = arith.constant 8 : i32
      %add3A_604 = arith.addi %mul3A_602, %add3A_603 : i32
      %mul3A_605 = arith.constant 16 : i32
      %mul3A_606 = arith.muli %add3A_604, %mul3A_605 : i32
      %multiple_of3A_607 = tpu.assume_multiple %mul3A_606, 16 : i32
      %get3A_608 = arith.index_cast %multiple_of3A_607 : i32 to index
      %get3A_609 = tpu.vector_load %arg7[%get3A_608] {strides = array<i32>} : memref<2048xi32, #tpu.memory_space<vmem>>, vector<16xi32>,
      %get3A_610 = vector.shape_cast %get3A_609 : vector<16xi32> to vector<16xi32>
      %ge3A_611 = arith.cmpi sge, %get3A_610, %broadcast_in_dim3A_249 : vector<16xi32>
      %jit3A_612 = arith.constant 1 : i32
      %jit3A_613 = arith.constant 0 : i32
      %broadcast_in_dim3A_614 = vector.broadcast %jit3A_612 : i32 to vector<16xi32>
      %broadcast_in_dim3A_615 = vector.broadcast %jit3A_613 : i32 to vector<16xi32>
      %select_n3A_616 = arith.select %ge3A_611, %broadcast_in_dim3A_614, %broadcast_in_dim3A_615 : vector<16xi1>, vector<16xi32>
      %add3A_617 = arith.addi %add3A_600, %select_n3A_616 : vector<16xi32>
      %mul3A_618 = arith.constant 16 : i32
      %mul3A_619 = arith.muli %scan3A_465, %mul3A_618 : i32
      %add3A_620 = arith.constant 9 : i32
      %add3A_621 = arith.addi %mul3A_619, %add3A_620 : i32
      %mul3A_622 = arith.constant 16 : i32
      %mul3A_623 = arith.muli %add3A_621, %mul3A_622 : i32
      %multiple_of3A_624 = tpu.assume_multiple %mul3A_623, 16 : i32
      %get3A_625 = arith.index_cast %multiple_of3A_624 : i32 to index
      %get3A_626 = tpu.vector_load %arg7[%get3A_625] {strides = array<i32>} : memref<2048xi32, #tpu.memory_space<vmem>>, vector<16xi32>,
      %get3A_627 = vector.shape_cast %get3A_626 : vector<16xi32> to vector<16xi32>
      %ge3A_628 = arith.cmpi sge, %get3A_627, %broadcast_in_dim3A_249 : vector<16xi32>
      %jit3A_629 = arith.constant 1 : i32
      %jit3A_630 = arith.constant 0 : i32
      %broadcast_in_dim3A_631 = vector.broadcast %jit3A_629 : i32 to vector<16xi32>
      %broadcast_in_dim3A_632 = vector.broadcast %jit3A_630 : i32 to vector<16xi32>
      %select_n3A_633 = arith.select %ge3A_628, %broadcast_in_dim3A_631, %broadcast_in_dim3A_632 : vector<16xi1>, vector<16xi32>
      %add3A_634 = arith.addi %add3A_617, %select_n3A_633 : vector<16xi32>
      %mul3A_635 = arith.constant 16 : i32
      %mul3A_636 = arith.muli %scan3A_465, %mul3A_635 : i32
      %add3A_637 = arith.constant 10 : i32
      %add3A_638 = arith.addi %mul3A_636, %add3A_637 : i32
      %mul3A_639 = arith.constant 16 : i32
      %mul3A_640 = arith.muli %add3A_638, %mul3A_639 : i32
      %multiple_of3A_641 = tpu.assume_multiple %mul3A_640, 16 : i32
      %get3A_642 = arith.index_cast %multiple_of3A_641 : i32 to index
      %get3A_643 = tpu.vector_load %arg7[%get3A_642] {strides = array<i32>} : memref<2048xi32, #tpu.memory_space<vmem>>, vector<16xi32>,
      %get3A_644 = vector.shape_cast %get3A_643 : vector<16xi32> to vector<16xi32>
      %ge3A_645 = arith.cmpi sge, %get3A_644, %broadcast_in_dim3A_249 : vector<16xi32>
      %jit3A_646 = arith.constant 1 : i32
      %jit3A_647 = arith.constant 0 : i32
      %broadcast_in_dim3A_648 = vector.broadcast %jit3A_646 : i32 to vector<16xi32>
      %broadcast_in_dim3A_649 = vector.broadcast %jit3A_647 : i32 to vector<16xi32>
      %select_n3A_650 = arith.select %ge3A_645, %broadcast_in_dim3A_648, %broadcast_in_dim3A_649 : vector<16xi1>, vector<16xi32>
      %add3A_651 = arith.addi %add3A_634, %select_n3A_650 : vector<16xi32>
      %mul3A_652 = arith.constant 16 : i32
      %mul3A_653 = arith.muli %scan3A_465, %mul3A_652 : i32
      %add3A_654 = arith.constant 11 : i32
      %add3A_655 = arith.addi %mul3A_653, %add3A_654 : i32
      %mul3A_656 = arith.constant 16 : i32
      %mul3A_657 = arith.muli %add3A_655, %mul3A_656 : i32
      %multiple_of3A_658 = tpu.assume_multiple %mul3A_657, 16 : i32
      %get3A_659 = arith.index_cast %multiple_of3A_658 : i32 to index
      %get3A_660 = tpu.vector_load %arg7[%get3A_659] {strides = array<i32>} : memref<2048xi32, #tpu.memory_space<vmem>>, vector<16xi32>,
      %get3A_661 = vector.shape_cast %get3A_660 : vector<16xi32> to vector<16xi32>
      %ge3A_662 = arith.cmpi sge, %get3A_661, %broadcast_in_dim3A_249 : vector<16xi32>
      %jit3A_663 = arith.constant 1 : i32
      %jit3A_664 = arith.constant 0 : i32
      %broadcast_in_dim3A_665 = vector.broadcast %jit3A_663 : i32 to vector<16xi32>
      %broadcast_in_dim3A_666 = vector.broadcast %jit3A_664 : i32 to vector<16xi32>
      %select_n3A_667 = arith.select %ge3A_662, %broadcast_in_dim3A_665, %broadcast_in_dim3A_666 : vector<16xi1>, vector<16xi32>
      %add3A_668 = arith.addi %add3A_651, %select_n3A_667 : vector<16xi32>
      %mul3A_669 = arith.constant 16 : i32
      %mul3A_670 = arith.muli %scan3A_465, %mul3A_669 : i32
      %add3A_671 = arith.constant 12 : i32
      %add3A_672 = arith.addi %mul3A_670, %add3A_671 : i32
      %mul3A_673 = arith.constant 16 : i32
      %mul3A_674 = arith.muli %add3A_672, %mul3A_673 : i32
      %multiple_of3A_675 = tpu.assume_multiple %mul3A_674, 16 : i32
      %get3A_676 = arith.index_cast %multiple_of3A_675 : i32 to index
      %get3A_677 = tpu.vector_load %arg7[%get3A_676] {strides = array<i32>} : memref<2048xi32, #tpu.memory_space<vmem>>, vector<16xi32>,
      %get3A_678 = vector.shape_cast %get3A_677 : vector<16xi32> to vector<16xi32>
      %ge3A_679 = arith.cmpi sge, %get3A_678, %broadcast_in_dim3A_249 : vector<16xi32>
      %jit3A_680 = arith.constant 1 : i32
      %jit3A_681 = arith.constant 0 : i32
      %broadcast_in_dim3A_682 = vector.broadcast %jit3A_680 : i32 to vector<16xi32>
      %broadcast_in_dim3A_683 = vector.broadcast %jit3A_681 : i32 to vector<16xi32>
      %select_n3A_684 = arith.select %ge3A_679, %broadcast_in_dim3A_682, %broadcast_in_dim3A_683 : vector<16xi1>, vector<16xi32>
      %add3A_685 = arith.addi %add3A_668, %select_n3A_684 : vector<16xi32>
      %mul3A_686 = arith.constant 16 : i32
      %mul3A_687 = arith.muli %scan3A_465, %mul3A_686 : i32
      %add3A_688 = arith.constant 13 : i32
      %add3A_689 = arith.addi %mul3A_687, %add3A_688 : i32
      %mul3A_690 = arith.constant 16 : i32
      %mul3A_691 = arith.muli %add3A_689, %mul3A_690 : i32
      %multiple_of3A_692 = tpu.assume_multiple %mul3A_691, 16 : i32
      %get3A_693 = arith.index_cast %multiple_of3A_692 : i32 to index
      %get3A_694 = tpu.vector_load %arg7[%get3A_693] {strides = array<i32>} : memref<2048xi32, #tpu.memory_space<vmem>>, vector<16xi32>,
      %get3A_695 = vector.shape_cast %get3A_694 : vector<16xi32> to vector<16xi32>
      %ge3A_696 = arith.cmpi sge, %get3A_695, %broadcast_in_dim3A_249 : vector<16xi32>
      %jit3A_697 = arith.constant 1 : i32
      %jit3A_698 = arith.constant 0 : i32
      %broadcast_in_dim3A_699 = vector.broadcast %jit3A_697 : i32 to vector<16xi32>
      %broadcast_in_dim3A_700 = vector.broadcast %jit3A_698 : i32 to vector<16xi32>
      %select_n3A_701 = arith.select %ge3A_696, %broadcast_in_dim3A_699, %broadcast_in_dim3A_700 : vector<16xi1>, vector<16xi32>
      %add3A_702 = arith.addi %add3A_685, %select_n3A_701 : vector<16xi32>
      %mul3A_703 = arith.constant 16 : i32
      %mul3A_704 = arith.muli %scan3A_465, %mul3A_703 : i32
      %add3A_705 = arith.constant 14 : i32
      %add3A_706 = arith.addi %mul3A_704, %add3A_705 : i32
      %mul3A_707 = arith.constant 16 : i32
      %mul3A_708 = arith.muli %add3A_706, %mul3A_707 : i32
      %multiple_of3A_709 = tpu.assume_multiple %mul3A_708, 16 : i32
      %get3A_710 = arith.index_cast %multiple_of3A_709 : i32 to index
      %get3A_711 = tpu.vector_load %arg7[%get3A_710] {strides = array<i32>} : memref<2048xi32, #tpu.memory_space<vmem>>, vector<16xi32>,
      %get3A_712 = vector.shape_cast %get3A_711 : vector<16xi32> to vector<16xi32>
      %ge3A_713 = arith.cmpi sge, %get3A_712, %broadcast_in_dim3A_249 : vector<16xi32>
      %jit3A_714 = arith.constant 1 : i32
      %jit3A_715 = arith.constant 0 : i32
      %broadcast_in_dim3A_716 = vector.broadcast %jit3A_714 : i32 to vector<16xi32>
      %broadcast_in_dim3A_717 = vector.broadcast %jit3A_715 : i32 to vector<16xi32>
      %select_n3A_718 = arith.select %ge3A_713, %broadcast_in_dim3A_716, %broadcast_in_dim3A_717 : vector<16xi1>, vector<16xi32>
      %add3A_719 = arith.addi %add3A_702, %select_n3A_718 : vector<16xi32>
      %mul3A_720 = arith.constant 16 : i32
      %mul3A_721 = arith.muli %scan3A_465, %mul3A_720 : i32
      %add3A_722 = arith.constant 15 : i32
      %add3A_723 = arith.addi %mul3A_721, %add3A_722 : i32
      %mul3A_724 = arith.constant 16 : i32
      %mul3A_725 = arith.muli %add3A_723, %mul3A_724 : i32
      %multiple_of3A_726 = tpu.assume_multiple %mul3A_725, 16 : i32
      %get3A_727 = arith.index_cast %multiple_of3A_726 : i32 to index
      %get3A_728 = tpu.vector_load %arg7[%get3A_727] {strides = array<i32>} : memref<2048xi32, #tpu.memory_space<vmem>>, vector<16xi32>,
      %get3A_729 = vector.shape_cast %get3A_728 : vector<16xi32> to vector<16xi32>
      %ge3A_730 = arith.cmpi sge, %get3A_729, %broadcast_in_dim3A_249 : vector<16xi32>
      %jit3A_731 = arith.constant 1 : i32
      %jit3A_732 = arith.constant 0 : i32
      %broadcast_in_dim3A_733 = vector.broadcast %jit3A_731 : i32 to vector<16xi32>
      %broadcast_in_dim3A_734 = vector.broadcast %jit3A_732 : i32 to vector<16xi32>
      %select_n3A_735 = arith.select %ge3A_730, %broadcast_in_dim3A_733, %broadcast_in_dim3A_734 : vector<16xi1>, vector<16xi32>
      %add3A_736 = arith.addi %add3A_719, %select_n3A_735 : vector<16xi32>
      scf.yield %add3A_736 : vector<16xi32>
    }
    %scan3A_257 = arith.constant 8 : i32
    %iota3A_258 = tpu.iota {dimensions = array<i32: 0>} : vector<16xi32>
    %xor3A_259 = arith.constant 8 : i32
    %xor3A_260 = vector.broadcast %xor3A_259 : i32 to vector<16xi32>
    %xor3A_261 = arith.xori %iota3A_258, %xor3A_260 : vector<16xi32>
    %broadcast_in_dim3A_262 = vector.shape_cast %xor3A_261 : vector<16xi32> to vector<16x1xi32>
    %gather3A_263 = vector.shape_cast %broadcast_in_dim3A_262 : vector<16x1xi32> to vector<16xi32>
    %gather3A_264 = tpu.dynamic_gather %scan3A_256[%gather3A_263] in [0] : vector<16xi32>, vector<16xi32> -> vector<16xi32>
    %add3A_265 = arith.addi %scan3A_256, %gather3A_264 : vector<16xi32>
    %xor3A_266 = arith.constant 4 : i32
    %xor3A_267 = vector.broadcast %xor3A_266 : i32 to vector<16xi32>
    %xor3A_268 = arith.xori %iota3A_258, %xor3A_267 : vector<16xi32>
    %broadcast_in_dim3A_269 = vector.shape_cast %xor3A_268 : vector<16xi32> to vector<16x1xi32>
    %gather3A_270 = vector.shape_cast %broadcast_in_dim3A_269 : vector<16x1xi32> to vector<16xi32>
    %gather3A_271 = tpu.dynamic_gather %add3A_265[%gather3A_270] in [0] : vector<16xi32>, vector<16xi32> -> vector<16xi32>
    %add3A_272 = arith.addi %add3A_265, %gather3A_271 : vector<16xi32>
    %xor3A_273 = arith.constant 2 : i32
    %xor3A_274 = vector.broadcast %xor3A_273 : i32 to vector<16xi32>
    %xor3A_275 = arith.xori %iota3A_258, %xor3A_274 : vector<16xi32>
    %broadcast_in_dim3A_276 = vector.shape_cast %xor3A_275 : vector<16xi32> to vector<16x1xi32>
    %gather3A_277 = vector.shape_cast %broadcast_in_dim3A_276 : vector<16x1xi32> to vector<16xi32>
    %gather3A_278 = tpu.dynamic_gather %add3A_272[%gather3A_277] in [0] : vector<16xi32>, vector<16xi32> -> vector<16xi32>
    %add3A_279 = arith.addi %add3A_272, %gather3A_278 : vector<16xi32>
    %xor3A_280 = arith.constant 1 : i32
    %xor3A_281 = vector.broadcast %xor3A_280 : i32 to vector<16xi32>
    %xor3A_282 = arith.xori %iota3A_258, %xor3A_281 : vector<16xi32>
    %broadcast_in_dim3A_283 = vector.shape_cast %xor3A_282 : vector<16xi32> to vector<16x1xi32>
    %gather3A_284 = vector.shape_cast %broadcast_in_dim3A_283 : vector<16x1xi32> to vector<16xi32>
    %gather3A_285 = tpu.dynamic_gather %add3A_279[%gather3A_284] in [0] : vector<16xi32>, vector<16xi32> -> vector<16xi32>
    %add3A_286 = arith.addi %add3A_279, %gather3A_285 : vector<16xi32>
    %ge3A_287 = arith.constant 32 : i32
    %ge3A_288 = vector.broadcast %ge3A_287 : i32 to vector<16xi32>
    %ge3A_289 = arith.cmpi sge, %add3A_286, %ge3A_288 : vector<16xi32>
    %jit3A_290 = arith.constant 0 : i32
    %jit3A_291 = arith.constant -2147483648 : i32
    %broadcast_in_dim3A_292 = vector.broadcast %jit3A_290 : i32 to vector<16xi32>
    %broadcast_in_dim3A_293 = vector.broadcast %jit3A_291 : i32 to vector<16xi32>
    %select_n3A_294 = arith.select %ge3A_289, %broadcast_in_dim3A_292, %broadcast_in_dim3A_293 : vector<16xi1>, vector<16xi32>
    %scan3A_295 = arith.constant 0 : i32
    %scan3A_296 = arith.constant 31 : i32
    %scan3A_297 = arith.addi %scan3A_295, %scan3A_296 : i32
    %scan3A_298 = arith.constant 1 : i32
    %scan3A_299 = scf.for %scan3A_465 = %scan3A_295 to %scan3A_297 step %scan3A_298 iter_args(%scan3A_466 = %select_n3A_294) -> (vector<16xi32>)  : i32 {
      %sub3A = arith.constant 30 : i32
      %sub3A_467 = arith.subi %sub3A, %scan3A_465 : i32
      %shift_left3A = arith.constant 1 : i32
      %shift_left3A_468 = arith.shli %shift_left3A, %sub3A_467 : i32
      %or3A = vector.broadcast %shift_left3A_468 : i32 to vector<16xi32>
      %or3A_469 = arith.ori %scan3A_466, %or3A : vector<16xi32>
      %broadcast_in_dim3A_470 = arith.constant 0 : i32
      %broadcast_in_dim3A_471 = vector.broadcast %broadcast_in_dim3A_470 : i32 to vector<16xi32>
      %scan3A_472 = arith.constant 0 : i32
      %scan3A_473 = arith.constant 8 : i32
      %scan3A_474 = arith.addi %scan3A_472, %scan3A_473 : i32
      %scan3A_475 = arith.constant 1 : i32
      %scan3A_476 = scf.for %scan3A_511 = %scan3A_472 to %scan3A_474 step %scan3A_475 iter_args(%scan3A_512 = %broadcast_in_dim3A_471) -> (vector<16xi32>)  : i32 {
        %mul3A_513 = arith.constant 16 : i32
        %mul3A_514 = arith.muli %scan3A_511, %mul3A_513 : i32
        %add3A_515 = arith.constant 0 : i32
        %add3A_516 = arith.addi %mul3A_514, %add3A_515 : i32
        %mul3A_517 = arith.constant 16 : i32
        %mul3A_518 = arith.muli %add3A_516, %mul3A_517 : i32
        %multiple_of3A = tpu.assume_multiple %mul3A_518, 16 : i32
        %get3A = arith.index_cast %multiple_of3A : i32 to index
        %get3A_519 = tpu.vector_load %arg7[%get3A] {strides = array<i32>} : memref<2048xi32, #tpu.memory_space<vmem>>, vector<16xi32>,
        %get3A_520 = vector.shape_cast %get3A_519 : vector<16xi32> to vector<16xi32>
        %ge3A_521 = arith.cmpi sge, %get3A_520, %or3A_469 : vector<16xi32>
        %jit3A_522 = arith.constant 1 : i32
        %jit3A_523 = arith.constant 0 : i32
        %broadcast_in_dim3A_524 = vector.broadcast %jit3A_522 : i32 to vector<16xi32>
        %broadcast_in_dim3A_525 = vector.broadcast %jit3A_523 : i32 to vector<16xi32>
        %select_n3A_526 = arith.select %ge3A_521, %broadcast_in_dim3A_524, %broadcast_in_dim3A_525 : vector<16xi1>, vector<16xi32>
        %add3A_527 = arith.addi %scan3A_512, %select_n3A_526 : vector<16xi32>
        %mul3A_528 = arith.constant 16 : i32
        %mul3A_529 = arith.muli %scan3A_511, %mul3A_528 : i32
        %add3A_530 = arith.constant 1 : i32
        %add3A_531 = arith.addi %mul3A_529, %add3A_530 : i32
        %mul3A_532 = arith.constant 16 : i32
        %mul3A_533 = arith.muli %add3A_531, %mul3A_532 : i32
        %multiple_of3A_534 = tpu.assume_multiple %mul3A_533, 16 : i32
        %get3A_535 = arith.index_cast %multiple_of3A_534 : i32 to index
        %get3A_536 = tpu.vector_load %arg7[%get3A_535] {strides = array<i32>} : memref<2048xi32, #tpu.memory_space<vmem>>, vector<16xi32>,
        %get3A_537 = vector.shape_cast %get3A_536 : vector<16xi32> to vector<16xi32>
        %ge3A_538 = arith.cmpi sge, %get3A_537, %or3A_469 : vector<16xi32>
        %jit3A_539 = arith.constant 1 : i32
        %jit3A_540 = arith.constant 0 : i32
        %broadcast_in_dim3A_541 = vector.broadcast %jit3A_539 : i32 to vector<16xi32>
        %broadcast_in_dim3A_542 = vector.broadcast %jit3A_540 : i32 to vector<16xi32>
        %select_n3A_543 = arith.select %ge3A_538, %broadcast_in_dim3A_541, %broadcast_in_dim3A_542 : vector<16xi1>, vector<16xi32>
        %add3A_544 = arith.addi %add3A_527, %select_n3A_543 : vector<16xi32>
        %mul3A_545 = arith.constant 16 : i32
        %mul3A_546 = arith.muli %scan3A_511, %mul3A_545 : i32
        %add3A_547 = arith.constant 2 : i32
        %add3A_548 = arith.addi %mul3A_546, %add3A_547 : i32
        %mul3A_549 = arith.constant 16 : i32
        %mul3A_550 = arith.muli %add3A_548, %mul3A_549 : i32
        %multiple_of3A_551 = tpu.assume_multiple %mul3A_550, 16 : i32
        %get3A_552 = arith.index_cast %multiple_of3A_551 : i32 to index
        %get3A_553 = tpu.vector_load %arg7[%get3A_552] {strides = array<i32>} : memref<2048xi32, #tpu.memory_space<vmem>>, vector<16xi32>,
        %get3A_554 = vector.shape_cast %get3A_553 : vector<16xi32> to vector<16xi32>
        %ge3A_555 = arith.cmpi sge, %get3A_554, %or3A_469 : vector<16xi32>
        %jit3A_556 = arith.constant 1 : i32
        %jit3A_557 = arith.constant 0 : i32
        %broadcast_in_dim3A_558 = vector.broadcast %jit3A_556 : i32 to vector<16xi32>
        %broadcast_in_dim3A_559 = vector.broadcast %jit3A_557 : i32 to vector<16xi32>
        %select_n3A_560 = arith.select %ge3A_555, %broadcast_in_dim3A_558, %broadcast_in_dim3A_559 : vector<16xi1>, vector<16xi32>
        %add3A_561 = arith.addi %add3A_544, %select_n3A_560 : vector<16xi32>
        %mul3A_562 = arith.constant 16 : i32
        %mul3A_563 = arith.muli %scan3A_511, %mul3A_562 : i32
        %add3A_564 = arith.constant 3 : i32
        %add3A_565 = arith.addi %mul3A_563, %add3A_564 : i32
        %mul3A_566 = arith.constant 16 : i32
        %mul3A_567 = arith.muli %add3A_565, %mul3A_566 : i32
        %multiple_of3A_568 = tpu.assume_multiple %mul3A_567, 16 : i32
        %get3A_569 = arith.index_cast %multiple_of3A_568 : i32 to index
        %get3A_570 = tpu.vector_load %arg7[%get3A_569] {strides = array<i32>} : memref<2048xi32, #tpu.memory_space<vmem>>, vector<16xi32>,
        %get3A_571 = vector.shape_cast %get3A_570 : vector<16xi32> to vector<16xi32>
        %ge3A_572 = arith.cmpi sge, %get3A_571, %or3A_469 : vector<16xi32>
        %jit3A_573 = arith.constant 1 : i32
        %jit3A_574 = arith.constant 0 : i32
        %broadcast_in_dim3A_575 = vector.broadcast %jit3A_573 : i32 to vector<16xi32>
        %broadcast_in_dim3A_576 = vector.broadcast %jit3A_574 : i32 to vector<16xi32>
        %select_n3A_577 = arith.select %ge3A_572, %broadcast_in_dim3A_575, %broadcast_in_dim3A_576 : vector<16xi1>, vector<16xi32>
        %add3A_578 = arith.addi %add3A_561, %select_n3A_577 : vector<16xi32>
        %mul3A_579 = arith.constant 16 : i32
        %mul3A_580 = arith.muli %scan3A_511, %mul3A_579 : i32
        %add3A_581 = arith.constant 4 : i32
        %add3A_582 = arith.addi %mul3A_580, %add3A_581 : i32
        %mul3A_583 = arith.constant 16 : i32
        %mul3A_584 = arith.muli %add3A_582, %mul3A_583 : i32
        %multiple_of3A_585 = tpu.assume_multiple %mul3A_584, 16 : i32
        %get3A_586 = arith.index_cast %multiple_of3A_585 : i32 to index
        %get3A_587 = tpu.vector_load %arg7[%get3A_586] {strides = array<i32>} : memref<2048xi32, #tpu.memory_space<vmem>>, vector<16xi32>,
        %get3A_588 = vector.shape_cast %get3A_587 : vector<16xi32> to vector<16xi32>
        %ge3A_589 = arith.cmpi sge, %get3A_588, %or3A_469 : vector<16xi32>
        %jit3A_590 = arith.constant 1 : i32
        %jit3A_591 = arith.constant 0 : i32
        %broadcast_in_dim3A_592 = vector.broadcast %jit3A_590 : i32 to vector<16xi32>
        %broadcast_in_dim3A_593 = vector.broadcast %jit3A_591 : i32 to vector<16xi32>
        %select_n3A_594 = arith.select %ge3A_589, %broadcast_in_dim3A_592, %broadcast_in_dim3A_593 : vector<16xi1>, vector<16xi32>
        %add3A_595 = arith.addi %add3A_578, %select_n3A_594 : vector<16xi32>
        %mul3A_596 = arith.constant 16 : i32
        %mul3A_597 = arith.muli %scan3A_511, %mul3A_596 : i32
        %add3A_598 = arith.constant 5 : i32
        %add3A_599 = arith.addi %mul3A_597, %add3A_598 : i32
        %mul3A_600 = arith.constant 16 : i32
        %mul3A_601 = arith.muli %add3A_599, %mul3A_600 : i32
        %multiple_of3A_602 = tpu.assume_multiple %mul3A_601, 16 : i32
        %get3A_603 = arith.index_cast %multiple_of3A_602 : i32 to index
        %get3A_604 = tpu.vector_load %arg7[%get3A_603] {strides = array<i32>} : memref<2048xi32, #tpu.memory_space<vmem>>, vector<16xi32>,
        %get3A_605 = vector.shape_cast %get3A_604 : vector<16xi32> to vector<16xi32>
        %ge3A_606 = arith.cmpi sge, %get3A_605, %or3A_469 : vector<16xi32>
        %jit3A_607 = arith.constant 1 : i32
        %jit3A_608 = arith.constant 0 : i32
        %broadcast_in_dim3A_609 = vector.broadcast %jit3A_607 : i32 to vector<16xi32>
        %broadcast_in_dim3A_610 = vector.broadcast %jit3A_608 : i32 to vector<16xi32>
        %select_n3A_611 = arith.select %ge3A_606, %broadcast_in_dim3A_609, %broadcast_in_dim3A_610 : vector<16xi1>, vector<16xi32>
        %add3A_612 = arith.addi %add3A_595, %select_n3A_611 : vector<16xi32>
        %mul3A_613 = arith.constant 16 : i32
        %mul3A_614 = arith.muli %scan3A_511, %mul3A_613 : i32
        %add3A_615 = arith.constant 6 : i32
        %add3A_616 = arith.addi %mul3A_614, %add3A_615 : i32
        %mul3A_617 = arith.constant 16 : i32
        %mul3A_618 = arith.muli %add3A_616, %mul3A_617 : i32
        %multiple_of3A_619 = tpu.assume_multiple %mul3A_618, 16 : i32
        %get3A_620 = arith.index_cast %multiple_of3A_619 : i32 to index
        %get3A_621 = tpu.vector_load %arg7[%get3A_620] {strides = array<i32>} : memref<2048xi32, #tpu.memory_space<vmem>>, vector<16xi32>,
        %get3A_622 = vector.shape_cast %get3A_621 : vector<16xi32> to vector<16xi32>
        %ge3A_623 = arith.cmpi sge, %get3A_622, %or3A_469 : vector<16xi32>
        %jit3A_624 = arith.constant 1 : i32
        %jit3A_625 = arith.constant 0 : i32
        %broadcast_in_dim3A_626 = vector.broadcast %jit3A_624 : i32 to vector<16xi32>
        %broadcast_in_dim3A_627 = vector.broadcast %jit3A_625 : i32 to vector<16xi32>
        %select_n3A_628 = arith.select %ge3A_623, %broadcast_in_dim3A_626, %broadcast_in_dim3A_627 : vector<16xi1>, vector<16xi32>
        %add3A_629 = arith.addi %add3A_612, %select_n3A_628 : vector<16xi32>
        %mul3A_630 = arith.constant 16 : i32
        %mul3A_631 = arith.muli %scan3A_511, %mul3A_630 : i32
        %add3A_632 = arith.constant 7 : i32
        %add3A_633 = arith.addi %mul3A_631, %add3A_632 : i32
        %mul3A_634 = arith.constant 16 : i32
        %mul3A_635 = arith.muli %add3A_633, %mul3A_634 : i32
        %multiple_of3A_636 = tpu.assume_multiple %mul3A_635, 16 : i32
        %get3A_637 = arith.index_cast %multiple_of3A_636 : i32 to index
        %get3A_638 = tpu.vector_load %arg7[%get3A_637] {strides = array<i32>} : memref<2048xi32, #tpu.memory_space<vmem>>, vector<16xi32>,
        %get3A_639 = vector.shape_cast %get3A_638 : vector<16xi32> to vector<16xi32>
        %ge3A_640 = arith.cmpi sge, %get3A_639, %or3A_469 : vector<16xi32>
        %jit3A_641 = arith.constant 1 : i32
        %jit3A_642 = arith.constant 0 : i32
        %broadcast_in_dim3A_643 = vector.broadcast %jit3A_641 : i32 to vector<16xi32>
        %broadcast_in_dim3A_644 = vector.broadcast %jit3A_642 : i32 to vector<16xi32>
        %select_n3A_645 = arith.select %ge3A_640, %broadcast_in_dim3A_643, %broadcast_in_dim3A_644 : vector<16xi1>, vector<16xi32>
        %add3A_646 = arith.addi %add3A_629, %select_n3A_645 : vector<16xi32>
        %mul3A_647 = arith.constant 16 : i32
        %mul3A_648 = arith.muli %scan3A_511, %mul3A_647 : i32
        %add3A_649 = arith.constant 8 : i32
        %add3A_650 = arith.addi %mul3A_648, %add3A_649 : i32
        %mul3A_651 = arith.constant 16 : i32
        %mul3A_652 = arith.muli %add3A_650, %mul3A_651 : i32
        %multiple_of3A_653 = tpu.assume_multiple %mul3A_652, 16 : i32
        %get3A_654 = arith.index_cast %multiple_of3A_653 : i32 to index
        %get3A_655 = tpu.vector_load %arg7[%get3A_654] {strides = array<i32>} : memref<2048xi32, #tpu.memory_space<vmem>>, vector<16xi32>,
        %get3A_656 = vector.shape_cast %get3A_655 : vector<16xi32> to vector<16xi32>
        %ge3A_657 = arith.cmpi sge, %get3A_656, %or3A_469 : vector<16xi32>
        %jit3A_658 = arith.constant 1 : i32
        %jit3A_659 = arith.constant 0 : i32
        %broadcast_in_dim3A_660 = vector.broadcast %jit3A_658 : i32 to vector<16xi32>
        %broadcast_in_dim3A_661 = vector.broadcast %jit3A_659 : i32 to vector<16xi32>
        %select_n3A_662 = arith.select %ge3A_657, %broadcast_in_dim3A_660, %broadcast_in_dim3A_661 : vector<16xi1>, vector<16xi32>
        %add3A_663 = arith.addi %add3A_646, %select_n3A_662 : vector<16xi32>
        %mul3A_664 = arith.constant 16 : i32
        %mul3A_665 = arith.muli %scan3A_511, %mul3A_664 : i32
        %add3A_666 = arith.constant 9 : i32
        %add3A_667 = arith.addi %mul3A_665, %add3A_666 : i32
        %mul3A_668 = arith.constant 16 : i32
        %mul3A_669 = arith.muli %add3A_667, %mul3A_668 : i32
        %multiple_of3A_670 = tpu.assume_multiple %mul3A_669, 16 : i32
        %get3A_671 = arith.index_cast %multiple_of3A_670 : i32 to index
        %get3A_672 = tpu.vector_load %arg7[%get3A_671] {strides = array<i32>} : memref<2048xi32, #tpu.memory_space<vmem>>, vector<16xi32>,
        %get3A_673 = vector.shape_cast %get3A_672 : vector<16xi32> to vector<16xi32>
        %ge3A_674 = arith.cmpi sge, %get3A_673, %or3A_469 : vector<16xi32>
        %jit3A_675 = arith.constant 1 : i32
        %jit3A_676 = arith.constant 0 : i32
        %broadcast_in_dim3A_677 = vector.broadcast %jit3A_675 : i32 to vector<16xi32>
        %broadcast_in_dim3A_678 = vector.broadcast %jit3A_676 : i32 to vector<16xi32>
        %select_n3A_679 = arith.select %ge3A_674, %broadcast_in_dim3A_677, %broadcast_in_dim3A_678 : vector<16xi1>, vector<16xi32>
        %add3A_680 = arith.addi %add3A_663, %select_n3A_679 : vector<16xi32>
        %mul3A_681 = arith.constant 16 : i32
        %mul3A_682 = arith.muli %scan3A_511, %mul3A_681 : i32
        %add3A_683 = arith.constant 10 : i32
        %add3A_684 = arith.addi %mul3A_682, %add3A_683 : i32
        %mul3A_685 = arith.constant 16 : i32
        %mul3A_686 = arith.muli %add3A_684, %mul3A_685 : i32
        %multiple_of3A_687 = tpu.assume_multiple %mul3A_686, 16 : i32
        %get3A_688 = arith.index_cast %multiple_of3A_687 : i32 to index
        %get3A_689 = tpu.vector_load %arg7[%get3A_688] {strides = array<i32>} : memref<2048xi32, #tpu.memory_space<vmem>>, vector<16xi32>,
        %get3A_690 = vector.shape_cast %get3A_689 : vector<16xi32> to vector<16xi32>
        %ge3A_691 = arith.cmpi sge, %get3A_690, %or3A_469 : vector<16xi32>
        %jit3A_692 = arith.constant 1 : i32
        %jit3A_693 = arith.constant 0 : i32
        %broadcast_in_dim3A_694 = vector.broadcast %jit3A_692 : i32 to vector<16xi32>
        %broadcast_in_dim3A_695 = vector.broadcast %jit3A_693 : i32 to vector<16xi32>
        %select_n3A_696 = arith.select %ge3A_691, %broadcast_in_dim3A_694, %broadcast_in_dim3A_695 : vector<16xi1>, vector<16xi32>
        %add3A_697 = arith.addi %add3A_680, %select_n3A_696 : vector<16xi32>
        %mul3A_698 = arith.constant 16 : i32
        %mul3A_699 = arith.muli %scan3A_511, %mul3A_698 : i32
        %add3A_700 = arith.constant 11 : i32
        %add3A_701 = arith.addi %mul3A_699, %add3A_700 : i32
        %mul3A_702 = arith.constant 16 : i32
        %mul3A_703 = arith.muli %add3A_701, %mul3A_702 : i32
        %multiple_of3A_704 = tpu.assume_multiple %mul3A_703, 16 : i32
        %get3A_705 = arith.index_cast %multiple_of3A_704 : i32 to index
        %get3A_706 = tpu.vector_load %arg7[%get3A_705] {strides = array<i32>} : memref<2048xi32, #tpu.memory_space<vmem>>, vector<16xi32>,
        %get3A_707 = vector.shape_cast %get3A_706 : vector<16xi32> to vector<16xi32>
        %ge3A_708 = arith.cmpi sge, %get3A_707, %or3A_469 : vector<16xi32>
        %jit3A_709 = arith.constant 1 : i32
        %jit3A_710 = arith.constant 0 : i32
        %broadcast_in_dim3A_711 = vector.broadcast %jit3A_709 : i32 to vector<16xi32>
        %broadcast_in_dim3A_712 = vector.broadcast %jit3A_710 : i32 to vector<16xi32>
        %select_n3A_713 = arith.select %ge3A_708, %broadcast_in_dim3A_711, %broadcast_in_dim3A_712 : vector<16xi1>, vector<16xi32>
        %add3A_714 = arith.addi %add3A_697, %select_n3A_713 : vector<16xi32>
        %mul3A_715 = arith.constant 16 : i32
        %mul3A_716 = arith.muli %scan3A_511, %mul3A_715 : i32
        %add3A_717 = arith.constant 12 : i32
        %add3A_718 = arith.addi %mul3A_716, %add3A_717 : i32
        %mul3A_719 = arith.constant 16 : i32
        %mul3A_720 = arith.muli %add3A_718, %mul3A_719 : i32
        %multiple_of3A_721 = tpu.assume_multiple %mul3A_720, 16 : i32
        %get3A_722 = arith.index_cast %multiple_of3A_721 : i32 to index
        %get3A_723 = tpu.vector_load %arg7[%get3A_722] {strides = array<i32>} : memref<2048xi32, #tpu.memory_space<vmem>>, vector<16xi32>,
        %get3A_724 = vector.shape_cast %get3A_723 : vector<16xi32> to vector<16xi32>
        %ge3A_725 = arith.cmpi sge, %get3A_724, %or3A_469 : vector<16xi32>
        %jit3A_726 = arith.constant 1 : i32
        %jit3A_727 = arith.constant 0 : i32
        %broadcast_in_dim3A_728 = vector.broadcast %jit3A_726 : i32 to vector<16xi32>
        %broadcast_in_dim3A_729 = vector.broadcast %jit3A_727 : i32 to vector<16xi32>
        %select_n3A_730 = arith.select %ge3A_725, %broadcast_in_dim3A_728, %broadcast_in_dim3A_729 : vector<16xi1>, vector<16xi32>
        %add3A_731 = arith.addi %add3A_714, %select_n3A_730 : vector<16xi32>
        %mul3A_732 = arith.constant 16 : i32
        %mul3A_733 = arith.muli %scan3A_511, %mul3A_732 : i32
        %add3A_734 = arith.constant 13 : i32
        %add3A_735 = arith.addi %mul3A_733, %add3A_734 : i32
        %mul3A_736 = arith.constant 16 : i32
        %mul3A_737 = arith.muli %add3A_735, %mul3A_736 : i32
        %multiple_of3A_738 = tpu.assume_multiple %mul3A_737, 16 : i32
        %get3A_739 = arith.index_cast %multiple_of3A_738 : i32 to index
        %get3A_740 = tpu.vector_load %arg7[%get3A_739] {strides = array<i32>} : memref<2048xi32, #tpu.memory_space<vmem>>, vector<16xi32>,
        %get3A_741 = vector.shape_cast %get3A_740 : vector<16xi32> to vector<16xi32>
        %ge3A_742 = arith.cmpi sge, %get3A_741, %or3A_469 : vector<16xi32>
        %jit3A_743 = arith.constant 1 : i32
        %jit3A_744 = arith.constant 0 : i32
        %broadcast_in_dim3A_745 = vector.broadcast %jit3A_743 : i32 to vector<16xi32>
        %broadcast_in_dim3A_746 = vector.broadcast %jit3A_744 : i32 to vector<16xi32>
        %select_n3A_747 = arith.select %ge3A_742, %broadcast_in_dim3A_745, %broadcast_in_dim3A_746 : vector<16xi1>, vector<16xi32>
        %add3A_748 = arith.addi %add3A_731, %select_n3A_747 : vector<16xi32>
        %mul3A_749 = arith.constant 16 : i32
        %mul3A_750 = arith.muli %scan3A_511, %mul3A_749 : i32
        %add3A_751 = arith.constant 14 : i32
        %add3A_752 = arith.addi %mul3A_750, %add3A_751 : i32
        %mul3A_753 = arith.constant 16 : i32
        %mul3A_754 = arith.muli %add3A_752, %mul3A_753 : i32
        %multiple_of3A_755 = tpu.assume_multiple %mul3A_754, 16 : i32
        %get3A_756 = arith.index_cast %multiple_of3A_755 : i32 to index
        %get3A_757 = tpu.vector_load %arg7[%get3A_756] {strides = array<i32>} : memref<2048xi32, #tpu.memory_space<vmem>>, vector<16xi32>,
        %get3A_758 = vector.shape_cast %get3A_757 : vector<16xi32> to vector<16xi32>
        %ge3A_759 = arith.cmpi sge, %get3A_758, %or3A_469 : vector<16xi32>
        %jit3A_760 = arith.constant 1 : i32
        %jit3A_761 = arith.constant 0 : i32
        %broadcast_in_dim3A_762 = vector.broadcast %jit3A_760 : i32 to vector<16xi32>
        %broadcast_in_dim3A_763 = vector.broadcast %jit3A_761 : i32 to vector<16xi32>
        %select_n3A_764 = arith.select %ge3A_759, %broadcast_in_dim3A_762, %broadcast_in_dim3A_763 : vector<16xi1>, vector<16xi32>
        %add3A_765 = arith.addi %add3A_748, %select_n3A_764 : vector<16xi32>
        %mul3A_766 = arith.constant 16 : i32
        %mul3A_767 = arith.muli %scan3A_511, %mul3A_766 : i32
        %add3A_768 = arith.constant 15 : i32
        %add3A_769 = arith.addi %mul3A_767, %add3A_768 : i32
        %mul3A_770 = arith.constant 16 : i32
        %mul3A_771 = arith.muli %add3A_769, %mul3A_770 : i32
        %multiple_of3A_772 = tpu.assume_multiple %mul3A_771, 16 : i32
        %get3A_773 = arith.index_cast %multiple_of3A_772 : i32 to index
        %get3A_774 = tpu.vector_load %arg7[%get3A_773] {strides = array<i32>} : memref<2048xi32, #tpu.memory_space<vmem>>, vector<16xi32>,
        %get3A_775 = vector.shape_cast %get3A_774 : vector<16xi32> to vector<16xi32>
        %ge3A_776 = arith.cmpi sge, %get3A_775, %or3A_469 : vector<16xi32>
        %jit3A_777 = arith.constant 1 : i32
        %jit3A_778 = arith.constant 0 : i32
        %broadcast_in_dim3A_779 = vector.broadcast %jit3A_777 : i32 to vector<16xi32>
        %broadcast_in_dim3A_780 = vector.broadcast %jit3A_778 : i32 to vector<16xi32>
        %select_n3A_781 = arith.select %ge3A_776, %broadcast_in_dim3A_779, %broadcast_in_dim3A_780 : vector<16xi1>, vector<16xi32>
        %add3A_782 = arith.addi %add3A_765, %select_n3A_781 : vector<16xi32>
        scf.yield %add3A_782 : vector<16xi32>
      }
      %scan3A_477 = arith.constant 8 : i32
      %iota3A_478 = tpu.iota {dimensions = array<i32: 0>} : vector<16xi32>
      %xor3A_479 = arith.constant 8 : i32
      %xor3A_480 = vector.broadcast %xor3A_479 : i32 to vector<16xi32>
      %xor3A_481 = arith.xori %iota3A_478, %xor3A_480 : vector<16xi32>
      %broadcast_in_dim3A_482 = vector.shape_cast %xor3A_481 : vector<16xi32> to vector<16x1xi32>
      %gather3A_483 = vector.shape_cast %broadcast_in_dim3A_482 : vector<16x1xi32> to vector<16xi32>
      %gather3A_484 = tpu.dynamic_gather %scan3A_476[%gather3A_483] in [0] : vector<16xi32>, vector<16xi32> -> vector<16xi32>
      %add3A_485 = arith.addi %scan3A_476, %gather3A_484 : vector<16xi32>
      %xor3A_486 = arith.constant 4 : i32
      %xor3A_487 = vector.broadcast %xor3A_486 : i32 to vector<16xi32>
      %xor3A_488 = arith.xori %iota3A_478, %xor3A_487 : vector<16xi32>
      %broadcast_in_dim3A_489 = vector.shape_cast %xor3A_488 : vector<16xi32> to vector<16x1xi32>
      %gather3A_490 = vector.shape_cast %broadcast_in_dim3A_489 : vector<16x1xi32> to vector<16xi32>
      %gather3A_491 = tpu.dynamic_gather %add3A_485[%gather3A_490] in [0] : vector<16xi32>, vector<16xi32> -> vector<16xi32>
      %add3A_492 = arith.addi %add3A_485, %gather3A_491 : vector<16xi32>
      %xor3A_493 = arith.constant 2 : i32
      %xor3A_494 = vector.broadcast %xor3A_493 : i32 to vector<16xi32>
      %xor3A_495 = arith.xori %iota3A_478, %xor3A_494 : vector<16xi32>
      %broadcast_in_dim3A_496 = vector.shape_cast %xor3A_495 : vector<16xi32> to vector<16x1xi32>
      %gather3A_497 = vector.shape_cast %broadcast_in_dim3A_496 : vector<16x1xi32> to vector<16xi32>
      %gather3A_498 = tpu.dynamic_gather %add3A_492[%gather3A_497] in [0] : vector<16xi32>, vector<16xi32> -> vector<16xi32>
      %add3A_499 = arith.addi %add3A_492, %gather3A_498 : vector<16xi32>
      %xor3A_500 = arith.constant 1 : i32
      %xor3A_501 = vector.broadcast %xor3A_500 : i32 to vector<16xi32>
      %xor3A_502 = arith.xori %iota3A_478, %xor3A_501 : vector<16xi32>
      %broadcast_in_dim3A_503 = vector.shape_cast %xor3A_502 : vector<16xi32> to vector<16x1xi32>
      %gather3A_504 = vector.shape_cast %broadcast_in_dim3A_503 : vector<16x1xi32> to vector<16xi32>
      %gather3A_505 = tpu.dynamic_gather %add3A_499[%gather3A_504] in [0] : vector<16xi32>, vector<16xi32> -> vector<16xi32>
      %add3A_506 = arith.addi %add3A_499, %gather3A_505 : vector<16xi32>
      %ge3A_507 = arith.constant 32 : i32
      %ge3A_508 = vector.broadcast %ge3A_507 : i32 to vector<16xi32>
      %ge3A_509 = arith.cmpi sge, %add3A_506, %ge3A_508 : vector<16xi32>
      %select_n3A_510 = arith.select %ge3A_509, %or3A_469, %scan3A_466 : vector<16xi1>, vector<16xi32>
      scf.yield %select_n3A_510 : vector<16xi32>
    }
    %scan3A_300 = arith.constant 31 : i32
    %scan3A_301 = arith.constant 0 : i32
    %scan3A_302 = arith.constant 0 : i32
    %scan3A_303 = arith.constant 32 : i32
    %scan3A_304 = arith.addi %scan3A_302, %scan3A_303 : i32
    %scan3A_305 = arith.constant 1 : i32
    %scan3A_306 = scf.for %scan3A_465 = %scan3A_302 to %scan3A_304 step %scan3A_305 iter_args(%scan3A_466 = %scan3A_301) -> (i32)  : i32 {
      %mul3A_467 = arith.constant 4 : i32
      %mul3A_468 = arith.muli %scan3A_465, %mul3A_467 : i32
      %add3A_469 = arith.constant 0 : i32
      %add3A_470 = arith.addi %mul3A_468, %add3A_469 : i32
      %mul3A_471 = arith.constant 16 : i32
      %mul3A_472 = arith.muli %add3A_470, %mul3A_471 : i32
      %multiple_of3A = tpu.assume_multiple %mul3A_472, 16 : i32
      %get3A = arith.index_cast %multiple_of3A : i32 to index
      %get3A_473 = tpu.vector_load %arg7[%get3A] {strides = array<i32>} : memref<2048xi32, #tpu.memory_space<vmem>>, vector<16xi32>,
      %get3A_474 = vector.shape_cast %get3A_473 : vector<16xi32> to vector<16xi32>
      %ge3A_475 = arith.cmpi sge, %get3A_474, %scan3A_299 : vector<16xi32>
      %jit3A_476 = arith.constant 0.000000e+00 : f32
      %jit3A_477 = arith.constant 1.000000e+00 : f32
      %broadcast_in_dim3A_478 = vector.broadcast %jit3A_476 : f32 to vector<16xf32>
      %broadcast_in_dim3A_479 = vector.broadcast %jit3A_477 : f32 to vector<16xf32>
      %select_n3A_480 = arith.select %ge3A_475, %broadcast_in_dim3A_478, %broadcast_in_dim3A_479 : vector<16xi1>, vector<16xf32>
      %swap3A = arith.index_cast %multiple_of3A : i32 to index
      %swap3A_481 = tpu.vector_load %arg6[%swap3A] {strides = array<i32>} : memref<2048xf32, #tpu.memory_space<vmem>>, vector<16xf32>,
      %swap3A_482 = vector.shape_cast %swap3A_481 : vector<16xf32> to vector<16xf32>
      %swap3A_483 = vector.shape_cast %select_n3A_480 : vector<16xf32> to vector<16xf32>
      tpu.vector_store %arg6[%swap3A], %swap3A_483 {strides = array<i32>} : memref<2048xf32, #tpu.memory_space<vmem>>, vector<16xf32>,
      %mul3A_484 = arith.constant 4 : i32
      %mul3A_485 = arith.muli %scan3A_465, %mul3A_484 : i32
      %add3A_486 = arith.constant 1 : i32
      %add3A_487 = arith.addi %mul3A_485, %add3A_486 : i32
      %mul3A_488 = arith.constant 16 : i32
      %mul3A_489 = arith.muli %add3A_487, %mul3A_488 : i32
      %multiple_of3A_490 = tpu.assume_multiple %mul3A_489, 16 : i32
      %get3A_491 = arith.index_cast %multiple_of3A_490 : i32 to index
      %get3A_492 = tpu.vector_load %arg7[%get3A_491] {strides = array<i32>} : memref<2048xi32, #tpu.memory_space<vmem>>, vector<16xi32>,
      %get3A_493 = vector.shape_cast %get3A_492 : vector<16xi32> to vector<16xi32>
      %ge3A_494 = arith.cmpi sge, %get3A_493, %scan3A_299 : vector<16xi32>
      %jit3A_495 = arith.constant 0.000000e+00 : f32
      %jit3A_496 = arith.constant 1.000000e+00 : f32
      %broadcast_in_dim3A_497 = vector.broadcast %jit3A_495 : f32 to vector<16xf32>
      %broadcast_in_dim3A_498 = vector.broadcast %jit3A_496 : f32 to vector<16xf32>
      %select_n3A_499 = arith.select %ge3A_494, %broadcast_in_dim3A_497, %broadcast_in_dim3A_498 : vector<16xi1>, vector<16xf32>
      %swap3A_500 = arith.index_cast %multiple_of3A_490 : i32 to index
      %swap3A_501 = tpu.vector_load %arg6[%swap3A_500] {strides = array<i32>} : memref<2048xf32, #tpu.memory_space<vmem>>, vector<16xf32>,
      %swap3A_502 = vector.shape_cast %swap3A_501 : vector<16xf32> to vector<16xf32>
      %swap3A_503 = vector.shape_cast %select_n3A_499 : vector<16xf32> to vector<16xf32>
      tpu.vector_store %arg6[%swap3A_500], %swap3A_503 {strides = array<i32>} : memref<2048xf32, #tpu.memory_space<vmem>>, vector<16xf32>,
      %mul3A_504 = arith.constant 4 : i32
      %mul3A_505 = arith.muli %scan3A_465, %mul3A_504 : i32
      %add3A_506 = arith.constant 2 : i32
      %add3A_507 = arith.addi %mul3A_505, %add3A_506 : i32
      %mul3A_508 = arith.constant 16 : i32
      %mul3A_509 = arith.muli %add3A_507, %mul3A_508 : i32
      %multiple_of3A_510 = tpu.assume_multiple %mul3A_509, 16 : i32
      %get3A_511 = arith.index_cast %multiple_of3A_510 : i32 to index
      %get3A_512 = tpu.vector_load %arg7[%get3A_511] {strides = array<i32>} : memref<2048xi32, #tpu.memory_space<vmem>>, vector<16xi32>,
      %get3A_513 = vector.shape_cast %get3A_512 : vector<16xi32> to vector<16xi32>
      %ge3A_514 = arith.cmpi sge, %get3A_513, %scan3A_299 : vector<16xi32>
      %jit3A_515 = arith.constant 0.000000e+00 : f32
      %jit3A_516 = arith.constant 1.000000e+00 : f32
      %broadcast_in_dim3A_517 = vector.broadcast %jit3A_515 : f32 to vector<16xf32>
      %broadcast_in_dim3A_518 = vector.broadcast %jit3A_516 : f32 to vector<16xf32>
      %select_n3A_519 = arith.select %ge3A_514, %broadcast_in_dim3A_517, %broadcast_in_dim3A_518 : vector<16xi1>, vector<16xf32>
      %swap3A_520 = arith.index_cast %multiple_of3A_510 : i32 to index
      %swap3A_521 = tpu.vector_load %arg6[%swap3A_520] {strides = array<i32>} : memref<2048xf32, #tpu.memory_space<vmem>>, vector<16xf32>,
      %swap3A_522 = vector.shape_cast %swap3A_521 : vector<16xf32> to vector<16xf32>
      %swap3A_523 = vector.shape_cast %select_n3A_519 : vector<16xf32> to vector<16xf32>
      tpu.vector_store %arg6[%swap3A_520], %swap3A_523 {strides = array<i32>} : memref<2048xf32, #tpu.memory_space<vmem>>, vector<16xf32>,
      %mul3A_524 = arith.constant 4 : i32
      %mul3A_525 = arith.muli %scan3A_465, %mul3A_524 : i32
      %add3A_526 = arith.constant 3 : i32
      %add3A_527 = arith.addi %mul3A_525, %add3A_526 : i32
      %mul3A_528 = arith.constant 16 : i32
      %mul3A_529 = arith.muli %add3A_527, %mul3A_528 : i32
      %multiple_of3A_530 = tpu.assume_multiple %mul3A_529, 16 : i32
      %get3A_531 = arith.index_cast %multiple_of3A_530 : i32 to index
      %get3A_532 = tpu.vector_load %arg7[%get3A_531] {strides = array<i32>} : memref<2048xi32, #tpu.memory_space<vmem>>, vector<16xi32>,
      %get3A_533 = vector.shape_cast %get3A_532 : vector<16xi32> to vector<16xi32>
      %ge3A_534 = arith.cmpi sge, %get3A_533, %scan3A_299 : vector<16xi32>
      %jit3A_535 = arith.constant 0.000000e+00 : f32
      %jit3A_536 = arith.constant 1.000000e+00 : f32
      %broadcast_in_dim3A_537 = vector.broadcast %jit3A_535 : f32 to vector<16xf32>
      %broadcast_in_dim3A_538 = vector.broadcast %jit3A_536 : f32 to vector<16xf32>
      %select_n3A_539 = arith.select %ge3A_534, %broadcast_in_dim3A_537, %broadcast_in_dim3A_538 : vector<16xi1>, vector<16xf32>
      %swap3A_540 = arith.index_cast %multiple_of3A_530 : i32 to index
      %swap3A_541 = tpu.vector_load %arg6[%swap3A_540] {strides = array<i32>} : memref<2048xf32, #tpu.memory_space<vmem>>, vector<16xf32>,
      %swap3A_542 = vector.shape_cast %swap3A_541 : vector<16xf32> to vector<16xf32>
      %swap3A_543 = vector.shape_cast %select_n3A_539 : vector<16xf32> to vector<16xf32>
      tpu.vector_store %arg6[%swap3A_540], %swap3A_543 {strides = array<i32>} : memref<2048xf32, #tpu.memory_space<vmem>>, vector<16xf32>,
      %scan3A_544 = arith.constant 0 : i32
      scf.yield %scan3A_544 : i32
    }
    %scan3A_307 = arith.constant 32 : i32
    %mul3A_308 = arith.constant 2048 : i32
    %mul3A_309 = arith.muli %add3A_238, %mul3A_308 : i32
    %dma_start3A_310 = tpu.memref_slice %arg4[%mul3A_309] : memref<196608xf32, #tpu.memory_space<hbm>> -> memref<2048xf32, #tpu.memory_space<hbm>>
    %dma_start3A_311 = tpu.memref_slice %arg4[%mul3A_309] : memref<196608xf32, #tpu.memory_space<hbm>> -> memref<2048xf32, #tpu.memory_space<hbm>>
    tpu.enqueue_dma source(%arg6 : memref<2048xf32, #tpu.memory_space<vmem>>) target(%dma_start3A_311 : memref<2048xf32, #tpu.memory_space<hbm>>) target_semaphore(%arg15 : memref<!tpu.dma_semaphore, #tpu.memory_space<semaphore_mem>>)
    %dma_wait3A_312 = tpu.memref_slice %arg2[%mul3A_21] : memref<65536xf32, #tpu.memory_space<hbm>> -> memref<1024xf32, #tpu.memory_space<hbm>>
    %dma_wait3A_313 = tpu.memref_slice %arg2[%mul3A_21] : memref<65536xf32, #tpu.memory_space<hbm>> -> memref<1024xf32, #tpu.memory_space<hbm>>
    tpu.wait_dma2 semaphore(%arg14 : memref<!tpu.dma_semaphore, #tpu.memory_space<semaphore_mem>>) src(%dma_wait3A_313 : memref<1024xf32, #tpu.memory_space<hbm>>) dst(%arg9 : memref<1024xf32, #tpu.memory_space<vmem>>)
    %broadcast_in_dim3A_314 = arith.constant 0xFF800000 : f32
    %broadcast_in_dim3A_315 = vector.broadcast %broadcast_in_dim3A_314 : f32 to vector<16xf32>
    %scan3A_316 = arith.constant 0 : i32
    %scan3A_317 = arith.constant 16 : i32
    %scan3A_318 = arith.addi %scan3A_316, %scan3A_317 : i32
    %scan3A_319 = arith.constant 1 : i32
    %scan3A_320 = scf.for %scan3A_465 = %scan3A_316 to %scan3A_318 step %scan3A_319 iter_args(%scan3A_466 = %broadcast_in_dim3A_315) -> (vector<16xf32>)  : i32 {
      %mul3A_467 = arith.constant 4 : i32
      %mul3A_468 = arith.muli %scan3A_465, %mul3A_467 : i32
      %add3A_469 = arith.constant 0 : i32
      %add3A_470 = arith.addi %mul3A_468, %add3A_469 : i32
      %mul3A_471 = arith.constant 16 : i32
      %mul3A_472 = arith.muli %add3A_470, %mul3A_471 : i32
      %multiple_of3A = tpu.assume_multiple %mul3A_472, 16 : i32
      %get3A = arith.index_cast %multiple_of3A : i32 to index
      %get3A_473 = tpu.vector_load %arg9[%get3A] {strides = array<i32>} : memref<1024xf32, #tpu.memory_space<vmem>>, vector<16xf32>,
      %get3A_474 = vector.shape_cast %get3A_473 : vector<16xf32> to vector<16xf32>
      %bitcast_convert_type3A = tpu.bitcast %get3A_474 : vector<16xf32> -> vector<16xi32>
      %ge3A_475 = arith.constant 0 : i32
      %ge3A_476 = vector.broadcast %ge3A_475 : i32 to vector<16xi32>
      %ge3A_477 = arith.cmpi sge, %bitcast_convert_type3A, %ge3A_476 : vector<16xi32>
      %xor3A_478 = arith.constant 2147483647 : i32
      %xor3A_479 = vector.broadcast %xor3A_478 : i32 to vector<16xi32>
      %xor3A_480 = arith.xori %bitcast_convert_type3A, %xor3A_479 : vector<16xi32>
      %select_n3A_481 = arith.select %ge3A_477, %bitcast_convert_type3A, %xor3A_480 : vector<16xi1>, vector<16xi32>
      %swap3A = arith.index_cast %multiple_of3A : i32 to index
      %swap3A_482 = tpu.vector_load %arg10[%swap3A] {strides = array<i32>} : memref<1024xi32, #tpu.memory_space<vmem>>, vector<16xi32>,
      %swap3A_483 = vector.shape_cast %swap3A_482 : vector<16xi32> to vector<16xi32>
      %swap3A_484 = vector.shape_cast %select_n3A_481 : vector<16xi32> to vector<16xi32>
      tpu.vector_store %arg10[%swap3A], %swap3A_484 {strides = array<i32>} : memref<1024xi32, #tpu.memory_space<vmem>>, vector<16xi32>,
      %max3A_485 = arith.maximumf %scan3A_466, %get3A_474 : vector<16xf32>
      %mul3A_486 = arith.constant 4 : i32
      %mul3A_487 = arith.muli %scan3A_465, %mul3A_486 : i32
      %add3A_488 = arith.constant 1 : i32
      %add3A_489 = arith.addi %mul3A_487, %add3A_488 : i32
      %mul3A_490 = arith.constant 16 : i32
      %mul3A_491 = arith.muli %add3A_489, %mul3A_490 : i32
      %multiple_of3A_492 = tpu.assume_multiple %mul3A_491, 16 : i32
      %get3A_493 = arith.index_cast %multiple_of3A_492 : i32 to index
      %get3A_494 = tpu.vector_load %arg9[%get3A_493] {strides = array<i32>} : memref<1024xf32, #tpu.memory_space<vmem>>, vector<16xf32>,
      %get3A_495 = vector.shape_cast %get3A_494 : vector<16xf32> to vector<16xf32>
      %bitcast_convert_type3A_496 = tpu.bitcast %get3A_495 : vector<16xf32> -> vector<16xi32>
      %ge3A_497 = arith.constant 0 : i32
      %ge3A_498 = vector.broadcast %ge3A_497 : i32 to vector<16xi32>
      %ge3A_499 = arith.cmpi sge, %bitcast_convert_type3A_496, %ge3A_498 : vector<16xi32>
      %xor3A_500 = arith.constant 2147483647 : i32
      %xor3A_501 = vector.broadcast %xor3A_500 : i32 to vector<16xi32>
      %xor3A_502 = arith.xori %bitcast_convert_type3A_496, %xor3A_501 : vector<16xi32>
      %select_n3A_503 = arith.select %ge3A_499, %bitcast_convert_type3A_496, %xor3A_502 : vector<16xi1>, vector<16xi32>
      %swap3A_504 = arith.index_cast %multiple_of3A_492 : i32 to index
      %swap3A_505 = tpu.vector_load %arg10[%swap3A_504] {strides = array<i32>} : memref<1024xi32, #tpu.memory_space<vmem>>, vector<16xi32>,
      %swap3A_506 = vector.shape_cast %swap3A_505 : vector<16xi32> to vector<16xi32>
      %swap3A_507 = vector.shape_cast %select_n3A_503 : vector<16xi32> to vector<16xi32>
      tpu.vector_store %arg10[%swap3A_504], %swap3A_507 {strides = array<i32>} : memref<1024xi32, #tpu.memory_space<vmem>>, vector<16xi32>,
      %max3A_508 = arith.maximumf %max3A_485, %get3A_495 : vector<16xf32>
      %mul3A_509 = arith.constant 4 : i32
      %mul3A_510 = arith.muli %scan3A_465, %mul3A_509 : i32
      %add3A_511 = arith.constant 2 : i32
      %add3A_512 = arith.addi %mul3A_510, %add3A_511 : i32
      %mul3A_513 = arith.constant 16 : i32
      %mul3A_514 = arith.muli %add3A_512, %mul3A_513 : i32
      %multiple_of3A_515 = tpu.assume_multiple %mul3A_514, 16 : i32
      %get3A_516 = arith.index_cast %multiple_of3A_515 : i32 to index
      %get3A_517 = tpu.vector_load %arg9[%get3A_516] {strides = array<i32>} : memref<1024xf32, #tpu.memory_space<vmem>>, vector<16xf32>,
      %get3A_518 = vector.shape_cast %get3A_517 : vector<16xf32> to vector<16xf32>
      %bitcast_convert_type3A_519 = tpu.bitcast %get3A_518 : vector<16xf32> -> vector<16xi32>
      %ge3A_520 = arith.constant 0 : i32
      %ge3A_521 = vector.broadcast %ge3A_520 : i32 to vector<16xi32>
      %ge3A_522 = arith.cmpi sge, %bitcast_convert_type3A_519, %ge3A_521 : vector<16xi32>
      %xor3A_523 = arith.constant 2147483647 : i32
      %xor3A_524 = vector.broadcast %xor3A_523 : i32 to vector<16xi32>
      %xor3A_525 = arith.xori %bitcast_convert_type3A_519, %xor3A_524 : vector<16xi32>
      %select_n3A_526 = arith.select %ge3A_522, %bitcast_convert_type3A_519, %xor3A_525 : vector<16xi1>, vector<16xi32>
      %swap3A_527 = arith.index_cast %multiple_of3A_515 : i32 to index
      %swap3A_528 = tpu.vector_load %arg10[%swap3A_527] {strides = array<i32>} : memref<1024xi32, #tpu.memory_space<vmem>>, vector<16xi32>,
      %swap3A_529 = vector.shape_cast %swap3A_528 : vector<16xi32> to vector<16xi32>
      %swap3A_530 = vector.shape_cast %select_n3A_526 : vector<16xi32> to vector<16xi32>
      tpu.vector_store %arg10[%swap3A_527], %swap3A_530 {strides = array<i32>} : memref<1024xi32, #tpu.memory_space<vmem>>, vector<16xi32>,
      %max3A_531 = arith.maximumf %max3A_508, %get3A_518 : vector<16xf32>
      %mul3A_532 = arith.constant 4 : i32
      %mul3A_533 = arith.muli %scan3A_465, %mul3A_532 : i32
      %add3A_534 = arith.constant 3 : i32
      %add3A_535 = arith.addi %mul3A_533, %add3A_534 : i32
      %mul3A_536 = arith.constant 16 : i32
      %mul3A_537 = arith.muli %add3A_535, %mul3A_536 : i32
      %multiple_of3A_538 = tpu.assume_multiple %mul3A_537, 16 : i32
      %get3A_539 = arith.index_cast %multiple_of3A_538 : i32 to index
      %get3A_540 = tpu.vector_load %arg9[%get3A_539] {strides = array<i32>} : memref<1024xf32, #tpu.memory_space<vmem>>, vector<16xf32>,
      %get3A_541 = vector.shape_cast %get3A_540 : vector<16xf32> to vector<16xf32>
      %bitcast_convert_type3A_542 = tpu.bitcast %get3A_541 : vector<16xf32> -> vector<16xi32>
      %ge3A_543 = arith.constant 0 : i32
      %ge3A_544 = vector.broadcast %ge3A_543 : i32 to vector<16xi32>
      %ge3A_545 = arith.cmpi sge, %bitcast_convert_type3A_542, %ge3A_544 : vector<16xi32>
      %xor3A_546 = arith.constant 2147483647 : i32
      %xor3A_547 = vector.broadcast %xor3A_546 : i32 to vector<16xi32>
      %xor3A_548 = arith.xori %bitcast_convert_type3A_542, %xor3A_547 : vector<16xi32>
      %select_n3A_549 = arith.select %ge3A_545, %bitcast_convert_type3A_542, %xor3A_548 : vector<16xi1>, vector<16xi32>
      %swap3A_550 = arith.index_cast %multiple_of3A_538 : i32 to index
      %swap3A_551 = tpu.vector_load %arg10[%swap3A_550] {strides = array<i32>} : memref<1024xi32, #tpu.memory_space<vmem>>, vector<16xi32>,
      %swap3A_552 = vector.shape_cast %swap3A_551 : vector<16xi32> to vector<16xi32>
      %swap3A_553 = vector.shape_cast %select_n3A_549 : vector<16xi32> to vector<16xi32>
      tpu.vector_store %arg10[%swap3A_550], %swap3A_553 {strides = array<i32>} : memref<1024xi32, #tpu.memory_space<vmem>>, vector<16xi32>,
      %max3A_554 = arith.maximumf %max3A_531, %get3A_541 : vector<16xf32>
      scf.yield %max3A_554 : vector<16xf32>
    }
    %scan3A_321 = arith.constant 16 : i32
    %iota3A_322 = tpu.iota {dimensions = array<i32: 0>} : vector<16xi32>
    %xor3A_323 = arith.constant 8 : i32
    %xor3A_324 = vector.broadcast %xor3A_323 : i32 to vector<16xi32>
    %xor3A_325 = arith.xori %iota3A_322, %xor3A_324 : vector<16xi32>
    %broadcast_in_dim3A_326 = vector.shape_cast %xor3A_325 : vector<16xi32> to vector<16x1xi32>
    %gather3A_327 = vector.shape_cast %broadcast_in_dim3A_326 : vector<16x1xi32> to vector<16xi32>
    %gather3A_328 = tpu.dynamic_gather %scan3A_320[%gather3A_327] in [0] : vector<16xf32>, vector<16xi32> -> vector<16xf32>
    %max3A_329 = arith.maximumf %scan3A_320, %gather3A_328 : vector<16xf32>
    %xor3A_330 = arith.constant 4 : i32
    %xor3A_331 = vector.broadcast %xor3A_330 : i32 to vector<16xi32>
    %xor3A_332 = arith.xori %iota3A_322, %xor3A_331 : vector<16xi32>
    %broadcast_in_dim3A_333 = vector.shape_cast %xor3A_332 : vector<16xi32> to vector<16x1xi32>
    %gather3A_334 = vector.shape_cast %broadcast_in_dim3A_333 : vector<16x1xi32> to vector<16xi32>
    %gather3A_335 = tpu.dynamic_gather %max3A_329[%gather3A_334] in [0] : vector<16xf32>, vector<16xi32> -> vector<16xf32>
    %max3A_336 = arith.maximumf %max3A_329, %gather3A_335 : vector<16xf32>
    %xor3A_337 = arith.constant 2 : i32
    %xor3A_338 = vector.broadcast %xor3A_337 : i32 to vector<16xi32>
    %xor3A_339 = arith.xori %iota3A_322, %xor3A_338 : vector<16xi32>
    %broadcast_in_dim3A_340 = vector.shape_cast %xor3A_339 : vector<16xi32> to vector<16x1xi32>
    %gather3A_341 = vector.shape_cast %broadcast_in_dim3A_340 : vector<16x1xi32> to vector<16xi32>
    %gather3A_342 = tpu.dynamic_gather %max3A_336[%gather3A_341] in [0] : vector<16xf32>, vector<16xi32> -> vector<16xf32>
    %max3A_343 = arith.maximumf %max3A_336, %gather3A_342 : vector<16xf32>
    %xor3A_344 = arith.constant 1 : i32
    %xor3A_345 = vector.broadcast %xor3A_344 : i32 to vector<16xi32>
    %xor3A_346 = arith.xori %iota3A_322, %xor3A_345 : vector<16xi32>
    %broadcast_in_dim3A_347 = vector.shape_cast %xor3A_346 : vector<16xi32> to vector<16x1xi32>
    %gather3A_348 = vector.shape_cast %broadcast_in_dim3A_347 : vector<16x1xi32> to vector<16xi32>
    %gather3A_349 = tpu.dynamic_gather %max3A_343[%gather3A_348] in [0] : vector<16xf32>, vector<16xi32> -> vector<16xf32>
    %max3A_350 = arith.maximumf %max3A_343, %gather3A_349 : vector<16xf32>
    %broadcast_in_dim3A_351 = arith.constant 0 : i32
    %broadcast_in_dim3A_352 = vector.broadcast %broadcast_in_dim3A_351 : i32 to vector<16xi32>
    %broadcast_in_dim3A_353 = arith.constant 0 : i32
    %broadcast_in_dim3A_354 = vector.broadcast %broadcast_in_dim3A_353 : i32 to vector<16xi32>
    %scan3A_355 = arith.constant 0 : i32
    %scan3A_356 = arith.constant 4 : i32
    %scan3A_357 = arith.addi %scan3A_355, %scan3A_356 : i32
    %scan3A_358 = arith.constant 1 : i32
    %scan3A_359 = scf.for %scan3A_465 = %scan3A_355 to %scan3A_357 step %scan3A_358 iter_args(%scan3A_466 = %broadcast_in_dim3A_354) -> (vector<16xi32>)  : i32 {
      %mul3A_467 = arith.constant 16 : i32
      %mul3A_468 = arith.muli %scan3A_465, %mul3A_467 : i32
      %add3A_469 = arith.constant 0 : i32
      %add3A_470 = arith.addi %mul3A_468, %add3A_469 : i32
      %mul3A_471 = arith.constant 16 : i32
      %mul3A_472 = arith.muli %add3A_470, %mul3A_471 : i32
      %multiple_of3A = tpu.assume_multiple %mul3A_472, 16 : i32
      %get3A = arith.index_cast %multiple_of3A : i32 to index
      %get3A_473 = tpu.vector_load %arg10[%get3A] {strides = array<i32>} : memref<1024xi32, #tpu.memory_space<vmem>>, vector<16xi32>,
      %get3A_474 = vector.shape_cast %get3A_473 : vector<16xi32> to vector<16xi32>
      %ge3A_475 = arith.cmpi sge, %get3A_474, %broadcast_in_dim3A_352 : vector<16xi32>
      %jit3A_476 = arith.constant 1 : i32
      %jit3A_477 = arith.constant 0 : i32
      %broadcast_in_dim3A_478 = vector.broadcast %jit3A_476 : i32 to vector<16xi32>
      %broadcast_in_dim3A_479 = vector.broadcast %jit3A_477 : i32 to vector<16xi32>
      %select_n3A_480 = arith.select %ge3A_475, %broadcast_in_dim3A_478, %broadcast_in_dim3A_479 : vector<16xi1>, vector<16xi32>
      %add3A_481 = arith.addi %scan3A_466, %select_n3A_480 : vector<16xi32>
      %mul3A_482 = arith.constant 16 : i32
      %mul3A_483 = arith.muli %scan3A_465, %mul3A_482 : i32
      %add3A_484 = arith.constant 1 : i32
      %add3A_485 = arith.addi %mul3A_483, %add3A_484 : i32
      %mul3A_486 = arith.constant 16 : i32
      %mul3A_487 = arith.muli %add3A_485, %mul3A_486 : i32
      %multiple_of3A_488 = tpu.assume_multiple %mul3A_487, 16 : i32
      %get3A_489 = arith.index_cast %multiple_of3A_488 : i32 to index
      %get3A_490 = tpu.vector_load %arg10[%get3A_489] {strides = array<i32>} : memref<1024xi32, #tpu.memory_space<vmem>>, vector<16xi32>,
      %get3A_491 = vector.shape_cast %get3A_490 : vector<16xi32> to vector<16xi32>
      %ge3A_492 = arith.cmpi sge, %get3A_491, %broadcast_in_dim3A_352 : vector<16xi32>
      %jit3A_493 = arith.constant 1 : i32
      %jit3A_494 = arith.constant 0 : i32
      %broadcast_in_dim3A_495 = vector.broadcast %jit3A_493 : i32 to vector<16xi32>
      %broadcast_in_dim3A_496 = vector.broadcast %jit3A_494 : i32 to vector<16xi32>
      %select_n3A_497 = arith.select %ge3A_492, %broadcast_in_dim3A_495, %broadcast_in_dim3A_496 : vector<16xi1>, vector<16xi32>
      %add3A_498 = arith.addi %add3A_481, %select_n3A_497 : vector<16xi32>
      %mul3A_499 = arith.constant 16 : i32
      %mul3A_500 = arith.muli %scan3A_465, %mul3A_499 : i32
      %add3A_501 = arith.constant 2 : i32
      %add3A_502 = arith.addi %mul3A_500, %add3A_501 : i32
      %mul3A_503 = arith.constant 16 : i32
      %mul3A_504 = arith.muli %add3A_502, %mul3A_503 : i32
      %multiple_of3A_505 = tpu.assume_multiple %mul3A_504, 16 : i32
      %get3A_506 = arith.index_cast %multiple_of3A_505 : i32 to index
      %get3A_507 = tpu.vector_load %arg10[%get3A_506] {strides = array<i32>} : memref<1024xi32, #tpu.memory_space<vmem>>, vector<16xi32>,
      %get3A_508 = vector.shape_cast %get3A_507 : vector<16xi32> to vector<16xi32>
      %ge3A_509 = arith.cmpi sge, %get3A_508, %broadcast_in_dim3A_352 : vector<16xi32>
      %jit3A_510 = arith.constant 1 : i32
      %jit3A_511 = arith.constant 0 : i32
      %broadcast_in_dim3A_512 = vector.broadcast %jit3A_510 : i32 to vector<16xi32>
      %broadcast_in_dim3A_513 = vector.broadcast %jit3A_511 : i32 to vector<16xi32>
      %select_n3A_514 = arith.select %ge3A_509, %broadcast_in_dim3A_512, %broadcast_in_dim3A_513 : vector<16xi1>, vector<16xi32>
      %add3A_515 = arith.addi %add3A_498, %select_n3A_514 : vector<16xi32>
      %mul3A_516 = arith.constant 16 : i32
      %mul3A_517 = arith.muli %scan3A_465, %mul3A_516 : i32
      %add3A_518 = arith.constant 3 : i32
      %add3A_519 = arith.addi %mul3A_517, %add3A_518 : i32
      %mul3A_520 = arith.constant 16 : i32
      %mul3A_521 = arith.muli %add3A_519, %mul3A_520 : i32
      %multiple_of3A_522 = tpu.assume_multiple %mul3A_521, 16 : i32
      %get3A_523 = arith.index_cast %multiple_of3A_522 : i32 to index
      %get3A_524 = tpu.vector_load %arg10[%get3A_523] {strides = array<i32>} : memref<1024xi32, #tpu.memory_space<vmem>>, vector<16xi32>,
      %get3A_525 = vector.shape_cast %get3A_524 : vector<16xi32> to vector<16xi32>
      %ge3A_526 = arith.cmpi sge, %get3A_525, %broadcast_in_dim3A_352 : vector<16xi32>
      %jit3A_527 = arith.constant 1 : i32
      %jit3A_528 = arith.constant 0 : i32
      %broadcast_in_dim3A_529 = vector.broadcast %jit3A_527 : i32 to vector<16xi32>
      %broadcast_in_dim3A_530 = vector.broadcast %jit3A_528 : i32 to vector<16xi32>
      %select_n3A_531 = arith.select %ge3A_526, %broadcast_in_dim3A_529, %broadcast_in_dim3A_530 : vector<16xi1>, vector<16xi32>
      %add3A_532 = arith.addi %add3A_515, %select_n3A_531 : vector<16xi32>
      %mul3A_533 = arith.constant 16 : i32
      %mul3A_534 = arith.muli %scan3A_465, %mul3A_533 : i32
      %add3A_535 = arith.constant 4 : i32
      %add3A_536 = arith.addi %mul3A_534, %add3A_535 : i32
      %mul3A_537 = arith.constant 16 : i32
      %mul3A_538 = arith.muli %add3A_536, %mul3A_537 : i32
      %multiple_of3A_539 = tpu.assume_multiple %mul3A_538, 16 : i32
      %get3A_540 = arith.index_cast %multiple_of3A_539 : i32 to index
      %get3A_541 = tpu.vector_load %arg10[%get3A_540] {strides = array<i32>} : memref<1024xi32, #tpu.memory_space<vmem>>, vector<16xi32>,
      %get3A_542 = vector.shape_cast %get3A_541 : vector<16xi32> to vector<16xi32>
      %ge3A_543 = arith.cmpi sge, %get3A_542, %broadcast_in_dim3A_352 : vector<16xi32>
      %jit3A_544 = arith.constant 1 : i32
      %jit3A_545 = arith.constant 0 : i32
      %broadcast_in_dim3A_546 = vector.broadcast %jit3A_544 : i32 to vector<16xi32>
      %broadcast_in_dim3A_547 = vector.broadcast %jit3A_545 : i32 to vector<16xi32>
      %select_n3A_548 = arith.select %ge3A_543, %broadcast_in_dim3A_546, %broadcast_in_dim3A_547 : vector<16xi1>, vector<16xi32>
      %add3A_549 = arith.addi %add3A_532, %select_n3A_548 : vector<16xi32>
      %mul3A_550 = arith.constant 16 : i32
      %mul3A_551 = arith.muli %scan3A_465, %mul3A_550 : i32
      %add3A_552 = arith.constant 5 : i32
      %add3A_553 = arith.addi %mul3A_551, %add3A_552 : i32
      %mul3A_554 = arith.constant 16 : i32
      %mul3A_555 = arith.muli %add3A_553, %mul3A_554 : i32
      %multiple_of3A_556 = tpu.assume_multiple %mul3A_555, 16 : i32
      %get3A_557 = arith.index_cast %multiple_of3A_556 : i32 to index
      %get3A_558 = tpu.vector_load %arg10[%get3A_557] {strides = array<i32>} : memref<1024xi32, #tpu.memory_space<vmem>>, vector<16xi32>,
      %get3A_559 = vector.shape_cast %get3A_558 : vector<16xi32> to vector<16xi32>
      %ge3A_560 = arith.cmpi sge, %get3A_559, %broadcast_in_dim3A_352 : vector<16xi32>
      %jit3A_561 = arith.constant 1 : i32
      %jit3A_562 = arith.constant 0 : i32
      %broadcast_in_dim3A_563 = vector.broadcast %jit3A_561 : i32 to vector<16xi32>
      %broadcast_in_dim3A_564 = vector.broadcast %jit3A_562 : i32 to vector<16xi32>
      %select_n3A_565 = arith.select %ge3A_560, %broadcast_in_dim3A_563, %broadcast_in_dim3A_564 : vector<16xi1>, vector<16xi32>
      %add3A_566 = arith.addi %add3A_549, %select_n3A_565 : vector<16xi32>
      %mul3A_567 = arith.constant 16 : i32
      %mul3A_568 = arith.muli %scan3A_465, %mul3A_567 : i32
      %add3A_569 = arith.constant 6 : i32
      %add3A_570 = arith.addi %mul3A_568, %add3A_569 : i32
      %mul3A_571 = arith.constant 16 : i32
      %mul3A_572 = arith.muli %add3A_570, %mul3A_571 : i32
      %multiple_of3A_573 = tpu.assume_multiple %mul3A_572, 16 : i32
      %get3A_574 = arith.index_cast %multiple_of3A_573 : i32 to index
      %get3A_575 = tpu.vector_load %arg10[%get3A_574] {strides = array<i32>} : memref<1024xi32, #tpu.memory_space<vmem>>, vector<16xi32>,
      %get3A_576 = vector.shape_cast %get3A_575 : vector<16xi32> to vector<16xi32>
      %ge3A_577 = arith.cmpi sge, %get3A_576, %broadcast_in_dim3A_352 : vector<16xi32>
      %jit3A_578 = arith.constant 1 : i32
      %jit3A_579 = arith.constant 0 : i32
      %broadcast_in_dim3A_580 = vector.broadcast %jit3A_578 : i32 to vector<16xi32>
      %broadcast_in_dim3A_581 = vector.broadcast %jit3A_579 : i32 to vector<16xi32>
      %select_n3A_582 = arith.select %ge3A_577, %broadcast_in_dim3A_580, %broadcast_in_dim3A_581 : vector<16xi1>, vector<16xi32>
      %add3A_583 = arith.addi %add3A_566, %select_n3A_582 : vector<16xi32>
      %mul3A_584 = arith.constant 16 : i32
      %mul3A_585 = arith.muli %scan3A_465, %mul3A_584 : i32
      %add3A_586 = arith.constant 7 : i32
      %add3A_587 = arith.addi %mul3A_585, %add3A_586 : i32
      %mul3A_588 = arith.constant 16 : i32
      %mul3A_589 = arith.muli %add3A_587, %mul3A_588 : i32
      %multiple_of3A_590 = tpu.assume_multiple %mul3A_589, 16 : i32
      %get3A_591 = arith.index_cast %multiple_of3A_590 : i32 to index
      %get3A_592 = tpu.vector_load %arg10[%get3A_591] {strides = array<i32>} : memref<1024xi32, #tpu.memory_space<vmem>>, vector<16xi32>,
      %get3A_593 = vector.shape_cast %get3A_592 : vector<16xi32> to vector<16xi32>
      %ge3A_594 = arith.cmpi sge, %get3A_593, %broadcast_in_dim3A_352 : vector<16xi32>
      %jit3A_595 = arith.constant 1 : i32
      %jit3A_596 = arith.constant 0 : i32
      %broadcast_in_dim3A_597 = vector.broadcast %jit3A_595 : i32 to vector<16xi32>
      %broadcast_in_dim3A_598 = vector.broadcast %jit3A_596 : i32 to vector<16xi32>
      %select_n3A_599 = arith.select %ge3A_594, %broadcast_in_dim3A_597, %broadcast_in_dim3A_598 : vector<16xi1>, vector<16xi32>
      %add3A_600 = arith.addi %add3A_583, %select_n3A_599 : vector<16xi32>
      %mul3A_601 = arith.constant 16 : i32
      %mul3A_602 = arith.muli %scan3A_465, %mul3A_601 : i32
      %add3A_603 = arith.constant 8 : i32
      %add3A_604 = arith.addi %mul3A_602, %add3A_603 : i32
      %mul3A_605 = arith.constant 16 : i32
      %mul3A_606 = arith.muli %add3A_604, %mul3A_605 : i32
      %multiple_of3A_607 = tpu.assume_multiple %mul3A_606, 16 : i32
      %get3A_608 = arith.index_cast %multiple_of3A_607 : i32 to index
      %get3A_609 = tpu.vector_load %arg10[%get3A_608] {strides = array<i32>} : memref<1024xi32, #tpu.memory_space<vmem>>, vector<16xi32>,
      %get3A_610 = vector.shape_cast %get3A_609 : vector<16xi32> to vector<16xi32>
      %ge3A_611 = arith.cmpi sge, %get3A_610, %broadcast_in_dim3A_352 : vector<16xi32>
      %jit3A_612 = arith.constant 1 : i32
      %jit3A_613 = arith.constant 0 : i32
      %broadcast_in_dim3A_614 = vector.broadcast %jit3A_612 : i32 to vector<16xi32>
      %broadcast_in_dim3A_615 = vector.broadcast %jit3A_613 : i32 to vector<16xi32>
      %select_n3A_616 = arith.select %ge3A_611, %broadcast_in_dim3A_614, %broadcast_in_dim3A_615 : vector<16xi1>, vector<16xi32>
      %add3A_617 = arith.addi %add3A_600, %select_n3A_616 : vector<16xi32>
      %mul3A_618 = arith.constant 16 : i32
      %mul3A_619 = arith.muli %scan3A_465, %mul3A_618 : i32
      %add3A_620 = arith.constant 9 : i32
      %add3A_621 = arith.addi %mul3A_619, %add3A_620 : i32
      %mul3A_622 = arith.constant 16 : i32
      %mul3A_623 = arith.muli %add3A_621, %mul3A_622 : i32
      %multiple_of3A_624 = tpu.assume_multiple %mul3A_623, 16 : i32
      %get3A_625 = arith.index_cast %multiple_of3A_624 : i32 to index
      %get3A_626 = tpu.vector_load %arg10[%get3A_625] {strides = array<i32>} : memref<1024xi32, #tpu.memory_space<vmem>>, vector<16xi32>,
      %get3A_627 = vector.shape_cast %get3A_626 : vector<16xi32> to vector<16xi32>
      %ge3A_628 = arith.cmpi sge, %get3A_627, %broadcast_in_dim3A_352 : vector<16xi32>
      %jit3A_629 = arith.constant 1 : i32
      %jit3A_630 = arith.constant 0 : i32
      %broadcast_in_dim3A_631 = vector.broadcast %jit3A_629 : i32 to vector<16xi32>
      %broadcast_in_dim3A_632 = vector.broadcast %jit3A_630 : i32 to vector<16xi32>
      %select_n3A_633 = arith.select %ge3A_628, %broadcast_in_dim3A_631, %broadcast_in_dim3A_632 : vector<16xi1>, vector<16xi32>
      %add3A_634 = arith.addi %add3A_617, %select_n3A_633 : vector<16xi32>
      %mul3A_635 = arith.constant 16 : i32
      %mul3A_636 = arith.muli %scan3A_465, %mul3A_635 : i32
      %add3A_637 = arith.constant 10 : i32
      %add3A_638 = arith.addi %mul3A_636, %add3A_637 : i32
      %mul3A_639 = arith.constant 16 : i32
      %mul3A_640 = arith.muli %add3A_638, %mul3A_639 : i32
      %multiple_of3A_641 = tpu.assume_multiple %mul3A_640, 16 : i32
      %get3A_642 = arith.index_cast %multiple_of3A_641 : i32 to index
      %get3A_643 = tpu.vector_load %arg10[%get3A_642] {strides = array<i32>} : memref<1024xi32, #tpu.memory_space<vmem>>, vector<16xi32>,
      %get3A_644 = vector.shape_cast %get3A_643 : vector<16xi32> to vector<16xi32>
      %ge3A_645 = arith.cmpi sge, %get3A_644, %broadcast_in_dim3A_352 : vector<16xi32>
      %jit3A_646 = arith.constant 1 : i32
      %jit3A_647 = arith.constant 0 : i32
      %broadcast_in_dim3A_648 = vector.broadcast %jit3A_646 : i32 to vector<16xi32>
      %broadcast_in_dim3A_649 = vector.broadcast %jit3A_647 : i32 to vector<16xi32>
      %select_n3A_650 = arith.select %ge3A_645, %broadcast_in_dim3A_648, %broadcast_in_dim3A_649 : vector<16xi1>, vector<16xi32>
      %add3A_651 = arith.addi %add3A_634, %select_n3A_650 : vector<16xi32>
      %mul3A_652 = arith.constant 16 : i32
      %mul3A_653 = arith.muli %scan3A_465, %mul3A_652 : i32
      %add3A_654 = arith.constant 11 : i32
      %add3A_655 = arith.addi %mul3A_653, %add3A_654 : i32
      %mul3A_656 = arith.constant 16 : i32
      %mul3A_657 = arith.muli %add3A_655, %mul3A_656 : i32
      %multiple_of3A_658 = tpu.assume_multiple %mul3A_657, 16 : i32
      %get3A_659 = arith.index_cast %multiple_of3A_658 : i32 to index
      %get3A_660 = tpu.vector_load %arg10[%get3A_659] {strides = array<i32>} : memref<1024xi32, #tpu.memory_space<vmem>>, vector<16xi32>,
      %get3A_661 = vector.shape_cast %get3A_660 : vector<16xi32> to vector<16xi32>
      %ge3A_662 = arith.cmpi sge, %get3A_661, %broadcast_in_dim3A_352 : vector<16xi32>
      %jit3A_663 = arith.constant 1 : i32
      %jit3A_664 = arith.constant 0 : i32
      %broadcast_in_dim3A_665 = vector.broadcast %jit3A_663 : i32 to vector<16xi32>
      %broadcast_in_dim3A_666 = vector.broadcast %jit3A_664 : i32 to vector<16xi32>
      %select_n3A_667 = arith.select %ge3A_662, %broadcast_in_dim3A_665, %broadcast_in_dim3A_666 : vector<16xi1>, vector<16xi32>
      %add3A_668 = arith.addi %add3A_651, %select_n3A_667 : vector<16xi32>
      %mul3A_669 = arith.constant 16 : i32
      %mul3A_670 = arith.muli %scan3A_465, %mul3A_669 : i32
      %add3A_671 = arith.constant 12 : i32
      %add3A_672 = arith.addi %mul3A_670, %add3A_671 : i32
      %mul3A_673 = arith.constant 16 : i32
      %mul3A_674 = arith.muli %add3A_672, %mul3A_673 : i32
      %multiple_of3A_675 = tpu.assume_multiple %mul3A_674, 16 : i32
      %get3A_676 = arith.index_cast %multiple_of3A_675 : i32 to index
      %get3A_677 = tpu.vector_load %arg10[%get3A_676] {strides = array<i32>} : memref<1024xi32, #tpu.memory_space<vmem>>, vector<16xi32>,
      %get3A_678 = vector.shape_cast %get3A_677 : vector<16xi32> to vector<16xi32>
      %ge3A_679 = arith.cmpi sge, %get3A_678, %broadcast_in_dim3A_352 : vector<16xi32>
      %jit3A_680 = arith.constant 1 : i32
      %jit3A_681 = arith.constant 0 : i32
      %broadcast_in_dim3A_682 = vector.broadcast %jit3A_680 : i32 to vector<16xi32>
      %broadcast_in_dim3A_683 = vector.broadcast %jit3A_681 : i32 to vector<16xi32>
      %select_n3A_684 = arith.select %ge3A_679, %broadcast_in_dim3A_682, %broadcast_in_dim3A_683 : vector<16xi1>, vector<16xi32>
      %add3A_685 = arith.addi %add3A_668, %select_n3A_684 : vector<16xi32>
      %mul3A_686 = arith.constant 16 : i32
      %mul3A_687 = arith.muli %scan3A_465, %mul3A_686 : i32
      %add3A_688 = arith.constant 13 : i32
      %add3A_689 = arith.addi %mul3A_687, %add3A_688 : i32
      %mul3A_690 = arith.constant 16 : i32
      %mul3A_691 = arith.muli %add3A_689, %mul3A_690 : i32
      %multiple_of3A_692 = tpu.assume_multiple %mul3A_691, 16 : i32
      %get3A_693 = arith.index_cast %multiple_of3A_692 : i32 to index
      %get3A_694 = tpu.vector_load %arg10[%get3A_693] {strides = array<i32>} : memref<1024xi32, #tpu.memory_space<vmem>>, vector<16xi32>,
      %get3A_695 = vector.shape_cast %get3A_694 : vector<16xi32> to vector<16xi32>
      %ge3A_696 = arith.cmpi sge, %get3A_695, %broadcast_in_dim3A_352 : vector<16xi32>
      %jit3A_697 = arith.constant 1 : i32
      %jit3A_698 = arith.constant 0 : i32
      %broadcast_in_dim3A_699 = vector.broadcast %jit3A_697 : i32 to vector<16xi32>
      %broadcast_in_dim3A_700 = vector.broadcast %jit3A_698 : i32 to vector<16xi32>
      %select_n3A_701 = arith.select %ge3A_696, %broadcast_in_dim3A_699, %broadcast_in_dim3A_700 : vector<16xi1>, vector<16xi32>
      %add3A_702 = arith.addi %add3A_685, %select_n3A_701 : vector<16xi32>
      %mul3A_703 = arith.constant 16 : i32
      %mul3A_704 = arith.muli %scan3A_465, %mul3A_703 : i32
      %add3A_705 = arith.constant 14 : i32
      %add3A_706 = arith.addi %mul3A_704, %add3A_705 : i32
      %mul3A_707 = arith.constant 16 : i32
      %mul3A_708 = arith.muli %add3A_706, %mul3A_707 : i32
      %multiple_of3A_709 = tpu.assume_multiple %mul3A_708, 16 : i32
      %get3A_710 = arith.index_cast %multiple_of3A_709 : i32 to index
      %get3A_711 = tpu.vector_load %arg10[%get3A_710] {strides = array<i32>} : memref<1024xi32, #tpu.memory_space<vmem>>, vector<16xi32>,
      %get3A_712 = vector.shape_cast %get3A_711 : vector<16xi32> to vector<16xi32>
      %ge3A_713 = arith.cmpi sge, %get3A_712, %broadcast_in_dim3A_352 : vector<16xi32>
      %jit3A_714 = arith.constant 1 : i32
      %jit3A_715 = arith.constant 0 : i32
      %broadcast_in_dim3A_716 = vector.broadcast %jit3A_714 : i32 to vector<16xi32>
      %broadcast_in_dim3A_717 = vector.broadcast %jit3A_715 : i32 to vector<16xi32>
      %select_n3A_718 = arith.select %ge3A_713, %broadcast_in_dim3A_716, %broadcast_in_dim3A_717 : vector<16xi1>, vector<16xi32>
      %add3A_719 = arith.addi %add3A_702, %select_n3A_718 : vector<16xi32>
      %mul3A_720 = arith.constant 16 : i32
      %mul3A_721 = arith.muli %scan3A_465, %mul3A_720 : i32
      %add3A_722 = arith.constant 15 : i32
      %add3A_723 = arith.addi %mul3A_721, %add3A_722 : i32
      %mul3A_724 = arith.constant 16 : i32
      %mul3A_725 = arith.muli %add3A_723, %mul3A_724 : i32
      %multiple_of3A_726 = tpu.assume_multiple %mul3A_725, 16 : i32
      %get3A_727 = arith.index_cast %multiple_of3A_726 : i32 to index
      %get3A_728 = tpu.vector_load %arg10[%get3A_727] {strides = array<i32>} : memref<1024xi32, #tpu.memory_space<vmem>>, vector<16xi32>,
      %get3A_729 = vector.shape_cast %get3A_728 : vector<16xi32> to vector<16xi32>
      %ge3A_730 = arith.cmpi sge, %get3A_729, %broadcast_in_dim3A_352 : vector<16xi32>
      %jit3A_731 = arith.constant 1 : i32
      %jit3A_732 = arith.constant 0 : i32
      %broadcast_in_dim3A_733 = vector.broadcast %jit3A_731 : i32 to vector<16xi32>
      %broadcast_in_dim3A_734 = vector.broadcast %jit3A_732 : i32 to vector<16xi32>
      %select_n3A_735 = arith.select %ge3A_730, %broadcast_in_dim3A_733, %broadcast_in_dim3A_734 : vector<16xi1>, vector<16xi32>
      %add3A_736 = arith.addi %add3A_719, %select_n3A_735 : vector<16xi32>
      scf.yield %add3A_736 : vector<16xi32>
    }
    %scan3A_360 = arith.constant 4 : i32
    %iota3A_361 = tpu.iota {dimensions = array<i32: 0>} : vector<16xi32>
    %xor3A_362 = arith.constant 8 : i32
    %xor3A_363 = vector.broadcast %xor3A_362 : i32 to vector<16xi32>
    %xor3A_364 = arith.xori %iota3A_361, %xor3A_363 : vector<16xi32>
    %broadcast_in_dim3A_365 = vector.shape_cast %xor3A_364 : vector<16xi32> to vector<16x1xi32>
    %gather3A_366 = vector.shape_cast %broadcast_in_dim3A_365 : vector<16x1xi32> to vector<16xi32>
    %gather3A_367 = tpu.dynamic_gather %scan3A_359[%gather3A_366] in [0] : vector<16xi32>, vector<16xi32> -> vector<16xi32>
    %add3A_368 = arith.addi %scan3A_359, %gather3A_367 : vector<16xi32>
    %xor3A_369 = arith.constant 4 : i32
    %xor3A_370 = vector.broadcast %xor3A_369 : i32 to vector<16xi32>
    %xor3A_371 = arith.xori %iota3A_361, %xor3A_370 : vector<16xi32>
    %broadcast_in_dim3A_372 = vector.shape_cast %xor3A_371 : vector<16xi32> to vector<16x1xi32>
    %gather3A_373 = vector.shape_cast %broadcast_in_dim3A_372 : vector<16x1xi32> to vector<16xi32>
    %gather3A_374 = tpu.dynamic_gather %add3A_368[%gather3A_373] in [0] : vector<16xi32>, vector<16xi32> -> vector<16xi32>
    %add3A_375 = arith.addi %add3A_368, %gather3A_374 : vector<16xi32>
    %xor3A_376 = arith.constant 2 : i32
    %xor3A_377 = vector.broadcast %xor3A_376 : i32 to vector<16xi32>
    %xor3A_378 = arith.xori %iota3A_361, %xor3A_377 : vector<16xi32>
    %broadcast_in_dim3A_379 = vector.shape_cast %xor3A_378 : vector<16xi32> to vector<16x1xi32>
    %gather3A_380 = vector.shape_cast %broadcast_in_dim3A_379 : vector<16x1xi32> to vector<16xi32>
    %gather3A_381 = tpu.dynamic_gather %add3A_375[%gather3A_380] in [0] : vector<16xi32>, vector<16xi32> -> vector<16xi32>
    %add3A_382 = arith.addi %add3A_375, %gather3A_381 : vector<16xi32>
    %xor3A_383 = arith.constant 1 : i32
    %xor3A_384 = vector.broadcast %xor3A_383 : i32 to vector<16xi32>
    %xor3A_385 = arith.xori %iota3A_361, %xor3A_384 : vector<16xi32>
    %broadcast_in_dim3A_386 = vector.shape_cast %xor3A_385 : vector<16xi32> to vector<16x1xi32>
    %gather3A_387 = vector.shape_cast %broadcast_in_dim3A_386 : vector<16x1xi32> to vector<16xi32>
    %gather3A_388 = tpu.dynamic_gather %add3A_382[%gather3A_387] in [0] : vector<16xi32>, vector<16xi32> -> vector<16xi32>
    %add3A_389 = arith.addi %add3A_382, %gather3A_388 : vector<16xi32>
    %ge3A_390 = arith.constant 32 : i32
    %ge3A_391 = vector.broadcast %ge3A_390 : i32 to vector<16xi32>
    %ge3A_392 = arith.cmpi sge, %add3A_389, %ge3A_391 : vector<16xi32>
    %jit3A_393 = arith.constant 0 : i32
    %jit3A_394 = arith.constant -2147483648 : i32
    %broadcast_in_dim3A_395 = vector.broadcast %jit3A_393 : i32 to vector<16xi32>
    %broadcast_in_dim3A_396 = vector.broadcast %jit3A_394 : i32 to vector<16xi32>
    %select_n3A_397 = arith.select %ge3A_392, %broadcast_in_dim3A_395, %broadcast_in_dim3A_396 : vector<16xi1>, vector<16xi32>
    %scan3A_398 = arith.constant 0 : i32
    %scan3A_399 = arith.constant 31 : i32
    %scan3A_400 = arith.addi %scan3A_398, %scan3A_399 : i32
    %scan3A_401 = arith.constant 1 : i32
    %scan3A_402 = scf.for %scan3A_465 = %scan3A_398 to %scan3A_400 step %scan3A_401 iter_args(%scan3A_466 = %select_n3A_397) -> (vector<16xi32>)  : i32 {
      %sub3A = arith.constant 30 : i32
      %sub3A_467 = arith.subi %sub3A, %scan3A_465 : i32
      %shift_left3A = arith.constant 1 : i32
      %shift_left3A_468 = arith.shli %shift_left3A, %sub3A_467 : i32
      %or3A = vector.broadcast %shift_left3A_468 : i32 to vector<16xi32>
      %or3A_469 = arith.ori %scan3A_466, %or3A : vector<16xi32>
      %broadcast_in_dim3A_470 = arith.constant 0 : i32
      %broadcast_in_dim3A_471 = vector.broadcast %broadcast_in_dim3A_470 : i32 to vector<16xi32>
      %scan3A_472 = arith.constant 0 : i32
      %scan3A_473 = arith.constant 4 : i32
      %scan3A_474 = arith.addi %scan3A_472, %scan3A_473 : i32
      %scan3A_475 = arith.constant 1 : i32
      %scan3A_476 = scf.for %scan3A_511 = %scan3A_472 to %scan3A_474 step %scan3A_475 iter_args(%scan3A_512 = %broadcast_in_dim3A_471) -> (vector<16xi32>)  : i32 {
        %mul3A_513 = arith.constant 16 : i32
        %mul3A_514 = arith.muli %scan3A_511, %mul3A_513 : i32
        %add3A_515 = arith.constant 0 : i32
        %add3A_516 = arith.addi %mul3A_514, %add3A_515 : i32
        %mul3A_517 = arith.constant 16 : i32
        %mul3A_518 = arith.muli %add3A_516, %mul3A_517 : i32
        %multiple_of3A = tpu.assume_multiple %mul3A_518, 16 : i32
        %get3A = arith.index_cast %multiple_of3A : i32 to index
        %get3A_519 = tpu.vector_load %arg10[%get3A] {strides = array<i32>} : memref<1024xi32, #tpu.memory_space<vmem>>, vector<16xi32>,
        %get3A_520 = vector.shape_cast %get3A_519 : vector<16xi32> to vector<16xi32>
        %ge3A_521 = arith.cmpi sge, %get3A_520, %or3A_469 : vector<16xi32>
        %jit3A_522 = arith.constant 1 : i32
        %jit3A_523 = arith.constant 0 : i32
        %broadcast_in_dim3A_524 = vector.broadcast %jit3A_522 : i32 to vector<16xi32>
        %broadcast_in_dim3A_525 = vector.broadcast %jit3A_523 : i32 to vector<16xi32>
        %select_n3A_526 = arith.select %ge3A_521, %broadcast_in_dim3A_524, %broadcast_in_dim3A_525 : vector<16xi1>, vector<16xi32>
        %add3A_527 = arith.addi %scan3A_512, %select_n3A_526 : vector<16xi32>
        %mul3A_528 = arith.constant 16 : i32
        %mul3A_529 = arith.muli %scan3A_511, %mul3A_528 : i32
        %add3A_530 = arith.constant 1 : i32
        %add3A_531 = arith.addi %mul3A_529, %add3A_530 : i32
        %mul3A_532 = arith.constant 16 : i32
        %mul3A_533 = arith.muli %add3A_531, %mul3A_532 : i32
        %multiple_of3A_534 = tpu.assume_multiple %mul3A_533, 16 : i32
        %get3A_535 = arith.index_cast %multiple_of3A_534 : i32 to index
        %get3A_536 = tpu.vector_load %arg10[%get3A_535] {strides = array<i32>} : memref<1024xi32, #tpu.memory_space<vmem>>, vector<16xi32>,
        %get3A_537 = vector.shape_cast %get3A_536 : vector<16xi32> to vector<16xi32>
        %ge3A_538 = arith.cmpi sge, %get3A_537, %or3A_469 : vector<16xi32>
        %jit3A_539 = arith.constant 1 : i32
        %jit3A_540 = arith.constant 0 : i32
        %broadcast_in_dim3A_541 = vector.broadcast %jit3A_539 : i32 to vector<16xi32>
        %broadcast_in_dim3A_542 = vector.broadcast %jit3A_540 : i32 to vector<16xi32>
        %select_n3A_543 = arith.select %ge3A_538, %broadcast_in_dim3A_541, %broadcast_in_dim3A_542 : vector<16xi1>, vector<16xi32>
        %add3A_544 = arith.addi %add3A_527, %select_n3A_543 : vector<16xi32>
        %mul3A_545 = arith.constant 16 : i32
        %mul3A_546 = arith.muli %scan3A_511, %mul3A_545 : i32
        %add3A_547 = arith.constant 2 : i32
        %add3A_548 = arith.addi %mul3A_546, %add3A_547 : i32
        %mul3A_549 = arith.constant 16 : i32
        %mul3A_550 = arith.muli %add3A_548, %mul3A_549 : i32
        %multiple_of3A_551 = tpu.assume_multiple %mul3A_550, 16 : i32
        %get3A_552 = arith.index_cast %multiple_of3A_551 : i32 to index
        %get3A_553 = tpu.vector_load %arg10[%get3A_552] {strides = array<i32>} : memref<1024xi32, #tpu.memory_space<vmem>>, vector<16xi32>,
        %get3A_554 = vector.shape_cast %get3A_553 : vector<16xi32> to vector<16xi32>
        %ge3A_555 = arith.cmpi sge, %get3A_554, %or3A_469 : vector<16xi32>
        %jit3A_556 = arith.constant 1 : i32
        %jit3A_557 = arith.constant 0 : i32
        %broadcast_in_dim3A_558 = vector.broadcast %jit3A_556 : i32 to vector<16xi32>
        %broadcast_in_dim3A_559 = vector.broadcast %jit3A_557 : i32 to vector<16xi32>
        %select_n3A_560 = arith.select %ge3A_555, %broadcast_in_dim3A_558, %broadcast_in_dim3A_559 : vector<16xi1>, vector<16xi32>
        %add3A_561 = arith.addi %add3A_544, %select_n3A_560 : vector<16xi32>
        %mul3A_562 = arith.constant 16 : i32
        %mul3A_563 = arith.muli %scan3A_511, %mul3A_562 : i32
        %add3A_564 = arith.constant 3 : i32
        %add3A_565 = arith.addi %mul3A_563, %add3A_564 : i32
        %mul3A_566 = arith.constant 16 : i32
        %mul3A_567 = arith.muli %add3A_565, %mul3A_566 : i32
        %multiple_of3A_568 = tpu.assume_multiple %mul3A_567, 16 : i32
        %get3A_569 = arith.index_cast %multiple_of3A_568 : i32 to index
        %get3A_570 = tpu.vector_load %arg10[%get3A_569] {strides = array<i32>} : memref<1024xi32, #tpu.memory_space<vmem>>, vector<16xi32>,
        %get3A_571 = vector.shape_cast %get3A_570 : vector<16xi32> to vector<16xi32>
        %ge3A_572 = arith.cmpi sge, %get3A_571, %or3A_469 : vector<16xi32>
        %jit3A_573 = arith.constant 1 : i32
        %jit3A_574 = arith.constant 0 : i32
        %broadcast_in_dim3A_575 = vector.broadcast %jit3A_573 : i32 to vector<16xi32>
        %broadcast_in_dim3A_576 = vector.broadcast %jit3A_574 : i32 to vector<16xi32>
        %select_n3A_577 = arith.select %ge3A_572, %broadcast_in_dim3A_575, %broadcast_in_dim3A_576 : vector<16xi1>, vector<16xi32>
        %add3A_578 = arith.addi %add3A_561, %select_n3A_577 : vector<16xi32>
        %mul3A_579 = arith.constant 16 : i32
        %mul3A_580 = arith.muli %scan3A_511, %mul3A_579 : i32
        %add3A_581 = arith.constant 4 : i32
        %add3A_582 = arith.addi %mul3A_580, %add3A_581 : i32
        %mul3A_583 = arith.constant 16 : i32
        %mul3A_584 = arith.muli %add3A_582, %mul3A_583 : i32
        %multiple_of3A_585 = tpu.assume_multiple %mul3A_584, 16 : i32
        %get3A_586 = arith.index_cast %multiple_of3A_585 : i32 to index
        %get3A_587 = tpu.vector_load %arg10[%get3A_586] {strides = array<i32>} : memref<1024xi32, #tpu.memory_space<vmem>>, vector<16xi32>,
        %get3A_588 = vector.shape_cast %get3A_587 : vector<16xi32> to vector<16xi32>
        %ge3A_589 = arith.cmpi sge, %get3A_588, %or3A_469 : vector<16xi32>
        %jit3A_590 = arith.constant 1 : i32
        %jit3A_591 = arith.constant 0 : i32
        %broadcast_in_dim3A_592 = vector.broadcast %jit3A_590 : i32 to vector<16xi32>
        %broadcast_in_dim3A_593 = vector.broadcast %jit3A_591 : i32 to vector<16xi32>
        %select_n3A_594 = arith.select %ge3A_589, %broadcast_in_dim3A_592, %broadcast_in_dim3A_593 : vector<16xi1>, vector<16xi32>
        %add3A_595 = arith.addi %add3A_578, %select_n3A_594 : vector<16xi32>
        %mul3A_596 = arith.constant 16 : i32
        %mul3A_597 = arith.muli %scan3A_511, %mul3A_596 : i32
        %add3A_598 = arith.constant 5 : i32
        %add3A_599 = arith.addi %mul3A_597, %add3A_598 : i32
        %mul3A_600 = arith.constant 16 : i32
        %mul3A_601 = arith.muli %add3A_599, %mul3A_600 : i32
        %multiple_of3A_602 = tpu.assume_multiple %mul3A_601, 16 : i32
        %get3A_603 = arith.index_cast %multiple_of3A_602 : i32 to index
        %get3A_604 = tpu.vector_load %arg10[%get3A_603] {strides = array<i32>} : memref<1024xi32, #tpu.memory_space<vmem>>, vector<16xi32>,
        %get3A_605 = vector.shape_cast %get3A_604 : vector<16xi32> to vector<16xi32>
        %ge3A_606 = arith.cmpi sge, %get3A_605, %or3A_469 : vector<16xi32>
        %jit3A_607 = arith.constant 1 : i32
        %jit3A_608 = arith.constant 0 : i32
        %broadcast_in_dim3A_609 = vector.broadcast %jit3A_607 : i32 to vector<16xi32>
        %broadcast_in_dim3A_610 = vector.broadcast %jit3A_608 : i32 to vector<16xi32>
        %select_n3A_611 = arith.select %ge3A_606, %broadcast_in_dim3A_609, %broadcast_in_dim3A_610 : vector<16xi1>, vector<16xi32>
        %add3A_612 = arith.addi %add3A_595, %select_n3A_611 : vector<16xi32>
        %mul3A_613 = arith.constant 16 : i32
        %mul3A_614 = arith.muli %scan3A_511, %mul3A_613 : i32
        %add3A_615 = arith.constant 6 : i32
        %add3A_616 = arith.addi %mul3A_614, %add3A_615 : i32
        %mul3A_617 = arith.constant 16 : i32
        %mul3A_618 = arith.muli %add3A_616, %mul3A_617 : i32
        %multiple_of3A_619 = tpu.assume_multiple %mul3A_618, 16 : i32
        %get3A_620 = arith.index_cast %multiple_of3A_619 : i32 to index
        %get3A_621 = tpu.vector_load %arg10[%get3A_620] {strides = array<i32>} : memref<1024xi32, #tpu.memory_space<vmem>>, vector<16xi32>,
        %get3A_622 = vector.shape_cast %get3A_621 : vector<16xi32> to vector<16xi32>
        %ge3A_623 = arith.cmpi sge, %get3A_622, %or3A_469 : vector<16xi32>
        %jit3A_624 = arith.constant 1 : i32
        %jit3A_625 = arith.constant 0 : i32
        %broadcast_in_dim3A_626 = vector.broadcast %jit3A_624 : i32 to vector<16xi32>
        %broadcast_in_dim3A_627 = vector.broadcast %jit3A_625 : i32 to vector<16xi32>
        %select_n3A_628 = arith.select %ge3A_623, %broadcast_in_dim3A_626, %broadcast_in_dim3A_627 : vector<16xi1>, vector<16xi32>
        %add3A_629 = arith.addi %add3A_612, %select_n3A_628 : vector<16xi32>
        %mul3A_630 = arith.constant 16 : i32
        %mul3A_631 = arith.muli %scan3A_511, %mul3A_630 : i32
        %add3A_632 = arith.constant 7 : i32
        %add3A_633 = arith.addi %mul3A_631, %add3A_632 : i32
        %mul3A_634 = arith.constant 16 : i32
        %mul3A_635 = arith.muli %add3A_633, %mul3A_634 : i32
        %multiple_of3A_636 = tpu.assume_multiple %mul3A_635, 16 : i32
        %get3A_637 = arith.index_cast %multiple_of3A_636 : i32 to index
        %get3A_638 = tpu.vector_load %arg10[%get3A_637] {strides = array<i32>} : memref<1024xi32, #tpu.memory_space<vmem>>, vector<16xi32>,
        %get3A_639 = vector.shape_cast %get3A_638 : vector<16xi32> to vector<16xi32>
        %ge3A_640 = arith.cmpi sge, %get3A_639, %or3A_469 : vector<16xi32>
        %jit3A_641 = arith.constant 1 : i32
        %jit3A_642 = arith.constant 0 : i32
        %broadcast_in_dim3A_643 = vector.broadcast %jit3A_641 : i32 to vector<16xi32>
        %broadcast_in_dim3A_644 = vector.broadcast %jit3A_642 : i32 to vector<16xi32>
        %select_n3A_645 = arith.select %ge3A_640, %broadcast_in_dim3A_643, %broadcast_in_dim3A_644 : vector<16xi1>, vector<16xi32>
        %add3A_646 = arith.addi %add3A_629, %select_n3A_645 : vector<16xi32>
        %mul3A_647 = arith.constant 16 : i32
        %mul3A_648 = arith.muli %scan3A_511, %mul3A_647 : i32
        %add3A_649 = arith.constant 8 : i32
        %add3A_650 = arith.addi %mul3A_648, %add3A_649 : i32
        %mul3A_651 = arith.constant 16 : i32
        %mul3A_652 = arith.muli %add3A_650, %mul3A_651 : i32
        %multiple_of3A_653 = tpu.assume_multiple %mul3A_652, 16 : i32
        %get3A_654 = arith.index_cast %multiple_of3A_653 : i32 to index
        %get3A_655 = tpu.vector_load %arg10[%get3A_654] {strides = array<i32>} : memref<1024xi32, #tpu.memory_space<vmem>>, vector<16xi32>,
        %get3A_656 = vector.shape_cast %get3A_655 : vector<16xi32> to vector<16xi32>
        %ge3A_657 = arith.cmpi sge, %get3A_656, %or3A_469 : vector<16xi32>
        %jit3A_658 = arith.constant 1 : i32
        %jit3A_659 = arith.constant 0 : i32
        %broadcast_in_dim3A_660 = vector.broadcast %jit3A_658 : i32 to vector<16xi32>
        %broadcast_in_dim3A_661 = vector.broadcast %jit3A_659 : i32 to vector<16xi32>
        %select_n3A_662 = arith.select %ge3A_657, %broadcast_in_dim3A_660, %broadcast_in_dim3A_661 : vector<16xi1>, vector<16xi32>
        %add3A_663 = arith.addi %add3A_646, %select_n3A_662 : vector<16xi32>
        %mul3A_664 = arith.constant 16 : i32
        %mul3A_665 = arith.muli %scan3A_511, %mul3A_664 : i32
        %add3A_666 = arith.constant 9 : i32
        %add3A_667 = arith.addi %mul3A_665, %add3A_666 : i32
        %mul3A_668 = arith.constant 16 : i32
        %mul3A_669 = arith.muli %add3A_667, %mul3A_668 : i32
        %multiple_of3A_670 = tpu.assume_multiple %mul3A_669, 16 : i32
        %get3A_671 = arith.index_cast %multiple_of3A_670 : i32 to index
        %get3A_672 = tpu.vector_load %arg10[%get3A_671] {strides = array<i32>} : memref<1024xi32, #tpu.memory_space<vmem>>, vector<16xi32>,
        %get3A_673 = vector.shape_cast %get3A_672 : vector<16xi32> to vector<16xi32>
        %ge3A_674 = arith.cmpi sge, %get3A_673, %or3A_469 : vector<16xi32>
        %jit3A_675 = arith.constant 1 : i32
        %jit3A_676 = arith.constant 0 : i32
        %broadcast_in_dim3A_677 = vector.broadcast %jit3A_675 : i32 to vector<16xi32>
        %broadcast_in_dim3A_678 = vector.broadcast %jit3A_676 : i32 to vector<16xi32>
        %select_n3A_679 = arith.select %ge3A_674, %broadcast_in_dim3A_677, %broadcast_in_dim3A_678 : vector<16xi1>, vector<16xi32>
        %add3A_680 = arith.addi %add3A_663, %select_n3A_679 : vector<16xi32>
        %mul3A_681 = arith.constant 16 : i32
        %mul3A_682 = arith.muli %scan3A_511, %mul3A_681 : i32
        %add3A_683 = arith.constant 10 : i32
        %add3A_684 = arith.addi %mul3A_682, %add3A_683 : i32
        %mul3A_685 = arith.constant 16 : i32
        %mul3A_686 = arith.muli %add3A_684, %mul3A_685 : i32
        %multiple_of3A_687 = tpu.assume_multiple %mul3A_686, 16 : i32
        %get3A_688 = arith.index_cast %multiple_of3A_687 : i32 to index
        %get3A_689 = tpu.vector_load %arg10[%get3A_688] {strides = array<i32>} : memref<1024xi32, #tpu.memory_space<vmem>>, vector<16xi32>,
        %get3A_690 = vector.shape_cast %get3A_689 : vector<16xi32> to vector<16xi32>
        %ge3A_691 = arith.cmpi sge, %get3A_690, %or3A_469 : vector<16xi32>
        %jit3A_692 = arith.constant 1 : i32
        %jit3A_693 = arith.constant 0 : i32
        %broadcast_in_dim3A_694 = vector.broadcast %jit3A_692 : i32 to vector<16xi32>
        %broadcast_in_dim3A_695 = vector.broadcast %jit3A_693 : i32 to vector<16xi32>
        %select_n3A_696 = arith.select %ge3A_691, %broadcast_in_dim3A_694, %broadcast_in_dim3A_695 : vector<16xi1>, vector<16xi32>
        %add3A_697 = arith.addi %add3A_680, %select_n3A_696 : vector<16xi32>
        %mul3A_698 = arith.constant 16 : i32
        %mul3A_699 = arith.muli %scan3A_511, %mul3A_698 : i32
        %add3A_700 = arith.constant 11 : i32
        %add3A_701 = arith.addi %mul3A_699, %add3A_700 : i32
        %mul3A_702 = arith.constant 16 : i32
        %mul3A_703 = arith.muli %add3A_701, %mul3A_702 : i32
        %multiple_of3A_704 = tpu.assume_multiple %mul3A_703, 16 : i32
        %get3A_705 = arith.index_cast %multiple_of3A_704 : i32 to index
        %get3A_706 = tpu.vector_load %arg10[%get3A_705] {strides = array<i32>} : memref<1024xi32, #tpu.memory_space<vmem>>, vector<16xi32>,
        %get3A_707 = vector.shape_cast %get3A_706 : vector<16xi32> to vector<16xi32>
        %ge3A_708 = arith.cmpi sge, %get3A_707, %or3A_469 : vector<16xi32>
        %jit3A_709 = arith.constant 1 : i32
        %jit3A_710 = arith.constant 0 : i32
        %broadcast_in_dim3A_711 = vector.broadcast %jit3A_709 : i32 to vector<16xi32>
        %broadcast_in_dim3A_712 = vector.broadcast %jit3A_710 : i32 to vector<16xi32>
        %select_n3A_713 = arith.select %ge3A_708, %broadcast_in_dim3A_711, %broadcast_in_dim3A_712 : vector<16xi1>, vector<16xi32>
        %add3A_714 = arith.addi %add3A_697, %select_n3A_713 : vector<16xi32>
        %mul3A_715 = arith.constant 16 : i32
        %mul3A_716 = arith.muli %scan3A_511, %mul3A_715 : i32
        %add3A_717 = arith.constant 12 : i32
        %add3A_718 = arith.addi %mul3A_716, %add3A_717 : i32
        %mul3A_719 = arith.constant 16 : i32
        %mul3A_720 = arith.muli %add3A_718, %mul3A_719 : i32
        %multiple_of3A_721 = tpu.assume_multiple %mul3A_720, 16 : i32
        %get3A_722 = arith.index_cast %multiple_of3A_721 : i32 to index
        %get3A_723 = tpu.vector_load %arg10[%get3A_722] {strides = array<i32>} : memref<1024xi32, #tpu.memory_space<vmem>>, vector<16xi32>,
        %get3A_724 = vector.shape_cast %get3A_723 : vector<16xi32> to vector<16xi32>
        %ge3A_725 = arith.cmpi sge, %get3A_724, %or3A_469 : vector<16xi32>
        %jit3A_726 = arith.constant 1 : i32
        %jit3A_727 = arith.constant 0 : i32
        %broadcast_in_dim3A_728 = vector.broadcast %jit3A_726 : i32 to vector<16xi32>
        %broadcast_in_dim3A_729 = vector.broadcast %jit3A_727 : i32 to vector<16xi32>
        %select_n3A_730 = arith.select %ge3A_725, %broadcast_in_dim3A_728, %broadcast_in_dim3A_729 : vector<16xi1>, vector<16xi32>
        %add3A_731 = arith.addi %add3A_714, %select_n3A_730 : vector<16xi32>
        %mul3A_732 = arith.constant 16 : i32
        %mul3A_733 = arith.muli %scan3A_511, %mul3A_732 : i32
        %add3A_734 = arith.constant 13 : i32
        %add3A_735 = arith.addi %mul3A_733, %add3A_734 : i32
        %mul3A_736 = arith.constant 16 : i32
        %mul3A_737 = arith.muli %add3A_735, %mul3A_736 : i32
        %multiple_of3A_738 = tpu.assume_multiple %mul3A_737, 16 : i32
        %get3A_739 = arith.index_cast %multiple_of3A_738 : i32 to index
        %get3A_740 = tpu.vector_load %arg10[%get3A_739] {strides = array<i32>} : memref<1024xi32, #tpu.memory_space<vmem>>, vector<16xi32>,
        %get3A_741 = vector.shape_cast %get3A_740 : vector<16xi32> to vector<16xi32>
        %ge3A_742 = arith.cmpi sge, %get3A_741, %or3A_469 : vector<16xi32>
        %jit3A_743 = arith.constant 1 : i32
        %jit3A_744 = arith.constant 0 : i32
        %broadcast_in_dim3A_745 = vector.broadcast %jit3A_743 : i32 to vector<16xi32>
        %broadcast_in_dim3A_746 = vector.broadcast %jit3A_744 : i32 to vector<16xi32>
        %select_n3A_747 = arith.select %ge3A_742, %broadcast_in_dim3A_745, %broadcast_in_dim3A_746 : vector<16xi1>, vector<16xi32>
        %add3A_748 = arith.addi %add3A_731, %select_n3A_747 : vector<16xi32>
        %mul3A_749 = arith.constant 16 : i32
        %mul3A_750 = arith.muli %scan3A_511, %mul3A_749 : i32
        %add3A_751 = arith.constant 14 : i32
        %add3A_752 = arith.addi %mul3A_750, %add3A_751 : i32
        %mul3A_753 = arith.constant 16 : i32
        %mul3A_754 = arith.muli %add3A_752, %mul3A_753 : i32
        %multiple_of3A_755 = tpu.assume_multiple %mul3A_754, 16 : i32
        %get3A_756 = arith.index_cast %multiple_of3A_755 : i32 to index
        %get3A_757 = tpu.vector_load %arg10[%get3A_756] {strides = array<i32>} : memref<1024xi32, #tpu.memory_space<vmem>>, vector<16xi32>,
        %get3A_758 = vector.shape_cast %get3A_757 : vector<16xi32> to vector<16xi32>
        %ge3A_759 = arith.cmpi sge, %get3A_758, %or3A_469 : vector<16xi32>
        %jit3A_760 = arith.constant 1 : i32
        %jit3A_761 = arith.constant 0 : i32
        %broadcast_in_dim3A_762 = vector.broadcast %jit3A_760 : i32 to vector<16xi32>
        %broadcast_in_dim3A_763 = vector.broadcast %jit3A_761 : i32 to vector<16xi32>
        %select_n3A_764 = arith.select %ge3A_759, %broadcast_in_dim3A_762, %broadcast_in_dim3A_763 : vector<16xi1>, vector<16xi32>
        %add3A_765 = arith.addi %add3A_748, %select_n3A_764 : vector<16xi32>
        %mul3A_766 = arith.constant 16 : i32
        %mul3A_767 = arith.muli %scan3A_511, %mul3A_766 : i32
        %add3A_768 = arith.constant 15 : i32
        %add3A_769 = arith.addi %mul3A_767, %add3A_768 : i32
        %mul3A_770 = arith.constant 16 : i32
        %mul3A_771 = arith.muli %add3A_769, %mul3A_770 : i32
        %multiple_of3A_772 = tpu.assume_multiple %mul3A_771, 16 : i32
        %get3A_773 = arith.index_cast %multiple_of3A_772 : i32 to index
        %get3A_774 = tpu.vector_load %arg10[%get3A_773] {strides = array<i32>} : memref<1024xi32, #tpu.memory_space<vmem>>, vector<16xi32>,
        %get3A_775 = vector.shape_cast %get3A_774 : vector<16xi32> to vector<16xi32>
        %ge3A_776 = arith.cmpi sge, %get3A_775, %or3A_469 : vector<16xi32>
        %jit3A_777 = arith.constant 1 : i32
        %jit3A_778 = arith.constant 0 : i32
        %broadcast_in_dim3A_779 = vector.broadcast %jit3A_777 : i32 to vector<16xi32>
        %broadcast_in_dim3A_780 = vector.broadcast %jit3A_778 : i32 to vector<16xi32>
        %select_n3A_781 = arith.select %ge3A_776, %broadcast_in_dim3A_779, %broadcast_in_dim3A_780 : vector<16xi1>, vector<16xi32>
        %add3A_782 = arith.addi %add3A_765, %select_n3A_781 : vector<16xi32>
        scf.yield %add3A_782 : vector<16xi32>
      }
      %scan3A_477 = arith.constant 4 : i32
      %iota3A_478 = tpu.iota {dimensions = array<i32: 0>} : vector<16xi32>
      %xor3A_479 = arith.constant 8 : i32
      %xor3A_480 = vector.broadcast %xor3A_479 : i32 to vector<16xi32>
      %xor3A_481 = arith.xori %iota3A_478, %xor3A_480 : vector<16xi32>
      %broadcast_in_dim3A_482 = vector.shape_cast %xor3A_481 : vector<16xi32> to vector<16x1xi32>
      %gather3A_483 = vector.shape_cast %broadcast_in_dim3A_482 : vector<16x1xi32> to vector<16xi32>
      %gather3A_484 = tpu.dynamic_gather %scan3A_476[%gather3A_483] in [0] : vector<16xi32>, vector<16xi32> -> vector<16xi32>
      %add3A_485 = arith.addi %scan3A_476, %gather3A_484 : vector<16xi32>
      %xor3A_486 = arith.constant 4 : i32
      %xor3A_487 = vector.broadcast %xor3A_486 : i32 to vector<16xi32>
      %xor3A_488 = arith.xori %iota3A_478, %xor3A_487 : vector<16xi32>
      %broadcast_in_dim3A_489 = vector.shape_cast %xor3A_488 : vector<16xi32> to vector<16x1xi32>
      %gather3A_490 = vector.shape_cast %broadcast_in_dim3A_489 : vector<16x1xi32> to vector<16xi32>
      %gather3A_491 = tpu.dynamic_gather %add3A_485[%gather3A_490] in [0] : vector<16xi32>, vector<16xi32> -> vector<16xi32>
      %add3A_492 = arith.addi %add3A_485, %gather3A_491 : vector<16xi32>
      %xor3A_493 = arith.constant 2 : i32
      %xor3A_494 = vector.broadcast %xor3A_493 : i32 to vector<16xi32>
      %xor3A_495 = arith.xori %iota3A_478, %xor3A_494 : vector<16xi32>
      %broadcast_in_dim3A_496 = vector.shape_cast %xor3A_495 : vector<16xi32> to vector<16x1xi32>
      %gather3A_497 = vector.shape_cast %broadcast_in_dim3A_496 : vector<16x1xi32> to vector<16xi32>
      %gather3A_498 = tpu.dynamic_gather %add3A_492[%gather3A_497] in [0] : vector<16xi32>, vector<16xi32> -> vector<16xi32>
      %add3A_499 = arith.addi %add3A_492, %gather3A_498 : vector<16xi32>
      %xor3A_500 = arith.constant 1 : i32
      %xor3A_501 = vector.broadcast %xor3A_500 : i32 to vector<16xi32>
      %xor3A_502 = arith.xori %iota3A_478, %xor3A_501 : vector<16xi32>
      %broadcast_in_dim3A_503 = vector.shape_cast %xor3A_502 : vector<16xi32> to vector<16x1xi32>
      %gather3A_504 = vector.shape_cast %broadcast_in_dim3A_503 : vector<16x1xi32> to vector<16xi32>
      %gather3A_505 = tpu.dynamic_gather %add3A_499[%gather3A_504] in [0] : vector<16xi32>, vector<16xi32> -> vector<16xi32>
      %add3A_506 = arith.addi %add3A_499, %gather3A_505 : vector<16xi32>
      %ge3A_507 = arith.constant 32 : i32
      %ge3A_508 = vector.broadcast %ge3A_507 : i32 to vector<16xi32>
      %ge3A_509 = arith.cmpi sge, %add3A_506, %ge3A_508 : vector<16xi32>
      %select_n3A_510 = arith.select %ge3A_509, %or3A_469, %scan3A_466 : vector<16xi1>, vector<16xi32>
      scf.yield %select_n3A_510 : vector<16xi32>
    }
    %scan3A_403 = arith.constant 31 : i32
    %broadcast_in_dim3A_404 = arith.constant 0.000000e+00 : f32
    %broadcast_in_dim3A_405 = vector.broadcast %broadcast_in_dim3A_404 : f32 to vector<16xf32>
    %scan3A_406 = arith.constant 0 : i32
    %scan3A_407 = arith.constant 16 : i32
    %scan3A_408 = arith.addi %scan3A_406, %scan3A_407 : i32
    %scan3A_409 = arith.constant 1 : i32
    %scan3A_410 = scf.for %scan3A_465 = %scan3A_406 to %scan3A_408 step %scan3A_409 iter_args(%scan3A_466 = %broadcast_in_dim3A_405) -> (vector<16xf32>)  : i32 {
      %mul3A_467 = arith.constant 4 : i32
      %mul3A_468 = arith.muli %scan3A_465, %mul3A_467 : i32
      %add3A_469 = arith.constant 0 : i32
      %add3A_470 = arith.addi %mul3A_468, %add3A_469 : i32
      %mul3A_471 = arith.constant 16 : i32
      %mul3A_472 = arith.muli %add3A_470, %mul3A_471 : i32
      %multiple_of3A = tpu.assume_multiple %mul3A_472, 16 : i32
      %get3A = arith.index_cast %multiple_of3A : i32 to index
      %get3A_473 = tpu.vector_load %arg9[%get3A] {strides = array<i32>} : memref<1024xf32, #tpu.memory_space<vmem>>, vector<16xf32>,
      %get3A_474 = vector.shape_cast %get3A_473 : vector<16xf32> to vector<16xf32>
      %sub3A = arith.subf %get3A_474, %max3A_350 : vector<16xf32>
      %exp3A = math.exp %sub3A : vector<16xf32>
      %swap3A = arith.index_cast %multiple_of3A : i32 to index
      %swap3A_475 = tpu.vector_load %arg9[%swap3A] {strides = array<i32>} : memref<1024xf32, #tpu.memory_space<vmem>>, vector<16xf32>,
      %swap3A_476 = vector.shape_cast %swap3A_475 : vector<16xf32> to vector<16xf32>
      %swap3A_477 = vector.shape_cast %exp3A : vector<16xf32> to vector<16xf32>
      tpu.vector_store %arg9[%swap3A], %swap3A_477 {strides = array<i32>} : memref<1024xf32, #tpu.memory_space<vmem>>, vector<16xf32>,
      %add3A_478 = arith.addf %scan3A_466, %exp3A : vector<16xf32>
      %mul3A_479 = arith.constant 4 : i32
      %mul3A_480 = arith.muli %scan3A_465, %mul3A_479 : i32
      %add3A_481 = arith.constant 1 : i32
      %add3A_482 = arith.addi %mul3A_480, %add3A_481 : i32
      %mul3A_483 = arith.constant 16 : i32
      %mul3A_484 = arith.muli %add3A_482, %mul3A_483 : i32
      %multiple_of3A_485 = tpu.assume_multiple %mul3A_484, 16 : i32
      %get3A_486 = arith.index_cast %multiple_of3A_485 : i32 to index
      %get3A_487 = tpu.vector_load %arg9[%get3A_486] {strides = array<i32>} : memref<1024xf32, #tpu.memory_space<vmem>>, vector<16xf32>,
      %get3A_488 = vector.shape_cast %get3A_487 : vector<16xf32> to vector<16xf32>
      %sub3A_489 = arith.subf %get3A_488, %max3A_350 : vector<16xf32>
      %exp3A_490 = math.exp %sub3A_489 : vector<16xf32>
      %swap3A_491 = arith.index_cast %multiple_of3A_485 : i32 to index
      %swap3A_492 = tpu.vector_load %arg9[%swap3A_491] {strides = array<i32>} : memref<1024xf32, #tpu.memory_space<vmem>>, vector<16xf32>,
      %swap3A_493 = vector.shape_cast %swap3A_492 : vector<16xf32> to vector<16xf32>
      %swap3A_494 = vector.shape_cast %exp3A_490 : vector<16xf32> to vector<16xf32>
      tpu.vector_store %arg9[%swap3A_491], %swap3A_494 {strides = array<i32>} : memref<1024xf32, #tpu.memory_space<vmem>>, vector<16xf32>,
      %add3A_495 = arith.addf %add3A_478, %exp3A_490 : vector<16xf32>
      %mul3A_496 = arith.constant 4 : i32
      %mul3A_497 = arith.muli %scan3A_465, %mul3A_496 : i32
      %add3A_498 = arith.constant 2 : i32
      %add3A_499 = arith.addi %mul3A_497, %add3A_498 : i32
      %mul3A_500 = arith.constant 16 : i32
      %mul3A_501 = arith.muli %add3A_499, %mul3A_500 : i32
      %multiple_of3A_502 = tpu.assume_multiple %mul3A_501, 16 : i32
      %get3A_503 = arith.index_cast %multiple_of3A_502 : i32 to index
      %get3A_504 = tpu.vector_load %arg9[%get3A_503] {strides = array<i32>} : memref<1024xf32, #tpu.memory_space<vmem>>, vector<16xf32>,
      %get3A_505 = vector.shape_cast %get3A_504 : vector<16xf32> to vector<16xf32>
      %sub3A_506 = arith.subf %get3A_505, %max3A_350 : vector<16xf32>
      %exp3A_507 = math.exp %sub3A_506 : vector<16xf32>
      %swap3A_508 = arith.index_cast %multiple_of3A_502 : i32 to index
      %swap3A_509 = tpu.vector_load %arg9[%swap3A_508] {strides = array<i32>} : memref<1024xf32, #tpu.memory_space<vmem>>, vector<16xf32>,
      %swap3A_510 = vector.shape_cast %swap3A_509 : vector<16xf32> to vector<16xf32>
      %swap3A_511 = vector.shape_cast %exp3A_507 : vector<16xf32> to vector<16xf32>
      tpu.vector_store %arg9[%swap3A_508], %swap3A_511 {strides = array<i32>} : memref<1024xf32, #tpu.memory_space<vmem>>, vector<16xf32>,
      %add3A_512 = arith.addf %add3A_495, %exp3A_507 : vector<16xf32>
      %mul3A_513 = arith.constant 4 : i32
      %mul3A_514 = arith.muli %scan3A_465, %mul3A_513 : i32
      %add3A_515 = arith.constant 3 : i32
      %add3A_516 = arith.addi %mul3A_514, %add3A_515 : i32
      %mul3A_517 = arith.constant 16 : i32
      %mul3A_518 = arith.muli %add3A_516, %mul3A_517 : i32
      %multiple_of3A_519 = tpu.assume_multiple %mul3A_518, 16 : i32
      %get3A_520 = arith.index_cast %multiple_of3A_519 : i32 to index
      %get3A_521 = tpu.vector_load %arg9[%get3A_520] {strides = array<i32>} : memref<1024xf32, #tpu.memory_space<vmem>>, vector<16xf32>,
      %get3A_522 = vector.shape_cast %get3A_521 : vector<16xf32> to vector<16xf32>
      %sub3A_523 = arith.subf %get3A_522, %max3A_350 : vector<16xf32>
      %exp3A_524 = math.exp %sub3A_523 : vector<16xf32>
      %swap3A_525 = arith.index_cast %multiple_of3A_519 : i32 to index
      %swap3A_526 = tpu.vector_load %arg9[%swap3A_525] {strides = array<i32>} : memref<1024xf32, #tpu.memory_space<vmem>>, vector<16xf32>,
      %swap3A_527 = vector.shape_cast %swap3A_526 : vector<16xf32> to vector<16xf32>
      %swap3A_528 = vector.shape_cast %exp3A_524 : vector<16xf32> to vector<16xf32>
      tpu.vector_store %arg9[%swap3A_525], %swap3A_528 {strides = array<i32>} : memref<1024xf32, #tpu.memory_space<vmem>>, vector<16xf32>,
      %add3A_529 = arith.addf %add3A_512, %exp3A_524 : vector<16xf32>
      scf.yield %add3A_529 : vector<16xf32>
    }
    %scan3A_411 = arith.constant 16 : i32
    %iota3A_412 = tpu.iota {dimensions = array<i32: 0>} : vector<16xi32>
    %xor3A_413 = arith.constant 8 : i32
    %xor3A_414 = vector.broadcast %xor3A_413 : i32 to vector<16xi32>
    %xor3A_415 = arith.xori %iota3A_412, %xor3A_414 : vector<16xi32>
    %broadcast_in_dim3A_416 = vector.shape_cast %xor3A_415 : vector<16xi32> to vector<16x1xi32>
    %gather3A_417 = vector.shape_cast %broadcast_in_dim3A_416 : vector<16x1xi32> to vector<16xi32>
    %gather3A_418 = tpu.dynamic_gather %scan3A_410[%gather3A_417] in [0] : vector<16xf32>, vector<16xi32> -> vector<16xf32>
    %add3A_419 = arith.addf %scan3A_410, %gather3A_418 : vector<16xf32>
    %xor3A_420 = arith.constant 4 : i32
    %xor3A_421 = vector.broadcast %xor3A_420 : i32 to vector<16xi32>
    %xor3A_422 = arith.xori %iota3A_412, %xor3A_421 : vector<16xi32>
    %broadcast_in_dim3A_423 = vector.shape_cast %xor3A_422 : vector<16xi32> to vector<16x1xi32>
    %gather3A_424 = vector.shape_cast %broadcast_in_dim3A_423 : vector<16x1xi32> to vector<16xi32>
    %gather3A_425 = tpu.dynamic_gather %add3A_419[%gather3A_424] in [0] : vector<16xf32>, vector<16xi32> -> vector<16xf32>
    %add3A_426 = arith.addf %add3A_419, %gather3A_425 : vector<16xf32>
    %xor3A_427 = arith.constant 2 : i32
    %xor3A_428 = vector.broadcast %xor3A_427 : i32 to vector<16xi32>
    %xor3A_429 = arith.xori %iota3A_412, %xor3A_428 : vector<16xi32>
    %broadcast_in_dim3A_430 = vector.shape_cast %xor3A_429 : vector<16xi32> to vector<16x1xi32>
    %gather3A_431 = vector.shape_cast %broadcast_in_dim3A_430 : vector<16x1xi32> to vector<16xi32>
    %gather3A_432 = tpu.dynamic_gather %add3A_426[%gather3A_431] in [0] : vector<16xf32>, vector<16xi32> -> vector<16xf32>
    %add3A_433 = arith.addf %add3A_426, %gather3A_432 : vector<16xf32>
    %xor3A_434 = arith.constant 1 : i32
    %xor3A_435 = vector.broadcast %xor3A_434 : i32 to vector<16xi32>
    %xor3A_436 = arith.xori %iota3A_412, %xor3A_435 : vector<16xi32>
    %broadcast_in_dim3A_437 = vector.shape_cast %xor3A_436 : vector<16xi32> to vector<16x1xi32>
    %gather3A_438 = vector.shape_cast %broadcast_in_dim3A_437 : vector<16x1xi32> to vector<16xi32>
    %gather3A_439 = tpu.dynamic_gather %add3A_433[%gather3A_438] in [0] : vector<16xf32>, vector<16xi32> -> vector<16xf32>
    %add3A_440 = arith.addf %add3A_433, %gather3A_439 : vector<16xf32>
    %div3A_441 = arith.constant 3.200000e+01 : f32
    %div3A_442 = vector.broadcast %div3A_441 : f32 to vector<16xf32>
    %div3A_443 = arith.divf %div3A_442, %add3A_440 : vector<16xf32>
    %scan3A_444 = arith.constant 0 : i32
    %scan3A_445 = arith.constant 0 : i32
    %scan3A_446 = arith.constant 16 : i32
    %scan3A_447 = arith.addi %scan3A_445, %scan3A_446 : i32
    %scan3A_448 = arith.constant 1 : i32
    %scan3A_449 = scf.for %scan3A_465 = %scan3A_445 to %scan3A_447 step %scan3A_448 iter_args(%scan3A_466 = %scan3A_444) -> (i32)  : i32 {
      %mul3A_467 = arith.constant 4 : i32
      %mul3A_468 = arith.muli %scan3A_465, %mul3A_467 : i32
      %add3A_469 = arith.constant 0 : i32
      %add3A_470 = arith.addi %mul3A_468, %add3A_469 : i32
      %mul3A_471 = arith.constant 16 : i32
      %mul3A_472 = arith.muli %add3A_470, %mul3A_471 : i32
      %multiple_of3A = tpu.assume_multiple %mul3A_472, 16 : i32
      %get3A = arith.index_cast %multiple_of3A : i32 to index
      %get3A_473 = tpu.vector_load %arg9[%get3A] {strides = array<i32>} : memref<1024xf32, #tpu.memory_space<vmem>>, vector<16xf32>,
      %get3A_474 = vector.shape_cast %get3A_473 : vector<16xf32> to vector<16xf32>
      %mul3A_475 = arith.mulf %get3A_474, %div3A_443 : vector<16xf32>
      %min3A = arith.constant 1.000000e+00 : f32
      %min3A_476 = vector.broadcast %min3A : f32 to vector<16xf32>
      %min3A_477 = arith.minimumf %mul3A_475, %min3A_476 : vector<16xf32>
      %get3A_478 = arith.index_cast %multiple_of3A : i32 to index
      %get3A_479 = tpu.vector_load %arg10[%get3A_478] {strides = array<i32>} : memref<1024xi32, #tpu.memory_space<vmem>>, vector<16xi32>,
      %get3A_480 = vector.shape_cast %get3A_479 : vector<16xi32> to vector<16xi32>
      %ge3A_481 = arith.cmpi sge, %get3A_480, %scan3A_402 : vector<16xi32>
      %jit3A_482 = arith.constant 0.000000e+00 : f32
      %broadcast_in_dim3A_483 = vector.broadcast %jit3A_482 : f32 to vector<16xf32>
      %select_n3A_484 = arith.select %ge3A_481, %min3A_477, %broadcast_in_dim3A_483 : vector<16xi1>, vector<16xf32>
      %swap3A = arith.index_cast %multiple_of3A : i32 to index
      %swap3A_485 = tpu.vector_load %arg9[%swap3A] {strides = array<i32>} : memref<1024xf32, #tpu.memory_space<vmem>>, vector<16xf32>,
      %swap3A_486 = vector.shape_cast %swap3A_485 : vector<16xf32> to vector<16xf32>
      %swap3A_487 = vector.shape_cast %select_n3A_484 : vector<16xf32> to vector<16xf32>
      tpu.vector_store %arg9[%swap3A], %swap3A_487 {strides = array<i32>} : memref<1024xf32, #tpu.memory_space<vmem>>, vector<16xf32>,
      %mul3A_488 = arith.constant 4 : i32
      %mul3A_489 = arith.muli %scan3A_465, %mul3A_488 : i32
      %add3A_490 = arith.constant 1 : i32
      %add3A_491 = arith.addi %mul3A_489, %add3A_490 : i32
      %mul3A_492 = arith.constant 16 : i32
      %mul3A_493 = arith.muli %add3A_491, %mul3A_492 : i32
      %multiple_of3A_494 = tpu.assume_multiple %mul3A_493, 16 : i32
      %get3A_495 = arith.index_cast %multiple_of3A_494 : i32 to index
      %get3A_496 = tpu.vector_load %arg9[%get3A_495] {strides = array<i32>} : memref<1024xf32, #tpu.memory_space<vmem>>, vector<16xf32>,
      %get3A_497 = vector.shape_cast %get3A_496 : vector<16xf32> to vector<16xf32>
      %mul3A_498 = arith.mulf %get3A_497, %div3A_443 : vector<16xf32>
      %min3A_499 = arith.constant 1.000000e+00 : f32
      %min3A_500 = vector.broadcast %min3A_499 : f32 to vector<16xf32>
      %min3A_501 = arith.minimumf %mul3A_498, %min3A_500 : vector<16xf32>
      %get3A_502 = arith.index_cast %multiple_of3A_494 : i32 to index
      %get3A_503 = tpu.vector_load %arg10[%get3A_502] {strides = array<i32>} : memref<1024xi32, #tpu.memory_space<vmem>>, vector<16xi32>,
      %get3A_504 = vector.shape_cast %get3A_503 : vector<16xi32> to vector<16xi32>
      %ge3A_505 = arith.cmpi sge, %get3A_504, %scan3A_402 : vector<16xi32>
      %jit3A_506 = arith.constant 0.000000e+00 : f32
      %broadcast_in_dim3A_507 = vector.broadcast %jit3A_506 : f32 to vector<16xf32>
      %select_n3A_508 = arith.select %ge3A_505, %min3A_501, %broadcast_in_dim3A_507 : vector<16xi1>, vector<16xf32>
      %swap3A_509 = arith.index_cast %multiple_of3A_494 : i32 to index
      %swap3A_510 = tpu.vector_load %arg9[%swap3A_509] {strides = array<i32>} : memref<1024xf32, #tpu.memory_space<vmem>>, vector<16xf32>,
      %swap3A_511 = vector.shape_cast %swap3A_510 : vector<16xf32> to vector<16xf32>
      %swap3A_512 = vector.shape_cast %select_n3A_508 : vector<16xf32> to vector<16xf32>
      tpu.vector_store %arg9[%swap3A_509], %swap3A_512 {strides = array<i32>} : memref<1024xf32, #tpu.memory_space<vmem>>, vector<16xf32>,
      %mul3A_513 = arith.constant 4 : i32
      %mul3A_514 = arith.muli %scan3A_465, %mul3A_513 : i32
      %add3A_515 = arith.constant 2 : i32
      %add3A_516 = arith.addi %mul3A_514, %add3A_515 : i32
      %mul3A_517 = arith.constant 16 : i32
      %mul3A_518 = arith.muli %add3A_516, %mul3A_517 : i32
      %multiple_of3A_519 = tpu.assume_multiple %mul3A_518, 16 : i32
      %get3A_520 = arith.index_cast %multiple_of3A_519 : i32 to index
      %get3A_521 = tpu.vector_load %arg9[%get3A_520] {strides = array<i32>} : memref<1024xf32, #tpu.memory_space<vmem>>, vector<16xf32>,
      %get3A_522 = vector.shape_cast %get3A_521 : vector<16xf32> to vector<16xf32>
      %mul3A_523 = arith.mulf %get3A_522, %div3A_443 : vector<16xf32>
      %min3A_524 = arith.constant 1.000000e+00 : f32
      %min3A_525 = vector.broadcast %min3A_524 : f32 to vector<16xf32>
      %min3A_526 = arith.minimumf %mul3A_523, %min3A_525 : vector<16xf32>
      %get3A_527 = arith.index_cast %multiple_of3A_519 : i32 to index
      %get3A_528 = tpu.vector_load %arg10[%get3A_527] {strides = array<i32>} : memref<1024xi32, #tpu.memory_space<vmem>>, vector<16xi32>,
      %get3A_529 = vector.shape_cast %get3A_528 : vector<16xi32> to vector<16xi32>
      %ge3A_530 = arith.cmpi sge, %get3A_529, %scan3A_402 : vector<16xi32>
      %jit3A_531 = arith.constant 0.000000e+00 : f32
      %broadcast_in_dim3A_532 = vector.broadcast %jit3A_531 : f32 to vector<16xf32>
      %select_n3A_533 = arith.select %ge3A_530, %min3A_526, %broadcast_in_dim3A_532 : vector<16xi1>, vector<16xf32>
      %swap3A_534 = arith.index_cast %multiple_of3A_519 : i32 to index
      %swap3A_535 = tpu.vector_load %arg9[%swap3A_534] {strides = array<i32>} : memref<1024xf32, #tpu.memory_space<vmem>>, vector<16xf32>,
      %swap3A_536 = vector.shape_cast %swap3A_535 : vector<16xf32> to vector<16xf32>
      %swap3A_537 = vector.shape_cast %select_n3A_533 : vector<16xf32> to vector<16xf32>
      tpu.vector_store %arg9[%swap3A_534], %swap3A_537 {strides = array<i32>} : memref<1024xf32, #tpu.memory_space<vmem>>, vector<16xf32>,
      %mul3A_538 = arith.constant 4 : i32
      %mul3A_539 = arith.muli %scan3A_465, %mul3A_538 : i32
      %add3A_540 = arith.constant 3 : i32
      %add3A_541 = arith.addi %mul3A_539, %add3A_540 : i32
      %mul3A_542 = arith.constant 16 : i32
      %mul3A_543 = arith.muli %add3A_541, %mul3A_542 : i32
      %multiple_of3A_544 = tpu.assume_multiple %mul3A_543, 16 : i32
      %get3A_545 = arith.index_cast %multiple_of3A_544 : i32 to index
      %get3A_546 = tpu.vector_load %arg9[%get3A_545] {strides = array<i32>} : memref<1024xf32, #tpu.memory_space<vmem>>, vector<16xf32>,
      %get3A_547 = vector.shape_cast %get3A_546 : vector<16xf32> to vector<16xf32>
      %mul3A_548 = arith.mulf %get3A_547, %div3A_443 : vector<16xf32>
      %min3A_549 = arith.constant 1.000000e+00 : f32
      %min3A_550 = vector.broadcast %min3A_549 : f32 to vector<16xf32>
      %min3A_551 = arith.minimumf %mul3A_548, %min3A_550 : vector<16xf32>
      %get3A_552 = arith.index_cast %multiple_of3A_544 : i32 to index
      %get3A_553 = tpu.vector_load %arg10[%get3A_552] {strides = array<i32>} : memref<1024xi32, #tpu.memory_space<vmem>>, vector<16xi32>,
      %get3A_554 = vector.shape_cast %get3A_553 : vector<16xi32> to vector<16xi32>
      %ge3A_555 = arith.cmpi sge, %get3A_554, %scan3A_402 : vector<16xi32>
      %jit3A_556 = arith.constant 0.000000e+00 : f32
      %broadcast_in_dim3A_557 = vector.broadcast %jit3A_556 : f32 to vector<16xf32>
      %select_n3A_558 = arith.select %ge3A_555, %min3A_551, %broadcast_in_dim3A_557 : vector<16xi1>, vector<16xf32>
      %swap3A_559 = arith.index_cast %multiple_of3A_544 : i32 to index
      %swap3A_560 = tpu.vector_load %arg9[%swap3A_559] {strides = array<i32>} : memref<1024xf32, #tpu.memory_space<vmem>>, vector<16xf32>,
      %swap3A_561 = vector.shape_cast %swap3A_560 : vector<16xf32> to vector<16xf32>
      %swap3A_562 = vector.shape_cast %select_n3A_558 : vector<16xf32> to vector<16xf32>
      tpu.vector_store %arg9[%swap3A_559], %swap3A_562 {strides = array<i32>} : memref<1024xf32, #tpu.memory_space<vmem>>, vector<16xf32>,
      %scan3A_563 = arith.constant 0 : i32
      scf.yield %scan3A_563 : i32
    }
    %scan3A_450 = arith.constant 16 : i32
    %mul3A_451 = arith.constant 1024 : i32
    %mul3A_452 = arith.muli %add3A_238, %mul3A_451 : i32
    %add3A_453 = arith.constant 131072 : i32
    %add3A_454 = arith.addi %add3A_453, %mul3A_452 : i32
    %dma_start3A_455 = tpu.memref_slice %arg4[%add3A_454] : memref<196608xf32, #tpu.memory_space<hbm>> -> memref<1024xf32, #tpu.memory_space<hbm>>
    %dma_start3A_456 = tpu.memref_slice %arg4[%add3A_454] : memref<196608xf32, #tpu.memory_space<hbm>> -> memref<1024xf32, #tpu.memory_space<hbm>>
    tpu.enqueue_dma source(%arg9 : memref<1024xf32, #tpu.memory_space<vmem>>) target(%dma_start3A_456 : memref<1024xf32, #tpu.memory_space<hbm>>) target_semaphore(%arg15 : memref<!tpu.dma_semaphore, #tpu.memory_space<semaphore_mem>>)
    %dma_wait3A_457 = tpu.memref_slice %arg4[%mul3A_89] : memref<196608xf32, #tpu.memory_space<hbm>> -> memref<2048xf32, #tpu.memory_space<hbm>>
    %dma_wait3A_458 = tpu.memref_slice %arg4[%mul3A_89] : memref<196608xf32, #tpu.memory_space<hbm>> -> memref<2048xf32, #tpu.memory_space<hbm>>
    tpu.wait_dma2 semaphore(%arg15 : memref<!tpu.dma_semaphore, #tpu.memory_space<semaphore_mem>>) src(%arg5 : memref<2048xf32, #tpu.memory_space<vmem>>) dst(%dma_wait3A_458 : memref<2048xf32, #tpu.memory_space<hbm>>)
    %dma_wait3A_459 = tpu.memref_slice %arg4[%add3A_232] : memref<196608xf32, #tpu.memory_space<hbm>> -> memref<1024xf32, #tpu.memory_space<hbm>>
    %dma_wait3A_460 = tpu.memref_slice %arg4[%add3A_232] : memref<196608xf32, #tpu.memory_space<hbm>> -> memref<1024xf32, #tpu.memory_space<hbm>>
    tpu.wait_dma2 semaphore(%arg15 : memref<!tpu.dma_semaphore, #tpu.memory_space<semaphore_mem>>) src(%arg8 : memref<1024xf32, #tpu.memory_space<vmem>>) dst(%dma_wait3A_460 : memref<1024xf32, #tpu.memory_space<hbm>>)
    %dma_wait3A_461 = tpu.memref_slice %arg4[%mul3A_309] : memref<196608xf32, #tpu.memory_space<hbm>> -> memref<2048xf32, #tpu.memory_space<hbm>>
    %dma_wait3A_462 = tpu.memref_slice %arg4[%mul3A_309] : memref<196608xf32, #tpu.memory_space<hbm>> -> memref<2048xf32, #tpu.memory_space<hbm>>
    tpu.wait_dma2 semaphore(%arg15 : memref<!tpu.dma_semaphore, #tpu.memory_space<semaphore_mem>>) src(%arg6 : memref<2048xf32, #tpu.memory_space<vmem>>) dst(%dma_wait3A_462 : memref<2048xf32, #tpu.memory_space<hbm>>)
    %dma_wait3A_463 = tpu.memref_slice %arg4[%add3A_454] : memref<196608xf32, #tpu.memory_space<hbm>> -> memref<1024xf32, #tpu.memory_space<hbm>>
    %dma_wait3A_464 = tpu.memref_slice %arg4[%add3A_454] : memref<196608xf32, #tpu.memory_space<hbm>> -> memref<1024xf32, #tpu.memory_space<hbm>>
    tpu.wait_dma2 semaphore(%arg15 : memref<!tpu.dma_semaphore, #tpu.memory_space<semaphore_mem>>) src(%arg9 : memref<1024xf32, #tpu.memory_space<vmem>>) dst(%dma_wait3A_464 : memref<1024xf32, #tpu.memory_space<hbm>>)
    return
  }
}

</mosaic_0001>

<sc_bundles>
// kernel: _sc_weights.3.cloned.1.call-start
scs
__scs_entry_jumppad:
0x0: {  	(pc) =	sbr.rel $0x88, $3  }
0x1: {  	(tag) =	ssettag $0x0;
	lr =	simm.s32 $0x1  }
0x2: {  	[smem:$0x3F9F] =	sst lr;
	_ =	strace $0xD0000000  }
0x3: {  	_ = 	snop  }
0x4: {  	_ = 	snop  }
0x5: {  	_ = 	snop  }
0x6: {  	_ = 	snop  }
0x7: {  	_ = 	snop  }
__scs_overlays_trampoline_lowered:
0x8: {  	[smem:$0x3FAE] =	sst s0  }
0x9: {  	[smem:$0x3FAF] =	sst s1  }
0xa: {  	[smem:$0x3FB0] =	sst s2  }
0xb: {  	[smem:$0x3FB1] =	sst s3  }
0xc: {  	[smem:$0x3FB2] =	sst s4  }
0xd: {  	[smem:$0x3FB3] =	sst s5  }
0xe: {  	[smem:$0x3FB4] =	sst s6  }
0xf: {  	[smem:$0x3FB5] =	sst s7  }
0x10: {  	[smem:$0x3FB6] =	sst s8  }
0x11: {  	[smem:$0x3FB7] =	sst s9;
	s0 =	simm.s32 @!p0 $0x0  }
0x12: {  	s1 =	sld [smem:$0x3F9D];
	s0 =	simm.s32 @p0 $0x1  }
0x13: {  	[smem:$0x3FB8] =	sst s0;
	s0 =	simm.s32 @!p1 $0x0  }
0x14: {  	s2 =	sld [smem:$0x3F9C];
	s0 =	simm.s32 @p1 $0x1  }
0x15: {  	[smem:$0x3FB9] =	sst s0;
	s0 =	simm.s32 @!p2 $0x0  }
0x16: {  	s3 =	sld [smem:$0x3FDB];
	s0 =	simm.s32 @p2 $0x1  }
0x17: {  	s4 =	simm.s32 $0x1BF5;
	[smem:$0x3FBB] =	sst s0  }
0x18: {  	s0 =	sld [smem:$0x3F9E];
	_ =	swait.ge [sflag:s4], $0x0  }
0x19: {  	s7 =	sld [smem:$0x3F9F]  }
0x1a: {  	s8 =	sadd.s32 $0xFFFFE003, lr  }
0x1b: {  	s9 =	sadd.s32 $0xFFFFFEF7, lr;
	s5 =	simm.s32 $0xFFFFFFFF;
	p2 =	slt.u32 s8, $0xFFFFF086  }
0x1c: {  	p1 =	slt.u32 s9, $0xF7A;
	s5 =	simm.s32 @!p2 $0x0  }
0x1d: {  	s5 =	simm.s32 @p1 $0x1;
	p0 =	seq.s32 s7, s2  }
0x1e: {  	s7 =	smul.u32 @!p0 $0xF7A, s2;
	p2 =	seq.s32 @!p0 s5, $0x0  }
0x1f: {  	s9 =	smul.u32 $0xF7A, s1;
	s8 =	simm.s32 @!p0 $0x1BF5;
	p2 =	por !p2, p0  }
0x20: {  	[sflag:s8] =	ssyncset.s32 @!p0 $0xFFFFF086;
	s6 =	sadd.s32 @!p0 s3, s7;
	s7 =	simm.s32 @!p0 $0x108  }
0x21: {  	s3 =	sadd.s32 s3, s9;
	s6 =	sadd.s32 @!p0 $0x88, s6;
	s7 =	simm.s32 @p2 $0x1082  }
0x22: {  	[simem:s7], [sflag:s8] =	dma.local @!p0 [hbm:s6], $0xF7A  }
0x23: {  	s9 =	sor.u32 $0xD0000000, s2;
	s6 =	simm.s32 $0x108;
	_ =	swait.ge @!p0 [sflag:s8], $0x0  }
0x24: {  	s3 =	sadd.s32 $0x88, s3;
	s6 =	simm.s32 @!p1 $0x1082;
	[sflag:s4] =	ssyncset.s32 $0xFFFFF086  }
0x25: {  	[simem:s6], [sflag:s4] =	dma.local [hbm:s3], $0xF7A  }
0x26: {  	[smem:$0x3F9F] =	sst s1;
	(tag) =	ssettag s2;
	_ =	strace s9  }
0x27: {  	s1 =	sld [smem:$0x3FAF]  }
0x28: {  	s2 =	sld [smem:$0x3FB0]  }
0x29: {  	s4 =	sld [smem:$0x3FB2]  }
0x2a: {  	p0 =	seq.s32 s5, $0x0;
	s5 =	sld [smem:$0x3FB3]  }
0x2b: {  	s6 =	sld [smem:$0x3FB4]  }
0x2c: {  	s7 =	sld [smem:$0x3FB5]  }
0x2d: {  	s3 =	simm.s32 $0x108;
	s8 =	sld [smem:$0x3FB6]  }
0x2e: {  	s3 =	simm.s32 @!p0 $0x1082;
	s9 =	sld [smem:$0x3FB7]  }
0x2f: {  	lr =	sadd.s32 s0, s3;
	s0 =	sld [smem:$0x3FAE]  }
0x30: {  	s3 =	sld [smem:$0x3FB1]  }
0x31: {  	[smem:$0x3FBA] =	sst s10  }
0x32: {  	s10 =	sld [smem:$0x3FB8];
	_ =	sdelay $0x3  }
0x33: {  	p0 =	seq.s32 s10, $0x1;
	s10 =	sld [smem:$0x3FBA];
	_ =	sdelay $0x3  }
0x34: {  	[smem:$0x3FBA] =	sst s10  }
0x35: {  	s10 =	sld [smem:$0x3FB9];
	_ =	sdelay $0x3  }
0x36: {  	p1 =	seq.s32 s10, $0x1;
	s10 =	sld [smem:$0x3FBA];
	_ =	sdelay $0x3  }
0x37: {  	[smem:$0x3FBA] =	sst s10  }
0x38: {  	s10 =	sld [smem:$0x3FBB]  }
0x39: {  	_ = 	snop;
	(pc) =	sbr.ind lr, $3  }
0x3a: {  	_ = 	snop  }
0x3b: {  	_ = 	snop  }
0x3c: {  	p2 =	seq.s32 s10, $0x1;
	s10 =	sld [smem:$0x3FBA]  }
0x3d: {  	_ =	shalt  }
0x3e: {  	_ =	shalt  }
0x3f: {  	_ =	shalt  }
0x40: {  	_ =	shalt  }
0x41: {  	_ =	shalt  }
0x42: {  	_ =	shalt  }
0x43: {  	_ =	shalt  }
0x44: {  	_ =	shalt  }
0x45: {  	_ =	shalt  }
0x46: {  	_ =	shalt  }
0x47: {  	_ =	shalt  }
0x48: {  	_ =	shalt  }
0x49: {  	_ =	shalt  }
0x4a: {  	_ =	shalt  }
0x4b: {  	_ =	shalt  }
0x4c: {  	_ =	shalt  }
0x4d: {  	_ =	shalt  }
0x4e: {  	_ =	shalt  }
0x4f: {  	_ =	shalt  }
0x50: {  	_ =	shalt  }
0x51: {  	_ =	shalt  }
0x52: {  	_ =	shalt  }
0x53: {  	_ =	shalt  }
0x54: {  	_ =	shalt  }
0x55: {  	_ =	shalt  }
0x56: {  	_ =	shalt  }
0x57: {  	_ =	shalt  }
0x58: {  	_ =	shalt  }
0x59: {  	_ =	shalt  }
0x5a: {  	_ =	shalt  }
0x5b: {  	_ =	shalt  }
0x5c: {  	_ =	shalt  }
0x5d: {  	_ =	shalt  }
0x5e: {  	_ =	shalt  }
0x5f: {  	_ =	shalt  }
0x60: {  	_ =	shalt  }
0x61: {  	_ =	shalt  }
0x62: {  	_ =	shalt  }
0x63: {  	_ =	shalt  }
0x64: {  	_ =	shalt  }
0x65: {  	_ =	shalt  }
0x66: {  	_ =	shalt  }
0x67: {  	_ =	shalt  }
0x68: {  	_ =	shalt  }
0x69: {  	_ =	shalt  }
0x6a: {  	_ =	shalt  }
0x6b: {  	_ =	shalt  }
0x6c: {  	_ =	shalt  }
0x6d: {  	_ =	shalt  }
0x6e: {  	_ =	shalt  }
0x6f: {  	_ =	shalt  }
0x70: {  	_ =	shalt  }
0x71: {  	_ =	shalt  }
0x72: {  	_ =	shalt  }
0x73: {  	_ =	shalt  }
0x74: {  	_ =	shalt  }
0x75: {  	_ =	shalt  }
0x76: {  	_ =	shalt  }
0x77: {  	_ =	shalt  }
0x78: {  	_ =	shalt  }
0x79: {  	_ =	shalt  }
0x7a: {  	_ =	shalt  }
0x7b: {  	_ =	shalt  }
0x7c: {  	_ =	shalt  }
0x7d: {  	_ =	shalt  }
0x7e: {  	_ =	shalt  }
0x7f: {  	_ =	shalt  }
0x80: {  	_ =	shalt  }
0x81: {  	_ =	shalt  }
0x82: {  	_ =	shalt  }
0x83: {  	_ =	shalt  }
0x84: {  	_ =	shalt  }
0x85: {  	_ =	shalt  }
0x86: {  	_ =	shalt  }
0x87: {  	_ =	shalt  }
.Lfunc_end0:
.L_simem_size_0:
called_computation_lowered:
.L_overlay_start_0:
0x88: {  	s2 =	sld [smem:$0x3FD9]  }
0x89: {  	s3 =	sld [smem:$0x3FFE];
	_ =	sdelay $0x1  }
0x8a: {  	s1 =	srdreg.scid  }
0x8b: {  	s0 =	sand.u32 $0x1, s1  }
0x8c: {  	s18 =	sshll.u32 s0, $0xA;
	s2 =	sadd.s32 s3, s2  }
0x8d: {  	s2 =	sadd.s32 s2, s18  }
0x8e: {  	[smem:$0x3FC6] =	sst s2  }
0x8f: {  	_ = 	snop  }
0x90: {  	s2 =	sld [smem:$0x3FC9]  }
0x91: {  	s19 =	sld [smem:$0x3FC8]  }
0x92: {  	s4 =	sld [smem:$0x3FD0];
	(tm) =	ssettm $0x1  }
0x93: {  	s5 =	sld [smem:$0x3FFB];
	_ =	sdelay $0x3  }
0x94: {  	_ =	strace s5  }
0x95: {  	s5 =	sld [smem:$0x3FFC];
	_ =	sdelay $0x3  }
0x96: {  	_ =	strace s5  }
0x97: {  	s5 =	sld [smem:$0x3FFD];
	_ =	sdelay $0x3  }
0x98: {  	_ =	strace s5  }
0x99: {  	_ =	strace $0x8FFFFFFF  }
0x9a: {  	s20 =	sld [smem:$0x3FDB];
	_ =	sdelay $0x1  }
0x9b: {  	s6 =	simm.s32 $_scs_section_size  }
0x9c: {  	s7 =	simm.s32 $_size__tile_overlayer_lowered;
	s8 =	simm.s32 $_tile_overlayer_lowered  }
0x9d: {  	s23 =	simm.s32 $0x1BFF;
	s22 =	sshll.u32 s8, $0x1;
	s5 =	sadd.s32 s6, s20  }
0x9e: {  	s9 =	simm.s32 $0x0;
	s21 =	sshll.u32 s7, $0x1;
	s7 =	sadd.s32 s22, s5  }
0x9f: {  	[timem:s9], [sflag:s23] =	dma.local [hbm:s7], s21  }
0xa0: {  	_ =	swait.ge [sflag:s23], s21  }
0xa1: {  	s6 =	ssub.s32 $0x0, s21;
	[sflag:s23] =	ssyncset.done $0x0  }
0xa2: {  	[sflag:s23] =	ssyncadd.s32 s6;
	_ =	sdelay $0x1  }
0xa3: {  	s24 =	simm.s32 $0x1B8B  }
0xa4: {  	_ =	swait.ge [sflag:s24], $0x1  }
0xa5: {  	[sflag:s24] =	ssyncset.done $0x0  }
0xa6: {  	s25 =	simm.s32 $0x1B8E;
	[sflag:s24] =	ssyncadd.s32 $0xFFFFFFFF  }
0xa7: {  	s26 =	simm.s32 $execute0_lowered;
	[smem:$0x3FD2] =	sst s25  }
0xa8: {  	s6 =	sshll.u32 s26, $0x1;
	_ =	strace $0x80000046;
	[dreg:$0x1] =	wrdreg $0xFFFFFFFF  }
0xa9: {  	s28 =	simm.s32 $_size_execute0_lowered;
	s5 =	sadd.s32 s5, s6;
	[dreg:$0x0] =	wrdreg $0x0  }
0xaa: {  	s6 =	sshll.u32 s28, $0x1;
	[dreg:$0x2] =	wrdreg s5  }
0xab: {  	[dreg:$0x3] =	wrdreg s6  }
0xac: {  	[dreg:$0x4] =	wrdreg $0xC0  }
0xad: {  	_ =	task [dreg:s9], $0x5FFFF  }
0xae: {  	[dreg:$0x1] =	wrdreg $0xFFFFFFFF  }
0xaf: {  	[dreg:$0x0] =	wrdreg $0x60  }
0xb0: {  	[dreg:$0x2] =	wrdreg s2  }
0xb1: {  	[dreg:$0x3] =	wrdreg s19  }
0xb2: {  	[dreg:$0x4] =	wrdreg s4  }
0xb3: {  	[dreg:$0x5] =	wrdreg $0x9  }
0xb4: {  	_ =	task.clear_ibuf [dreg:s9], $0x6FFFF;
	_ =	strace $0x90000046  }
0xb5: {  	s29 =	simm.s32 $0x9;
	_ =	strace $0x80000048  }
0xb6: {  	_ =	swait.ge [sflag:s29], $0x1  }
0xb7: {  	[sflag:s29] =	ssyncadd.s32 $0xFFFFFFFF  }
0xb8: {  	_ =	strace $0x90000048  }
0xb9: {  	_ =	sfence  }
0xba: {  	s30 =	sld [smem:$0x0];
	_ =	sdelay $0x2  }
0xbb: {  	s31 =	sshll.u32 s1, $0xD;
	s1 =	sshrl.u32 s1, $0x2  }
0xbc: {  	s3 =	sand.u32 $0x4000, s31;
	s1 =	sadd.s32 s1, s30  }
0xbd: {  	s0 =	sor.u32 s3, s0;
	s1 =	sshll.u32 s1, $0x11  }
0xbe: {  	s0 =	sor.u32 s1, s0  }
0xbf: {  	s0 =	sadd.s32 $0x8F2B, s0  }
0xc0: {  	[sflag:s0] =	ssyncadd.remote.s32 $0x1  }
0xc1: {  	_ =	sfence.sel $0xFFFF  }
0xc2: {  	[dreg:$0x0] =	wrdreg $0xFFFFFFFF;
	(pc) =	sbr.abs _section_cstart, $3  }
0xc3: {  	[dreg:$0x1] =	wrdreg $0xFFFFFFFF  }
0xc4: {  	_ =	task.clear_ibuf [dreg:s9], $0x2FFFF;
	_ =	strace $0x9FFFFFFF  }
0xc5: {  	(tm) =	ssettm $0x7FFFFFFF  }
tec
execute0_lowered:
.L_overlay_start_1:
0x0: {  	(tag) =	ssettag $0x1  }
0x1: {  	s6 =	rddreg [dreg:$0x0]  }
0x2: {  	s5 =	rddreg [dreg:$0x1]  }
0x3: {  	s9 =	rddreg [dreg:$0x2];
	s2 =	srdreg.scid  }
0x4: {  	s0 =	rddreg [dreg:$0x3];
	s1 =	stileid.u32;
	s15 =	simm.s32 $0x1  }
0x5: {  	v0 =	vimm.s32 $0xFEDCBA98;
	v1 =	vimm.s32 $0x76543210;
	s16 =	simm.s32 $0x40000000;
	s17 =	simm.s32 $0x3;
	s18 =	simm.s32 $0x2  }
0x6: {  	v2 =	vimm.s32 $0xBA98FEDC;
	v3 =	vimm.s32 $0x32107654;
	v4 =	vimm.s32 $0xDCFE98BA;
	s19 =	simm.s32 $0x4;
	s20 =	simm.s32 $0x5;
	s21 =	simm.s32 $0x0  }
0x7: {  	v5 =	vimm.s32 $0x54761032;
	v6 =	vimm.s32 $0xEFCDAB89;
	v7 =	vimm.s32 $0x67452301;
	s3 =	sand.u32 $0x1, s2;
	s2 =	simm.s32 $0x0;
	s7 =	sshll.u32 s1, $0x1  }
0x8: {  	v0 =	vunpack.c.l.s4.s8 v0;
	v1 =	vunpack.c.l.s4.s8 v1;
	v2 =	vunpack.c.l.s4.s8 v2;
	s14 =	sadd.s32 $0x4000, s9;
	s4 =	ssub.s32 $0x2, s3;
	[smem:$0x7FF] =	sst s2  }
0x9: {  	v3 =	vunpack.c.l.s4.s8 v3;
	v4 =	vunpack.c.l.s4.s8 v4;
	v5 =	vunpack.c.l.s4.s8 v5;
	s7 =	sor.u32 s3, s7;
	s8 =	sshrl.u32 s4, $0x1;
	_ =	strace $0x80000047  }
0xa: {  	v6 =	vunpack.c.l.s4.s8 v6;
	v7 =	vunpack.c.l.s4.s8 v7;
	v0 =	vunpack.c.0.s8.s32 v0;
	s31 =	sshll.u32 s7, $0x9;
	s10 =	sshll.u32 s7, $0x8;
	s7 =	sshllo.u32 s7, $0x1  }
0xb: {  	v1 =	vunpack.c.0.s8.s32 v1;
	v2 =	vunpack.c.0.s8.s32 v2;
	v3 =	vunpack.c.0.s8.s32 v3;
	s11 =	ssub.s32 s4, s8;
	s3 =	sadd.s32 s5, s31;
	s4 =	sadd.s32 s6, s10  }
0xc: {  	v4 =	vunpack.c.0.s8.s32 v4;
	v5 =	vunpack.c.0.s8.s32 v5;
	s12 =	sshll.u32 s7, $0x8;
	s13 =	sshll.u32 s7, $0x7;
	s7 =	sadd.s32 s9, s31;
	v0 =	vand.u32 $0xF, v0  }
0xd: {  	v6 =	vunpack.c.0.s8.s32 v6;
	v7 =	vunpack.c.0.s8.s32 v7;
	s8 =	sadd.s32 s10, s14;
	s5 =	sadd.s32 s5, s12;
	s6 =	sadd.s32 s6, s13;
	v0 =	vcombine.low v0, v1  }
0xe: {  	s9 =	sadd.s32 s9, s12;
	s10 =	sadd.s32 s13, s14;
	s11 =	smax.u32 s11, $0x1;
	v1 =	vcombine.low v3, v2;
	v2 =	vimm.s32 $0x80000000;
	v3 =	vcombine.low v5, v4  }
0xf: {  	s12 =	simm.s32 $0x1800;
	s13 =	simm.s32 $0x800;
	s14 =	simm.s32 $0x1C00;
	v4 =	vimm.s32 $0x0;
	v5 =	vcombine.low v7, v6;
	v6 =	vimm.f32 $0.0e+00  }
.LBB2_1:
0x10: {  	[tilespmem:s2], [sflag:$0x1] =	stream.linear.gather [hbm4b:s3+s2], $0x800, $0x38;
	[tilespmem:$0x2400] =	vst v63  }
0x11: {  	_ = 	snop  }
0x12: {  	[tilespmem:s12], [sflag:$0x3] =	stream.linear.gather [hbm4b:s4+s2], $0x400, $0x38;
	[tilespmem:$0x2400] =	vst v63  }
0x13: {  	_ = 	snop  }
0x14: {  	[tilespmem:s13], [sflag:$0x2] =	stream.linear.gather [hbm4b:s5+s2], $0x800, $0x38;
	[tilespmem:$0x2400] =	vst v63  }
0x15: {  	_ = 	snop  }
0x16: {  	[tilespmem:s14], [sflag:$0x4] =	stream.linear.gather [hbm4b:s6+s2], $0x400, $0x38;
	[tilespmem:$0x2400] =	vst v63  }
0x17: {  	_ =	swait.ge [sflag:s15], $0x800  }
0x18: {  	[sflag:s15] =	ssyncset.done $0x0  }
0x19: {  	s23 =	simm.s32 $0x0;
	[sflag:s15] =	ssyncadd.s32 $0xFFFFF800  }
0x1a: {  	v7 =	vld [tilespmem:s23+$0x30]  }
0x1b: {  	v10 =	vld [tilespmem:s23+$0x0]  }
0x1c: {  	v11 =	vld [tilespmem:s23+$0x10]  }
0x1d: {  	v12 =	vld [tilespmem:s23+$0x20];
	_ =	sdelay $0x1  }
0x1e: {  	s22 =	simm.s32 $0x40;
	vm0 =	vgt.s32 v7, $0xFFFFFFFF  }
0x1f: {  	v8 =	vld [tilespmem:s22+$0x30];
	vm13 =	vgt.s32 v10, $0xFFFFFFFF;
	v13 =	vsel vm0, $0xFFFFFFFF, v2  }
0x20: {  	v9 =	vld [tilespmem:s22+$0x0];
	vm14 =	vgt.s32 v11, $0xFFFFFFFF;
	v14 =	vsel vm13, $0xFFFFFFFF, v2;
	v13 =	vxor.u32 v7, v13  }
0x21: {  	vm15 =	vgt.s32 v12, $0xFFFFFFFF;
	v62 =	vsel vm14, $0xFFFFFFFF, v2;
	v7 =	vld [tilespmem:s22+$0x10];
	v61 =	vxor.u32 v10, v14;
	[tilespmem:s23+$0x1030] =	vst v13  }
0x22: {  	v63 =	vsel vm15, $0xFFFFFFFF, v2;
	v11 =	vxor.u32 v11, v62;
	v10 =	vld [tilespmem:s22+$0x20];
	[tilespmem:s23+$0x1000] =	vst v61  }
0x23: {  	s24 =	simm.s32 $0x200;
	[tilespmem:s23+$0x1010] =	vst v11;
	v11 =	vxor.u32 v12, v63  }
.LBB2_2:
0x24: {  	s25 =	sshra.s32 s24, $0x2;
	p0 =	sne.s32 s24, $0x1F00;
	s24 =	sadd.s32 $0x100, s24;
	vm0 =	vgt.s32 v8, $0xFFFFFFFF;
	[tilespmem:s23+$0x1020] =	vst v11;
	v11 =	vmov v8  }
.Ltmp0:
0x25: {  	s23 =	smov.u32 s22;
	v8 =	vld [tilespmem:s25+$0x30];
	vm1 =	vgt.s32 v9, $0xFFFFFFFF;
	v15 =	vsel vm0, $0xFFFFFFFF, v2;
	v13 =	vmov v9;
	s22 =	smov.u32 s25;
	(pc) =	sbr.rel @p0 .LBB2_2-.Ltmp0, $4  }
0x26: {  	v9 =	vld [tilespmem:s22+$0x0];
	v14 =	vsel vm1, $0xFFFFFFFF, v2;
	vm0 =	vgt.s32 v7, $0xFFFFFFFF;
	v15 =	vxor.u32 v11, v15;
	v12 =	vmovc v7  }
0x27: {  	v7 =	vld [tilespmem:s22+$0x10];
	v13 =	vxor.u32 v13, v14;
	v14 =	vsel vm0, $0xFFFFFFFF, v2;
	vm0 =	vgt.s32 v10, $0xFFFFFFFF;
	[tilespmem:s23+$0x1030] =	vst v15;
	v11 =	vmovc v10  }
0x28: {  	v10 =	vld [tilespmem:s22+$0x20];
	[tilespmem:s23+$0x1000] =	vst v13;
	v12 =	vxor.u32 v12, v14;
	v13 =	vsel vm0, $0xFFFFFFFF, v2  }
0x29: {  	[tilespmem:s23+$0x1010] =	vst v12;
	v11 =	vxor.u32 v11, v13  }
0x2a: {  	vm0 =	vgt.s32 v8, $0xFFFFFFFF  }
0x2b: {  	vm1 =	vgt.s32 v9, $0xFFFFFFFF;
	v12 =	vsel vm0, $0xFFFFFFFF, v2  }
0x2c: {  	[tilespmem:s23+$0x1020] =	vst v11;
	v11 =	vsel vm1, $0xFFFFFFFF, v2;
	vm0 =	vgt.s32 v7, $0xFFFFFFFF;
	v8 =	vxor.u32 v8, v12  }
0x2d: {  	v9 =	vxor.u32 v9, v11;
	v11 =	vsel vm0, $0xFFFFFFFF, v2;
	vm0 =	vgt.s32 v10, $0xFFFFFFFF;
	[tilespmem:s22+$0x1030] =	vst v8  }
0x2e: {  	[tilespmem:s22+$0x1000] =	vst v9;
	v7 =	vxor.u32 v7, v11;
	v8 =	vsel vm0, $0xFFFFFFFF, v2  }
0x2f: {  	[tilespmem:s22+$0x1010] =	vst v7;
	v7 =	vxor.u32 v10, v8  }
0x30: {  	s24 =	simm.s32 $0x0;
	[tilespmem:s22+$0x1020] =	vst v7  }
0x31: {  	v7 =	vld [tilespmem:s24+$0x1000]  }
0x32: {  	v8 =	vld [tilespmem:s24+$0x1010]  }
0x33: {  	v9 =	vld [tilespmem:s24+$0x1020]  }
0x34: {  	v10 =	vld [tilespmem:s24+$0x1030]  }
0x35: {  	v11 =	vld [tilespmem:s24+$0x1040]  }
0x36: {  	vm0 =	vgt.s32 v7, $0xFFFFFFFF;
	v7 =	vld [tilespmem:s24+$0x1050]  }
0x37: {  	v12 =	vimm.s32 $0x0;
	v13 =	vsel vm0, $0x1, v4;
	vm0 =	vgt.s32 v8, $0xFFFFFFFF;
	v8 =	vld [tilespmem:s24+$0x1060]  }
0x38: {  	v12 =	vadd.s32 v13, v12;
	v13 =	vsel vm0, $0x1, v4;
	vm0 =	vgt.s32 v9, $0xFFFFFFFF;
	v9 =	vld [tilespmem:s24+$0x1070]  }
0x39: {  	v12 =	vadd.s32 v13, v12;
	v13 =	vsel vm0, $0x1, v4;
	vm0 =	vgt.s32 v10, $0xFFFFFFFF;
	v10 =	vld [tilespmem:s24+$0x1080]  }
0x3a: {  	v12 =	vadd.s32 v13, v12;
	v13 =	vsel vm0, $0x1, v4;
	vm0 =	vgt.s32 v11, $0xFFFFFFFF;
	v11 =	vld [tilespmem:s24+$0x1090]  }
0x3b: {  	v14 =	vld [tilespmem:s24+$0x10A0];
	v12 =	vadd.s32 v13, v12;
	v13 =	vsel vm0, $0x1, v4;
	vm0 =	vgt.s32 v7, $0xFFFFFFFF  }
0x3c: {  	v7 =	vld [tilespmem:s24+$0x10B0];
	v12 =	vadd.s32 v13, v12;
	v13 =	vsel vm0, $0x1, v4;
	vm0 =	vgt.s32 v8, $0xFFFFFFFF  }
0x3d: {  	v8 =	vld [tilespmem:s24+$0x10C0];
	v12 =	vadd.s32 v13, v12;
	v13 =	vsel vm0, $0x1, v4;
	vm0 =	vgt.s32 v9, $0xFFFFFFFF  }
0x3e: {  	v9 =	vld [tilespmem:s24+$0x10D0];
	v12 =	vadd.s32 v13, v12;
	v13 =	vsel vm0, $0x1, v4;
	vm0 =	vgt.s32 v10, $0xFFFFFFFF  }
0x3f: {  	v10 =	vld [tilespmem:s24+$0x10E0];
	v12 =	vadd.s32 v13, v12;
	v13 =	vsel vm0, $0x1, v4;
	vm0 =	vgt.s32 v11, $0xFFFFFFFF  }
0x40: {  	s23 =	simm.s32 $0x800;
	s22 =	simm.s32 $0x100;
	v11 =	vld [tilespmem:s24+$0x10F0];
	v12 =	vadd.s32 v13, v12;
	v13 =	vsel vm0, $0x1, v4;
	vm0 =	vgt.s32 v14, $0xFFFFFFFF  }
.LBB2_4:
0x41: {  	p0 =	sne.s32 s23, $0x1C00;
	v14 =	vld [tilespmem:s22+$0x1000];
	v12 =	vadd.s32 v13, v12;
	v13 =	vsel vm0, $0x1, v4;
	vm0 =	vgt.s32 v7, $0xFFFFFFFF  }
0x42: {  	v7 =	vld [tilespmem:s22+$0x1010];
	v12 =	vadd.s32 v13, v12;
	v13 =	vsel vm0, $0x1, v4;
	vm0 =	vgt.s32 v8, $0xFFFFFFFF  }
0x43: {  	v8 =	vld [tilespmem:s22+$0x1020];
	v12 =	vadd.s32 v13, v12;
	v13 =	vsel vm0, $0x1, v4;
	vm0 =	vgt.s32 v9, $0xFFFFFFFF  }
0x44: {  	v9 =	vld [tilespmem:s22+$0x1030];
	v12 =	vadd.s32 v13, v12;
	v13 =	vsel vm0, $0x1, v4;
	vm0 =	vgt.s32 v10, $0xFFFFFFFF  }
0x45: {  	v10 =	vld [tilespmem:s22+$0x1040];
	v12 =	vadd.s32 v13, v12;
	v13 =	vsel vm0, $0x1, v4;
	vm0 =	vgt.s32 v11, $0xFFFFFFFF  }
0x46: {  	vm1 =	vgt.s32 v14, $0xFFFFFFFF;
	v11 =	vld [tilespmem:s22+$0x1050];
	v12 =	vadd.s32 v13, v12;
	v13 =	vsel vm0, $0x1, v4  }
0x47: {  	v14 =	vsel vm1, $0x1, v4;
	vm0 =	vgt.s32 v7, $0xFFFFFFFF;
	v7 =	vld [tilespmem:s22+$0x1060];
	v12 =	vadd.s32 v13, v12  }
0x48: {  	v12 =	vadd.s32 v14, v12;
	v13 =	vsel vm0, $0x1, v4;
	vm0 =	vgt.s32 v8, $0xFFFFFFFF;
	v8 =	vld [tilespmem:s22+$0x1070]  }
0x49: {  	v12 =	vadd.s32 v13, v12;
	v13 =	vsel vm0, $0x1, v4;
	vm0 =	vgt.s32 v9, $0xFFFFFFFF;
	v9 =	vld [tilespmem:s22+$0x1080]  }
0x4a: {  	v12 =	vadd.s32 v13, v12;
	v13 =	vsel vm0, $0x1, v4;
	vm0 =	vgt.s32 v10, $0xFFFFFFFF;
	v10 =	vld [tilespmem:s22+$0x1090]  }
0x4b: {  	v12 =	vadd.s32 v13, v12;
	v13 =	vsel vm0, $0x1, v4;
	vm0 =	vgt.s32 v11, $0xFFFFFFFF;
	v11 =	vld [tilespmem:s22+$0x10A0]  }
.Ltmp1:
0x4c: {  	v12 =	vadd.s32 v13, v12;
	v13 =	vsel vm0, $0x1, v4;
	vm0 =	vgt.s32 v7, $0xFFFFFFFF;
	v7 =	vld [tilespmem:s22+$0x10B0];
	(pc) =	sbr.rel @p0 .LBB2_4-.Ltmp1, $4  }
0x4d: {  	v12 =	vadd.s32 v13, v12;
	v13 =	vsel vm0, $0x1, v4;
	vm0 =	vgt.s32 v8, $0xFFFFFFFF;
	v8 =	vld [tilespmem:s22+$0x10C0]  }
0x4e: {  	v12 =	vadd.s32 v13, v12;
	v13 =	vsel vm0, $0x1, v4;
	vm0 =	vgt.s32 v9, $0xFFFFFFFF;
	v9 =	vld [tilespmem:s22+$0x10D0]  }
0x4f: {  	v12 =	vadd.s32 v13, v12;
	v13 =	vsel vm0, $0x1, v4;
	vm0 =	vgt.s32 v10, $0xFFFFFFFF;
	v10 =	vld [tilespmem:s22+$0x10E0]  }
0x50: {  	v12 =	vadd.s32 v13, v12;
	v13 =	vsel vm0, $0x1, v4;
	vm0 =	vgt.s32 v11, $0xFFFFFFFF;
	v11 =	vld [tilespmem:s22+$0x10F0];
	s22 =	sshra.s32 s23, $0x2;
	s23 =	sadd.s32 $0x400, s23  }
0x51: {  	v14 =	vld [tilespmem:s22+$0x1000];
	v12 =	vadd.s32 v13, v12;
	v38 =	vsel vm0, $0x1, v4;
	vm7 =	vgt.s32 v7, $0xFFFFFFFF  }
0x52: {  	v7 =	vld [tilespmem:s22+$0x1010];
	v12 =	vadd.s32 v38, v12;
	v39 =	vsel vm7, $0x1, v4;
	vm8 =	vgt.s32 v8, $0xFFFFFFFF  }
0x53: {  	v8 =	vld [tilespmem:s22+$0x1020];
	v12 =	vadd.s32 v39, v12;
	v40 =	vsel vm8, $0x1, v4;
	vm9 =	vgt.s32 v9, $0xFFFFFFFF  }
0x54: {  	v41 =	vld [tilespmem:s22+$0x1030];
	v12 =	vadd.s32 v40, v12;
	v42 =	vsel vm9, $0x1, v4;
	vm10 =	vgt.s32 v10, $0xFFFFFFFF  }
0x55: {  	v43 =	vld [tilespmem:s22+$0x1040];
	v12 =	vadd.s32 v42, v12;
	v44 =	vsel vm10, $0x1, v4;
	vm11 =	vgt.s32 v11, $0xFFFFFFFF  }
0x56: {  	v45 =	vld [tilespmem:s22+$0x1050];
	vm1 =	vgt.s32 v14, $0xFFFFFFFF;
	v12 =	vadd.s32 v44, v12;
	v46 =	vsel vm11, $0x1, v4  }
0x57: {  	vm12 =	vgt.s32 v7, $0xFFFFFFFF;
	v7 =	vld [tilespmem:s22+$0x1060];
	v14 =	vsel vm1, $0x1, v4;
	v12 =	vadd.s32 v46, v12  }
0x58: {  	v47 =	vsel vm12, $0x1, v4;
	vm13 =	vgt.s32 v8, $0xFFFFFFFF;
	v8 =	vld [tilespmem:s22+$0x1070];
	v12 =	vadd.s32 v14, v12  }
0x59: {  	v49 =	vld [tilespmem:s22+$0x1080];
	vm14 =	vgt.s32 v41, $0xFFFFFFFF;
	v48 =	vsel vm13, $0x1, v4;
	v12 =	vadd.s32 v47, v12  }
0x5a: {  	v51 =	vld [tilespmem:s22+$0x1090];
	vm15 =	vgt.s32 v43, $0xFFFFFFFF;
	v50 =	vsel vm14, $0x1, v4;
	v12 =	vadd.s32 v48, v12  }
0x5b: {  	v53 =	vld [tilespmem:s22+$0x10A0];
	vm4 =	vgt.s32 v45, $0xFFFFFFFF;
	v52 =	vsel vm15, $0x1, v4;
	v12 =	vadd.s32 v50, v12  }
0x5c: {  	v54 =	vsel vm4, $0x1, v4;
	vm5 =	vgt.s32 v7, $0xFFFFFFFF;
	v7 =	vld [tilespmem:s22+$0x10B0];
	v12 =	vadd.s32 v52, v12  }
0x5d: {  	v55 =	vsel vm5, $0x1, v4;
	vm6 =	vgt.s32 v8, $0xFFFFFFFF;
	v8 =	vld [tilespmem:s22+$0x10C0];
	v12 =	vadd.s32 v54, v12  }
0x5e: {  	v57 =	vld [tilespmem:s22+$0x10D0];
	vm7 =	vgt.s32 v49, $0xFFFFFFFF;
	v56 =	vsel vm6, $0x1, v4;
	v12 =	vadd.s32 v55, v12  }
0x5f: {  	v59 =	vld [tilespmem:s22+$0x10E0];
	vm8 =	vgt.s32 v51, $0xFFFFFFFF;
	v58 =	vsel vm7, $0x1, v4;
	v12 =	vadd.s32 v56, v12  }
0x60: {  	v61 =	vld [tilespmem:s22+$0x10F0];
	vm9 =	vgt.s32 v53, $0xFFFFFFFF;
	v60 =	vsel vm8, $0x1, v4;
	v12 =	vadd.s32 v58, v12  }
0x61: {  	v62 =	vsel vm9, $0x1, v4;
	vm10 =	vgt.s32 v7, $0xFFFFFFFF;
	v12 =	vadd.s32 v60, v12  }
0x62: {  	v63 =	vsel vm10, $0x1, v4;
	vm11 =	vgt.s32 v8, $0xFFFFFFFF;
	v7 =	vadd.s32 v62, v12  }
0x63: {  	vm12 =	vgt.s32 v57, $0xFFFFFFFF;
	v8 =	vsel vm11, $0x1, v4;
	v7 =	vadd.s32 v63, v7  }
0x64: {  	vm13 =	vgt.s32 v59, $0xFFFFFFFF;
	v7 =	vadd.s32 v8, v7;
	v8 =	vsel vm12, $0x1, v4  }
0x65: {  	vm14 =	vgt.s32 v61, $0xFFFFFFFF;
	v7 =	vadd.s32 v8, v7;
	v8 =	vsel vm13, $0x1, v4  }
0x66: {  	v7 =	vadd.s32 v8, v7;
	v8 =	vsel vm14, $0x1, v4  }
0x67: {  	v7 =	vadd.s32 v8, v7  }
0x68: {  	v8 =	vperm.xlane v7, v0;
	_ =	sdelay $0x1  }
0x69: {  	v7 =	vadd.s32 v7, v8  }
0x6a: {  	v8 =	vperm.xlane v7, v1;
	_ =	sdelay $0x1  }
0x6b: {  	v7 =	vadd.s32 v8, v7  }
0x6c: {  	v8 =	vperm.xlane v7, v3;
	_ =	sdelay $0x1  }
0x6d: {  	v7 =	vadd.s32 v8, v7  }
0x6e: {  	v8 =	vperm.xlane v7, v5;
	_ =	sdelay $0x1  }
0x6f: {  	v7 =	vadd.s32 v8, v7  }
0x70: {  	vm15 =	vgt.s32 v7, $0x1F  }
0x71: {  	s22 =	simm.s32 $0x0;
	v7 =	vsel vm15, $0x0, v2  }
.LBB2_6:
0x72: {  	s25 =	simm.s32 $0x0  }
0x73: {  	v9 =	vld [tilespmem:s25+$0x1000]  }
0x74: {  	v10 =	vld [tilespmem:s25+$0x1010]  }
0x75: {  	v11 =	vld [tilespmem:s25+$0x1020]  }
0x76: {  	s23 =	sshrl.u32 s16, s22;
	v12 =	vld [tilespmem:s25+$0x1030]  }
0x77: {  	v8 =	vor.u32 s23, v7;
	v13 =	vld [tilespmem:s25+$0x1040]  }
0x78: {  	vm0 =	vge.s32 v9, v8;
	v9 =	vld [tilespmem:s25+$0x1050]  }
0x79: {  	v14 =	vimm.s32 $0x0;
	v15 =	vsel vm0, $0x1, v4;
	vm0 =	vge.s32 v10, v8;
	v10 =	vld [tilespmem:s25+$0x1060]  }
0x7a: {  	v14 =	vadd.s32 v15, v14;
	v15 =	vsel vm0, $0x1, v4;
	vm0 =	vge.s32 v11, v8;
	v11 =	vld [tilespmem:s25+$0x1070]  }
0x7b: {  	v14 =	vadd.s32 v15, v14;
	v15 =	vsel vm0, $0x1, v4;
	vm0 =	vge.s32 v12, v8;
	v12 =	vld [tilespmem:s25+$0x1080]  }
0x7c: {  	v14 =	vadd.s32 v15, v14;
	v15 =	vsel vm0, $0x1, v4;
	vm0 =	vge.s32 v13, v8;
	v13 =	vld [tilespmem:s25+$0x1090]  }
0x7d: {  	v16 =	vld [tilespmem:s25+$0x10A0];
	v14 =	vadd.s32 v15, v14;
	v15 =	vsel vm0, $0x1, v4;
	vm0 =	vge.s32 v9, v8  }
0x7e: {  	v9 =	vld [tilespmem:s25+$0x10B0];
	v14 =	vadd.s32 v15, v14;
	v15 =	vsel vm0, $0x1, v4;
	vm0 =	vge.s32 v10, v8  }
0x7f: {  	v10 =	vld [tilespmem:s25+$0x10C0];
	v14 =	vadd.s32 v15, v14;
	v15 =	vsel vm0, $0x1, v4;
	vm0 =	vge.s32 v11, v8  }
0x80: {  	v11 =	vld [tilespmem:s25+$0x10D0];
	v14 =	vadd.s32 v15, v14;
	v15 =	vsel vm0, $0x1, v4;
	vm0 =	vge.s32 v12, v8  }
0x81: {  	v12 =	vld [tilespmem:s25+$0x10E0];
	v14 =	vadd.s32 v15, v14;
	v15 =	vsel vm0, $0x1, v4;
	vm0 =	vge.s32 v13, v8  }
0x82: {  	s24 =	simm.s32 $0x800;
	s23 =	simm.s32 $0x100;
	v13 =	vld [tilespmem:s25+$0x10F0];
	v14 =	vadd.s32 v15, v14;
	v15 =	vsel vm0, $0x1, v4;
	vm0 =	vge.s32 v16, v8  }
.LBB2_7:
0x83: {  	p0 =	sne.s32 s24, $0x1C00;
	v16 =	vld [tilespmem:s23+$0x1000];
	v14 =	vadd.s32 v15, v14;
	v15 =	vsel vm0, $0x1, v4;
	vm0 =	vge.s32 v9, v8  }
0x84: {  	v9 =	vld [tilespmem:s23+$0x1010];
	v14 =	vadd.s32 v15, v14;
	v15 =	vsel vm0, $0x1, v4;
	vm0 =	vge.s32 v10, v8  }
0x85: {  	v10 =	vld [tilespmem:s23+$0x1020];
	v14 =	vadd.s32 v15, v14;
	v15 =	vsel vm0, $0x1, v4;
	vm0 =	vge.s32 v11, v8  }
0x86: {  	v11 =	vld [tilespmem:s23+$0x1030];
	v14 =	vadd.s32 v15, v14;
	v15 =	vsel vm0, $0x1, v4;
	vm0 =	vge.s32 v12, v8  }
0x87: {  	v12 =	vld [tilespmem:s23+$0x1040];
	v14 =	vadd.s32 v15, v14;
	v15 =	vsel vm0, $0x1, v4;
	vm0 =	vge.s32 v13, v8  }
0x88: {  	vm1 =	vge.s32 v16, v8;
	v13 =	vld [tilespmem:s23+$0x1050];
	v14 =	vadd.s32 v15, v14;
	v15 =	vsel vm0, $0x1, v4  }
0x89: {  	v16 =	vsel vm1, $0x1, v4;
	vm0 =	vge.s32 v9, v8;
	v9 =	vld [tilespmem:s23+$0x1060];
	v14 =	vadd.s32 v15, v14  }
0x8a: {  	v14 =	vadd.s32 v16, v14;
	v15 =	vsel vm0, $0x1, v4;
	vm0 =	vge.s32 v10, v8;
	v10 =	vld [tilespmem:s23+$0x1070]  }
0x8b: {  	v14 =	vadd.s32 v15, v14;
	v15 =	vsel vm0, $0x1, v4;
	vm0 =	vge.s32 v11, v8;
	v11 =	vld [tilespmem:s23+$0x1080]  }
0x8c: {  	v14 =	vadd.s32 v15, v14;
	v15 =	vsel vm0, $0x1, v4;
	vm0 =	vge.s32 v12, v8;
	v12 =	vld [tilespmem:s23+$0x1090]  }
0x8d: {  	v14 =	vadd.s32 v15, v14;
	v15 =	vsel vm0, $0x1, v4;
	vm0 =	vge.s32 v13, v8;
	v13 =	vld [tilespmem:s23+$0x10A0]  }
.Ltmp2:
0x8e: {  	v14 =	vadd.s32 v15, v14;
	v15 =	vsel vm0, $0x1, v4;
	vm0 =	vge.s32 v9, v8;
	v9 =	vld [tilespmem:s23+$0x10B0];
	(pc) =	sbr.rel @p0 .LBB2_7-.Ltmp2, $4  }
0x8f: {  	v14 =	vadd.s32 v15, v14;
	v15 =	vsel vm0, $0x1, v4;
	vm0 =	vge.s32 v10, v8;
	v10 =	vld [tilespmem:s23+$0x10C0]  }
0x90: {  	v14 =	vadd.s32 v15, v14;
	v15 =	vsel vm0, $0x1, v4;
	vm0 =	vge.s32 v11, v8;
	v11 =	vld [tilespmem:s23+$0x10D0]  }
0x91: {  	v14 =	vadd.s32 v15, v14;
	v15 =	vsel vm0, $0x1, v4;
	vm0 =	vge.s32 v12, v8;
	v12 =	vld [tilespmem:s23+$0x10E0]  }
0x92: {  	v14 =	vadd.s32 v15, v14;
	v15 =	vsel vm0, $0x1, v4;
	vm0 =	vge.s32 v13, v8;
	v13 =	vld [tilespmem:s23+$0x10F0];
	s23 =	sshra.s32 s24, $0x2;
	s24 =	sadd.s32 $0x400, s24  }
0x93: {  	v16 =	vld [tilespmem:s23+$0x1000];
	v14 =	vadd.s32 v15, v14;
	v28 =	vsel vm0, $0x1, v4;
	vm7 =	vge.s32 v9, v8  }
0x94: {  	v29 =	vld [tilespmem:s23+$0x1010];
	v14 =	vadd.s32 v28, v14;
	v30 =	vsel vm7, $0x1, v4;
	vm8 =	vge.s32 v10, v8  }
0x95: {  	v31 =	vld [tilespmem:s23+$0x1020];
	v14 =	vadd.s32 v30, v14;
	v32 =	vsel vm8, $0x1, v4;
	vm9 =	vge.s32 v11, v8  }
0x96: {  	v33 =	vld [tilespmem:s23+$0x1030];
	v14 =	vadd.s32 v32, v14;
	v34 =	vsel vm9, $0x1, v4;
	vm10 =	vge.s32 v12, v8  }
0x97: {  	v35 =	vld [tilespmem:s23+$0x1040];
	v14 =	vadd.s32 v34, v14;
	v36 =	vsel vm10, $0x1, v4;
	vm11 =	vge.s32 v13, v8  }
0x98: {  	v37 =	vld [tilespmem:s23+$0x1050];
	vm1 =	vge.s32 v16, v8;
	v14 =	vadd.s32 v36, v14;
	v38 =	vsel vm11, $0x1, v4  }
0x99: {  	v39 =	vld [tilespmem:s23+$0x1060];
	vm12 =	vge.s32 v29, v8;
	v16 =	vsel vm1, $0x1, v4;
	v14 =	vadd.s32 v38, v14  }
0x9a: {  	v41 =	vld [tilespmem:s23+$0x1070];
	vm13 =	vge.s32 v31, v8;
	v40 =	vsel vm12, $0x1, v4;
	v14 =	vadd.s32 v16, v14  }
0x9b: {  	v43 =	vld [tilespmem:s23+$0x1080];
	vm14 =	vge.s32 v33, v8;
	v42 =	vsel vm13, $0x1, v4;
	v14 =	vadd.s32 v40, v14  }
0x9c: {  	v45 =	vld [tilespmem:s23+$0x1090];
	vm15 =	vge.s32 v35, v8;
	v44 =	vsel vm14, $0x1, v4;
	v14 =	vadd.s32 v42, v14  }
0x9d: {  	v47 =	vld [tilespmem:s23+$0x10A0];
	vm4 =	vge.s32 v37, v8;
	v46 =	vsel vm15, $0x1, v4;
	v14 =	vadd.s32 v44, v14  }
0x9e: {  	v49 =	vld [tilespmem:s23+$0x10B0];
	vm5 =	vge.s32 v39, v8;
	v48 =	vsel vm4, $0x1, v4;
	v14 =	vadd.s32 v46, v14  }
0x9f: {  	v51 =	vld [tilespmem:s23+$0x10C0];
	vm6 =	vge.s32 v41, v8;
	v50 =	vsel vm5, $0x1, v4;
	v14 =	vadd.s32 v48, v14  }
0xa0: {  	v53 =	vld [tilespmem:s23+$0x10D0];
	vm7 =	vge.s32 v43, v8;
	v52 =	vsel vm6, $0x1, v4;
	v14 =	vadd.s32 v50, v14  }
0xa1: {  	v55 =	vld [tilespmem:s23+$0x10E0];
	vm8 =	vge.s32 v45, v8;
	v54 =	vsel vm7, $0x1, v4;
	v14 =	vadd.s32 v52, v14  }
0xa2: {  	v57 =	vld [tilespmem:s23+$0x10F0];
	vm9 =	vge.s32 v47, v8;
	v56 =	vsel vm8, $0x1, v4;
	v14 =	vadd.s32 v54, v14  }
0xa3: {  	vm10 =	vge.s32 v49, v8;
	v58 =	vsel vm9, $0x1, v4;
	v14 =	vadd.s32 v56, v14  }
0xa4: {  	vm11 =	vge.s32 v51, v8;
	v60 =	vsel vm10, $0x1, v4;
	v59 =	vadd.s32 v58, v14  }
0xa5: {  	v10 =	vsel vm11, $0x1, v4;
	vm12 =	vge.s32 v53, v8;
	v9 =	vadd.s32 v60, v59  }
0xa6: {  	vm13 =	vge.s32 v55, v8;
	v61 =	vsel vm12, $0x1, v4;
	v9 =	vadd.s32 v10, v9  }
0xa7: {  	vm14 =	vge.s32 v57, v8;
	v62 =	vsel vm13, $0x1, v4;
	v9 =	vadd.s32 v61, v9  }
0xa8: {  	v63 =	vsel vm14, $0x1, v4;
	v9 =	vadd.s32 v62, v9  }
0xa9: {  	v9 =	vadd.s32 v63, v9  }
0xaa: {  	v10 =	vperm.xlane v9, v0;
	_ =	sdelay $0x1  }
0xab: {  	v9 =	vadd.s32 v9, v10  }
0xac: {  	v10 =	vperm.xlane v9, v1;
	_ =	sdelay $0x1  }
0xad: {  	v9 =	vadd.s32 v10, v9  }
0xae: {  	v10 =	vperm.xlane v9, v3  }
0xaf: {  	s22 =	sadd.s32 $0x1, s22  }
0xb0: {  	p0 =	sne.s32 s22, $0x1F;
	v9 =	vadd.s32 v10, v9  }
.Ltmp3:
0xb1: {  	v10 =	vperm.xlane v9, v5;
	(pc) =	sbr.rel @p0 .LBB2_6-.Ltmp3, $4  }
0xb2: {  	_ = 	snop  }
0xb3: {  	v9 =	vadd.s32 v10, v9  }
0xb4: {  	vm15 =	vgt.s32 v9, $0x1F  }
0xb5: {  	v7 =	vsel vm15, v8, v7  }
0xb6: {  	s22 =	simm.s32 $0x0  }
0xb7: {  	v10 =	vld [tilespmem:s22+$0x1030]  }
0xb8: {  	v11 =	vld [tilespmem:s22+$0x1000]  }
0xb9: {  	v9 =	vld [tilespmem:s22+$0x1010]  }
0xba: {  	v8 =	vld [tilespmem:s22+$0x1020]  }
0xbb: {  	s23 =	simm.s32 $0x100  }
.LBB2_10:
0xbc: {  	s24 =	sshra.s32 s23, $0x2;
	p0 =	sne.s32 s23, $0x1F00;
	s23 =	sadd.s32 $0x100, s23;
	vm0 =	vlt.s32 v10, v7  }
.Ltmp4:
0xbd: {  	v10 =	vld [tilespmem:s24+$0x1030];
	vm1 =	vlt.s32 v11, v7;
	v12 =	vsel vm0, $0x3F800000, v6;
	(pc) =	sbr.rel @p0 .LBB2_10-.Ltmp4, $4  }
0xbe: {  	v11 =	vld [tilespmem:s24+$0x1000];
	v13 =	vsel vm1, $0x3F800000, v6;
	vm0 =	vlt.s32 v9, v7;
	[tilespmem:s22+$0x30] =	vst v12  }
0xbf: {  	v9 =	vld [tilespmem:s24+$0x1010];
	[tilespmem:s22+$0x0] =	vst v13;
	v12 =	vsel vm0, $0x3F800000, v6;
	vm0 =	vlt.s32 v8, v7  }
0xc0: {  	v8 =	vld [tilespmem:s24+$0x1020];
	[tilespmem:s22+$0x10] =	vst v12;
	v12 =	vsel vm0, $0x3F800000, v6  }
0xc1: {  	[tilespmem:s22+$0x20] =	vst v12;
	s22 =	smov.u32 s24  }
0xc2: {  	vm0 =	vlt.s32 v10, v7  }
0xc3: {  	vm1 =	vlt.s32 v11, v7;
	v10 =	vsel vm0, $0x3F800000, v6  }
0xc4: {  	v11 =	vsel vm1, $0x3F800000, v6;
	vm12 =	vlt.s32 v9, v7;
	[tilespmem:s22+$0x30] =	vst v10  }
0xc5: {  	[tilespmem:s22+$0x0] =	vst v11;
	v9 =	vsel vm12, $0x3F800000, v6;
	vm13 =	vlt.s32 v8, v7  }
0xc6: {  	[tilespmem:s22+$0x10] =	vst v9;
	v7 =	vsel vm13, $0x3F800000, v6  }
0xc7: {  	s31 =	simm.s32 $0x0;
	[tilespmem:s22+$0x20] =	vst v7  }
0xc8: {  	[hbm4b:s7+s31] =	stream.linear.scatter [tilespmem:s31], [sflag:$0x5], $0x800, $0x38;
	[tilespmem:$0x2400] =	vst v63  }
0xc9: {  	_ =	swait.ge [sflag:s17], $0x400  }
0xca: {  	[sflag:s17] =	ssyncset.done $0x0  }
0xcb: {  	s23 =	simm.s32 $0x0;
	[sflag:s17] =	ssyncadd.s32 $0xFFFFFC00  }
0xcc: {  	v11 =	vld [tilespmem:s23+$0x1800]  }
0xcd: {  	v12 =	vld [tilespmem:s23+$0x1810]  }
0xce: {  	v15 =	vld [tilespmem:s23+$0x1820]  }
0xcf: {  	v16 =	vld [tilespmem:s23+$0x1830];
	_ =	sdelay $0x1  }
0xd0: {  	v7 =	vimm.f32 $-Inf;
	s22 =	simm.s32 $0x40;
	v14 =	vxor.u32 $0x7FFFFFFF, v11  }
0xd1: {  	vm14 =	vlt.s32 v11, $0x0;
	v8 =	vmax.f32 v7, v11;
	v7 =	vld [tilespmem:s22+$0x1800];
	v17 =	vxor.u32 $0x7FFFFFFF, v12  }
0xd2: {  	vm15 =	vlt.s32 v12, $0x0;
	v18 =	vxor.u32 $0x7FFFFFFF, v15;
	v9 =	vmax.f32 v8, v12;
	v8 =	vld [tilespmem:s22+$0x1810]  }
0xd3: {  	vm2 =	vlt.s32 v15, $0x0;
	v19 =	vxor.u32 $0x7FFFFFFF, v16;
	v10 =	vmax.f32 v9, v15;
	v9 =	vld [tilespmem:s22+$0x1820]  }
0xd4: {  	vm3 =	vlt.s32 v16, $0x0;
	v11 =	vsel vm14, v14, v11;
	v13 =	vmax.f32 v10, v16;
	v10 =	vld [tilespmem:s22+$0x1830]  }
0xd5: {  	s24 =	simm.s32 $0x200;
	v14 =	vsel vm15, v17, v12;
	v12 =	vsel vm2, v18, v15;
	[tilespmem:s23+$0x2000] =	vst v11;
	v11 =	vsel vm3, v19, v16  }
.LBB2_12:
0xd6: {  	s25 =	sshra.s32 s24, $0x2;
	p0 =	sne.s32 s24, $0xF00;
	s24 =	sadd.s32 $0x100, s24;
	v15 =	vxor.u32 $0x7FFFFFFF, v7;
	vm0 =	vlt.s32 v7, $0x0;
	v13 =	vmax.f32 v13, v7;
	[tilespmem:s23+$0x2010] =	vst v14;
	v14 =	vmovc v7  }
.Ltmp5:
0xd7: {  	v7 =	vld [tilespmem:s25+$0x1800];
	v16 =	vxor.u32 $0x7FFFFFFF, v8;
	vm1 =	vlt.s32 v8, $0x0;
	v13 =	vmax.f32 v13, v8;
	[tilespmem:s23+$0x2020] =	vst v12;
	v12 =	vmovc v8;
	(pc) =	sbr.rel @p0 .LBB2_12-.Ltmp5, $4  }
0xd8: {  	v8 =	vld [tilespmem:s25+$0x1810];
	v17 =	vxor.u32 $0x7FFFFFFF, v9;
	vm2 =	vlt.s32 v9, $0x0;
	v13 =	vmax.f32 v13, v9;
	[tilespmem:s23+$0x2030] =	vst v11;
	v11 =	vmovc v9;
	s23 =	smov.u32 s22;
	s22 =	smov.u32 s25  }
0xd9: {  	v9 =	vld [tilespmem:s22+$0x1820];
	v18 =	vxor.u32 $0x7FFFFFFF, v10;
	vm3 =	vlt.s32 v10, $0x0;
	v13 =	vmax.f32 v13, v10;
	v19 =	vmovc v10  }
0xda: {  	v15 =	vsel vm0, v15, v14;
	v14 =	vsel vm1, v16, v12;
	v12 =	vsel vm2, v17, v11;
	v10 =	vld [tilespmem:s22+$0x1830]  }
0xdb: {  	v11 =	vsel vm3, v18, v19;
	[tilespmem:s23+$0x2000] =	vst v15  }
0xdc: {  	v13 =	vmax.f32 v13, v7  }
0xdd: {  	v15 =	vxor.u32 $0x7FFFFFFF, v7;
	vm0 =	vlt.s32 v7, $0x0;
	[tilespmem:s23+$0x2010] =	vst v14;
	v13 =	vmax.f32 v13, v8  }
0xde: {  	[tilespmem:s23+$0x2020] =	vst v12;
	v14 =	vxor.u32 $0x7FFFFFFF, v8;
	vm1 =	vlt.s32 v8, $0x0;
	v7 =	vsel vm0, v15, v7  }
0xdf: {  	[tilespmem:s23+$0x2030] =	vst v11;
	v12 =	vmax.f32 v13, v9;
	v13 =	vxor.u32 $0x7FFFFFFF, v9;
	vm0 =	vlt.s32 v9, $0x0  }
0xe0: {  	v8 =	vsel vm1, v14, v8;
	[tilespmem:s22+$0x2000] =	vst v7;
	v11 =	vmax.f32 v12, v10;
	v12 =	vxor.u32 $0x7FFFFFFF, v10  }
0xe1: {  	vm1 =	vlt.s32 v10, $0x0;
	v9 =	vsel vm0, v13, v9;
	[tilespmem:s22+$0x2010] =	vst v8;
	v7 =	vperm.xlane v11, v0  }
0xe2: {  	v8 =	vsel vm1, v12, v10;
	[tilespmem:s22+$0x2020] =	vst v9  }
0xe3: {  	s24 =	simm.s32 $0x0;
	[tilespmem:s22+$0x2030] =	vst v8;
	v7 =	vmax.f32 v11, v7  }
0xe4: {  	v9 =	vld [tilespmem:s24+$0x2000];
	v8 =	vperm.xlane v7, v1  }
0xe5: {  	v10 =	vld [tilespmem:s24+$0x2010]  }
0xe6: {  	v11 =	vld [tilespmem:s24+$0x2020];
	v7 =	vmax.f32 v7, v8  }
0xe7: {  	v12 =	vld [tilespmem:s24+$0x2030];
	v8 =	vperm.xlane v7, v3  }
0xe8: {  	v13 =	vld [tilespmem:s24+$0x2040]  }
0xe9: {  	v14 =	vimm.s32 $0x0;
	vm0 =	vgt.s32 v9, $0xFFFFFFFF;
	v9 =	vld [tilespmem:s24+$0x2050];
	v7 =	vmax.f32 v7, v8  }
0xea: {  	v15 =	vsel vm0, $0x1, v4;
	vm0 =	vgt.s32 v10, $0xFFFFFFFF;
	v10 =	vld [tilespmem:s24+$0x2060];
	v8 =	vperm.xlane v7, v5  }
0xeb: {  	v14 =	vadd.s32 v15, v14;
	v15 =	vsel vm0, $0x1, v4;
	vm0 =	vgt.s32 v11, $0xFFFFFFFF;
	v11 =	vld [tilespmem:s24+$0x2070]  }
0xec: {  	v14 =	vadd.s32 v15, v14;
	v15 =	vsel vm0, $0x1, v4;
	vm0 =	vgt.s32 v12, $0xFFFFFFFF;
	v12 =	vld [tilespmem:s24+$0x2080]  }
0xed: {  	v14 =	vadd.s32 v15, v14;
	v15 =	vsel vm0, $0x1, v4;
	vm0 =	vgt.s32 v13, $0xFFFFFFFF;
	v13 =	vld [tilespmem:s24+$0x2090]  }
0xee: {  	v16 =	vld [tilespmem:s24+$0x20A0];
	v14 =	vadd.s32 v15, v14;
	v15 =	vsel vm0, $0x1, v4;
	vm0 =	vgt.s32 v9, $0xFFFFFFFF  }
0xef: {  	v9 =	vld [tilespmem:s24+$0x20B0];
	v14 =	vadd.s32 v15, v14;
	v15 =	vsel vm0, $0x1, v4;
	vm0 =	vgt.s32 v10, $0xFFFFFFFF  }
0xf0: {  	v10 =	vld [tilespmem:s24+$0x20C0];
	v14 =	vadd.s32 v15, v14;
	v15 =	vsel vm0, $0x1, v4;
	vm0 =	vgt.s32 v11, $0xFFFFFFFF  }
0xf1: {  	v11 =	vld [tilespmem:s24+$0x20D0];
	v14 =	vadd.s32 v15, v14;
	v15 =	vsel vm0, $0x1, v4;
	vm0 =	vgt.s32 v12, $0xFFFFFFFF  }
0xf2: {  	v12 =	vld [tilespmem:s24+$0x20E0];
	v14 =	vadd.s32 v15, v14;
	v15 =	vsel vm0, $0x1, v4;
	vm0 =	vgt.s32 v13, $0xFFFFFFFF  }
0xf3: {  	s23 =	simm.s32 $0x800;
	s22 =	simm.s32 $0x100;
	v13 =	vld [tilespmem:s24+$0x20F0];
	v14 =	vadd.s32 v15, v14;
	v15 =	vsel vm0, $0x1, v4;
	vm0 =	vgt.s32 v16, $0xFFFFFFFF  }
.LBB2_14:
0xf4: {  	p0 =	sne.s32 s23, $0xC00;
	v16 =	vld [tilespmem:s22+$0x2000];
	v14 =	vadd.s32 v15, v14;
	v15 =	vsel vm0, $0x1, v4;
	vm0 =	vgt.s32 v9, $0xFFFFFFFF  }
0xf5: {  	v9 =	vld [tilespmem:s22+$0x2010];
	v14 =	vadd.s32 v15, v14;
	v15 =	vsel vm0, $0x1, v4;
	vm0 =	vgt.s32 v10, $0xFFFFFFFF  }
0xf6: {  	v10 =	vld [tilespmem:s22+$0x2020];
	v14 =	vadd.s32 v15, v14;
	v15 =	vsel vm0, $0x1, v4;
	vm0 =	vgt.s32 v11, $0xFFFFFFFF  }
0xf7: {  	v11 =	vld [tilespmem:s22+$0x2030];
	v14 =	vadd.s32 v15, v14;
	v15 =	vsel vm0, $0x1, v4;
	vm0 =	vgt.s32 v12, $0xFFFFFFFF  }
0xf8: {  	v12 =	vld [tilespmem:s22+$0x2040];
	v14 =	vadd.s32 v15, v14;
	v15 =	vsel vm0, $0x1, v4;
	vm0 =	vgt.s32 v13, $0xFFFFFFFF  }
0xf9: {  	vm1 =	vgt.s32 v16, $0xFFFFFFFF;
	v13 =	vld [tilespmem:s22+$0x2050];
	v14 =	vadd.s32 v15, v14;
	v15 =	vsel vm0, $0x1, v4  }
0xfa: {  	v16 =	vsel vm1, $0x1, v4;
	vm0 =	vgt.s32 v9, $0xFFFFFFFF;
	v9 =	vld [tilespmem:s22+$0x2060];
	v14 =	vadd.s32 v15, v14  }
0xfb: {  	v14 =	vadd.s32 v16, v14;
	v15 =	vsel vm0, $0x1, v4;
	vm0 =	vgt.s32 v10, $0xFFFFFFFF;
	v10 =	vld [tilespmem:s22+$0x2070]  }
0xfc: {  	v14 =	vadd.s32 v15, v14;
	v15 =	vsel vm0, $0x1, v4;
	vm0 =	vgt.s32 v11, $0xFFFFFFFF;
	v11 =	vld [tilespmem:s22+$0x2080]  }
0xfd: {  	v14 =	vadd.s32 v15, v14;
	v15 =	vsel vm0, $0x1, v4;
	vm0 =	vgt.s32 v12, $0xFFFFFFFF;
	v12 =	vld [tilespmem:s22+$0x2090]  }
0xfe: {  	v14 =	vadd.s32 v15, v14;
	v15 =	vsel vm0, $0x1, v4;
	vm0 =	vgt.s32 v13, $0xFFFFFFFF;
	v13 =	vld [tilespmem:s22+$0x20A0]  }
.Ltmp6:
0xff: {  	v14 =	vadd.s32 v15, v14;
	v15 =	vsel vm0, $0x1, v4;
	vm0 =	vgt.s32 v9, $0xFFFFFFFF;
	v9 =	vld [tilespmem:s22+$0x20B0];
	(pc) =	sbr.rel @p0 .LBB2_14-.Ltmp6, $4  }
0x100: {  	v14 =	vadd.s32 v15, v14;
	v15 =	vsel vm0, $0x1, v4;
	vm0 =	vgt.s32 v10, $0xFFFFFFFF;
	v10 =	vld [tilespmem:s22+$0x20C0]  }
0x101: {  	v14 =	vadd.s32 v15, v14;
	v15 =	vsel vm0, $0x1, v4;
	vm0 =	vgt.s32 v11, $0xFFFFFFFF;
	v11 =	vld [tilespmem:s22+$0x20D0]  }
0x102: {  	v14 =	vadd.s32 v15, v14;
	v15 =	vsel vm0, $0x1, v4;
	vm0 =	vgt.s32 v12, $0xFFFFFFFF;
	v12 =	vld [tilespmem:s22+$0x20E0]  }
0x103: {  	v14 =	vadd.s32 v15, v14;
	v15 =	vsel vm0, $0x1, v4;
	vm0 =	vgt.s32 v13, $0xFFFFFFFF;
	v13 =	vld [tilespmem:s22+$0x20F0];
	s22 =	sshra.s32 s23, $0x2;
	s23 =	sadd.s32 $0x400, s23  }
0x104: {  	v16 =	vld [tilespmem:s22+$0x2000];
	v14 =	vadd.s32 v15, v14;
	v41 =	vsel vm0, $0x1, v4;
	vm7 =	vgt.s32 v9, $0xFFFFFFFF  }
0x105: {  	v9 =	vld [tilespmem:s22+$0x2010];
	v14 =	vadd.s32 v41, v14;
	v42 =	vsel vm7, $0x1, v4;
	vm8 =	vgt.s32 v10, $0xFFFFFFFF  }
0x106: {  	v10 =	vld [tilespmem:s22+$0x2020];
	v14 =	vadd.s32 v42, v14;
	v43 =	vsel vm8, $0x1, v4;
	vm9 =	vgt.s32 v11, $0xFFFFFFFF  }
0x107: {  	v11 =	vld [tilespmem:s22+$0x2030];
	v14 =	vadd.s32 v43, v14;
	v44 =	vsel vm9, $0x1, v4;
	vm10 =	vgt.s32 v12, $0xFFFFFFFF  }
0x108: {  	v45 =	vld [tilespmem:s22+$0x2040];
	v14 =	vadd.s32 v44, v14;
	v46 =	vsel vm10, $0x1, v4;
	vm11 =	vgt.s32 v13, $0xFFFFFFFF  }
0x109: {  	v47 =	vld [tilespmem:s22+$0x2050];
	vm1 =	vgt.s32 v16, $0xFFFFFFFF;
	v14 =	vadd.s32 v46, v14;
	v48 =	vsel vm11, $0x1, v4  }
0x10a: {  	vm12 =	vgt.s32 v9, $0xFFFFFFFF;
	v9 =	vld [tilespmem:s22+$0x2060];
	v16 =	vsel vm1, $0x1, v4;
	v14 =	vadd.s32 v48, v14  }
0x10b: {  	v49 =	vsel vm12, $0x1, v4;
	vm13 =	vgt.s32 v10, $0xFFFFFFFF;
	v10 =	vld [tilespmem:s22+$0x2070];
	v14 =	vadd.s32 v16, v14  }
0x10c: {  	v50 =	vsel vm13, $0x1, v4;
	vm14 =	vgt.s32 v11, $0xFFFFFFFF;
	v11 =	vld [tilespmem:s22+$0x2080];
	v14 =	vadd.s32 v49, v14  }
0x10d: {  	v52 =	vld [tilespmem:s22+$0x2090];
	vm15 =	vgt.s32 v45, $0xFFFFFFFF;
	v51 =	vsel vm14, $0x1, v4;
	v14 =	vadd.s32 v50, v14  }
0x10e: {  	v54 =	vld [tilespmem:s22+$0x20A0];
	vm4 =	vgt.s32 v47, $0xFFFFFFFF;
	v53 =	vsel vm15, $0x1, v4;
	v14 =	vadd.s32 v51, v14  }
0x10f: {  	v55 =	vsel vm4, $0x1, v4;
	vm5 =	vgt.s32 v9, $0xFFFFFFFF;
	v9 =	vld [tilespmem:s22+$0x20B0];
	v14 =	vadd.s32 v53, v14  }
0x110: {  	v56 =	vsel vm5, $0x1, v4;
	vm6 =	vgt.s32 v10, $0xFFFFFFFF;
	v10 =	vld [tilespmem:s22+$0x20C0];
	v14 =	vadd.s32 v55, v14  }
0x111: {  	v57 =	vsel vm6, $0x1, v4;
	vm7 =	vgt.s32 v11, $0xFFFFFFFF;
	v11 =	vld [tilespmem:s22+$0x20D0];
	v14 =	vadd.s32 v56, v14  }
0x112: {  	v59 =	vld [tilespmem:s22+$0x20E0];
	vm8 =	vgt.s32 v52, $0xFFFFFFFF;
	v58 =	vsel vm7, $0x1, v4;
	v14 =	vadd.s32 v57, v14  }
0x113: {  	v61 =	vld [tilespmem:s22+$0x20F0];
	vm9 =	vgt.s32 v54, $0xFFFFFFFF;
	v60 =	vsel vm8, $0x1, v4;
	v14 =	vadd.s32 v58, v14  }
0x114: {  	v62 =	vsel vm9, $0x1, v4;
	vm10 =	vgt.s32 v9, $0xFFFFFFFF;
	v14 =	vadd.s32 v60, v14  }
0x115: {  	v63 =	vsel vm10, $0x1, v4;
	vm11 =	vgt.s32 v10, $0xFFFFFFFF;
	v9 =	vadd.s32 v62, v14  }
0x116: {  	v10 =	vsel vm11, $0x1, v4;
	vm12 =	vgt.s32 v11, $0xFFFFFFFF;
	v9 =	vadd.s32 v63, v9  }
0x117: {  	vm13 =	vgt.s32 v59, $0xFFFFFFFF;
	v9 =	vadd.s32 v10, v9;
	v10 =	vsel vm12, $0x1, v4  }
0x118: {  	vm14 =	vgt.s32 v61, $0xFFFFFFFF;
	v9 =	vadd.s32 v10, v9;
	v10 =	vsel vm13, $0x1, v4  }
0x119: {  	v9 =	vadd.s32 v10, v9;
	v10 =	vsel vm14, $0x1, v4  }
0x11a: {  	v9 =	vadd.s32 v10, v9  }
0x11b: {  	v10 =	vperm.xlane v9, v0;
	_ =	sdelay $0x1  }
0x11c: {  	v9 =	vadd.s32 v9, v10  }
0x11d: {  	v10 =	vperm.xlane v9, v1;
	_ =	sdelay $0x1  }
0x11e: {  	v9 =	vadd.s32 v10, v9  }
0x11f: {  	v10 =	vperm.xlane v9, v3;
	_ =	sdelay $0x1  }
0x120: {  	v9 =	vadd.s32 v10, v9  }
0x121: {  	v10 =	vperm.xlane v9, v5;
	_ =	sdelay $0x1  }
0x122: {  	v9 =	vadd.s32 v10, v9  }
0x123: {  	vm15 =	vgt.s32 v9, $0x1F  }
0x124: {  	s22 =	simm.s32 $0x0;
	v9 =	vsel vm15, $0x0, v2  }
.LBB2_16:
0x125: {  	s25 =	simm.s32 $0x0  }
0x126: {  	v11 =	vld [tilespmem:s25+$0x2000]  }
0x127: {  	v12 =	vld [tilespmem:s25+$0x2010]  }
0x128: {  	v13 =	vld [tilespmem:s25+$0x2020]  }
0x129: {  	s23 =	sshrl.u32 s16, s22;
	v14 =	vld [tilespmem:s25+$0x2030]  }
0x12a: {  	v10 =	vor.u32 s23, v9;
	v15 =	vld [tilespmem:s25+$0x2040]  }
0x12b: {  	vm0 =	vge.s32 v11, v10;
	v11 =	vld [tilespmem:s25+$0x2050]  }
0x12c: {  	v16 =	vimm.s32 $0x0;
	v17 =	vsel vm0, $0x1, v4;
	vm0 =	vge.s32 v12, v10;
	v12 =	vld [tilespmem:s25+$0x2060]  }
0x12d: {  	v16 =	vadd.s32 v17, v16;
	v17 =	vsel vm0, $0x1, v4;
	vm0 =	vge.s32 v13, v10;
	v13 =	vld [tilespmem:s25+$0x2070]  }
0x12e: {  	v16 =	vadd.s32 v17, v16;
	v17 =	vsel vm0, $0x1, v4;
	vm0 =	vge.s32 v14, v10;
	v14 =	vld [tilespmem:s25+$0x2080]  }
0x12f: {  	v16 =	vadd.s32 v17, v16;
	v17 =	vsel vm0, $0x1, v4;
	vm0 =	vge.s32 v15, v10;
	v15 =	vld [tilespmem:s25+$0x2090]  }
0x130: {  	v18 =	vld [tilespmem:s25+$0x20A0];
	v16 =	vadd.s32 v17, v16;
	v17 =	vsel vm0, $0x1, v4;
	vm0 =	vge.s32 v11, v10  }
0x131: {  	v11 =	vld [tilespmem:s25+$0x20B0];
	v16 =	vadd.s32 v17, v16;
	v17 =	vsel vm0, $0x1, v4;
	vm0 =	vge.s32 v12, v10  }
0x132: {  	v12 =	vld [tilespmem:s25+$0x20C0];
	v16 =	vadd.s32 v17, v16;
	v17 =	vsel vm0, $0x1, v4;
	vm0 =	vge.s32 v13, v10  }
0x133: {  	v13 =	vld [tilespmem:s25+$0x20D0];
	v16 =	vadd.s32 v17, v16;
	v17 =	vsel vm0, $0x1, v4;
	vm0 =	vge.s32 v14, v10  }
0x134: {  	v14 =	vld [tilespmem:s25+$0x20E0];
	v16 =	vadd.s32 v17, v16;
	v17 =	vsel vm0, $0x1, v4;
	vm0 =	vge.s32 v15, v10  }
0x135: {  	s24 =	simm.s32 $0x800;
	s23 =	simm.s32 $0x100;
	v15 =	vld [tilespmem:s25+$0x20F0];
	v16 =	vadd.s32 v17, v16;
	v17 =	vsel vm0, $0x1, v4;
	vm0 =	vge.s32 v18, v10  }
.LBB2_17:
0x136: {  	p0 =	sne.s32 s24, $0xC00;
	v18 =	vld [tilespmem:s23+$0x2000];
	v16 =	vadd.s32 v17, v16;
	v17 =	vsel vm0, $0x1, v4;
	vm0 =	vge.s32 v11, v10  }
0x137: {  	v11 =	vld [tilespmem:s23+$0x2010];
	v16 =	vadd.s32 v17, v16;
	v17 =	vsel vm0, $0x1, v4;
	vm0 =	vge.s32 v12, v10  }
0x138: {  	v12 =	vld [tilespmem:s23+$0x2020];
	v16 =	vadd.s32 v17, v16;
	v17 =	vsel vm0, $0x1, v4;
	vm0 =	vge.s32 v13, v10  }
0x139: {  	v13 =	vld [tilespmem:s23+$0x2030];
	v16 =	vadd.s32 v17, v16;
	v17 =	vsel vm0, $0x1, v4;
	vm0 =	vge.s32 v14, v10  }
0x13a: {  	v14 =	vld [tilespmem:s23+$0x2040];
	v16 =	vadd.s32 v17, v16;
	v17 =	vsel vm0, $0x1, v4;
	vm0 =	vge.s32 v15, v10  }
0x13b: {  	vm1 =	vge.s32 v18, v10;
	v15 =	vld [tilespmem:s23+$0x2050];
	v16 =	vadd.s32 v17, v16;
	v17 =	vsel vm0, $0x1, v4  }
0x13c: {  	v18 =	vsel vm1, $0x1, v4;
	vm0 =	vge.s32 v11, v10;
	v11 =	vld [tilespmem:s23+$0x2060];
	v16 =	vadd.s32 v17, v16  }
0x13d: {  	v16 =	vadd.s32 v18, v16;
	v17 =	vsel vm0, $0x1, v4;
	vm0 =	vge.s32 v12, v10;
	v12 =	vld [tilespmem:s23+$0x2070]  }
0x13e: {  	v16 =	vadd.s32 v17, v16;
	v17 =	vsel vm0, $0x1, v4;
	vm0 =	vge.s32 v13, v10;
	v13 =	vld [tilespmem:s23+$0x2080]  }
0x13f: {  	v16 =	vadd.s32 v17, v16;
	v17 =	vsel vm0, $0x1, v4;
	vm0 =	vge.s32 v14, v10;
	v14 =	vld [tilespmem:s23+$0x2090]  }
0x140: {  	v16 =	vadd.s32 v17, v16;
	v17 =	vsel vm0, $0x1, v4;
	vm0 =	vge.s32 v15, v10;
	v15 =	vld [tilespmem:s23+$0x20A0]  }
.Ltmp7:
0x141: {  	v16 =	vadd.s32 v17, v16;
	v17 =	vsel vm0, $0x1, v4;
	vm0 =	vge.s32 v11, v10;
	v11 =	vld [tilespmem:s23+$0x20B0];
	(pc) =	sbr.rel @p0 .LBB2_17-.Ltmp7, $4  }
0x142: {  	v16 =	vadd.s32 v17, v16;
	v17 =	vsel vm0, $0x1, v4;
	vm0 =	vge.s32 v12, v10;
	v12 =	vld [tilespmem:s23+$0x20C0]  }
0x143: {  	v16 =	vadd.s32 v17, v16;
	v17 =	vsel vm0, $0x1, v4;
	vm0 =	vge.s32 v13, v10;
	v13 =	vld [tilespmem:s23+$0x20D0]  }
0x144: {  	v16 =	vadd.s32 v17, v16;
	v17 =	vsel vm0, $0x1, v4;
	vm0 =	vge.s32 v14, v10;
	v14 =	vld [tilespmem:s23+$0x20E0]  }
0x145: {  	v16 =	vadd.s32 v17, v16;
	v17 =	vsel vm0, $0x1, v4;
	vm0 =	vge.s32 v15, v10;
	v15 =	vld [tilespmem:s23+$0x20F0];
	s23 =	sshra.s32 s24, $0x2;
	s24 =	sadd.s32 $0x400, s24  }
0x146: {  	v18 =	vld [tilespmem:s23+$0x2000];
	v16 =	vadd.s32 v17, v16;
	v32 =	vsel vm0, $0x1, v4;
	vm7 =	vge.s32 v11, v10  }
0x147: {  	v11 =	vld [tilespmem:s23+$0x2010];
	v16 =	vadd.s32 v32, v16;
	v33 =	vsel vm7, $0x1, v4;
	vm8 =	vge.s32 v12, v10  }
0x148: {  	v34 =	vld [tilespmem:s23+$0x2020];
	v16 =	vadd.s32 v33, v16;
	v35 =	vsel vm8, $0x1, v4;
	vm9 =	vge.s32 v13, v10  }
0x149: {  	v36 =	vld [tilespmem:s23+$0x2030];
	v16 =	vadd.s32 v35, v16;
	v37 =	vsel vm9, $0x1, v4;
	vm10 =	vge.s32 v14, v10  }
0x14a: {  	v38 =	vld [tilespmem:s23+$0x2040];
	v16 =	vadd.s32 v37, v16;
	v39 =	vsel vm10, $0x1, v4;
	vm11 =	vge.s32 v15, v10  }
0x14b: {  	v40 =	vld [tilespmem:s23+$0x2050];
	vm1 =	vge.s32 v18, v10;
	v16 =	vadd.s32 v39, v16;
	v41 =	vsel vm11, $0x1, v4  }
0x14c: {  	vm12 =	vge.s32 v11, v10;
	v11 =	vld [tilespmem:s23+$0x2060];
	v18 =	vsel vm1, $0x1, v4;
	v16 =	vadd.s32 v41, v16  }
0x14d: {  	v43 =	vld [tilespmem:s23+$0x2070];
	vm13 =	vge.s32 v34, v10;
	v42 =	vsel vm12, $0x1, v4;
	v16 =	vadd.s32 v18, v16  }
0x14e: {  	v45 =	vld [tilespmem:s23+$0x2080];
	vm14 =	vge.s32 v36, v10;
	v44 =	vsel vm13, $0x1, v4;
	v16 =	vadd.s32 v42, v16  }
0x14f: {  	v47 =	vld [tilespmem:s23+$0x2090];
	vm15 =	vge.s32 v38, v10;
	v46 =	vsel vm14, $0x1, v4;
	v16 =	vadd.s32 v44, v16  }
0x150: {  	v49 =	vld [tilespmem:s23+$0x20A0];
	vm4 =	vge.s32 v40, v10;
	v48 =	vsel vm15, $0x1, v4;
	v16 =	vadd.s32 v46, v16  }
0x151: {  	v50 =	vsel vm4, $0x1, v4;
	vm5 =	vge.s32 v11, v10;
	v11 =	vld [tilespmem:s23+$0x20B0];
	v16 =	vadd.s32 v48, v16  }
0x152: {  	v52 =	vld [tilespmem:s23+$0x20C0];
	vm6 =	vge.s32 v43, v10;
	v51 =	vsel vm5, $0x1, v4;
	v16 =	vadd.s32 v50, v16  }
0x153: {  	v54 =	vld [tilespmem:s23+$0x20D0];
	vm7 =	vge.s32 v45, v10;
	v53 =	vsel vm6, $0x1, v4;
	v16 =	vadd.s32 v51, v16  }
0x154: {  	v56 =	vld [tilespmem:s23+$0x20E0];
	vm8 =	vge.s32 v47, v10;
	v55 =	vsel vm7, $0x1, v4;
	v16 =	vadd.s32 v53, v16  }
0x155: {  	v58 =	vld [tilespmem:s23+$0x20F0];
	vm9 =	vge.s32 v49, v10;
	v57 =	vsel vm8, $0x1, v4;
	v16 =	vadd.s32 v55, v16  }
0x156: {  	v59 =	vsel vm9, $0x1, v4;
	vm10 =	vge.s32 v11, v10;
	v16 =	vadd.s32 v57, v16  }
0x157: {  	vm11 =	vge.s32 v52, v10;
	v60 =	vsel vm10, $0x1, v4;
	v11 =	vadd.s32 v59, v16  }
0x158: {  	v12 =	vsel vm11, $0x1, v4;
	vm12 =	vge.s32 v54, v10;
	v11 =	vadd.s32 v60, v11  }
0x159: {  	vm13 =	vge.s32 v56, v10;
	v61 =	vsel vm12, $0x1, v4;
	v11 =	vadd.s32 v12, v11  }
0x15a: {  	vm14 =	vge.s32 v58, v10;
	v62 =	vsel vm13, $0x1, v4;
	v11 =	vadd.s32 v61, v11  }
0x15b: {  	v63 =	vsel vm14, $0x1, v4;
	v11 =	vadd.s32 v62, v11  }
0x15c: {  	v11 =	vadd.s32 v63, v11  }
0x15d: {  	v12 =	vperm.xlane v11, v0;
	_ =	sdelay $0x1  }
0x15e: {  	v11 =	vadd.s32 v11, v12  }
0x15f: {  	v12 =	vperm.xlane v11, v1;
	_ =	sdelay $0x1  }
0x160: {  	v11 =	vadd.s32 v12, v11  }
0x161: {  	v12 =	vperm.xlane v11, v3  }
0x162: {  	s22 =	sadd.s32 $0x1, s22  }
0x163: {  	p0 =	seq.s32 s22, $0x1F;
	v11 =	vadd.s32 v12, v11  }
.Ltmp8:
0x164: {  	v12 =	vperm.xlane v11, v5;
	(pc) =	sbr.rel @!p0 .LBB2_16-.Ltmp8, $4  }
0x165: {  	_ = 	snop  }
0x166: {  	v11 =	vadd.s32 v12, v11  }
0x167: {  	vm15 =	vgt.s32 v11, $0x1F  }
0x168: {  	v9 =	vsel vm15, v10, v9  }
0x169: {  	s22 =	simm.s32 $0x0  }
0x16a: {  	v10 =	vld [tilespmem:s22+$0x1800]  }
0x16b: {  	v11 =	vld [tilespmem:s22+$0x1830]  }
0x16c: {  	v12 =	vld [tilespmem:s22+$0x1820]  }
0x16d: {  	v13 =	vld [tilespmem:s22+$0x1810]  }
0x16e: {  	v7 =	vmax.f32 v7, v8  }
0x16f: {  	v10 =	vsub.f32 v10, v7  }
0x170: {  	v11 =	vsub.f32 v11, v7  }
0x171: {  	v12 =	vsub.f32 v12, v7;
	v10 =	vmul.f32 $1.442695020e+00, v10  }
0x172: {  	v13 =	vsub.f32 v13, v7;
	v11 =	vmul.f32 $1.442695020e+00, v11  }
0x173: {  	v12 =	vmul.f32 $1.442695020e+00, v12;
	(erf) = vpow2.f32 v10  }
0x174: {  	v10 =	vmul.f32 $1.442695020e+00, v13;
	(erf) = vpow2.f32 v11  }
0x175: {  	(erf) = vpow2.f32 v12  }
0x176: {  	(erf) = vpow2.f32 v10;
	_ =	sdelay $0x3  }
0x177: {  	v8 =	vimm.f32 $0.0e+00;
	s23 =	simm.s32 $0x100;
	s24 =	simm.s32 $0x200  }
.LBB2_20:
0x178: {  	p0 =	sne.s32 s24, $0xF00  }
0x179: {  	v10 =	vpop (erf)  }
0x17a: {  	s25 =	sshra.s32 s23, $0x2;
	s23 =	smov.u32 s24;
	[tilespmem:s22+$0x1800] =	vst v10;
	v8 =	vadd.f32 v10, v8;
	v10 =	vpop (erf)  }
0x17b: {  	v11 =	vld [tilespmem:s25+$0x1800];
	[tilespmem:s22+$0x1830] =	vst v10;
	v12 =	vpop (erf)  }
0x17c: {  	v13 =	vld [tilespmem:s25+$0x1830];
	[tilespmem:s22+$0x1820] =	vst v12;
	v14 =	vpop (erf)  }
0x17d: {  	v15 =	vld [tilespmem:s25+$0x1820];
	[tilespmem:s22+$0x1810] =	vst v14;
	v8 =	vadd.f32 v14, v8;
	s22 =	smov.u32 s25  }
0x17e: {  	v14 =	vld [tilespmem:s22+$0x1810]  }
0x17f: {  	v8 =	vadd.f32 v12, v8  }
0x180: {  	v11 =	vsub.f32 v11, v7  }
0x181: {  	v12 =	vsub.f32 v13, v7;
	v8 =	vadd.f32 v10, v8  }
0x182: {  	v10 =	vmul.f32 $1.442695020e+00, v11;
	v11 =	vsub.f32 v15, v7  }
0x183: {  	v13 =	vsub.f32 v14, v7;
	v12 =	vmul.f32 $1.442695020e+00, v12  }
0x184: {  	v11 =	vmul.f32 $1.442695020e+00, v11;
	(erf) = vpow2.f32 v10  }
0x185: {  	v10 =	vmul.f32 $1.442695020e+00, v13;
	(erf) = vpow2.f32 v12  }
0x186: {  	(erf) = vpow2.f32 v11  }
.Ltmp9:
0x187: {  	(erf) = vpow2.f32 v10;
	(pc) =	sbr.rel @p0 .LBB2_20-.Ltmp9, $2  }
0x188: {  	_ =	sdelay $0x2  }
0x189: {  	s24 =	sadd.s32 $0x100, s24  }
0x18a: {  	_ = 	snop  }
0x18b: {  	v10 =	vpop (erf)  }
0x18c: {  	s23 =	sshra.s32 s23, $0x2;
	[tilespmem:s22+$0x1800] =	vst v10;
	v11 =	vpop (erf)  }
0x18d: {  	v12 =	vld [tilespmem:s23+$0x1800];
	[tilespmem:s22+$0x1830] =	vst v11;
	v13 =	vpop (erf)  }
0x18e: {  	v14 =	vld [tilespmem:s23+$0x1830];
	[tilespmem:s22+$0x1820] =	vst v13;
	v15 =	vpop (erf)  }
0x18f: {  	v16 =	vld [tilespmem:s23+$0x1820];
	[tilespmem:s22+$0x1810] =	vst v15  }
0x190: {  	v17 =	vld [tilespmem:s23+$0x1810];
	_ =	sdelay $0x1  }
0x191: {  	v12 =	vsub.f32 v12, v7  }
0x192: {  	v14 =	vsub.f32 v14, v7  }
0x193: {  	v12 =	vmul.f32 $1.442695020e+00, v12;
	v16 =	vsub.f32 v16, v7  }
0x194: {  	v7 =	vsub.f32 v17, v7;
	v14 =	vmul.f32 $1.442695020e+00, v14  }
0x195: {  	(erf) = vpow2.f32 v12;
	v12 =	vmul.f32 $1.442695020e+00, v16  }
0x196: {  	v7 =	vmul.f32 $1.442695020e+00, v7;
	(erf) = vpow2.f32 v14  }
0x197: {  	(erf) = vpow2.f32 v12  }
0x198: {  	v8 =	vadd.f32 v10, v8;
	(erf) = vpow2.f32 v7;
	_ =	sdelay $0x1  }
0x199: {  	v7 =	vadd.f32 v15, v8;
	_ =	sdelay $0x1  }
0x19a: {  	v7 =	vadd.f32 v13, v7;
	_ =	sdelay $0x1  }
0x19b: {  	v7 =	vadd.f32 v11, v7;
	v8 =	vpop (erf)  }
0x19c: {  	v10 =	vpop (erf)  }
0x19d: {  	v7 =	vadd.f32 v8, v7;
	v11 =	vpop (erf)  }
0x19e: {  	v12 =	vpop (erf)  }
0x19f: {  	v7 =	vadd.f32 v12, v7;
	_ =	sdelay $0x1  }
0x1a0: {  	v7 =	vadd.f32 v11, v7;
	_ =	sdelay $0x1  }
0x1a1: {  	v7 =	vadd.f32 v10, v7;
	_ =	sdelay $0x1  }
0x1a2: {  	v13 =	vperm.xlane v7, v0;
	_ =	sdelay $0x1  }
0x1a3: {  	v7 =	vadd.f32 v13, v7;
	_ =	sdelay $0x1  }
0x1a4: {  	v13 =	vperm.xlane v7, v1;
	_ =	sdelay $0x1  }
0x1a5: {  	v7 =	vadd.f32 v13, v7;
	_ =	sdelay $0x1  }
0x1a6: {  	v13 =	vperm.xlane v7, v3;
	_ =	sdelay $0x1  }
0x1a7: {  	v7 =	vadd.f32 v13, v7;
	_ =	sdelay $0x1  }
0x1a8: {  	v13 =	vperm.xlane v7, v5;
	_ =	sdelay $0x1  }
0x1a9: {  	v7 =	vadd.f32 v13, v7;
	_ =	sdelay $0x1  }
0x1aa: {  	(erf) = vrcp.f32 v7;
	_ =	sdelay $0x1  }
0x1ab: {  	[tilespmem:s23+$0x1800] =	vst v8  }
0x1ac: {  	[tilespmem:s23+$0x1830] =	vst v10  }
0x1ad: {  	[tilespmem:s23+$0x1820] =	vst v11  }
0x1ae: {  	s22 =	simm.s32 $0x0;
	[tilespmem:s23+$0x1810] =	vst v12  }
0x1af: {  	v8 =	vld [tilespmem:s22+$0x2010]  }
0x1b0: {  	v12 =	vld [tilespmem:s22+$0x1800]  }
0x1b1: {  	v10 =	vld [tilespmem:s22+$0x2000]  }
0x1b2: {  	v13 =	vld [tilespmem:s22+$0x1810];
	v7 =	vpop (erf)  }
0x1b3: {  	s23 =	simm.s32 $0x100;
	v11 =	vld [tilespmem:s22+$0x1820];
	v7 =	vmul.f32 $3.200000000e+01, v7  }
.LBB2_22:
0x1b4: {  	p0 =	sne.s32 s23, $0xF00;
	v14 =	vld [tilespmem:s22+$0x1830]  }
0x1b5: {  	v15 =	vld [tilespmem:s22+$0x2020]  }
0x1b6: {  	v12 =	vmul.f32 v12, v7;
	v16 =	vld [tilespmem:s22+$0x2030]  }
0x1b7: {  	vm0 =	vlt.s32 v10, v9;
	v13 =	vmul.f32 v13, v7  }
0x1b8: {  	s24 =	sshra.s32 s23, $0x2;
	vm1 =	vlt.s32 v8, v9;
	v12 =	vmin.f32 v12, $1.000000000e+00;
	v11 =	vmul.f32 v11, v7  }
.Ltmp10:
0x1b9: {  	v10 =	vld [tilespmem:s24+$0x2000];
	v12 =	vsel vm0, $0x0, v12;
	v13 =	vmin.f32 v13, $1.000000000e+00;
	v14 =	vmul.f32 v14, v7;
	(pc) =	sbr.rel @p0 .LBB2_22-.Ltmp10, $4  }
0x1ba: {  	v8 =	vld [tilespmem:s24+$0x2010];
	[tilespmem:s22+$0x1800] =	vst v12;
	v13 =	vsel vm1, $0x0, v13;
	v11 =	vmin.f32 v11, $1.000000000e+00;
	vm0 =	vlt.s32 v15, v9  }
0x1bb: {  	v12 =	vld [tilespmem:s24+$0x1800];
	[tilespmem:s22+$0x1810] =	vst v13;
	v11 =	vsel vm0, $0x0, v11;
	v14 =	vmin.f32 v14, $1.000000000e+00;
	vm0 =	vlt.s32 v16, v9  }
0x1bc: {  	v13 =	vld [tilespmem:s24+$0x1810];
	[tilespmem:s22+$0x1820] =	vst v11;
	v14 =	vsel vm0, $0x0, v14  }
0x1bd: {  	s23 =	sadd.s32 $0x100, s23;
	v11 =	vld [tilespmem:s24+$0x1820];
	[tilespmem:s22+$0x1830] =	vst v14;
	s22 =	smov.u32 s24  }
0x1be: {  	v14 =	vld [tilespmem:s22+$0x1830]  }
0x1bf: {  	v15 =	vld [tilespmem:s22+$0x2020]  }
0x1c0: {  	v16 =	vld [tilespmem:s22+$0x2030];
	v12 =	vmul.f32 v12, v7  }
0x1c1: {  	vm0 =	vlt.s32 v10, v9;
	v10 =	vmul.f32 v13, v7  }
0x1c2: {  	vm1 =	vlt.s32 v8, v9;
	v12 =	vmin.f32 v12, $1.000000000e+00;
	v8 =	vmul.f32 v11, v7  }
0x1c3: {  	v11 =	vsel vm0, $0x0, v12;
	v10 =	vmin.f32 v10, $1.000000000e+00;
	v7 =	vmul.f32 v14, v7  }
0x1c4: {  	vm10 =	vlt.s32 v15, v9;
	[tilespmem:s22+$0x1800] =	vst v11;
	v10 =	vsel vm1, $0x0, v10;
	v8 =	vmin.f32 v8, $1.000000000e+00  }
0x1c5: {  	vm11 =	vlt.s32 v16, v9;
	[tilespmem:s22+$0x1810] =	vst v10;
	v8 =	vsel vm10, $0x0, v8;
	v7 =	vmin.f32 v7, $1.000000000e+00  }
0x1c6: {  	[tilespmem:s22+$0x1820] =	vst v8;
	v7 =	vsel vm11, $0x0, v7  }
0x1c7: {  	s31 =	simm.s32 $0x0;
	[tilespmem:s22+$0x1830] =	vst v7  }
0x1c8: {  	[hbm4b:s8+s31] =	stream.linear.scatter [tilespmem:s12], [sflag:$0x5], $0x400, $0x38;
	[tilespmem:$0x2400] =	vst v63  }
0x1c9: {  	_ =	swait.ge [sflag:s18], $0x800  }
0x1ca: {  	[sflag:s18] =	ssyncset.done $0x0  }
0x1cb: {  	s23 =	simm.s32 $0x0;
	[sflag:s18] =	ssyncadd.s32 $0xFFFFF800  }
0x1cc: {  	v7 =	vld [tilespmem:s23+$0x830]  }
0x1cd: {  	v10 =	vld [tilespmem:s23+$0x800]  }
0x1ce: {  	v11 =	vld [tilespmem:s23+$0x810]  }
0x1cf: {  	v58 =	vld [tilespmem:s23+$0x820];
	_ =	sdelay $0x1  }
0x1d0: {  	s22 =	simm.s32 $0x40;
	vm12 =	vgt.s32 v7, $0xFFFFFFFF  }
0x1d1: {  	v8 =	vld [tilespmem:s22+$0x830];
	vm13 =	vgt.s32 v10, $0xFFFFFFFF;
	v59 =	vsel vm12, $0xFFFFFFFF, v2  }
0x1d2: {  	v9 =	vld [tilespmem:s22+$0x800];
	vm14 =	vgt.s32 v11, $0xFFFFFFFF;
	v60 =	vsel vm13, $0xFFFFFFFF, v2;
	v13 =	vxor.u32 v7, v59  }
0x1d3: {  	vm15 =	vgt.s32 v58, $0xFFFFFFFF;
	v62 =	vsel vm14, $0xFFFFFFFF, v2;
	v7 =	vld [tilespmem:s22+$0x810];
	v61 =	vxor.u32 v10, v60;
	[tilespmem:s23+$0x1030] =	vst v13  }
0x1d4: {  	v63 =	vsel vm15, $0xFFFFFFFF, v2;
	v11 =	vxor.u32 v11, v62;
	v10 =	vld [tilespmem:s22+$0x820];
	[tilespmem:s23+$0x1000] =	vst v61  }
0x1d5: {  	s24 =	simm.s32 $0x200;
	s25 =	simm.s32 $0x0;
	[tilespmem:s23+$0x1010] =	vst v11;
	v11 =	vxor.u32 v58, v63  }
.LBB2_24:
0x1d6: {  	s26 =	sshra.s32 s24, $0x2;
	p0 =	sne.s32 s24, $0x1F00;
	s24 =	sadd.s32 $0x100, s24;
	vm0 =	vgt.s32 v8, $0xFFFFFFFF;
	[tilespmem:s25+$0x1020] =	vst v11;
	v11 =	vmov v8  }
.Ltmp11:
0x1d7: {  	s25 =	smov.u32 s22;
	v8 =	vld [tilespmem:s26+$0x830];
	vm1 =	vgt.s32 v9, $0xFFFFFFFF;
	v15 =	vsel vm0, $0xFFFFFFFF, v2;
	v13 =	vmov v9;
	s22 =	smov.u32 s26;
	(pc) =	sbr.rel @p0 .LBB2_24-.Ltmp11, $4  }
0x1d8: {  	v9 =	vld [tilespmem:s22+$0x800];
	v14 =	vsel vm1, $0xFFFFFFFF, v2;
	vm0 =	vgt.s32 v7, $0xFFFFFFFF;
	v15 =	vxor.u32 v11, v15;
	v12 =	vmovc v7  }
0x1d9: {  	v7 =	vld [tilespmem:s22+$0x810];
	v13 =	vxor.u32 v13, v14;
	v14 =	vsel vm0, $0xFFFFFFFF, v2;
	vm0 =	vgt.s32 v10, $0xFFFFFFFF;
	[tilespmem:s25+$0x1030] =	vst v15;
	v11 =	vmovc v10  }
0x1da: {  	v10 =	vld [tilespmem:s22+$0x820];
	[tilespmem:s25+$0x1000] =	vst v13;
	v12 =	vxor.u32 v12, v14;
	v13 =	vsel vm0, $0xFFFFFFFF, v2  }
0x1db: {  	[tilespmem:s25+$0x1010] =	vst v12;
	v11 =	vxor.u32 v11, v13  }
0x1dc: {  	vm0 =	vgt.s32 v8, $0xFFFFFFFF  }
0x1dd: {  	vm1 =	vgt.s32 v9, $0xFFFFFFFF;
	v12 =	vsel vm0, $0xFFFFFFFF, v2  }
0x1de: {  	[tilespmem:s25+$0x1020] =	vst v11;
	v11 =	vsel vm1, $0xFFFFFFFF, v2;
	vm0 =	vgt.s32 v7, $0xFFFFFFFF;
	v8 =	vxor.u32 v8, v12  }
0x1df: {  	v9 =	vxor.u32 v9, v11;
	v11 =	vsel vm0, $0xFFFFFFFF, v2;
	vm0 =	vgt.s32 v10, $0xFFFFFFFF;
	[tilespmem:s22+$0x1030] =	vst v8  }
0x1e0: {  	[tilespmem:s22+$0x1000] =	vst v9;
	v7 =	vxor.u32 v7, v11;
	v8 =	vsel vm0, $0xFFFFFFFF, v2  }
0x1e1: {  	[tilespmem:s22+$0x1010] =	vst v7;
	v7 =	vxor.u32 v10, v8  }
0x1e2: {  	[tilespmem:s22+$0x1020] =	vst v7  }
0x1e3: {  	v7 =	vld [tilespmem:s23+$0x1000]  }
0x1e4: {  	v8 =	vld [tilespmem:s23+$0x1010]  }
0x1e5: {  	v9 =	vld [tilespmem:s23+$0x1020]  }
0x1e6: {  	v10 =	vld [tilespmem:s23+$0x1030]  }
0x1e7: {  	v11 =	vld [tilespmem:s23+$0x1040]  }
0x1e8: {  	vm0 =	vgt.s32 v7, $0xFFFFFFFF;
	v7 =	vld [tilespmem:s23+$0x1050]  }
0x1e9: {  	v12 =	vimm.s32 $0x0;
	v13 =	vsel vm0, $0x1, v4;
	vm0 =	vgt.s32 v8, $0xFFFFFFFF;
	v8 =	vld [tilespmem:s23+$0x1060]  }
0x1ea: {  	v12 =	vadd.s32 v13, v12;
	v13 =	vsel vm0, $0x1, v4;
	vm0 =	vgt.s32 v9, $0xFFFFFFFF;
	v9 =	vld [tilespmem:s23+$0x1070]  }
0x1eb: {  	v12 =	vadd.s32 v13, v12;
	v13 =	vsel vm0, $0x1, v4;
	vm0 =	vgt.s32 v10, $0xFFFFFFFF;
	v10 =	vld [tilespmem:s23+$0x1080]  }
0x1ec: {  	v12 =	vadd.s32 v13, v12;
	v13 =	vsel vm0, $0x1, v4;
	vm0 =	vgt.s32 v11, $0xFFFFFFFF;
	v11 =	vld [tilespmem:s23+$0x1090]  }
0x1ed: {  	v14 =	vld [tilespmem:s23+$0x10A0];
	v12 =	vadd.s32 v13, v12;
	v13 =	vsel vm0, $0x1, v4;
	vm0 =	vgt.s32 v7, $0xFFFFFFFF  }
0x1ee: {  	v7 =	vld [tilespmem:s23+$0x10B0];
	v12 =	vadd.s32 v13, v12;
	v13 =	vsel vm0, $0x1, v4;
	vm0 =	vgt.s32 v8, $0xFFFFFFFF  }
0x1ef: {  	v8 =	vld [tilespmem:s23+$0x10C0];
	v12 =	vadd.s32 v13, v12;
	v13 =	vsel vm0, $0x1, v4;
	vm0 =	vgt.s32 v9, $0xFFFFFFFF  }
0x1f0: {  	v9 =	vld [tilespmem:s23+$0x10D0];
	v12 =	vadd.s32 v13, v12;
	v13 =	vsel vm0, $0x1, v4;
	vm0 =	vgt.s32 v10, $0xFFFFFFFF  }
0x1f1: {  	v10 =	vld [tilespmem:s23+$0x10E0];
	v12 =	vadd.s32 v13, v12;
	v13 =	vsel vm0, $0x1, v4;
	vm0 =	vgt.s32 v11, $0xFFFFFFFF  }
0x1f2: {  	s24 =	simm.s32 $0x800;
	s22 =	simm.s32 $0x100;
	v11 =	vld [tilespmem:s23+$0x10F0];
	v12 =	vadd.s32 v13, v12;
	v13 =	vsel vm0, $0x1, v4;
	vm0 =	vgt.s32 v14, $0xFFFFFFFF  }
.LBB2_26:
0x1f3: {  	p0 =	sne.s32 s24, $0x1C00;
	v14 =	vld [tilespmem:s22+$0x1000];
	v12 =	vadd.s32 v13, v12;
	v13 =	vsel vm0, $0x1, v4;
	vm0 =	vgt.s32 v7, $0xFFFFFFFF  }
0x1f4: {  	v7 =	vld [tilespmem:s22+$0x1010];
	v12 =	vadd.s32 v13, v12;
	v13 =	vsel vm0, $0x1, v4;
	vm0 =	vgt.s32 v8, $0xFFFFFFFF  }
0x1f5: {  	v8 =	vld [tilespmem:s22+$0x1020];
	v12 =	vadd.s32 v13, v12;
	v13 =	vsel vm0, $0x1, v4;
	vm0 =	vgt.s32 v9, $0xFFFFFFFF  }
0x1f6: {  	v9 =	vld [tilespmem:s22+$0x1030];
	v12 =	vadd.s32 v13, v12;
	v13 =	vsel vm0, $0x1, v4;
	vm0 =	vgt.s32 v10, $0xFFFFFFFF  }
0x1f7: {  	v10 =	vld [tilespmem:s22+$0x1040];
	v12 =	vadd.s32 v13, v12;
	v13 =	vsel vm0, $0x1, v4;
	vm0 =	vgt.s32 v11, $0xFFFFFFFF  }
0x1f8: {  	vm1 =	vgt.s32 v14, $0xFFFFFFFF;
	v11 =	vld [tilespmem:s22+$0x1050];
	v12 =	vadd.s32 v13, v12;
	v13 =	vsel vm0, $0x1, v4  }
0x1f9: {  	v14 =	vsel vm1, $0x1, v4;
	vm0 =	vgt.s32 v7, $0xFFFFFFFF;
	v7 =	vld [tilespmem:s22+$0x1060];
	v12 =	vadd.s32 v13, v12  }
0x1fa: {  	v12 =	vadd.s32 v14, v12;
	v13 =	vsel vm0, $0x1, v4;
	vm0 =	vgt.s32 v8, $0xFFFFFFFF;
	v8 =	vld [tilespmem:s22+$0x1070]  }
0x1fb: {  	v12 =	vadd.s32 v13, v12;
	v13 =	vsel vm0, $0x1, v4;
	vm0 =	vgt.s32 v9, $0xFFFFFFFF;
	v9 =	vld [tilespmem:s22+$0x1080]  }
0x1fc: {  	v12 =	vadd.s32 v13, v12;
	v13 =	vsel vm0, $0x1, v4;
	vm0 =	vgt.s32 v10, $0xFFFFFFFF;
	v10 =	vld [tilespmem:s22+$0x1090]  }
0x1fd: {  	v12 =	vadd.s32 v13, v12;
	v13 =	vsel vm0, $0x1, v4;
	vm0 =	vgt.s32 v11, $0xFFFFFFFF;
	v11 =	vld [tilespmem:s22+$0x10A0]  }
.Ltmp12:
0x1fe: {  	v12 =	vadd.s32 v13, v12;
	v13 =	vsel vm0, $0x1, v4;
	vm0 =	vgt.s32 v7, $0xFFFFFFFF;
	v7 =	vld [tilespmem:s22+$0x10B0];
	(pc) =	sbr.rel @p0 .LBB2_26-.Ltmp12, $4  }
0x1ff: {  	v12 =	vadd.s32 v13, v12;
	v13 =	vsel vm0, $0x1, v4;
	vm0 =	vgt.s32 v8, $0xFFFFFFFF;
	v8 =	vld [tilespmem:s22+$0x10C0]  }
0x200: {  	v12 =	vadd.s32 v13, v12;
	v13 =	vsel vm0, $0x1, v4;
	vm0 =	vgt.s32 v9, $0xFFFFFFFF;
	v9 =	vld [tilespmem:s22+$0x10D0]  }
0x201: {  	v12 =	vadd.s32 v13, v12;
	v13 =	vsel vm0, $0x1, v4;
	vm0 =	vgt.s32 v10, $0xFFFFFFFF;
	v10 =	vld [tilespmem:s22+$0x10E0]  }
0x202: {  	v12 =	vadd.s32 v13, v12;
	v13 =	vsel vm0, $0x1, v4;
	vm0 =	vgt.s32 v11, $0xFFFFFFFF;
	v11 =	vld [tilespmem:s22+$0x10F0];
	s22 =	sshra.s32 s24, $0x2;
	s24 =	sadd.s32 $0x400, s24  }
0x203: {  	v14 =	vld [tilespmem:s22+$0x1000];
	v12 =	vadd.s32 v13, v12;
	v38 =	vsel vm0, $0x1, v4;
	vm7 =	vgt.s32 v7, $0xFFFFFFFF  }
0x204: {  	v7 =	vld [tilespmem:s22+$0x1010];
	v12 =	vadd.s32 v38, v12;
	v39 =	vsel vm7, $0x1, v4;
	vm8 =	vgt.s32 v8, $0xFFFFFFFF  }
0x205: {  	v8 =	vld [tilespmem:s22+$0x1020];
	v12 =	vadd.s32 v39, v12;
	v40 =	vsel vm8, $0x1, v4;
	vm9 =	vgt.s32 v9, $0xFFFFFFFF  }
0x206: {  	v41 =	vld [tilespmem:s22+$0x1030];
	v12 =	vadd.s32 v40, v12;
	v42 =	vsel vm9, $0x1, v4;
	vm10 =	vgt.s32 v10, $0xFFFFFFFF  }
0x207: {  	v43 =	vld [tilespmem:s22+$0x1040];
	v12 =	vadd.s32 v42, v12;
	v44 =	vsel vm10, $0x1, v4;
	vm11 =	vgt.s32 v11, $0xFFFFFFFF  }
0x208: {  	v45 =	vld [tilespmem:s22+$0x1050];
	vm1 =	vgt.s32 v14, $0xFFFFFFFF;
	v12 =	vadd.s32 v44, v12;
	v46 =	vsel vm11, $0x1, v4  }
0x209: {  	vm12 =	vgt.s32 v7, $0xFFFFFFFF;
	v7 =	vld [tilespmem:s22+$0x1060];
	v14 =	vsel vm1, $0x1, v4;
	v12 =	vadd.s32 v46, v12  }
0x20a: {  	v47 =	vsel vm12, $0x1, v4;
	vm13 =	vgt.s32 v8, $0xFFFFFFFF;
	v8 =	vld [tilespmem:s22+$0x1070];
	v12 =	vadd.s32 v14, v12  }
0x20b: {  	v49 =	vld [tilespmem:s22+$0x1080];
	vm14 =	vgt.s32 v41, $0xFFFFFFFF;
	v48 =	vsel vm13, $0x1, v4;
	v12 =	vadd.s32 v47, v12  }
0x20c: {  	v51 =	vld [tilespmem:s22+$0x1090];
	vm15 =	vgt.s32 v43, $0xFFFFFFFF;
	v50 =	vsel vm14, $0x1, v4;
	v12 =	vadd.s32 v48, v12  }
0x20d: {  	v53 =	vld [tilespmem:s22+$0x10A0];
	vm4 =	vgt.s32 v45, $0xFFFFFFFF;
	v52 =	vsel vm15, $0x1, v4;
	v12 =	vadd.s32 v50, v12  }
0x20e: {  	v54 =	vsel vm4, $0x1, v4;
	vm5 =	vgt.s32 v7, $0xFFFFFFFF;
	v7 =	vld [tilespmem:s22+$0x10B0];
	v12 =	vadd.s32 v52, v12  }
0x20f: {  	v55 =	vsel vm5, $0x1, v4;
	vm6 =	vgt.s32 v8, $0xFFFFFFFF;
	v8 =	vld [tilespmem:s22+$0x10C0];
	v12 =	vadd.s32 v54, v12  }
0x210: {  	v57 =	vld [tilespmem:s22+$0x10D0];
	vm7 =	vgt.s32 v49, $0xFFFFFFFF;
	v56 =	vsel vm6, $0x1, v4;
	v12 =	vadd.s32 v55, v12  }
0x211: {  	v59 =	vld [tilespmem:s22+$0x10E0];
	vm8 =	vgt.s32 v51, $0xFFFFFFFF;
	v58 =	vsel vm7, $0x1, v4;
	v12 =	vadd.s32 v56, v12  }
0x212: {  	v61 =	vld [tilespmem:s22+$0x10F0];
	vm9 =	vgt.s32 v53, $0xFFFFFFFF;
	v60 =	vsel vm8, $0x1, v4;
	v12 =	vadd.s32 v58, v12  }
0x213: {  	v62 =	vsel vm9, $0x1, v4;
	vm10 =	vgt.s32 v7, $0xFFFFFFFF;
	v12 =	vadd.s32 v60, v12  }
0x214: {  	v63 =	vsel vm10, $0x1, v4;
	vm11 =	vgt.s32 v8, $0xFFFFFFFF;
	v7 =	vadd.s32 v62, v12  }
0x215: {  	vm12 =	vgt.s32 v57, $0xFFFFFFFF;
	v8 =	vsel vm11, $0x1, v4;
	v7 =	vadd.s32 v63, v7  }
0x216: {  	vm13 =	vgt.s32 v59, $0xFFFFFFFF;
	v7 =	vadd.s32 v8, v7;
	v8 =	vsel vm12, $0x1, v4  }
0x217: {  	vm14 =	vgt.s32 v61, $0xFFFFFFFF;
	v7 =	vadd.s32 v8, v7;
	v8 =	vsel vm13, $0x1, v4  }
0x218: {  	v7 =	vadd.s32 v8, v7;
	v8 =	vsel vm14, $0x1, v4  }
0x219: {  	v7 =	vadd.s32 v8, v7  }
0x21a: {  	v8 =	vperm.xlane v7, v0;
	_ =	sdelay $0x1  }
0x21b: {  	v7 =	vadd.s32 v7, v8  }
0x21c: {  	v8 =	vperm.xlane v7, v1;
	_ =	sdelay $0x1  }
0x21d: {  	v7 =	vadd.s32 v8, v7  }
0x21e: {  	v8 =	vperm.xlane v7, v3;
	_ =	sdelay $0x1  }
0x21f: {  	v7 =	vadd.s32 v8, v7  }
0x220: {  	v8 =	vperm.xlane v7, v5;
	_ =	sdelay $0x1  }
0x221: {  	v7 =	vadd.s32 v8, v7  }
0x222: {  	vm15 =	vgt.s32 v7, $0x1F  }
0x223: {  	s22 =	simm.s32 $0x0;
	v7 =	vsel vm15, $0x0, v2  }
.LBB2_28:
0x224: {  	s25 =	simm.s32 $0x0  }
0x225: {  	v9 =	vld [tilespmem:s25+$0x1000]  }
0x226: {  	v10 =	vld [tilespmem:s25+$0x1010]  }
0x227: {  	v11 =	vld [tilespmem:s25+$0x1020]  }
0x228: {  	s23 =	sshrl.u32 s16, s22;
	v12 =	vld [tilespmem:s25+$0x1030]  }
0x229: {  	v8 =	vor.u32 s23, v7;
	v13 =	vld [tilespmem:s25+$0x1040]  }
0x22a: {  	vm0 =	vge.s32 v9, v8;
	v9 =	vld [tilespmem:s25+$0x1050]  }
0x22b: {  	v14 =	vimm.s32 $0x0;
	v15 =	vsel vm0, $0x1, v4;
	vm0 =	vge.s32 v10, v8;
	v10 =	vld [tilespmem:s25+$0x1060]  }
0x22c: {  	v14 =	vadd.s32 v15, v14;
	v15 =	vsel vm0, $0x1, v4;
	vm0 =	vge.s32 v11, v8;
	v11 =	vld [tilespmem:s25+$0x1070]  }
0x22d: {  	v14 =	vadd.s32 v15, v14;
	v15 =	vsel vm0, $0x1, v4;
	vm0 =	vge.s32 v12, v8;
	v12 =	vld [tilespmem:s25+$0x1080]  }
0x22e: {  	v14 =	vadd.s32 v15, v14;
	v15 =	vsel vm0, $0x1, v4;
	vm0 =	vge.s32 v13, v8;
	v13 =	vld [tilespmem:s25+$0x1090]  }
0x22f: {  	v16 =	vld [tilespmem:s25+$0x10A0];
	v14 =	vadd.s32 v15, v14;
	v15 =	vsel vm0, $0x1, v4;
	vm0 =	vge.s32 v9, v8  }
0x230: {  	v9 =	vld [tilespmem:s25+$0x10B0];
	v14 =	vadd.s32 v15, v14;
	v15 =	vsel vm0, $0x1, v4;
	vm0 =	vge.s32 v10, v8  }
0x231: {  	v10 =	vld [tilespmem:s25+$0x10C0];
	v14 =	vadd.s32 v15, v14;
	v15 =	vsel vm0, $0x1, v4;
	vm0 =	vge.s32 v11, v8  }
0x232: {  	v11 =	vld [tilespmem:s25+$0x10D0];
	v14 =	vadd.s32 v15, v14;
	v15 =	vsel vm0, $0x1, v4;
	vm0 =	vge.s32 v12, v8  }
0x233: {  	v12 =	vld [tilespmem:s25+$0x10E0];
	v14 =	vadd.s32 v15, v14;
	v15 =	vsel vm0, $0x1, v4;
	vm0 =	vge.s32 v13, v8  }
0x234: {  	s24 =	simm.s32 $0x800;
	s23 =	simm.s32 $0x100;
	v13 =	vld [tilespmem:s25+$0x10F0];
	v14 =	vadd.s32 v15, v14;
	v15 =	vsel vm0, $0x1, v4;
	vm0 =	vge.s32 v16, v8  }
.LBB2_29:
0x235: {  	p0 =	sne.s32 s24, $0x1C00;
	v16 =	vld [tilespmem:s23+$0x1000];
	v14 =	vadd.s32 v15, v14;
	v15 =	vsel vm0, $0x1, v4;
	vm0 =	vge.s32 v9, v8  }
0x236: {  	v9 =	vld [tilespmem:s23+$0x1010];
	v14 =	vadd.s32 v15, v14;
	v15 =	vsel vm0, $0x1, v4;
	vm0 =	vge.s32 v10, v8  }
0x237: {  	v10 =	vld [tilespmem:s23+$0x1020];
	v14 =	vadd.s32 v15, v14;
	v15 =	vsel vm0, $0x1, v4;
	vm0 =	vge.s32 v11, v8  }
0x238: {  	v11 =	vld [tilespmem:s23+$0x1030];
	v14 =	vadd.s32 v15, v14;
	v15 =	vsel vm0, $0x1, v4;
	vm0 =	vge.s32 v12, v8  }
0x239: {  	v12 =	vld [tilespmem:s23+$0x1040];
	v14 =	vadd.s32 v15, v14;
	v15 =	vsel vm0, $0x1, v4;
	vm0 =	vge.s32 v13, v8  }
0x23a: {  	vm1 =	vge.s32 v16, v8;
	v13 =	vld [tilespmem:s23+$0x1050];
	v14 =	vadd.s32 v15, v14;
	v15 =	vsel vm0, $0x1, v4  }
0x23b: {  	v16 =	vsel vm1, $0x1, v4;
	vm0 =	vge.s32 v9, v8;
	v9 =	vld [tilespmem:s23+$0x1060];
	v14 =	vadd.s32 v15, v14  }
0x23c: {  	v14 =	vadd.s32 v16, v14;
	v15 =	vsel vm0, $0x1, v4;
	vm0 =	vge.s32 v10, v8;
	v10 =	vld [tilespmem:s23+$0x1070]  }
0x23d: {  	v14 =	vadd.s32 v15, v14;
	v15 =	vsel vm0, $0x1, v4;
	vm0 =	vge.s32 v11, v8;
	v11 =	vld [tilespmem:s23+$0x1080]  }
0x23e: {  	v14 =	vadd.s32 v15, v14;
	v15 =	vsel vm0, $0x1, v4;
	vm0 =	vge.s32 v12, v8;
	v12 =	vld [tilespmem:s23+$0x1090]  }
0x23f: {  	v14 =	vadd.s32 v15, v14;
	v15 =	vsel vm0, $0x1, v4;
	vm0 =	vge.s32 v13, v8;
	v13 =	vld [tilespmem:s23+$0x10A0]  }
.Ltmp13:
0x240: {  	v14 =	vadd.s32 v15, v14;
	v15 =	vsel vm0, $0x1, v4;
	vm0 =	vge.s32 v9, v8;
	v9 =	vld [tilespmem:s23+$0x10B0];
	(pc) =	sbr.rel @p0 .LBB2_29-.Ltmp13, $4  }
0x241: {  	v14 =	vadd.s32 v15, v14;
	v15 =	vsel vm0, $0x1, v4;
	vm0 =	vge.s32 v10, v8;
	v10 =	vld [tilespmem:s23+$0x10C0]  }
0x242: {  	v14 =	vadd.s32 v15, v14;
	v15 =	vsel vm0, $0x1, v4;
	vm0 =	vge.s32 v11, v8;
	v11 =	vld [tilespmem:s23+$0x10D0]  }
0x243: {  	v14 =	vadd.s32 v15, v14;
	v15 =	vsel vm0, $0x1, v4;
	vm0 =	vge.s32 v12, v8;
	v12 =	vld [tilespmem:s23+$0x10E0]  }
0x244: {  	v14 =	vadd.s32 v15, v14;
	v15 =	vsel vm0, $0x1, v4;
	vm0 =	vge.s32 v13, v8;
	v13 =	vld [tilespmem:s23+$0x10F0];
	s23 =	sshra.s32 s24, $0x2;
	s24 =	sadd.s32 $0x400, s24  }
0x245: {  	v16 =	vld [tilespmem:s23+$0x1000];
	v14 =	vadd.s32 v15, v14;
	v28 =	vsel vm0, $0x1, v4;
	vm7 =	vge.s32 v9, v8  }
0x246: {  	v29 =	vld [tilespmem:s23+$0x1010];
	v14 =	vadd.s32 v28, v14;
	v30 =	vsel vm7, $0x1, v4;
	vm8 =	vge.s32 v10, v8  }
0x247: {  	v31 =	vld [tilespmem:s23+$0x1020];
	v14 =	vadd.s32 v30, v14;
	v32 =	vsel vm8, $0x1, v4;
	vm9 =	vge.s32 v11, v8  }
0x248: {  	v33 =	vld [tilespmem:s23+$0x1030];
	v14 =	vadd.s32 v32, v14;
	v34 =	vsel vm9, $0x1, v4;
	vm10 =	vge.s32 v12, v8  }
0x249: {  	v35 =	vld [tilespmem:s23+$0x1040];
	v14 =	vadd.s32 v34, v14;
	v36 =	vsel vm10, $0x1, v4;
	vm11 =	vge.s32 v13, v8  }
0x24a: {  	v37 =	vld [tilespmem:s23+$0x1050];
	vm1 =	vge.s32 v16, v8;
	v14 =	vadd.s32 v36, v14;
	v38 =	vsel vm11, $0x1, v4  }
0x24b: {  	v39 =	vld [tilespmem:s23+$0x1060];
	vm12 =	vge.s32 v29, v8;
	v16 =	vsel vm1, $0x1, v4;
	v14 =	vadd.s32 v38, v14  }
0x24c: {  	v41 =	vld [tilespmem:s23+$0x1070];
	vm13 =	vge.s32 v31, v8;
	v40 =	vsel vm12, $0x1, v4;
	v14 =	vadd.s32 v16, v14  }
0x24d: {  	v43 =	vld [tilespmem:s23+$0x1080];
	vm14 =	vge.s32 v33, v8;
	v42 =	vsel vm13, $0x1, v4;
	v14 =	vadd.s32 v40, v14  }
0x24e: {  	v45 =	vld [tilespmem:s23+$0x1090];
	vm15 =	vge.s32 v35, v8;
	v44 =	vsel vm14, $0x1, v4;
	v14 =	vadd.s32 v42, v14  }
0x24f: {  	v47 =	vld [tilespmem:s23+$0x10A0];
	vm4 =	vge.s32 v37, v8;
	v46 =	vsel vm15, $0x1, v4;
	v14 =	vadd.s32 v44, v14  }
0x250: {  	v49 =	vld [tilespmem:s23+$0x10B0];
	vm5 =	vge.s32 v39, v8;
	v48 =	vsel vm4, $0x1, v4;
	v14 =	vadd.s32 v46, v14  }
0x251: {  	v51 =	vld [tilespmem:s23+$0x10C0];
	vm6 =	vge.s32 v41, v8;
	v50 =	vsel vm5, $0x1, v4;
	v14 =	vadd.s32 v48, v14  }
0x252: {  	v53 =	vld [tilespmem:s23+$0x10D0];
	vm7 =	vge.s32 v43, v8;
	v52 =	vsel vm6, $0x1, v4;
	v14 =	vadd.s32 v50, v14  }
0x253: {  	v55 =	vld [tilespmem:s23+$0x10E0];
	vm8 =	vge.s32 v45, v8;
	v54 =	vsel vm7, $0x1, v4;
	v14 =	vadd.s32 v52, v14  }
0x254: {  	v57 =	vld [tilespmem:s23+$0x10F0];
	vm9 =	vge.s32 v47, v8;
	v56 =	vsel vm8, $0x1, v4;
	v14 =	vadd.s32 v54, v14  }
0x255: {  	vm10 =	vge.s32 v49, v8;
	v58 =	vsel vm9, $0x1, v4;
	v14 =	vadd.s32 v56, v14  }
0x256: {  	vm11 =	vge.s32 v51, v8;
	v60 =	vsel vm10, $0x1, v4;
	v59 =	vadd.s32 v58, v14  }
0x257: {  	v10 =	vsel vm11, $0x1, v4;
	vm12 =	vge.s32 v53, v8;
	v9 =	vadd.s32 v60, v59  }
0x258: {  	vm13 =	vge.s32 v55, v8;
	v61 =	vsel vm12, $0x1, v4;
	v9 =	vadd.s32 v10, v9  }
0x259: {  	vm14 =	vge.s32 v57, v8;
	v62 =	vsel vm13, $0x1, v4;
	v9 =	vadd.s32 v61, v9  }
0x25a: {  	v63 =	vsel vm14, $0x1, v4;
	v9 =	vadd.s32 v62, v9  }
0x25b: {  	v9 =	vadd.s32 v63, v9  }
0x25c: {  	v10 =	vperm.xlane v9, v0;
	_ =	sdelay $0x1  }
0x25d: {  	v9 =	vadd.s32 v9, v10  }
0x25e: {  	v10 =	vperm.xlane v9, v1;
	_ =	sdelay $0x1  }
0x25f: {  	v9 =	vadd.s32 v10, v9  }
0x260: {  	v10 =	vperm.xlane v9, v3  }
0x261: {  	s22 =	sadd.s32 $0x1, s22  }
0x262: {  	p0 =	sne.s32 s22, $0x1F;
	v9 =	vadd.s32 v10, v9  }
.Ltmp14:
0x263: {  	v10 =	vperm.xlane v9, v5;
	(pc) =	sbr.rel @p0 .LBB2_28-.Ltmp14, $4  }
0x264: {  	_ = 	snop  }
0x265: {  	v9 =	vadd.s32 v10, v9  }
0x266: {  	vm15 =	vgt.s32 v9, $0x1F  }
0x267: {  	v7 =	vsel vm15, v8, v7  }
0x268: {  	s22 =	simm.s32 $0x0  }
0x269: {  	v10 =	vld [tilespmem:s22+$0x1030]  }
0x26a: {  	v11 =	vld [tilespmem:s22+$0x1000]  }
0x26b: {  	v9 =	vld [tilespmem:s22+$0x1010]  }
0x26c: {  	v8 =	vld [tilespmem:s22+$0x1020]  }
0x26d: {  	s23 =	simm.s32 $0x100  }
.LBB2_32:
0x26e: {  	s24 =	sshra.s32 s23, $0x2;
	p0 =	sne.s32 s23, $0x1F00;
	s23 =	sadd.s32 $0x100, s23;
	vm0 =	vlt.s32 v10, v7  }
.Ltmp15:
0x26f: {  	v10 =	vld [tilespmem:s24+$0x1030];
	vm1 =	vlt.s32 v11, v7;
	v12 =	vsel vm0, $0x3F800000, v6;
	(pc) =	sbr.rel @p0 .LBB2_32-.Ltmp15, $4  }
0x270: {  	v11 =	vld [tilespmem:s24+$0x1000];
	v13 =	vsel vm1, $0x3F800000, v6;
	vm0 =	vlt.s32 v9, v7;
	[tilespmem:s22+$0x830] =	vst v12  }
0x271: {  	v9 =	vld [tilespmem:s24+$0x1010];
	[tilespmem:s22+$0x800] =	vst v13;
	v12 =	vsel vm0, $0x3F800000, v6;
	vm0 =	vlt.s32 v8, v7  }
0x272: {  	v8 =	vld [tilespmem:s24+$0x1020];
	[tilespmem:s22+$0x810] =	vst v12;
	v12 =	vsel vm0, $0x3F800000, v6  }
0x273: {  	[tilespmem:s22+$0x820] =	vst v12;
	s22 =	smov.u32 s24  }
0x274: {  	vm0 =	vlt.s32 v10, v7  }
0x275: {  	vm1 =	vlt.s32 v11, v7;
	v10 =	vsel vm0, $0x3F800000, v6  }
0x276: {  	v11 =	vsel vm1, $0x3F800000, v6;
	vm12 =	vlt.s32 v9, v7;
	[tilespmem:s22+$0x830] =	vst v10  }
0x277: {  	[tilespmem:s22+$0x800] =	vst v11;
	v9 =	vsel vm12, $0x3F800000, v6;
	vm13 =	vlt.s32 v8, v7  }
0x278: {  	[tilespmem:s22+$0x810] =	vst v9;
	v7 =	vsel vm13, $0x3F800000, v6  }
0x279: {  	s31 =	simm.s32 $0x0;
	[tilespmem:s22+$0x820] =	vst v7  }
0x27a: {  	[hbm4b:s9+s31] =	stream.linear.scatter [tilespmem:s13], [sflag:$0x5], $0x800, $0x38;
	[tilespmem:$0x2400] =	vst v63  }
0x27b: {  	_ =	swait.ge [sflag:s19], $0x400  }
0x27c: {  	[sflag:s19] =	ssyncset.done $0x0  }
0x27d: {  	s23 =	simm.s32 $0x0;
	[sflag:s19] =	ssyncadd.s32 $0xFFFFFC00  }
0x27e: {  	v11 =	vld [tilespmem:s23+$0x1C00]  }
0x27f: {  	v12 =	vld [tilespmem:s23+$0x1C10]  }
0x280: {  	v15 =	vld [tilespmem:s23+$0x1C20]  }
0x281: {  	v16 =	vld [tilespmem:s23+$0x1C30];
	_ =	sdelay $0x1  }
0x282: {  	v7 =	vimm.f32 $-Inf;
	s22 =	simm.s32 $0x40;
	v14 =	vxor.u32 $0x7FFFFFFF, v11  }
0x283: {  	vm14 =	vlt.s32 v11, $0x0;
	v8 =	vmax.f32 v7, v11;
	v7 =	vld [tilespmem:s22+$0x1C00];
	v17 =	vxor.u32 $0x7FFFFFFF, v12  }
0x284: {  	vm15 =	vlt.s32 v12, $0x0;
	v18 =	vxor.u32 $0x7FFFFFFF, v15;
	v9 =	vmax.f32 v8, v12;
	v8 =	vld [tilespmem:s22+$0x1C10]  }
0x285: {  	vm2 =	vlt.s32 v15, $0x0;
	v19 =	vxor.u32 $0x7FFFFFFF, v16;
	v10 =	vmax.f32 v9, v15;
	v9 =	vld [tilespmem:s22+$0x1C20]  }
0x286: {  	vm3 =	vlt.s32 v16, $0x0;
	v11 =	vsel vm14, v14, v11;
	v13 =	vmax.f32 v10, v16;
	v10 =	vld [tilespmem:s22+$0x1C30]  }
0x287: {  	s24 =	simm.s32 $0x200;
	v14 =	vsel vm15, v17, v12;
	v12 =	vsel vm2, v18, v15;
	[tilespmem:s23+$0x2000] =	vst v11;
	v11 =	vsel vm3, v19, v16  }
.LBB2_34:
0x288: {  	s25 =	sshra.s32 s24, $0x2;
	p0 =	sne.s32 s24, $0xF00;
	s24 =	sadd.s32 $0x100, s24;
	v15 =	vxor.u32 $0x7FFFFFFF, v7;
	vm0 =	vlt.s32 v7, $0x0;
	v13 =	vmax.f32 v13, v7;
	[tilespmem:s23+$0x2010] =	vst v14;
	v14 =	vmovc v7  }
.Ltmp16:
0x289: {  	v7 =	vld [tilespmem:s25+$0x1C00];
	v16 =	vxor.u32 $0x7FFFFFFF, v8;
	vm1 =	vlt.s32 v8, $0x0;
	v13 =	vmax.f32 v13, v8;
	[tilespmem:s23+$0x2020] =	vst v12;
	v12 =	vmovc v8;
	(pc) =	sbr.rel @p0 .LBB2_34-.Ltmp16, $4  }
0x28a: {  	v8 =	vld [tilespmem:s25+$0x1C10];
	v17 =	vxor.u32 $0x7FFFFFFF, v9;
	vm2 =	vlt.s32 v9, $0x0;
	v13 =	vmax.f32 v13, v9;
	[tilespmem:s23+$0x2030] =	vst v11;
	v11 =	vmovc v9;
	s23 =	smov.u32 s22;
	s22 =	smov.u32 s25  }
0x28b: {  	v9 =	vld [tilespmem:s22+$0x1C20];
	v18 =	vxor.u32 $0x7FFFFFFF, v10;
	vm3 =	vlt.s32 v10, $0x0;
	v13 =	vmax.f32 v13, v10;
	v19 =	vmovc v10  }
0x28c: {  	v15 =	vsel vm0, v15, v14;
	v14 =	vsel vm1, v16, v12;
	v12 =	vsel vm2, v17, v11;
	v10 =	vld [tilespmem:s22+$0x1C30]  }
0x28d: {  	v11 =	vsel vm3, v18, v19;
	[tilespmem:s23+$0x2000] =	vst v15  }
0x28e: {  	v13 =	vmax.f32 v13, v7  }
0x28f: {  	v15 =	vxor.u32 $0x7FFFFFFF, v7;
	vm0 =	vlt.s32 v7, $0x0;
	[tilespmem:s23+$0x2010] =	vst v14;
	v13 =	vmax.f32 v13, v8  }
0x290: {  	[tilespmem:s23+$0x2020] =	vst v12;
	v14 =	vxor.u32 $0x7FFFFFFF, v8;
	vm1 =	vlt.s32 v8, $0x0;
	v7 =	vsel vm0, v15, v7  }
0x291: {  	[tilespmem:s23+$0x2030] =	vst v11;
	v12 =	vmax.f32 v13, v9;
	v13 =	vxor.u32 $0x7FFFFFFF, v9;
	vm0 =	vlt.s32 v9, $0x0  }
0x292: {  	v8 =	vsel vm1, v14, v8;
	[tilespmem:s22+$0x2000] =	vst v7;
	v11 =	vmax.f32 v12, v10;
	v12 =	vxor.u32 $0x7FFFFFFF, v10  }
0x293: {  	vm1 =	vlt.s32 v10, $0x0;
	v9 =	vsel vm0, v13, v9;
	[tilespmem:s22+$0x2010] =	vst v8;
	v7 =	vperm.xlane v11, v0  }
0x294: {  	v8 =	vsel vm1, v12, v10;
	[tilespmem:s22+$0x2020] =	vst v9  }
0x295: {  	s24 =	simm.s32 $0x0;
	[tilespmem:s22+$0x2030] =	vst v8;
	v7 =	vmax.f32 v11, v7  }
0x296: {  	v9 =	vld [tilespmem:s24+$0x2000];
	v8 =	vperm.xlane v7, v1  }
0x297: {  	v10 =	vld [tilespmem:s24+$0x2010]  }
0x298: {  	v11 =	vld [tilespmem:s24+$0x2020];
	v7 =	vmax.f32 v7, v8  }
0x299: {  	v12 =	vld [tilespmem:s24+$0x2030];
	v8 =	vperm.xlane v7, v3  }
0x29a: {  	v13 =	vld [tilespmem:s24+$0x2040]  }
0x29b: {  	v14 =	vimm.s32 $0x0;
	vm0 =	vgt.s32 v9, $0xFFFFFFFF;
	v9 =	vld [tilespmem:s24+$0x2050];
	v7 =	vmax.f32 v7, v8  }
0x29c: {  	v15 =	vsel vm0, $0x1, v4;
	vm0 =	vgt.s32 v10, $0xFFFFFFFF;
	v10 =	vld [tilespmem:s24+$0x2060];
	v8 =	vperm.xlane v7, v5  }
0x29d: {  	v14 =	vadd.s32 v15, v14;
	v15 =	vsel vm0, $0x1, v4;
	vm0 =	vgt.s32 v11, $0xFFFFFFFF;
	v11 =	vld [tilespmem:s24+$0x2070]  }
0x29e: {  	v14 =	vadd.s32 v15, v14;
	v15 =	vsel vm0, $0x1, v4;
	vm0 =	vgt.s32 v12, $0xFFFFFFFF;
	v12 =	vld [tilespmem:s24+$0x2080]  }
0x29f: {  	v14 =	vadd.s32 v15, v14;
	v15 =	vsel vm0, $0x1, v4;
	vm0 =	vgt.s32 v13, $0xFFFFFFFF;
	v13 =	vld [tilespmem:s24+$0x2090]  }
0x2a0: {  	v16 =	vld [tilespmem:s24+$0x20A0];
	v14 =	vadd.s32 v15, v14;
	v15 =	vsel vm0, $0x1, v4;
	vm0 =	vgt.s32 v9, $0xFFFFFFFF  }
0x2a1: {  	v9 =	vld [tilespmem:s24+$0x20B0];
	v14 =	vadd.s32 v15, v14;
	v15 =	vsel vm0, $0x1, v4;
	vm0 =	vgt.s32 v10, $0xFFFFFFFF  }
0x2a2: {  	v10 =	vld [tilespmem:s24+$0x20C0];
	v14 =	vadd.s32 v15, v14;
	v15 =	vsel vm0, $0x1, v4;
	vm0 =	vgt.s32 v11, $0xFFFFFFFF  }
0x2a3: {  	v11 =	vld [tilespmem:s24+$0x20D0];
	v14 =	vadd.s32 v15, v14;
	v15 =	vsel vm0, $0x1, v4;
	vm0 =	vgt.s32 v12, $0xFFFFFFFF  }
0x2a4: {  	v12 =	vld [tilespmem:s24+$0x20E0];
	v14 =	vadd.s32 v15, v14;
	v15 =	vsel vm0, $0x1, v4;
	vm0 =	vgt.s32 v13, $0xFFFFFFFF  }
0x2a5: {  	s23 =	simm.s32 $0x800;
	s22 =	simm.s32 $0x100;
	v13 =	vld [tilespmem:s24+$0x20F0];
	v14 =	vadd.s32 v15, v14;
	v15 =	vsel vm0, $0x1, v4;
	vm0 =	vgt.s32 v16, $0xFFFFFFFF  }
.LBB2_36:
0x2a6: {  	p0 =	sne.s32 s23, $0xC00;
	v16 =	vld [tilespmem:s22+$0x2000];
	v14 =	vadd.s32 v15, v14;
	v15 =	vsel vm0, $0x1, v4;
	vm0 =	vgt.s32 v9, $0xFFFFFFFF  }
0x2a7: {  	v9 =	vld [tilespmem:s22+$0x2010];
	v14 =	vadd.s32 v15, v14;
	v15 =	vsel vm0, $0x1, v4;
	vm0 =	vgt.s32 v10, $0xFFFFFFFF  }
0x2a8: {  	v10 =	vld [tilespmem:s22+$0x2020];
	v14 =	vadd.s32 v15, v14;
	v15 =	vsel vm0, $0x1, v4;
	vm0 =	vgt.s32 v11, $0xFFFFFFFF  }
0x2a9: {  	v11 =	vld [tilespmem:s22+$0x2030];
	v14 =	vadd.s32 v15, v14;
	v15 =	vsel vm0, $0x1, v4;
	vm0 =	vgt.s32 v12, $0xFFFFFFFF  }
0x2aa: {  	v12 =	vld [tilespmem:s22+$0x2040];
	v14 =	vadd.s32 v15, v14;
	v15 =	vsel vm0, $0x1, v4;
	vm0 =	vgt.s32 v13, $0xFFFFFFFF  }
0x2ab: {  	vm1 =	vgt.s32 v16, $0xFFFFFFFF;
	v13 =	vld [tilespmem:s22+$0x2050];
	v14 =	vadd.s32 v15, v14;
	v15 =	vsel vm0, $0x1, v4  }
0x2ac: {  	v16 =	vsel vm1, $0x1, v4;
	vm0 =	vgt.s32 v9, $0xFFFFFFFF;
	v9 =	vld [tilespmem:s22+$0x2060];
	v14 =	vadd.s32 v15, v14  }
0x2ad: {  	v14 =	vadd.s32 v16, v14;
	v15 =	vsel vm0, $0x1, v4;
	vm0 =	vgt.s32 v10, $0xFFFFFFFF;
	v10 =	vld [tilespmem:s22+$0x2070]  }
0x2ae: {  	v14 =	vadd.s32 v15, v14;
	v15 =	vsel vm0, $0x1, v4;
	vm0 =	vgt.s32 v11, $0xFFFFFFFF;
	v11 =	vld [tilespmem:s22+$0x2080]  }
0x2af: {  	v14 =	vadd.s32 v15, v14;
	v15 =	vsel vm0, $0x1, v4;
	vm0 =	vgt.s32 v12, $0xFFFFFFFF;
	v12 =	vld [tilespmem:s22+$0x2090]  }
0x2b0: {  	v14 =	vadd.s32 v15, v14;
	v15 =	vsel vm0, $0x1, v4;
	vm0 =	vgt.s32 v13, $0xFFFFFFFF;
	v13 =	vld [tilespmem:s22+$0x20A0]  }
.Ltmp17:
0x2b1: {  	v14 =	vadd.s32 v15, v14;
	v15 =	vsel vm0, $0x1, v4;
	vm0 =	vgt.s32 v9, $0xFFFFFFFF;
	v9 =	vld [tilespmem:s22+$0x20B0];
	(pc) =	sbr.rel @p0 .LBB2_36-.Ltmp17, $4  }
0x2b2: {  	v14 =	vadd.s32 v15, v14;
	v15 =	vsel vm0, $0x1, v4;
	vm0 =	vgt.s32 v10, $0xFFFFFFFF;
	v10 =	vld [tilespmem:s22+$0x20C0]  }
0x2b3: {  	v14 =	vadd.s32 v15, v14;
	v15 =	vsel vm0, $0x1, v4;
	vm0 =	vgt.s32 v11, $0xFFFFFFFF;
	v11 =	vld [tilespmem:s22+$0x20D0]  }
0x2b4: {  	v14 =	vadd.s32 v15, v14;
	v15 =	vsel vm0, $0x1, v4;
	vm0 =	vgt.s32 v12, $0xFFFFFFFF;
	v12 =	vld [tilespmem:s22+$0x20E0]  }
0x2b5: {  	v14 =	vadd.s32 v15, v14;
	v15 =	vsel vm0, $0x1, v4;
	vm0 =	vgt.s32 v13, $0xFFFFFFFF;
	v13 =	vld [tilespmem:s22+$0x20F0];
	s22 =	sshra.s32 s23, $0x2;
	s23 =	sadd.s32 $0x400, s23  }
0x2b6: {  	v16 =	vld [tilespmem:s22+$0x2000];
	v14 =	vadd.s32 v15, v14;
	v41 =	vsel vm0, $0x1, v4;
	vm7 =	vgt.s32 v9, $0xFFFFFFFF  }
0x2b7: {  	v9 =	vld [tilespmem:s22+$0x2010];
	v14 =	vadd.s32 v41, v14;
	v42 =	vsel vm7, $0x1, v4;
	vm8 =	vgt.s32 v10, $0xFFFFFFFF  }
0x2b8: {  	v10 =	vld [tilespmem:s22+$0x2020];
	v14 =	vadd.s32 v42, v14;
	v43 =	vsel vm8, $0x1, v4;
	vm9 =	vgt.s32 v11, $0xFFFFFFFF  }
0x2b9: {  	v11 =	vld [tilespmem:s22+$0x2030];
	v14 =	vadd.s32 v43, v14;
	v44 =	vsel vm9, $0x1, v4;
	vm10 =	vgt.s32 v12, $0xFFFFFFFF  }
0x2ba: {  	v45 =	vld [tilespmem:s22+$0x2040];
	v14 =	vadd.s32 v44, v14;
	v46 =	vsel vm10, $0x1, v4;
	vm11 =	vgt.s32 v13, $0xFFFFFFFF  }
0x2bb: {  	v47 =	vld [tilespmem:s22+$0x2050];
	vm1 =	vgt.s32 v16, $0xFFFFFFFF;
	v14 =	vadd.s32 v46, v14;
	v48 =	vsel vm11, $0x1, v4  }
0x2bc: {  	vm12 =	vgt.s32 v9, $0xFFFFFFFF;
	v9 =	vld [tilespmem:s22+$0x2060];
	v16 =	vsel vm1, $0x1, v4;
	v14 =	vadd.s32 v48, v14  }
0x2bd: {  	v49 =	vsel vm12, $0x1, v4;
	vm13 =	vgt.s32 v10, $0xFFFFFFFF;
	v10 =	vld [tilespmem:s22+$0x2070];
	v14 =	vadd.s32 v16, v14  }
0x2be: {  	v50 =	vsel vm13, $0x1, v4;
	vm14 =	vgt.s32 v11, $0xFFFFFFFF;
	v11 =	vld [tilespmem:s22+$0x2080];
	v14 =	vadd.s32 v49, v14  }
0x2bf: {  	v52 =	vld [tilespmem:s22+$0x2090];
	vm15 =	vgt.s32 v45, $0xFFFFFFFF;
	v51 =	vsel vm14, $0x1, v4;
	v14 =	vadd.s32 v50, v14  }
0x2c0: {  	v54 =	vld [tilespmem:s22+$0x20A0];
	vm4 =	vgt.s32 v47, $0xFFFFFFFF;
	v53 =	vsel vm15, $0x1, v4;
	v14 =	vadd.s32 v51, v14  }
0x2c1: {  	v55 =	vsel vm4, $0x1, v4;
	vm5 =	vgt.s32 v9, $0xFFFFFFFF;
	v9 =	vld [tilespmem:s22+$0x20B0];
	v14 =	vadd.s32 v53, v14  }
0x2c2: {  	v56 =	vsel vm5, $0x1, v4;
	vm6 =	vgt.s32 v10, $0xFFFFFFFF;
	v10 =	vld [tilespmem:s22+$0x20C0];
	v14 =	vadd.s32 v55, v14  }
0x2c3: {  	v57 =	vsel vm6, $0x1, v4;
	vm7 =	vgt.s32 v11, $0xFFFFFFFF;
	v11 =	vld [tilespmem:s22+$0x20D0];
	v14 =	vadd.s32 v56, v14  }
0x2c4: {  	v59 =	vld [tilespmem:s22+$0x20E0];
	vm8 =	vgt.s32 v52, $0xFFFFFFFF;
	v58 =	vsel vm7, $0x1, v4;
	v14 =	vadd.s32 v57, v14  }
0x2c5: {  	v61 =	vld [tilespmem:s22+$0x20F0];
	vm9 =	vgt.s32 v54, $0xFFFFFFFF;
	v60 =	vsel vm8, $0x1, v4;
	v14 =	vadd.s32 v58, v14  }
0x2c6: {  	v62 =	vsel vm9, $0x1, v4;
	vm10 =	vgt.s32 v9, $0xFFFFFFFF;
	v14 =	vadd.s32 v60, v14  }
0x2c7: {  	v63 =	vsel vm10, $0x1, v4;
	vm11 =	vgt.s32 v10, $0xFFFFFFFF;
	v9 =	vadd.s32 v62, v14  }
0x2c8: {  	v10 =	vsel vm11, $0x1, v4;
	vm12 =	vgt.s32 v11, $0xFFFFFFFF;
	v9 =	vadd.s32 v63, v9  }
0x2c9: {  	vm13 =	vgt.s32 v59, $0xFFFFFFFF;
	v9 =	vadd.s32 v10, v9;
	v10 =	vsel vm12, $0x1, v4  }
0x2ca: {  	vm14 =	vgt.s32 v61, $0xFFFFFFFF;
	v9 =	vadd.s32 v10, v9;
	v10 =	vsel vm13, $0x1, v4  }
0x2cb: {  	v9 =	vadd.s32 v10, v9;
	v10 =	vsel vm14, $0x1, v4  }
0x2cc: {  	v9 =	vadd.s32 v10, v9  }
0x2cd: {  	v10 =	vperm.xlane v9, v0;
	_ =	sdelay $0x1  }
0x2ce: {  	v9 =	vadd.s32 v9, v10  }
0x2cf: {  	v10 =	vperm.xlane v9, v1;
	_ =	sdelay $0x1  }
0x2d0: {  	v9 =	vadd.s32 v10, v9  }
0x2d1: {  	v10 =	vperm.xlane v9, v3;
	_ =	sdelay $0x1  }
0x2d2: {  	v9 =	vadd.s32 v10, v9  }
0x2d3: {  	v10 =	vperm.xlane v9, v5;
	_ =	sdelay $0x1  }
0x2d4: {  	v9 =	vadd.s32 v10, v9  }
0x2d5: {  	vm15 =	vgt.s32 v9, $0x1F  }
0x2d6: {  	s22 =	simm.s32 $0x0;
	v9 =	vsel vm15, $0x0, v2  }
.LBB2_38:
0x2d7: {  	s25 =	simm.s32 $0x0  }
0x2d8: {  	v11 =	vld [tilespmem:s25+$0x2000]  }
0x2d9: {  	v12 =	vld [tilespmem:s25+$0x2010]  }
0x2da: {  	v13 =	vld [tilespmem:s25+$0x2020]  }
0x2db: {  	s23 =	sshrl.u32 s16, s22;
	v14 =	vld [tilespmem:s25+$0x2030]  }
0x2dc: {  	v10 =	vor.u32 s23, v9;
	v15 =	vld [tilespmem:s25+$0x2040]  }
0x2dd: {  	vm0 =	vge.s32 v11, v10;
	v11 =	vld [tilespmem:s25+$0x2050]  }
0x2de: {  	v16 =	vimm.s32 $0x0;
	v17 =	vsel vm0, $0x1, v4;
	vm0 =	vge.s32 v12, v10;
	v12 =	vld [tilespmem:s25+$0x2060]  }
0x2df: {  	v16 =	vadd.s32 v17, v16;
	v17 =	vsel vm0, $0x1, v4;
	vm0 =	vge.s32 v13, v10;
	v13 =	vld [tilespmem:s25+$0x2070]  }
0x2e0: {  	v16 =	vadd.s32 v17, v16;
	v17 =	vsel vm0, $0x1, v4;
	vm0 =	vge.s32 v14, v10;
	v14 =	vld [tilespmem:s25+$0x2080]  }
0x2e1: {  	v16 =	vadd.s32 v17, v16;
	v17 =	vsel vm0, $0x1, v4;
	vm0 =	vge.s32 v15, v10;
	v15 =	vld [tilespmem:s25+$0x2090]  }
0x2e2: {  	v18 =	vld [tilespmem:s25+$0x20A0];
	v16 =	vadd.s32 v17, v16;
	v17 =	vsel vm0, $0x1, v4;
	vm0 =	vge.s32 v11, v10  }
0x2e3: {  	v11 =	vld [tilespmem:s25+$0x20B0];
	v16 =	vadd.s32 v17, v16;
	v17 =	vsel vm0, $0x1, v4;
	vm0 =	vge.s32 v12, v10  }
0x2e4: {  	v12 =	vld [tilespmem:s25+$0x20C0];
	v16 =	vadd.s32 v17, v16;
	v17 =	vsel vm0, $0x1, v4;
	vm0 =	vge.s32 v13, v10  }
0x2e5: {  	v13 =	vld [tilespmem:s25+$0x20D0];
	v16 =	vadd.s32 v17, v16;
	v17 =	vsel vm0, $0x1, v4;
	vm0 =	vge.s32 v14, v10  }
0x2e6: {  	v14 =	vld [tilespmem:s25+$0x20E0];
	v16 =	vadd.s32 v17, v16;
	v17 =	vsel vm0, $0x1, v4;
	vm0 =	vge.s32 v15, v10  }
0x2e7: {  	s24 =	simm.s32 $0x800;
	s23 =	simm.s32 $0x100;
	v15 =	vld [tilespmem:s25+$0x20F0];
	v16 =	vadd.s32 v17, v16;
	v17 =	vsel vm0, $0x1, v4;
	vm0 =	vge.s32 v18, v10  }
.LBB2_39:
0x2e8: {  	p0 =	sne.s32 s24, $0xC00;
	v18 =	vld [tilespmem:s23+$0x2000];
	v16 =	vadd.s32 v17, v16;
	v17 =	vsel vm0, $0x1, v4;
	vm0 =	vge.s32 v11, v10  }
0x2e9: {  	v11 =	vld [tilespmem:s23+$0x2010];
	v16 =	vadd.s32 v17, v16;
	v17 =	vsel vm0, $0x1, v4;
	vm0 =	vge.s32 v12, v10  }
0x2ea: {  	v12 =	vld [tilespmem:s23+$0x2020];
	v16 =	vadd.s32 v17, v16;
	v17 =	vsel vm0, $0x1, v4;
	vm0 =	vge.s32 v13, v10  }
0x2eb: {  	v13 =	vld [tilespmem:s23+$0x2030];
	v16 =	vadd.s32 v17, v16;
	v17 =	vsel vm0, $0x1, v4;
	vm0 =	vge.s32 v14, v10  }
0x2ec: {  	v14 =	vld [tilespmem:s23+$0x2040];
	v16 =	vadd.s32 v17, v16;
	v17 =	vsel vm0, $0x1, v4;
	vm0 =	vge.s32 v15, v10  }
0x2ed: {  	vm1 =	vge.s32 v18, v10;
	v15 =	vld [tilespmem:s23+$0x2050];
	v16 =	vadd.s32 v17, v16;
	v17 =	vsel vm0, $0x1, v4  }
0x2ee: {  	v18 =	vsel vm1, $0x1, v4;
	vm0 =	vge.s32 v11, v10;
	v11 =	vld [tilespmem:s23+$0x2060];
	v16 =	vadd.s32 v17, v16  }
0x2ef: {  	v16 =	vadd.s32 v18, v16;
	v17 =	vsel vm0, $0x1, v4;
	vm0 =	vge.s32 v12, v10;
	v12 =	vld [tilespmem:s23+$0x2070]  }
0x2f0: {  	v16 =	vadd.s32 v17, v16;
	v17 =	vsel vm0, $0x1, v4;
	vm0 =	vge.s32 v13, v10;
	v13 =	vld [tilespmem:s23+$0x2080]  }
0x2f1: {  	v16 =	vadd.s32 v17, v16;
	v17 =	vsel vm0, $0x1, v4;
	vm0 =	vge.s32 v14, v10;
	v14 =	vld [tilespmem:s23+$0x2090]  }
0x2f2: {  	v16 =	vadd.s32 v17, v16;
	v17 =	vsel vm0, $0x1, v4;
	vm0 =	vge.s32 v15, v10;
	v15 =	vld [tilespmem:s23+$0x20A0]  }
.Ltmp18:
0x2f3: {  	v16 =	vadd.s32 v17, v16;
	v17 =	vsel vm0, $0x1, v4;
	vm0 =	vge.s32 v11, v10;
	v11 =	vld [tilespmem:s23+$0x20B0];
	(pc) =	sbr.rel @p0 .LBB2_39-.Ltmp18, $4  }
0x2f4: {  	v16 =	vadd.s32 v17, v16;
	v17 =	vsel vm0, $0x1, v4;
	vm0 =	vge.s32 v12, v10;
	v12 =	vld [tilespmem:s23+$0x20C0]  }
0x2f5: {  	v16 =	vadd.s32 v17, v16;
	v17 =	vsel vm0, $0x1, v4;
	vm0 =	vge.s32 v13, v10;
	v13 =	vld [tilespmem:s23+$0x20D0]  }
0x2f6: {  	v16 =	vadd.s32 v17, v16;
	v17 =	vsel vm0, $0x1, v4;
	vm0 =	vge.s32 v14, v10;
	v14 =	vld [tilespmem:s23+$0x20E0]  }
0x2f7: {  	v16 =	vadd.s32 v17, v16;
	v17 =	vsel vm0, $0x1, v4;
	vm0 =	vge.s32 v15, v10;
	v15 =	vld [tilespmem:s23+$0x20F0];
	s23 =	sshra.s32 s24, $0x2;
	s24 =	sadd.s32 $0x400, s24  }
0x2f8: {  	v18 =	vld [tilespmem:s23+$0x2000];
	v16 =	vadd.s32 v17, v16;
	v32 =	vsel vm0, $0x1, v4;
	vm7 =	vge.s32 v11, v10  }
0x2f9: {  	v11 =	vld [tilespmem:s23+$0x2010];
	v16 =	vadd.s32 v32, v16;
	v33 =	vsel vm7, $0x1, v4;
	vm8 =	vge.s32 v12, v10  }
0x2fa: {  	v34 =	vld [tilespmem:s23+$0x2020];
	v16 =	vadd.s32 v33, v16;
	v35 =	vsel vm8, $0x1, v4;
	vm9 =	vge.s32 v13, v10  }
0x2fb: {  	v36 =	vld [tilespmem:s23+$0x2030];
	v16 =	vadd.s32 v35, v16;
	v37 =	vsel vm9, $0x1, v4;
	vm10 =	vge.s32 v14, v10  }
0x2fc: {  	v38 =	vld [tilespmem:s23+$0x2040];
	v16 =	vadd.s32 v37, v16;
	v39 =	vsel vm10, $0x1, v4;
	vm11 =	vge.s32 v15, v10  }
0x2fd: {  	v40 =	vld [tilespmem:s23+$0x2050];
	vm1 =	vge.s32 v18, v10;
	v16 =	vadd.s32 v39, v16;
	v41 =	vsel vm11, $0x1, v4  }
0x2fe: {  	vm12 =	vge.s32 v11, v10;
	v11 =	vld [tilespmem:s23+$0x2060];
	v18 =	vsel vm1, $0x1, v4;
	v16 =	vadd.s32 v41, v16  }
0x2ff: {  	v43 =	vld [tilespmem:s23+$0x2070];
	vm13 =	vge.s32 v34, v10;
	v42 =	vsel vm12, $0x1, v4;
	v16 =	vadd.s32 v18, v16  }
0x300: {  	v45 =	vld [tilespmem:s23+$0x2080];
	vm14 =	vge.s32 v36, v10;
	v44 =	vsel vm13, $0x1, v4;
	v16 =	vadd.s32 v42, v16  }
0x301: {  	v47 =	vld [tilespmem:s23+$0x2090];
	vm15 =	vge.s32 v38, v10;
	v46 =	vsel vm14, $0x1, v4;
	v16 =	vadd.s32 v44, v16  }
0x302: {  	v49 =	vld [tilespmem:s23+$0x20A0];
	vm4 =	vge.s32 v40, v10;
	v48 =	vsel vm15, $0x1, v4;
	v16 =	vadd.s32 v46, v16  }
0x303: {  	v50 =	vsel vm4, $0x1, v4;
	vm5 =	vge.s32 v11, v10;
	v11 =	vld [tilespmem:s23+$0x20B0];
	v16 =	vadd.s32 v48, v16  }
0x304: {  	v52 =	vld [tilespmem:s23+$0x20C0];
	vm6 =	vge.s32 v43, v10;
	v51 =	vsel vm5, $0x1, v4;
	v16 =	vadd.s32 v50, v16  }
0x305: {  	v54 =	vld [tilespmem:s23+$0x20D0];
	vm7 =	vge.s32 v45, v10;
	v53 =	vsel vm6, $0x1, v4;
	v16 =	vadd.s32 v51, v16  }
0x306: {  	v56 =	vld [tilespmem:s23+$0x20E0];
	vm8 =	vge.s32 v47, v10;
	v55 =	vsel vm7, $0x1, v4;
	v16 =	vadd.s32 v53, v16  }
0x307: {  	v58 =	vld [tilespmem:s23+$0x20F0];
	vm9 =	vge.s32 v49, v10;
	v57 =	vsel vm8, $0x1, v4;
	v16 =	vadd.s32 v55, v16  }
0x308: {  	v59 =	vsel vm9, $0x1, v4;
	vm10 =	vge.s32 v11, v10;
	v16 =	vadd.s32 v57, v16  }
0x309: {  	vm11 =	vge.s32 v52, v10;
	v60 =	vsel vm10, $0x1, v4;
	v11 =	vadd.s32 v59, v16  }
0x30a: {  	v12 =	vsel vm11, $0x1, v4;
	vm12 =	vge.s32 v54, v10;
	v11 =	vadd.s32 v60, v11  }
0x30b: {  	vm13 =	vge.s32 v56, v10;
	v61 =	vsel vm12, $0x1, v4;
	v11 =	vadd.s32 v12, v11  }
0x30c: {  	vm14 =	vge.s32 v58, v10;
	v62 =	vsel vm13, $0x1, v4;
	v11 =	vadd.s32 v61, v11  }
0x30d: {  	v63 =	vsel vm14, $0x1, v4;
	v11 =	vadd.s32 v62, v11  }
0x30e: {  	v11 =	vadd.s32 v63, v11  }
0x30f: {  	v12 =	vperm.xlane v11, v0;
	_ =	sdelay $0x1  }
0x310: {  	v11 =	vadd.s32 v11, v12  }
0x311: {  	v12 =	vperm.xlane v11, v1;
	_ =	sdelay $0x1  }
0x312: {  	v11 =	vadd.s32 v12, v11  }
0x313: {  	v12 =	vperm.xlane v11, v3  }
0x314: {  	s22 =	sadd.s32 $0x1, s22  }
0x315: {  	p0 =	seq.s32 s22, $0x1F;
	v11 =	vadd.s32 v12, v11  }
.Ltmp19:
0x316: {  	v12 =	vperm.xlane v11, v5;
	(pc) =	sbr.rel @!p0 .LBB2_38-.Ltmp19, $4  }
0x317: {  	_ = 	snop  }
0x318: {  	v11 =	vadd.s32 v12, v11  }
0x319: {  	vm15 =	vgt.s32 v11, $0x1F  }
0x31a: {  	v9 =	vsel vm15, v10, v9  }
0x31b: {  	s22 =	simm.s32 $0x0  }
0x31c: {  	v10 =	vld [tilespmem:s22+$0x1C00]  }
0x31d: {  	v11 =	vld [tilespmem:s22+$0x1C30]  }
0x31e: {  	v12 =	vld [tilespmem:s22+$0x1C20]  }
0x31f: {  	v13 =	vld [tilespmem:s22+$0x1C10]  }
0x320: {  	v7 =	vmax.f32 v7, v8  }
0x321: {  	v10 =	vsub.f32 v10, v7  }
0x322: {  	v11 =	vsub.f32 v11, v7  }
0x323: {  	v12 =	vsub.f32 v12, v7;
	v10 =	vmul.f32 $1.442695020e+00, v10  }
0x324: {  	v13 =	vsub.f32 v13, v7;
	v11 =	vmul.f32 $1.442695020e+00, v11  }
0x325: {  	v12 =	vmul.f32 $1.442695020e+00, v12;
	(erf) = vpow2.f32 v10  }
0x326: {  	v10 =	vmul.f32 $1.442695020e+00, v13;
	(erf) = vpow2.f32 v11  }
0x327: {  	(erf) = vpow2.f32 v12  }
0x328: {  	(erf) = vpow2.f32 v10;
	_ =	sdelay $0x3  }
0x329: {  	v8 =	vimm.f32 $0.0e+00;
	s23 =	simm.s32 $0x100;
	s24 =	simm.s32 $0x200  }
.LBB2_42:
0x32a: {  	p0 =	sne.s32 s24, $0xF00  }
0x32b: {  	v10 =	vpop (erf)  }
0x32c: {  	s25 =	sshra.s32 s23, $0x2;
	s23 =	smov.u32 s24;
	[tilespmem:s22+$0x1C00] =	vst v10;
	v8 =	vadd.f32 v10, v8;
	v10 =	vpop (erf)  }
0x32d: {  	v11 =	vld [tilespmem:s25+$0x1C00];
	[tilespmem:s22+$0x1C30] =	vst v10;
	v12 =	vpop (erf)  }
0x32e: {  	v13 =	vld [tilespmem:s25+$0x1C30];
	[tilespmem:s22+$0x1C20] =	vst v12;
	v14 =	vpop (erf)  }
0x32f: {  	v15 =	vld [tilespmem:s25+$0x1C20];
	[tilespmem:s22+$0x1C10] =	vst v14;
	v8 =	vadd.f32 v14, v8;
	s22 =	smov.u32 s25  }
0x330: {  	v14 =	vld [tilespmem:s22+$0x1C10]  }
0x331: {  	v8 =	vadd.f32 v12, v8  }
0x332: {  	v11 =	vsub.f32 v11, v7  }
0x333: {  	v12 =	vsub.f32 v13, v7;
	v8 =	vadd.f32 v10, v8  }
0x334: {  	v10 =	vmul.f32 $1.442695020e+00, v11;
	v11 =	vsub.f32 v15, v7  }
0x335: {  	v13 =	vsub.f32 v14, v7;
	v12 =	vmul.f32 $1.442695020e+00, v12  }
0x336: {  	v11 =	vmul.f32 $1.442695020e+00, v11;
	(erf) = vpow2.f32 v10  }
0x337: {  	v10 =	vmul.f32 $1.442695020e+00, v13;
	(erf) = vpow2.f32 v12  }
0x338: {  	(erf) = vpow2.f32 v11  }
.Ltmp20:
0x339: {  	(erf) = vpow2.f32 v10;
	(pc) =	sbr.rel @p0 .LBB2_42-.Ltmp20, $2  }
0x33a: {  	_ =	sdelay $0x2  }
0x33b: {  	s24 =	sadd.s32 $0x100, s24  }
0x33c: {  	_ = 	snop  }
0x33d: {  	v10 =	vpop (erf)  }
0x33e: {  	s23 =	sshra.s32 s23, $0x2;
	[tilespmem:s22+$0x1C00] =	vst v10;
	v11 =	vpop (erf)  }
0x33f: {  	v12 =	vld [tilespmem:s23+$0x1C00];
	[tilespmem:s22+$0x1C30] =	vst v11;
	v13 =	vpop (erf)  }
0x340: {  	v14 =	vld [tilespmem:s23+$0x1C30];
	[tilespmem:s22+$0x1C20] =	vst v13;
	v15 =	vpop (erf)  }
0x341: {  	v16 =	vld [tilespmem:s23+$0x1C20];
	[tilespmem:s22+$0x1C10] =	vst v15  }
0x342: {  	v17 =	vld [tilespmem:s23+$0x1C10];
	_ =	sdelay $0x1  }
0x343: {  	v12 =	vsub.f32 v12, v7  }
0x344: {  	v14 =	vsub.f32 v14, v7  }
0x345: {  	v12 =	vmul.f32 $1.442695020e+00, v12;
	v16 =	vsub.f32 v16, v7  }
0x346: {  	v7 =	vsub.f32 v17, v7;
	v14 =	vmul.f32 $1.442695020e+00, v14  }
0x347: {  	(erf) = vpow2.f32 v12;
	v12 =	vmul.f32 $1.442695020e+00, v16  }
0x348: {  	v7 =	vmul.f32 $1.442695020e+00, v7;
	(erf) = vpow2.f32 v14  }
0x349: {  	(erf) = vpow2.f32 v12  }
0x34a: {  	v8 =	vadd.f32 v10, v8;
	(erf) = vpow2.f32 v7;
	_ =	sdelay $0x1  }
0x34b: {  	v7 =	vadd.f32 v15, v8;
	_ =	sdelay $0x1  }
0x34c: {  	v7 =	vadd.f32 v13, v7;
	_ =	sdelay $0x1  }
0x34d: {  	v7 =	vadd.f32 v11, v7;
	v8 =	vpop (erf)  }
0x34e: {  	v10 =	vpop (erf)  }
0x34f: {  	v7 =	vadd.f32 v8, v7;
	v11 =	vpop (erf)  }
0x350: {  	v12 =	vpop (erf)  }
0x351: {  	v7 =	vadd.f32 v12, v7;
	_ =	sdelay $0x1  }
0x352: {  	v7 =	vadd.f32 v11, v7;
	_ =	sdelay $0x1  }
0x353: {  	v7 =	vadd.f32 v10, v7;
	_ =	sdelay $0x1  }
0x354: {  	v13 =	vperm.xlane v7, v0;
	_ =	sdelay $0x1  }
0x355: {  	v7 =	vadd.f32 v13, v7;
	_ =	sdelay $0x1  }
0x356: {  	v13 =	vperm.xlane v7, v1;
	_ =	sdelay $0x1  }
0x357: {  	v7 =	vadd.f32 v13, v7;
	_ =	sdelay $0x1  }
0x358: {  	v13 =	vperm.xlane v7, v3;
	_ =	sdelay $0x1  }
0x359: {  	v7 =	vadd.f32 v13, v7;
	_ =	sdelay $0x1  }
0x35a: {  	v13 =	vperm.xlane v7, v5;
	_ =	sdelay $0x1  }
0x35b: {  	v7 =	vadd.f32 v13, v7;
	_ =	sdelay $0x1  }
0x35c: {  	(erf) = vrcp.f32 v7;
	_ =	sdelay $0x1  }
0x35d: {  	[tilespmem:s23+$0x1C00] =	vst v8  }
0x35e: {  	[tilespmem:s23+$0x1C30] =	vst v10  }
0x35f: {  	[tilespmem:s23+$0x1C20] =	vst v11  }
0x360: {  	s22 =	simm.s32 $0x0;
	[tilespmem:s23+$0x1C10] =	vst v12  }
0x361: {  	v8 =	vld [tilespmem:s22+$0x2010]  }
0x362: {  	v12 =	vld [tilespmem:s22+$0x1C00]  }
0x363: {  	v10 =	vld [tilespmem:s22+$0x2000]  }
0x364: {  	v13 =	vld [tilespmem:s22+$0x1C10];
	v7 =	vpop (erf)  }
0x365: {  	s23 =	simm.s32 $0x100;
	v11 =	vld [tilespmem:s22+$0x1C20];
	v7 =	vmul.f32 $3.200000000e+01, v7  }
.LBB2_44:
0x366: {  	p0 =	sne.s32 s23, $0xF00;
	v14 =	vld [tilespmem:s22+$0x1C30]  }
0x367: {  	v15 =	vld [tilespmem:s22+$0x2020]  }
0x368: {  	v12 =	vmul.f32 v12, v7;
	v16 =	vld [tilespmem:s22+$0x2030]  }
0x369: {  	vm0 =	vlt.s32 v10, v9;
	v13 =	vmul.f32 v13, v7  }
0x36a: {  	s24 =	sshra.s32 s23, $0x2;
	vm1 =	vlt.s32 v8, v9;
	v12 =	vmin.f32 v12, $1.000000000e+00;
	v11 =	vmul.f32 v11, v7  }
.Ltmp21:
0x36b: {  	v10 =	vld [tilespmem:s24+$0x2000];
	v12 =	vsel vm0, $0x0, v12;
	v13 =	vmin.f32 v13, $1.000000000e+00;
	v14 =	vmul.f32 v14, v7;
	(pc) =	sbr.rel @p0 .LBB2_44-.Ltmp21, $4  }
0x36c: {  	v8 =	vld [tilespmem:s24+$0x2010];
	[tilespmem:s22+$0x1C00] =	vst v12;
	v13 =	vsel vm1, $0x0, v13;
	v11 =	vmin.f32 v11, $1.000000000e+00;
	vm0 =	vlt.s32 v15, v9  }
0x36d: {  	v12 =	vld [tilespmem:s24+$0x1C00];
	[tilespmem:s22+$0x1C10] =	vst v13;
	v11 =	vsel vm0, $0x0, v11;
	v14 =	vmin.f32 v14, $1.000000000e+00;
	vm0 =	vlt.s32 v16, v9  }
0x36e: {  	v13 =	vld [tilespmem:s24+$0x1C10];
	[tilespmem:s22+$0x1C20] =	vst v11;
	v14 =	vsel vm0, $0x0, v14  }
0x36f: {  	s23 =	sadd.s32 $0x100, s23;
	v11 =	vld [tilespmem:s24+$0x1C20];
	[tilespmem:s22+$0x1C30] =	vst v14;
	s22 =	smov.u32 s24  }
0x370: {  	v14 =	vld [tilespmem:s22+$0x1C30]  }
0x371: {  	v15 =	vld [tilespmem:s22+$0x2020]  }
0x372: {  	v16 =	vld [tilespmem:s22+$0x2030];
	v12 =	vmul.f32 v12, v7  }
0x373: {  	vm0 =	vlt.s32 v10, v9;
	v62 =	vmul.f32 v13, v7  }
0x374: {  	vm1 =	vlt.s32 v8, v9;
	v12 =	vmin.f32 v12, $1.000000000e+00;
	v8 =	vmul.f32 v11, v7  }
0x375: {  	v63 =	vsel vm0, $0x0, v12;
	v10 =	vmin.f32 v62, $1.000000000e+00;
	v7 =	vmul.f32 v14, v7  }
0x376: {  	vm14 =	vlt.s32 v15, v9;
	[tilespmem:s22+$0x1C00] =	vst v63;
	v10 =	vsel vm1, $0x0, v10;
	v8 =	vmin.f32 v8, $1.000000000e+00  }
0x377: {  	vm15 =	vlt.s32 v16, v9;
	[tilespmem:s22+$0x1C10] =	vst v10;
	v8 =	vsel vm14, $0x0, v8;
	v7 =	vmin.f32 v7, $1.000000000e+00  }
0x378: {  	[tilespmem:s22+$0x1C20] =	vst v8;
	v7 =	vsel vm15, $0x0, v7  }
0x379: {  	[tilespmem:s22+$0x1C30] =	vst v7  }
0x37a: {  	[hbm4b:s10+s2] =	stream.linear.scatter [tilespmem:s14], [sflag:$0x5], $0x400, $0x38;
	[tilespmem:$0x2400] =	vst v63  }
0x37b: {  	_ =	swait.ge [sflag:s20], $0x800  }
0x37c: {  	[sflag:s20] =	ssyncset.done $0x0  }
0x37d: {  	[sflag:s20] =	ssyncadd.s32 $0xFFFFF800  }
0x37e: {  	_ =	swait.ge [sflag:s20], $0x400  }
0x37f: {  	[sflag:s20] =	ssyncset.done $0x0  }
0x380: {  	s21 =	sadd.s32 $0x1, s21;
	[sflag:s20] =	ssyncadd.s32 $0xFFFFFC00  }
0x381: {  	p0 =	sne.s32 s21, s11;
	_ =	swait.ge [sflag:s20], $0x800  }
.Ltmp22:
0x382: {  	[sflag:s20] =	ssyncset.done $0x0;
	(pc) =	sbr.rel @p0 .LBB2_1-.Ltmp22, $4  }
0x383: {  	[sflag:s20] =	ssyncadd.s32 $0xFFFFF800  }
0x384: {  	_ =	swait.ge [sflag:s20], $0x400  }
0x385: {  	[sflag:s20] =	ssyncset.done $0x0  }
0x386: {  	[sflag:s20] =	ssyncadd.s32 $0xFFFFFC00  }
0x387: {  	_ =	sfence.sel $0x180000  }
0x388: {  	[bflag:$0x0] =	sbarrier.arrive $0xFFFF  }
0x389: {  	p0 =	sne.s32 s1, $0x0;
	_ =	strace $0x90000047  }
0x38a: {  	s0 =	sadd.s32 @!p0 $0x100000, s0;
	[bflag:$0x2] =	sbarrier.arrive $0xFFFF  }
0x38b: {  	[sflag:s0] =	ssyncadd.tile.s32 @!p0 $0x1;
	_ =	shalt  }
.Lfunc_end2:
_tile_overlayer_lowered:
.L_overlay_start_2:
0x38c: {  	(tag) =	ssettag $0x2  }
0x38d: {  	s0 =	rddreg [dreg:$0x0];
	s2 =	stileid.u32  }
0x38e: {  	s1 =	rddreg [dreg:$0x1];
	p0 =	sne.s32 s2, $0x0  }
0x38f: {  	s3 =	rddreg [dreg:$0x2];
	[bflag:$0x3] =	sbarrier.arrive $0xFFFF;
	s2 =	simm.s32 @!p0 $0x1C06  }
0x390: {  	[timem:s3], [sflag:s2] =	dma.local @!p0 [hbm:s0], s1  }
0x391: {  	s0 =	simm.s32 @!p0 $0x6  }
0x392: {  	_ =	swait.ge @!p0 [sflag:s0], s1  }
0x393: {  	s1 =	ssub.s32 @!p0 $0x0, s1;
	[sflag:s0] =	ssyncset.done @!p0 $0x0  }
0x394: {  	[sflag:s0] =	ssyncadd.s32 @!p0 s1  }
0x395: {  	[bflag:$0x3] =	sbarrier.arrive $0xFFFF  }
0x396: {  	_ =	shalt  }

</sc_bundles>
